<compile_context>
chip_gen: v7x
topology: tpu7x:2x2x1
jax: 0.10.2.dev20260603
libtpu: 0.0.44.dev20260713+nightly
codegen_flags: <defaults>
</compile_context>

<pallas_src>
import functools

import jax
import jax.numpy as jnp
from jax import lax
from jax.experimental import pallas as pl
from jax.experimental.pallas import tpu as pltpu
from jax.experimental.pallas import tpu_sc as plsc

B, L, V = 4096, 200, 1000
LANES = 16
NC, NS = 2, 16
NW = NC * NS
RPW = B // NW
GROUPS = RPW // LANES
NBUF = 3
UNROLL = 8

_CHUNKS = (0, 16, 32, 48, 64, 80, 96, 112, 128, 144, 160, 176, 184)


def _tfidf_body(tok_hbm, idf_hbm, out_hbm, tok_t, tok_v, idf_v, hist,
                sem0, sem1, sem2, semt):
    wid = lax.axis_index("s") * NC + lax.axis_index("c")
    base = wid * RPW

    tok_cp = pltpu.make_async_copy(
        tok_hbm.at[pl.ds(base, RPW), :], tok_t, semt
    )
    tok_cp.start()
    pltpu.sync_copy(idf_hbm, idf_v)

    lanes = lax.iota(jnp.int32, 16)
    zf = jnp.zeros((16,), jnp.float32)
    sems = (sem0, sem1, sem2)

    def out_copy(g):
        return pltpu.make_async_copy(
            hist.at[g % NBUF],
            out_hbm.at[pl.ds(base + g * LANES, LANES), :],
            sems[g % NBUF],
        )

    def zbody(i, _):
        off = i * 16
        for b in range(NBUF):
            for r in range(LANES):
                hist[b, r, pl.ds(off, 16)] = zf
        return _

    lax.fori_loop(0, V // 16, zbody, None)
    for b in range(NBUF):
        for r in range(LANES):
            hist[b, r, pl.ds(V - 16, 16)] = zf

    tok_cp.wait()

    @plsc.parallel_loop(0, RPW, unroll=4)
    def _(r):
        for c in _CHUNKS:
            tok_v[pl.ds(r * L + c, 16)] = tok_t[r, pl.ds(c, 16)]

    for g in range(GROUPS):
        h = hist.at[g % NBUF]
        rows = (lanes + g * LANES) * L

        if g >= 2:
            out_copy(g - 2).wait()

        if 2 <= g < GROUPS - 1:
            h_old = hist.at[(g - 2) % NBUF]
            rows_old = (lanes + (g - 2) * LANES) * L

            @plsc.parallel_loop(0, L, unroll=UNROLL)
            def _(l, _h=h, _rows=rows, _h_old=h_old, _rows_old=rows_old):
                lv = jnp.full((16,), l, dtype=jnp.int32)
                tok = plsc.load_gather(tok_v, [_rows + lv])
                w = plsc.load_gather(idf_v, [tok])
                plsc.addupdate_scatter(_h, [lanes, tok], w)
                tok_old = plsc.load_gather(tok_v, [_rows_old + lv])
                plsc.store_scatter(_h_old, [lanes, tok_old], zf)
        else:
            @plsc.parallel_loop(0, L, unroll=UNROLL)
            def _(l, _h=h, _rows=rows):
                lv = jnp.full((16,), l, dtype=jnp.int32)
                tok = plsc.load_gather(tok_v, [_rows + lv])
                w = plsc.load_gather(idf_v, [tok])
                plsc.addupdate_scatter(_h, [lanes, tok], w)

        out_copy(g).start()

    out_copy(GROUPS - 2).wait()
    out_copy(GROUPS - 1).wait()


_tfidf = functools.partial(
    pl.kernel,
    out_type=jax.ShapeDtypeStruct((B, V), jnp.float32),
    mesh=plsc.VectorSubcoreMesh(core_axis_name="c", subcore_axis_name="s"),
    compiler_params=pltpu.CompilerParams(
        use_tc_tiling_on_sc=True, needs_layout_passes=False
    ),
    scratch_types=[
        pltpu.VMEM((RPW, L), jnp.int32),
        pltpu.VMEM((RPW * L,), jnp.int32),
        pltpu.VMEM((V,), jnp.float32),
        pltpu.VMEM((NBUF, LANES, V), jnp.float32),
        pltpu.SemaphoreType.DMA,
        pltpu.SemaphoreType.DMA,
        pltpu.SemaphoreType.DMA,
        pltpu.SemaphoreType.DMA,
    ],
)(_tfidf_body)


def kernel(token_ids, idf_weights):
    return _tfidf(token_ids, idf_weights)

# --- scband reference (transcript-rebuilt; emitter-appended) ---
"""Pipeline reference for scband-text-vectorization-17282948399388 (READ-ONLY COPY).

The authoritative reference and input builder live on the scoring server;
editing this copy changes nothing except your own understanding.
"""

import jax, jax.numpy as jnp
import numpy as np

B = 4096
L = 200
V = 1000

def setup_inputs(seed: int = 0) -> dict:
    key = jax.random.key(seed)
    k1, k2 = jax.random.split(key)
    # Pre-tokenized integer token ids (string standardize/split/vocab-hash steps
    # happen in the tf.data string pipeline; the numeric core is the lookup +
    # per-example bincount scatter that follows).
    token_ids = jax.random.randint(k1, (B, L), 0, V, dtype=jnp.int32)
    # Learned/adapted IDF weights, one per vocabulary slot (tf_idf output mode).
    idf_weights = jax.random.uniform(k2, (V,), minval=0.1, maxval=2.0, dtype=jnp.float32)
    return {"token_ids": token_ids, "idf_weights": idf_weights}

def reference(token_ids, idf_weights):
    # TextVectorization with output_mode='tf_idf', pad_to_max_tokens=True:
    # 1) per-example term counts via scatter-add into a [B, max_tokens] grid
    # 2) multiply each vocab slot by its IDF weight
    b, l = token_ids.shape
    v = idf_weights.shape[0]
    batch_idx = jnp.repeat(jnp.arange(b, dtype=jnp.int32), l)
    flat_tok = token_ids.reshape(-1)
    counts = jnp.zeros((b, v), dtype=jnp.float32).at[batch_idx, flat_tok].add(1.0)
    return counts * idf_weights[None, :]

if __name__ == "__main__":
    import jax
    _d = setup_inputs()
    print(jax.jit(kernel)(*tuple(_d.values())))

</pallas_src>

<mosaic_0001>
#map = affine_map<(d0, d1) -> (0, 0)>
#map1 = affine_map<(d0, d1) -> (0)>
module attributes {stable_mosaic.version = 14 : i64} {
  func.func @_tfidf_body(%arg0: i32, %arg1: i32, %arg2: memref<4096x200xi32, #tpu.memory_space<hbm>>, %arg3: memref<1000xf32, #tpu.memory_space<hbm>>, %arg4: memref<4096x1000xf32, #tpu.memory_space<hbm>>, %arg5: memref<128x200xi32, #tpu.memory_space<vmem>>, %arg6: memref<25600xi32, #tpu.memory_space<vmem>>, %arg7: memref<1000xf32, #tpu.memory_space<vmem>>, %arg8: memref<3x16x1000xf32, #tpu.memory_space<vmem>>, %arg9: memref<!tpu.dma_semaphore, #tpu.memory_space<semaphore_mem>>, %arg10: memref<!tpu.dma_semaphore, #tpu.memory_space<semaphore_mem>>, %arg11: memref<!tpu.dma_semaphore, #tpu.memory_space<semaphore_mem>>, %arg12: memref<!tpu.dma_semaphore, #tpu.memory_space<semaphore_mem>>) attributes {dimension_semantics = [#tpu.dimension_semantics<core_parallel>, #tpu.dimension_semantics<subcore_parallel>], iteration_bounds = array<i64: 2, 16>, scalar_prefetch = 0 : i64, scratch_operands = 8 : i64, tpu.core_type = #tpu.core_type<sc_vector_subcore>, window_params = [{transform_indices = #map}, {transform_indices = #map1}, {transform_indices = #map}]} {
    %mul3A = arith.constant 2 : i32
    %mul3A_0 = arith.muli %arg1, %mul3A : i32
    %add3A = arith.addi %mul3A_0, %arg0 : i32
    %mul3A_1 = arith.constant 128 : i32
    %mul3A_2 = arith.muli %add3A, %mul3A_1 : i32
    %dma_start3A = arith.constant 0 : i32
    %dma_start3A_3 = tpu.memref_slice %arg2[%mul3A_2, %dma_start3A] : memref<4096x200xi32, #tpu.memory_space<hbm>> -> memref<128x200xi32, #tpu.memory_space<hbm>>
    %dma_start3A_4 = arith.constant 0 : i32
    %dma_start3A_5 = tpu.memref_slice %arg2[%mul3A_2, %dma_start3A_4] : memref<4096x200xi32, #tpu.memory_space<hbm>> -> memref<128x200xi32, #tpu.memory_space<hbm>>
    tpu.enqueue_dma source(%dma_start3A_5 : memref<128x200xi32, #tpu.memory_space<hbm>>) target(%arg5 : memref<128x200xi32, #tpu.memory_space<vmem>>) target_semaphore(%arg12 : memref<!tpu.dma_semaphore, #tpu.memory_space<semaphore_mem>>)
    "tpu.region"() ({
      %run_scoped3A = tpu.sem_alloc : memref<!tpu.dma_semaphore, #tpu.memory_space<semaphore_mem>>
      tpu.enqueue_dma source(%arg3 : memref<1000xf32, #tpu.memory_space<hbm>>) target(%arg7 : memref<1000xf32, #tpu.memory_space<vmem>>) target_semaphore(%run_scoped3A : memref<!tpu.dma_semaphore, #tpu.memory_space<semaphore_mem>>)
      tpu.wait_dma2 semaphore(%run_scoped3A : memref<!tpu.dma_semaphore, #tpu.memory_space<semaphore_mem>>) src(%arg3 : memref<1000xf32, #tpu.memory_space<hbm>>) dst(%arg7 : memref<1000xf32, #tpu.memory_space<vmem>>)
      tpu.yield
    }) : () -> ()
    %iota3A = tpu.iota {dimensions = array<i32: 0>} : vector<16xi32>
    %broadcast_in_dim3A = arith.constant 0.000000e+00 : f32
    %broadcast_in_dim3A_6 = vector.broadcast %broadcast_in_dim3A : f32 to vector<16xf32>
    %scan3A = arith.constant 0 : i32
    %scan3A_7 = arith.constant 62 : i32
    %scan3A_8 = arith.addi %scan3A, %scan3A_7 : i32
    %scan3A_9 = arith.constant 1 : i32
    scf.for %scan3A_658 = %scan3A to %scan3A_8 step %scan3A_9  : i32 {
      %mul3A_659 = arith.constant 16 : i32
      %mul3A_660 = arith.muli %scan3A_658, %mul3A_659 : i32
      %swap3A_661 = arith.constant 0 : i32
      %swap3A_662 = arith.constant 0 : i32
      %swap3A_663 = arith.index_cast %swap3A_661 : i32 to index
      %swap3A_664 = arith.index_cast %swap3A_662 : i32 to index
      %swap3A_665 = arith.index_cast %mul3A_660 : i32 to index
      %swap3A_666 = tpu.vector_load %arg8[%swap3A_663, %swap3A_664, %swap3A_665] {strides = array<i32>} : memref<3x16x1000xf32, #tpu.memory_space<vmem>>, vector<16xf32>,
      tpu.vector_store %arg8[%swap3A_663, %swap3A_664, %swap3A_665], %broadcast_in_dim3A_6 {strides = array<i32>} : memref<3x16x1000xf32, #tpu.memory_space<vmem>>, vector<16xf32>,
      %swap3A_667 = arith.constant 0 : i32
      %swap3A_668 = arith.constant 1 : i32
      %swap3A_669 = arith.index_cast %swap3A_667 : i32 to index
      %swap3A_670 = arith.index_cast %swap3A_668 : i32 to index
      %swap3A_671 = arith.index_cast %mul3A_660 : i32 to index
      %swap3A_672 = tpu.vector_load %arg8[%swap3A_669, %swap3A_670, %swap3A_671] {strides = array<i32>} : memref<3x16x1000xf32, #tpu.memory_space<vmem>>, vector<16xf32>,
      tpu.vector_store %arg8[%swap3A_669, %swap3A_670, %swap3A_671], %broadcast_in_dim3A_6 {strides = array<i32>} : memref<3x16x1000xf32, #tpu.memory_space<vmem>>, vector<16xf32>,
      %swap3A_673 = arith.constant 0 : i32
      %swap3A_674 = arith.constant 2 : i32
      %swap3A_675 = arith.index_cast %swap3A_673 : i32 to index
      %swap3A_676 = arith.index_cast %swap3A_674 : i32 to index
      %swap3A_677 = arith.index_cast %mul3A_660 : i32 to index
      %swap3A_678 = tpu.vector_load %arg8[%swap3A_675, %swap3A_676, %swap3A_677] {strides = array<i32>} : memref<3x16x1000xf32, #tpu.memory_space<vmem>>, vector<16xf32>,
      tpu.vector_store %arg8[%swap3A_675, %swap3A_676, %swap3A_677], %broadcast_in_dim3A_6 {strides = array<i32>} : memref<3x16x1000xf32, #tpu.memory_space<vmem>>, vector<16xf32>,
      %swap3A_679 = arith.constant 0 : i32
      %swap3A_680 = arith.constant 3 : i32
      %swap3A_681 = arith.index_cast %swap3A_679 : i32 to index
      %swap3A_682 = arith.index_cast %swap3A_680 : i32 to index
      %swap3A_683 = arith.index_cast %mul3A_660 : i32 to index
      %swap3A_684 = tpu.vector_load %arg8[%swap3A_681, %swap3A_682, %swap3A_683] {strides = array<i32>} : memref<3x16x1000xf32, #tpu.memory_space<vmem>>, vector<16xf32>,
      tpu.vector_store %arg8[%swap3A_681, %swap3A_682, %swap3A_683], %broadcast_in_dim3A_6 {strides = array<i32>} : memref<3x16x1000xf32, #tpu.memory_space<vmem>>, vector<16xf32>,
      %swap3A_685 = arith.constant 0 : i32
      %swap3A_686 = arith.constant 4 : i32
      %swap3A_687 = arith.index_cast %swap3A_685 : i32 to index
      %swap3A_688 = arith.index_cast %swap3A_686 : i32 to index
      %swap3A_689 = arith.index_cast %mul3A_660 : i32 to index
      %swap3A_690 = tpu.vector_load %arg8[%swap3A_687, %swap3A_688, %swap3A_689] {strides = array<i32>} : memref<3x16x1000xf32, #tpu.memory_space<vmem>>, vector<16xf32>,
      tpu.vector_store %arg8[%swap3A_687, %swap3A_688, %swap3A_689], %broadcast_in_dim3A_6 {strides = array<i32>} : memref<3x16x1000xf32, #tpu.memory_space<vmem>>, vector<16xf32>,
      %swap3A_691 = arith.constant 0 : i32
      %swap3A_692 = arith.constant 5 : i32
      %swap3A_693 = arith.index_cast %swap3A_691 : i32 to index
      %swap3A_694 = arith.index_cast %swap3A_692 : i32 to index
      %swap3A_695 = arith.index_cast %mul3A_660 : i32 to index
      %swap3A_696 = tpu.vector_load %arg8[%swap3A_693, %swap3A_694, %swap3A_695] {strides = array<i32>} : memref<3x16x1000xf32, #tpu.memory_space<vmem>>, vector<16xf32>,
      tpu.vector_store %arg8[%swap3A_693, %swap3A_694, %swap3A_695], %broadcast_in_dim3A_6 {strides = array<i32>} : memref<3x16x1000xf32, #tpu.memory_space<vmem>>, vector<16xf32>,
      %swap3A_697 = arith.constant 0 : i32
      %swap3A_698 = arith.constant 6 : i32
      %swap3A_699 = arith.index_cast %swap3A_697 : i32 to index
      %swap3A_700 = arith.index_cast %swap3A_698 : i32 to index
      %swap3A_701 = arith.index_cast %mul3A_660 : i32 to index
      %swap3A_702 = tpu.vector_load %arg8[%swap3A_699, %swap3A_700, %swap3A_701] {strides = array<i32>} : memref<3x16x1000xf32, #tpu.memory_space<vmem>>, vector<16xf32>,
      tpu.vector_store %arg8[%swap3A_699, %swap3A_700, %swap3A_701], %broadcast_in_dim3A_6 {strides = array<i32>} : memref<3x16x1000xf32, #tpu.memory_space<vmem>>, vector<16xf32>,
      %swap3A_703 = arith.constant 0 : i32
      %swap3A_704 = arith.constant 7 : i32
      %swap3A_705 = arith.index_cast %swap3A_703 : i32 to index
      %swap3A_706 = arith.index_cast %swap3A_704 : i32 to index
      %swap3A_707 = arith.index_cast %mul3A_660 : i32 to index
      %swap3A_708 = tpu.vector_load %arg8[%swap3A_705, %swap3A_706, %swap3A_707] {strides = array<i32>} : memref<3x16x1000xf32, #tpu.memory_space<vmem>>, vector<16xf32>,
      tpu.vector_store %arg8[%swap3A_705, %swap3A_706, %swap3A_707], %broadcast_in_dim3A_6 {strides = array<i32>} : memref<3x16x1000xf32, #tpu.memory_space<vmem>>, vector<16xf32>,
      %swap3A_709 = arith.constant 0 : i32
      %swap3A_710 = arith.constant 8 : i32
      %swap3A_711 = arith.index_cast %swap3A_709 : i32 to index
      %swap3A_712 = arith.index_cast %swap3A_710 : i32 to index
      %swap3A_713 = arith.index_cast %mul3A_660 : i32 to index
      %swap3A_714 = tpu.vector_load %arg8[%swap3A_711, %swap3A_712, %swap3A_713] {strides = array<i32>} : memref<3x16x1000xf32, #tpu.memory_space<vmem>>, vector<16xf32>,
      tpu.vector_store %arg8[%swap3A_711, %swap3A_712, %swap3A_713], %broadcast_in_dim3A_6 {strides = array<i32>} : memref<3x16x1000xf32, #tpu.memory_space<vmem>>, vector<16xf32>,
      %swap3A_715 = arith.constant 0 : i32
      %swap3A_716 = arith.constant 9 : i32
      %swap3A_717 = arith.index_cast %swap3A_715 : i32 to index
      %swap3A_718 = arith.index_cast %swap3A_716 : i32 to index
      %swap3A_719 = arith.index_cast %mul3A_660 : i32 to index
      %swap3A_720 = tpu.vector_load %arg8[%swap3A_717, %swap3A_718, %swap3A_719] {strides = array<i32>} : memref<3x16x1000xf32, #tpu.memory_space<vmem>>, vector<16xf32>,
      tpu.vector_store %arg8[%swap3A_717, %swap3A_718, %swap3A_719], %broadcast_in_dim3A_6 {strides = array<i32>} : memref<3x16x1000xf32, #tpu.memory_space<vmem>>, vector<16xf32>,
      %swap3A_721 = arith.constant 0 : i32
      %swap3A_722 = arith.constant 10 : i32
      %swap3A_723 = arith.index_cast %swap3A_721 : i32 to index
      %swap3A_724 = arith.index_cast %swap3A_722 : i32 to index
      %swap3A_725 = arith.index_cast %mul3A_660 : i32 to index
      %swap3A_726 = tpu.vector_load %arg8[%swap3A_723, %swap3A_724, %swap3A_725] {strides = array<i32>} : memref<3x16x1000xf32, #tpu.memory_space<vmem>>, vector<16xf32>,
      tpu.vector_store %arg8[%swap3A_723, %swap3A_724, %swap3A_725], %broadcast_in_dim3A_6 {strides = array<i32>} : memref<3x16x1000xf32, #tpu.memory_space<vmem>>, vector<16xf32>,
      %swap3A_727 = arith.constant 0 : i32
      %swap3A_728 = arith.constant 11 : i32
      %swap3A_729 = arith.index_cast %swap3A_727 : i32 to index
      %swap3A_730 = arith.index_cast %swap3A_728 : i32 to index
      %swap3A_731 = arith.index_cast %mul3A_660 : i32 to index
      %swap3A_732 = tpu.vector_load %arg8[%swap3A_729, %swap3A_730, %swap3A_731] {strides = array<i32>} : memref<3x16x1000xf32, #tpu.memory_space<vmem>>, vector<16xf32>,
      tpu.vector_store %arg8[%swap3A_729, %swap3A_730, %swap3A_731], %broadcast_in_dim3A_6 {strides = array<i32>} : memref<3x16x1000xf32, #tpu.memory_space<vmem>>, vector<16xf32>,
      %swap3A_733 = arith.constant 0 : i32
      %swap3A_734 = arith.constant 12 : i32
      %swap3A_735 = arith.index_cast %swap3A_733 : i32 to index
      %swap3A_736 = arith.index_cast %swap3A_734 : i32 to index
      %swap3A_737 = arith.index_cast %mul3A_660 : i32 to index
      %swap3A_738 = tpu.vector_load %arg8[%swap3A_735, %swap3A_736, %swap3A_737] {strides = array<i32>} : memref<3x16x1000xf32, #tpu.memory_space<vmem>>, vector<16xf32>,
      tpu.vector_store %arg8[%swap3A_735, %swap3A_736, %swap3A_737], %broadcast_in_dim3A_6 {strides = array<i32>} : memref<3x16x1000xf32, #tpu.memory_space<vmem>>, vector<16xf32>,
      %swap3A_739 = arith.constant 0 : i32
      %swap3A_740 = arith.constant 13 : i32
      %swap3A_741 = arith.index_cast %swap3A_739 : i32 to index
      %swap3A_742 = arith.index_cast %swap3A_740 : i32 to index
      %swap3A_743 = arith.index_cast %mul3A_660 : i32 to index
      %swap3A_744 = tpu.vector_load %arg8[%swap3A_741, %swap3A_742, %swap3A_743] {strides = array<i32>} : memref<3x16x1000xf32, #tpu.memory_space<vmem>>, vector<16xf32>,
      tpu.vector_store %arg8[%swap3A_741, %swap3A_742, %swap3A_743], %broadcast_in_dim3A_6 {strides = array<i32>} : memref<3x16x1000xf32, #tpu.memory_space<vmem>>, vector<16xf32>,
      %swap3A_745 = arith.constant 0 : i32
      %swap3A_746 = arith.constant 14 : i32
      %swap3A_747 = arith.index_cast %swap3A_745 : i32 to index
      %swap3A_748 = arith.index_cast %swap3A_746 : i32 to index
      %swap3A_749 = arith.index_cast %mul3A_660 : i32 to index
      %swap3A_750 = tpu.vector_load %arg8[%swap3A_747, %swap3A_748, %swap3A_749] {strides = array<i32>} : memref<3x16x1000xf32, #tpu.memory_space<vmem>>, vector<16xf32>,
      tpu.vector_store %arg8[%swap3A_747, %swap3A_748, %swap3A_749], %broadcast_in_dim3A_6 {strides = array<i32>} : memref<3x16x1000xf32, #tpu.memory_space<vmem>>, vector<16xf32>,
      %swap3A_751 = arith.constant 0 : i32
      %swap3A_752 = arith.constant 15 : i32
      %swap3A_753 = arith.index_cast %swap3A_751 : i32 to index
      %swap3A_754 = arith.index_cast %swap3A_752 : i32 to index
      %swap3A_755 = arith.index_cast %mul3A_660 : i32 to index
      %swap3A_756 = tpu.vector_load %arg8[%swap3A_753, %swap3A_754, %swap3A_755] {strides = array<i32>} : memref<3x16x1000xf32, #tpu.memory_space<vmem>>, vector<16xf32>,
      tpu.vector_store %arg8[%swap3A_753, %swap3A_754, %swap3A_755], %broadcast_in_dim3A_6 {strides = array<i32>} : memref<3x16x1000xf32, #tpu.memory_space<vmem>>, vector<16xf32>,
      %swap3A_757 = arith.constant 1 : i32
      %swap3A_758 = arith.constant 0 : i32
      %swap3A_759 = arith.index_cast %swap3A_757 : i32 to index
      %swap3A_760 = arith.index_cast %swap3A_758 : i32 to index
      %swap3A_761 = arith.index_cast %mul3A_660 : i32 to index
      %swap3A_762 = tpu.vector_load %arg8[%swap3A_759, %swap3A_760, %swap3A_761] {strides = array<i32>} : memref<3x16x1000xf32, #tpu.memory_space<vmem>>, vector<16xf32>,
      tpu.vector_store %arg8[%swap3A_759, %swap3A_760, %swap3A_761], %broadcast_in_dim3A_6 {strides = array<i32>} : memref<3x16x1000xf32, #tpu.memory_space<vmem>>, vector<16xf32>,
      %swap3A_763 = arith.constant 1 : i32
      %swap3A_764 = arith.constant 1 : i32
      %swap3A_765 = arith.index_cast %swap3A_763 : i32 to index
      %swap3A_766 = arith.index_cast %swap3A_764 : i32 to index
      %swap3A_767 = arith.index_cast %mul3A_660 : i32 to index
      %swap3A_768 = tpu.vector_load %arg8[%swap3A_765, %swap3A_766, %swap3A_767] {strides = array<i32>} : memref<3x16x1000xf32, #tpu.memory_space<vmem>>, vector<16xf32>,
      tpu.vector_store %arg8[%swap3A_765, %swap3A_766, %swap3A_767], %broadcast_in_dim3A_6 {strides = array<i32>} : memref<3x16x1000xf32, #tpu.memory_space<vmem>>, vector<16xf32>,
      %swap3A_769 = arith.constant 1 : i32
      %swap3A_770 = arith.constant 2 : i32
      %swap3A_771 = arith.index_cast %swap3A_769 : i32 to index
      %swap3A_772 = arith.index_cast %swap3A_770 : i32 to index
      %swap3A_773 = arith.index_cast %mul3A_660 : i32 to index
      %swap3A_774 = tpu.vector_load %arg8[%swap3A_771, %swap3A_772, %swap3A_773] {strides = array<i32>} : memref<3x16x1000xf32, #tpu.memory_space<vmem>>, vector<16xf32>,
      tpu.vector_store %arg8[%swap3A_771, %swap3A_772, %swap3A_773], %broadcast_in_dim3A_6 {strides = array<i32>} : memref<3x16x1000xf32, #tpu.memory_space<vmem>>, vector<16xf32>,
      %swap3A_775 = arith.constant 1 : i32
      %swap3A_776 = arith.constant 3 : i32
      %swap3A_777 = arith.index_cast %swap3A_775 : i32 to index
      %swap3A_778 = arith.index_cast %swap3A_776 : i32 to index
      %swap3A_779 = arith.index_cast %mul3A_660 : i32 to index
      %swap3A_780 = tpu.vector_load %arg8[%swap3A_777, %swap3A_778, %swap3A_779] {strides = array<i32>} : memref<3x16x1000xf32, #tpu.memory_space<vmem>>, vector<16xf32>,
      tpu.vector_store %arg8[%swap3A_777, %swap3A_778, %swap3A_779], %broadcast_in_dim3A_6 {strides = array<i32>} : memref<3x16x1000xf32, #tpu.memory_space<vmem>>, vector<16xf32>,
      %swap3A_781 = arith.constant 1 : i32
      %swap3A_782 = arith.constant 4 : i32
      %swap3A_783 = arith.index_cast %swap3A_781 : i32 to index
      %swap3A_784 = arith.index_cast %swap3A_782 : i32 to index
      %swap3A_785 = arith.index_cast %mul3A_660 : i32 to index
      %swap3A_786 = tpu.vector_load %arg8[%swap3A_783, %swap3A_784, %swap3A_785] {strides = array<i32>} : memref<3x16x1000xf32, #tpu.memory_space<vmem>>, vector<16xf32>,
      tpu.vector_store %arg8[%swap3A_783, %swap3A_784, %swap3A_785], %broadcast_in_dim3A_6 {strides = array<i32>} : memref<3x16x1000xf32, #tpu.memory_space<vmem>>, vector<16xf32>,
      %swap3A_787 = arith.constant 1 : i32
      %swap3A_788 = arith.constant 5 : i32
      %swap3A_789 = arith.index_cast %swap3A_787 : i32 to index
      %swap3A_790 = arith.index_cast %swap3A_788 : i32 to index
      %swap3A_791 = arith.index_cast %mul3A_660 : i32 to index
      %swap3A_792 = tpu.vector_load %arg8[%swap3A_789, %swap3A_790, %swap3A_791] {strides = array<i32>} : memref<3x16x1000xf32, #tpu.memory_space<vmem>>, vector<16xf32>,
      tpu.vector_store %arg8[%swap3A_789, %swap3A_790, %swap3A_791], %broadcast_in_dim3A_6 {strides = array<i32>} : memref<3x16x1000xf32, #tpu.memory_space<vmem>>, vector<16xf32>,
      %swap3A_793 = arith.constant 1 : i32
      %swap3A_794 = arith.constant 6 : i32
      %swap3A_795 = arith.index_cast %swap3A_793 : i32 to index
      %swap3A_796 = arith.index_cast %swap3A_794 : i32 to index
      %swap3A_797 = arith.index_cast %mul3A_660 : i32 to index
      %swap3A_798 = tpu.vector_load %arg8[%swap3A_795, %swap3A_796, %swap3A_797] {strides = array<i32>} : memref<3x16x1000xf32, #tpu.memory_space<vmem>>, vector<16xf32>,
      tpu.vector_store %arg8[%swap3A_795, %swap3A_796, %swap3A_797], %broadcast_in_dim3A_6 {strides = array<i32>} : memref<3x16x1000xf32, #tpu.memory_space<vmem>>, vector<16xf32>,
      %swap3A_799 = arith.constant 1 : i32
      %swap3A_800 = arith.constant 7 : i32
      %swap3A_801 = arith.index_cast %swap3A_799 : i32 to index
      %swap3A_802 = arith.index_cast %swap3A_800 : i32 to index
      %swap3A_803 = arith.index_cast %mul3A_660 : i32 to index
      %swap3A_804 = tpu.vector_load %arg8[%swap3A_801, %swap3A_802, %swap3A_803] {strides = array<i32>} : memref<3x16x1000xf32, #tpu.memory_space<vmem>>, vector<16xf32>,
      tpu.vector_store %arg8[%swap3A_801, %swap3A_802, %swap3A_803], %broadcast_in_dim3A_6 {strides = array<i32>} : memref<3x16x1000xf32, #tpu.memory_space<vmem>>, vector<16xf32>,
      %swap3A_805 = arith.constant 1 : i32
      %swap3A_806 = arith.constant 8 : i32
      %swap3A_807 = arith.index_cast %swap3A_805 : i32 to index
      %swap3A_808 = arith.index_cast %swap3A_806 : i32 to index
      %swap3A_809 = arith.index_cast %mul3A_660 : i32 to index
      %swap3A_810 = tpu.vector_load %arg8[%swap3A_807, %swap3A_808, %swap3A_809] {strides = array<i32>} : memref<3x16x1000xf32, #tpu.memory_space<vmem>>, vector<16xf32>,
      tpu.vector_store %arg8[%swap3A_807, %swap3A_808, %swap3A_809], %broadcast_in_dim3A_6 {strides = array<i32>} : memref<3x16x1000xf32, #tpu.memory_space<vmem>>, vector<16xf32>,
      %swap3A_811 = arith.constant 1 : i32
      %swap3A_812 = arith.constant 9 : i32
      %swap3A_813 = arith.index_cast %swap3A_811 : i32 to index
      %swap3A_814 = arith.index_cast %swap3A_812 : i32 to index
      %swap3A_815 = arith.index_cast %mul3A_660 : i32 to index
      %swap3A_816 = tpu.vector_load %arg8[%swap3A_813, %swap3A_814, %swap3A_815] {strides = array<i32>} : memref<3x16x1000xf32, #tpu.memory_space<vmem>>, vector<16xf32>,
      tpu.vector_store %arg8[%swap3A_813, %swap3A_814, %swap3A_815], %broadcast_in_dim3A_6 {strides = array<i32>} : memref<3x16x1000xf32, #tpu.memory_space<vmem>>, vector<16xf32>,
      %swap3A_817 = arith.constant 1 : i32
      %swap3A_818 = arith.constant 10 : i32
      %swap3A_819 = arith.index_cast %swap3A_817 : i32 to index
      %swap3A_820 = arith.index_cast %swap3A_818 : i32 to index
      %swap3A_821 = arith.index_cast %mul3A_660 : i32 to index
      %swap3A_822 = tpu.vector_load %arg8[%swap3A_819, %swap3A_820, %swap3A_821] {strides = array<i32>} : memref<3x16x1000xf32, #tpu.memory_space<vmem>>, vector<16xf32>,
      tpu.vector_store %arg8[%swap3A_819, %swap3A_820, %swap3A_821], %broadcast_in_dim3A_6 {strides = array<i32>} : memref<3x16x1000xf32, #tpu.memory_space<vmem>>, vector<16xf32>,
      %swap3A_823 = arith.constant 1 : i32
      %swap3A_824 = arith.constant 11 : i32
      %swap3A_825 = arith.index_cast %swap3A_823 : i32 to index
      %swap3A_826 = arith.index_cast %swap3A_824 : i32 to index
      %swap3A_827 = arith.index_cast %mul3A_660 : i32 to index
      %swap3A_828 = tpu.vector_load %arg8[%swap3A_825, %swap3A_826, %swap3A_827] {strides = array<i32>} : memref<3x16x1000xf32, #tpu.memory_space<vmem>>, vector<16xf32>,
      tpu.vector_store %arg8[%swap3A_825, %swap3A_826, %swap3A_827], %broadcast_in_dim3A_6 {strides = array<i32>} : memref<3x16x1000xf32, #tpu.memory_space<vmem>>, vector<16xf32>,
      %swap3A_829 = arith.constant 1 : i32
      %swap3A_830 = arith.constant 12 : i32
      %swap3A_831 = arith.index_cast %swap3A_829 : i32 to index
      %swap3A_832 = arith.index_cast %swap3A_830 : i32 to index
      %swap3A_833 = arith.index_cast %mul3A_660 : i32 to index
      %swap3A_834 = tpu.vector_load %arg8[%swap3A_831, %swap3A_832, %swap3A_833] {strides = array<i32>} : memref<3x16x1000xf32, #tpu.memory_space<vmem>>, vector<16xf32>,
      tpu.vector_store %arg8[%swap3A_831, %swap3A_832, %swap3A_833], %broadcast_in_dim3A_6 {strides = array<i32>} : memref<3x16x1000xf32, #tpu.memory_space<vmem>>, vector<16xf32>,
      %swap3A_835 = arith.constant 1 : i32
      %swap3A_836 = arith.constant 13 : i32
      %swap3A_837 = arith.index_cast %swap3A_835 : i32 to index
      %swap3A_838 = arith.index_cast %swap3A_836 : i32 to index
      %swap3A_839 = arith.index_cast %mul3A_660 : i32 to index
      %swap3A_840 = tpu.vector_load %arg8[%swap3A_837, %swap3A_838, %swap3A_839] {strides = array<i32>} : memref<3x16x1000xf32, #tpu.memory_space<vmem>>, vector<16xf32>,
      tpu.vector_store %arg8[%swap3A_837, %swap3A_838, %swap3A_839], %broadcast_in_dim3A_6 {strides = array<i32>} : memref<3x16x1000xf32, #tpu.memory_space<vmem>>, vector<16xf32>,
      %swap3A_841 = arith.constant 1 : i32
      %swap3A_842 = arith.constant 14 : i32
      %swap3A_843 = arith.index_cast %swap3A_841 : i32 to index
      %swap3A_844 = arith.index_cast %swap3A_842 : i32 to index
      %swap3A_845 = arith.index_cast %mul3A_660 : i32 to index
      %swap3A_846 = tpu.vector_load %arg8[%swap3A_843, %swap3A_844, %swap3A_845] {strides = array<i32>} : memref<3x16x1000xf32, #tpu.memory_space<vmem>>, vector<16xf32>,
      tpu.vector_store %arg8[%swap3A_843, %swap3A_844, %swap3A_845], %broadcast_in_dim3A_6 {strides = array<i32>} : memref<3x16x1000xf32, #tpu.memory_space<vmem>>, vector<16xf32>,
      %swap3A_847 = arith.constant 1 : i32
      %swap3A_848 = arith.constant 15 : i32
      %swap3A_849 = arith.index_cast %swap3A_847 : i32 to index
      %swap3A_850 = arith.index_cast %swap3A_848 : i32 to index
      %swap3A_851 = arith.index_cast %mul3A_660 : i32 to index
      %swap3A_852 = tpu.vector_load %arg8[%swap3A_849, %swap3A_850, %swap3A_851] {strides = array<i32>} : memref<3x16x1000xf32, #tpu.memory_space<vmem>>, vector<16xf32>,
      tpu.vector_store %arg8[%swap3A_849, %swap3A_850, %swap3A_851], %broadcast_in_dim3A_6 {strides = array<i32>} : memref<3x16x1000xf32, #tpu.memory_space<vmem>>, vector<16xf32>,
      %swap3A_853 = arith.constant 2 : i32
      %swap3A_854 = arith.constant 0 : i32
      %swap3A_855 = arith.index_cast %swap3A_853 : i32 to index
      %swap3A_856 = arith.index_cast %swap3A_854 : i32 to index
      %swap3A_857 = arith.index_cast %mul3A_660 : i32 to index
      %swap3A_858 = tpu.vector_load %arg8[%swap3A_855, %swap3A_856, %swap3A_857] {strides = array<i32>} : memref<3x16x1000xf32, #tpu.memory_space<vmem>>, vector<16xf32>,
      tpu.vector_store %arg8[%swap3A_855, %swap3A_856, %swap3A_857], %broadcast_in_dim3A_6 {strides = array<i32>} : memref<3x16x1000xf32, #tpu.memory_space<vmem>>, vector<16xf32>,
      %swap3A_859 = arith.constant 2 : i32
      %swap3A_860 = arith.constant 1 : i32
      %swap3A_861 = arith.index_cast %swap3A_859 : i32 to index
      %swap3A_862 = arith.index_cast %swap3A_860 : i32 to index
      %swap3A_863 = arith.index_cast %mul3A_660 : i32 to index
      %swap3A_864 = tpu.vector_load %arg8[%swap3A_861, %swap3A_862, %swap3A_863] {strides = array<i32>} : memref<3x16x1000xf32, #tpu.memory_space<vmem>>, vector<16xf32>,
      tpu.vector_store %arg8[%swap3A_861, %swap3A_862, %swap3A_863], %broadcast_in_dim3A_6 {strides = array<i32>} : memref<3x16x1000xf32, #tpu.memory_space<vmem>>, vector<16xf32>,
      %swap3A_865 = arith.constant 2 : i32
      %swap3A_866 = arith.constant 2 : i32
      %swap3A_867 = arith.index_cast %swap3A_865 : i32 to index
      %swap3A_868 = arith.index_cast %swap3A_866 : i32 to index
      %swap3A_869 = arith.index_cast %mul3A_660 : i32 to index
      %swap3A_870 = tpu.vector_load %arg8[%swap3A_867, %swap3A_868, %swap3A_869] {strides = array<i32>} : memref<3x16x1000xf32, #tpu.memory_space<vmem>>, vector<16xf32>,
      tpu.vector_store %arg8[%swap3A_867, %swap3A_868, %swap3A_869], %broadcast_in_dim3A_6 {strides = array<i32>} : memref<3x16x1000xf32, #tpu.memory_space<vmem>>, vector<16xf32>,
      %swap3A_871 = arith.constant 2 : i32
      %swap3A_872 = arith.constant 3 : i32
      %swap3A_873 = arith.index_cast %swap3A_871 : i32 to index
      %swap3A_874 = arith.index_cast %swap3A_872 : i32 to index
      %swap3A_875 = arith.index_cast %mul3A_660 : i32 to index
      %swap3A_876 = tpu.vector_load %arg8[%swap3A_873, %swap3A_874, %swap3A_875] {strides = array<i32>} : memref<3x16x1000xf32, #tpu.memory_space<vmem>>, vector<16xf32>,
      tpu.vector_store %arg8[%swap3A_873, %swap3A_874, %swap3A_875], %broadcast_in_dim3A_6 {strides = array<i32>} : memref<3x16x1000xf32, #tpu.memory_space<vmem>>, vector<16xf32>,
      %swap3A_877 = arith.constant 2 : i32
      %swap3A_878 = arith.constant 4 : i32
      %swap3A_879 = arith.index_cast %swap3A_877 : i32 to index
      %swap3A_880 = arith.index_cast %swap3A_878 : i32 to index
      %swap3A_881 = arith.index_cast %mul3A_660 : i32 to index
      %swap3A_882 = tpu.vector_load %arg8[%swap3A_879, %swap3A_880, %swap3A_881] {strides = array<i32>} : memref<3x16x1000xf32, #tpu.memory_space<vmem>>, vector<16xf32>,
      tpu.vector_store %arg8[%swap3A_879, %swap3A_880, %swap3A_881], %broadcast_in_dim3A_6 {strides = array<i32>} : memref<3x16x1000xf32, #tpu.memory_space<vmem>>, vector<16xf32>,
      %swap3A_883 = arith.constant 2 : i32
      %swap3A_884 = arith.constant 5 : i32
      %swap3A_885 = arith.index_cast %swap3A_883 : i32 to index
      %swap3A_886 = arith.index_cast %swap3A_884 : i32 to index
      %swap3A_887 = arith.index_cast %mul3A_660 : i32 to index
      %swap3A_888 = tpu.vector_load %arg8[%swap3A_885, %swap3A_886, %swap3A_887] {strides = array<i32>} : memref<3x16x1000xf32, #tpu.memory_space<vmem>>, vector<16xf32>,
      tpu.vector_store %arg8[%swap3A_885, %swap3A_886, %swap3A_887], %broadcast_in_dim3A_6 {strides = array<i32>} : memref<3x16x1000xf32, #tpu.memory_space<vmem>>, vector<16xf32>,
      %swap3A_889 = arith.constant 2 : i32
      %swap3A_890 = arith.constant 6 : i32
      %swap3A_891 = arith.index_cast %swap3A_889 : i32 to index
      %swap3A_892 = arith.index_cast %swap3A_890 : i32 to index
      %swap3A_893 = arith.index_cast %mul3A_660 : i32 to index
      %swap3A_894 = tpu.vector_load %arg8[%swap3A_891, %swap3A_892, %swap3A_893] {strides = array<i32>} : memref<3x16x1000xf32, #tpu.memory_space<vmem>>, vector<16xf32>,
      tpu.vector_store %arg8[%swap3A_891, %swap3A_892, %swap3A_893], %broadcast_in_dim3A_6 {strides = array<i32>} : memref<3x16x1000xf32, #tpu.memory_space<vmem>>, vector<16xf32>,
      %swap3A_895 = arith.constant 2 : i32
      %swap3A_896 = arith.constant 7 : i32
      %swap3A_897 = arith.index_cast %swap3A_895 : i32 to index
      %swap3A_898 = arith.index_cast %swap3A_896 : i32 to index
      %swap3A_899 = arith.index_cast %mul3A_660 : i32 to index
      %swap3A_900 = tpu.vector_load %arg8[%swap3A_897, %swap3A_898, %swap3A_899] {strides = array<i32>} : memref<3x16x1000xf32, #tpu.memory_space<vmem>>, vector<16xf32>,
      tpu.vector_store %arg8[%swap3A_897, %swap3A_898, %swap3A_899], %broadcast_in_dim3A_6 {strides = array<i32>} : memref<3x16x1000xf32, #tpu.memory_space<vmem>>, vector<16xf32>,
      %swap3A_901 = arith.constant 2 : i32
      %swap3A_902 = arith.constant 8 : i32
      %swap3A_903 = arith.index_cast %swap3A_901 : i32 to index
      %swap3A_904 = arith.index_cast %swap3A_902 : i32 to index
      %swap3A_905 = arith.index_cast %mul3A_660 : i32 to index
      %swap3A_906 = tpu.vector_load %arg8[%swap3A_903, %swap3A_904, %swap3A_905] {strides = array<i32>} : memref<3x16x1000xf32, #tpu.memory_space<vmem>>, vector<16xf32>,
      tpu.vector_store %arg8[%swap3A_903, %swap3A_904, %swap3A_905], %broadcast_in_dim3A_6 {strides = array<i32>} : memref<3x16x1000xf32, #tpu.memory_space<vmem>>, vector<16xf32>,
      %swap3A_907 = arith.constant 2 : i32
      %swap3A_908 = arith.constant 9 : i32
      %swap3A_909 = arith.index_cast %swap3A_907 : i32 to index
      %swap3A_910 = arith.index_cast %swap3A_908 : i32 to index
      %swap3A_911 = arith.index_cast %mul3A_660 : i32 to index
      %swap3A_912 = tpu.vector_load %arg8[%swap3A_909, %swap3A_910, %swap3A_911] {strides = array<i32>} : memref<3x16x1000xf32, #tpu.memory_space<vmem>>, vector<16xf32>,
      tpu.vector_store %arg8[%swap3A_909, %swap3A_910, %swap3A_911], %broadcast_in_dim3A_6 {strides = array<i32>} : memref<3x16x1000xf32, #tpu.memory_space<vmem>>, vector<16xf32>,
      %swap3A_913 = arith.constant 2 : i32
      %swap3A_914 = arith.constant 10 : i32
      %swap3A_915 = arith.index_cast %swap3A_913 : i32 to index
      %swap3A_916 = arith.index_cast %swap3A_914 : i32 to index
      %swap3A_917 = arith.index_cast %mul3A_660 : i32 to index
      %swap3A_918 = tpu.vector_load %arg8[%swap3A_915, %swap3A_916, %swap3A_917] {strides = array<i32>} : memref<3x16x1000xf32, #tpu.memory_space<vmem>>, vector<16xf32>,
      tpu.vector_store %arg8[%swap3A_915, %swap3A_916, %swap3A_917], %broadcast_in_dim3A_6 {strides = array<i32>} : memref<3x16x1000xf32, #tpu.memory_space<vmem>>, vector<16xf32>,
      %swap3A_919 = arith.constant 2 : i32
      %swap3A_920 = arith.constant 11 : i32
      %swap3A_921 = arith.index_cast %swap3A_919 : i32 to index
      %swap3A_922 = arith.index_cast %swap3A_920 : i32 to index
      %swap3A_923 = arith.index_cast %mul3A_660 : i32 to index
      %swap3A_924 = tpu.vector_load %arg8[%swap3A_921, %swap3A_922, %swap3A_923] {strides = array<i32>} : memref<3x16x1000xf32, #tpu.memory_space<vmem>>, vector<16xf32>,
      tpu.vector_store %arg8[%swap3A_921, %swap3A_922, %swap3A_923], %broadcast_in_dim3A_6 {strides = array<i32>} : memref<3x16x1000xf32, #tpu.memory_space<vmem>>, vector<16xf32>,
      %swap3A_925 = arith.constant 2 : i32
      %swap3A_926 = arith.constant 12 : i32
      %swap3A_927 = arith.index_cast %swap3A_925 : i32 to index
      %swap3A_928 = arith.index_cast %swap3A_926 : i32 to index
      %swap3A_929 = arith.index_cast %mul3A_660 : i32 to index
      %swap3A_930 = tpu.vector_load %arg8[%swap3A_927, %swap3A_928, %swap3A_929] {strides = array<i32>} : memref<3x16x1000xf32, #tpu.memory_space<vmem>>, vector<16xf32>,
      tpu.vector_store %arg8[%swap3A_927, %swap3A_928, %swap3A_929], %broadcast_in_dim3A_6 {strides = array<i32>} : memref<3x16x1000xf32, #tpu.memory_space<vmem>>, vector<16xf32>,
      %swap3A_931 = arith.constant 2 : i32
      %swap3A_932 = arith.constant 13 : i32
      %swap3A_933 = arith.index_cast %swap3A_931 : i32 to index
      %swap3A_934 = arith.index_cast %swap3A_932 : i32 to index
      %swap3A_935 = arith.index_cast %mul3A_660 : i32 to index
      %swap3A_936 = tpu.vector_load %arg8[%swap3A_933, %swap3A_934, %swap3A_935] {strides = array<i32>} : memref<3x16x1000xf32, #tpu.memory_space<vmem>>, vector<16xf32>,
      tpu.vector_store %arg8[%swap3A_933, %swap3A_934, %swap3A_935], %broadcast_in_dim3A_6 {strides = array<i32>} : memref<3x16x1000xf32, #tpu.memory_space<vmem>>, vector<16xf32>,
      %swap3A_937 = arith.constant 2 : i32
      %swap3A_938 = arith.constant 14 : i32
      %swap3A_939 = arith.index_cast %swap3A_937 : i32 to index
      %swap3A_940 = arith.index_cast %swap3A_938 : i32 to index
      %swap3A_941 = arith.index_cast %mul3A_660 : i32 to index
      %swap3A_942 = tpu.vector_load %arg8[%swap3A_939, %swap3A_940, %swap3A_941] {strides = array<i32>} : memref<3x16x1000xf32, #tpu.memory_space<vmem>>, vector<16xf32>,
      tpu.vector_store %arg8[%swap3A_939, %swap3A_940, %swap3A_941], %broadcast_in_dim3A_6 {strides = array<i32>} : memref<3x16x1000xf32, #tpu.memory_space<vmem>>, vector<16xf32>,
      %swap3A_943 = arith.constant 2 : i32
      %swap3A_944 = arith.constant 15 : i32
      %swap3A_945 = arith.index_cast %swap3A_943 : i32 to index
      %swap3A_946 = arith.index_cast %swap3A_944 : i32 to index
      %swap3A_947 = arith.index_cast %mul3A_660 : i32 to index
      %swap3A_948 = tpu.vector_load %arg8[%swap3A_945, %swap3A_946, %swap3A_947] {strides = array<i32>} : memref<3x16x1000xf32, #tpu.memory_space<vmem>>, vector<16xf32>,
      tpu.vector_store %arg8[%swap3A_945, %swap3A_946, %swap3A_947], %broadcast_in_dim3A_6 {strides = array<i32>} : memref<3x16x1000xf32, #tpu.memory_space<vmem>>, vector<16xf32>,
    }
    %scan3A_10 = arith.constant 62 : i32
    %swap3A = arith.constant 0 : i32
    %swap3A_11 = arith.constant 0 : i32
    %swap3A_12 = arith.index_cast %swap3A : i32 to index
    %swap3A_13 = arith.index_cast %swap3A_11 : i32 to index
    %swap3A_14 = arith.constant 984 : index
    %swap3A_15 = tpu.vector_load %arg8[%swap3A_12, %swap3A_13, %swap3A_14] {strides = array<i32>} : memref<3x16x1000xf32, #tpu.memory_space<vmem>>, vector<16xf32>,
    tpu.vector_store %arg8[%swap3A_12, %swap3A_13, %swap3A_14], %broadcast_in_dim3A_6 {strides = array<i32>} : memref<3x16x1000xf32, #tpu.memory_space<vmem>>, vector<16xf32>,
    %swap3A_16 = arith.constant 0 : i32
    %swap3A_17 = arith.constant 1 : i32
    %swap3A_18 = arith.index_cast %swap3A_16 : i32 to index
    %swap3A_19 = arith.index_cast %swap3A_17 : i32 to index
    %swap3A_20 = arith.constant 984 : index
    %swap3A_21 = tpu.vector_load %arg8[%swap3A_18, %swap3A_19, %swap3A_20] {strides = array<i32>} : memref<3x16x1000xf32, #tpu.memory_space<vmem>>, vector<16xf32>,
    tpu.vector_store %arg8[%swap3A_18, %swap3A_19, %swap3A_20], %broadcast_in_dim3A_6 {strides = array<i32>} : memref<3x16x1000xf32, #tpu.memory_space<vmem>>, vector<16xf32>,
    %swap3A_22 = arith.constant 0 : i32
    %swap3A_23 = arith.constant 2 : i32
    %swap3A_24 = arith.index_cast %swap3A_22 : i32 to index
    %swap3A_25 = arith.index_cast %swap3A_23 : i32 to index
    %swap3A_26 = arith.constant 984 : index
    %swap3A_27 = tpu.vector_load %arg8[%swap3A_24, %swap3A_25, %swap3A_26] {strides = array<i32>} : memref<3x16x1000xf32, #tpu.memory_space<vmem>>, vector<16xf32>,
    tpu.vector_store %arg8[%swap3A_24, %swap3A_25, %swap3A_26], %broadcast_in_dim3A_6 {strides = array<i32>} : memref<3x16x1000xf32, #tpu.memory_space<vmem>>, vector<16xf32>,
    %swap3A_28 = arith.constant 0 : i32
    %swap3A_29 = arith.constant 3 : i32
    %swap3A_30 = arith.index_cast %swap3A_28 : i32 to index
    %swap3A_31 = arith.index_cast %swap3A_29 : i32 to index
    %swap3A_32 = arith.constant 984 : index
    %swap3A_33 = tpu.vector_load %arg8[%swap3A_30, %swap3A_31, %swap3A_32] {strides = array<i32>} : memref<3x16x1000xf32, #tpu.memory_space<vmem>>, vector<16xf32>,
    tpu.vector_store %arg8[%swap3A_30, %swap3A_31, %swap3A_32], %broadcast_in_dim3A_6 {strides = array<i32>} : memref<3x16x1000xf32, #tpu.memory_space<vmem>>, vector<16xf32>,
    %swap3A_34 = arith.constant 0 : i32
    %swap3A_35 = arith.constant 4 : i32
    %swap3A_36 = arith.index_cast %swap3A_34 : i32 to index
    %swap3A_37 = arith.index_cast %swap3A_35 : i32 to index
    %swap3A_38 = arith.constant 984 : index
    %swap3A_39 = tpu.vector_load %arg8[%swap3A_36, %swap3A_37, %swap3A_38] {strides = array<i32>} : memref<3x16x1000xf32, #tpu.memory_space<vmem>>, vector<16xf32>,
    tpu.vector_store %arg8[%swap3A_36, %swap3A_37, %swap3A_38], %broadcast_in_dim3A_6 {strides = array<i32>} : memref<3x16x1000xf32, #tpu.memory_space<vmem>>, vector<16xf32>,
    %swap3A_40 = arith.constant 0 : i32
    %swap3A_41 = arith.constant 5 : i32
    %swap3A_42 = arith.index_cast %swap3A_40 : i32 to index
    %swap3A_43 = arith.index_cast %swap3A_41 : i32 to index
    %swap3A_44 = arith.constant 984 : index
    %swap3A_45 = tpu.vector_load %arg8[%swap3A_42, %swap3A_43, %swap3A_44] {strides = array<i32>} : memref<3x16x1000xf32, #tpu.memory_space<vmem>>, vector<16xf32>,
    tpu.vector_store %arg8[%swap3A_42, %swap3A_43, %swap3A_44], %broadcast_in_dim3A_6 {strides = array<i32>} : memref<3x16x1000xf32, #tpu.memory_space<vmem>>, vector<16xf32>,
    %swap3A_46 = arith.constant 0 : i32
    %swap3A_47 = arith.constant 6 : i32
    %swap3A_48 = arith.index_cast %swap3A_46 : i32 to index
    %swap3A_49 = arith.index_cast %swap3A_47 : i32 to index
    %swap3A_50 = arith.constant 984 : index
    %swap3A_51 = tpu.vector_load %arg8[%swap3A_48, %swap3A_49, %swap3A_50] {strides = array<i32>} : memref<3x16x1000xf32, #tpu.memory_space<vmem>>, vector<16xf32>,
    tpu.vector_store %arg8[%swap3A_48, %swap3A_49, %swap3A_50], %broadcast_in_dim3A_6 {strides = array<i32>} : memref<3x16x1000xf32, #tpu.memory_space<vmem>>, vector<16xf32>,
    %swap3A_52 = arith.constant 0 : i32
    %swap3A_53 = arith.constant 7 : i32
    %swap3A_54 = arith.index_cast %swap3A_52 : i32 to index
    %swap3A_55 = arith.index_cast %swap3A_53 : i32 to index
    %swap3A_56 = arith.constant 984 : index
    %swap3A_57 = tpu.vector_load %arg8[%swap3A_54, %swap3A_55, %swap3A_56] {strides = array<i32>} : memref<3x16x1000xf32, #tpu.memory_space<vmem>>, vector<16xf32>,
    tpu.vector_store %arg8[%swap3A_54, %swap3A_55, %swap3A_56], %broadcast_in_dim3A_6 {strides = array<i32>} : memref<3x16x1000xf32, #tpu.memory_space<vmem>>, vector<16xf32>,
    %swap3A_58 = arith.constant 0 : i32
    %swap3A_59 = arith.constant 8 : i32
    %swap3A_60 = arith.index_cast %swap3A_58 : i32 to index
    %swap3A_61 = arith.index_cast %swap3A_59 : i32 to index
    %swap3A_62 = arith.constant 984 : index
    %swap3A_63 = tpu.vector_load %arg8[%swap3A_60, %swap3A_61, %swap3A_62] {strides = array<i32>} : memref<3x16x1000xf32, #tpu.memory_space<vmem>>, vector<16xf32>,
    tpu.vector_store %arg8[%swap3A_60, %swap3A_61, %swap3A_62], %broadcast_in_dim3A_6 {strides = array<i32>} : memref<3x16x1000xf32, #tpu.memory_space<vmem>>, vector<16xf32>,
    %swap3A_64 = arith.constant 0 : i32
    %swap3A_65 = arith.constant 9 : i32
    %swap3A_66 = arith.index_cast %swap3A_64 : i32 to index
    %swap3A_67 = arith.index_cast %swap3A_65 : i32 to index
    %swap3A_68 = arith.constant 984 : index
    %swap3A_69 = tpu.vector_load %arg8[%swap3A_66, %swap3A_67, %swap3A_68] {strides = array<i32>} : memref<3x16x1000xf32, #tpu.memory_space<vmem>>, vector<16xf32>,
    tpu.vector_store %arg8[%swap3A_66, %swap3A_67, %swap3A_68], %broadcast_in_dim3A_6 {strides = array<i32>} : memref<3x16x1000xf32, #tpu.memory_space<vmem>>, vector<16xf32>,
    %swap3A_70 = arith.constant 0 : i32
    %swap3A_71 = arith.constant 10 : i32
    %swap3A_72 = arith.index_cast %swap3A_70 : i32 to index
    %swap3A_73 = arith.index_cast %swap3A_71 : i32 to index
    %swap3A_74 = arith.constant 984 : index
    %swap3A_75 = tpu.vector_load %arg8[%swap3A_72, %swap3A_73, %swap3A_74] {strides = array<i32>} : memref<3x16x1000xf32, #tpu.memory_space<vmem>>, vector<16xf32>,
    tpu.vector_store %arg8[%swap3A_72, %swap3A_73, %swap3A_74], %broadcast_in_dim3A_6 {strides = array<i32>} : memref<3x16x1000xf32, #tpu.memory_space<vmem>>, vector<16xf32>,
    %swap3A_76 = arith.constant 0 : i32
    %swap3A_77 = arith.constant 11 : i32
    %swap3A_78 = arith.index_cast %swap3A_76 : i32 to index
    %swap3A_79 = arith.index_cast %swap3A_77 : i32 to index
    %swap3A_80 = arith.constant 984 : index
    %swap3A_81 = tpu.vector_load %arg8[%swap3A_78, %swap3A_79, %swap3A_80] {strides = array<i32>} : memref<3x16x1000xf32, #tpu.memory_space<vmem>>, vector<16xf32>,
    tpu.vector_store %arg8[%swap3A_78, %swap3A_79, %swap3A_80], %broadcast_in_dim3A_6 {strides = array<i32>} : memref<3x16x1000xf32, #tpu.memory_space<vmem>>, vector<16xf32>,
    %swap3A_82 = arith.constant 0 : i32
    %swap3A_83 = arith.constant 12 : i32
    %swap3A_84 = arith.index_cast %swap3A_82 : i32 to index
    %swap3A_85 = arith.index_cast %swap3A_83 : i32 to index
    %swap3A_86 = arith.constant 984 : index
    %swap3A_87 = tpu.vector_load %arg8[%swap3A_84, %swap3A_85, %swap3A_86] {strides = array<i32>} : memref<3x16x1000xf32, #tpu.memory_space<vmem>>, vector<16xf32>,
    tpu.vector_store %arg8[%swap3A_84, %swap3A_85, %swap3A_86], %broadcast_in_dim3A_6 {strides = array<i32>} : memref<3x16x1000xf32, #tpu.memory_space<vmem>>, vector<16xf32>,
    %swap3A_88 = arith.constant 0 : i32
    %swap3A_89 = arith.constant 13 : i32
    %swap3A_90 = arith.index_cast %swap3A_88 : i32 to index
    %swap3A_91 = arith.index_cast %swap3A_89 : i32 to index
    %swap3A_92 = arith.constant 984 : index
    %swap3A_93 = tpu.vector_load %arg8[%swap3A_90, %swap3A_91, %swap3A_92] {strides = array<i32>} : memref<3x16x1000xf32, #tpu.memory_space<vmem>>, vector<16xf32>,
    tpu.vector_store %arg8[%swap3A_90, %swap3A_91, %swap3A_92], %broadcast_in_dim3A_6 {strides = array<i32>} : memref<3x16x1000xf32, #tpu.memory_space<vmem>>, vector<16xf32>,
    %swap3A_94 = arith.constant 0 : i32
    %swap3A_95 = arith.constant 14 : i32
    %swap3A_96 = arith.index_cast %swap3A_94 : i32 to index
    %swap3A_97 = arith.index_cast %swap3A_95 : i32 to index
    %swap3A_98 = arith.constant 984 : index
    %swap3A_99 = tpu.vector_load %arg8[%swap3A_96, %swap3A_97, %swap3A_98] {strides = array<i32>} : memref<3x16x1000xf32, #tpu.memory_space<vmem>>, vector<16xf32>,
    tpu.vector_store %arg8[%swap3A_96, %swap3A_97, %swap3A_98], %broadcast_in_dim3A_6 {strides = array<i32>} : memref<3x16x1000xf32, #tpu.memory_space<vmem>>, vector<16xf32>,
    %swap3A_100 = arith.constant 0 : i32
    %swap3A_101 = arith.constant 15 : i32
    %swap3A_102 = arith.index_cast %swap3A_100 : i32 to index
    %swap3A_103 = arith.index_cast %swap3A_101 : i32 to index
    %swap3A_104 = arith.constant 984 : index
    %swap3A_105 = tpu.vector_load %arg8[%swap3A_102, %swap3A_103, %swap3A_104] {strides = array<i32>} : memref<3x16x1000xf32, #tpu.memory_space<vmem>>, vector<16xf32>,
    tpu.vector_store %arg8[%swap3A_102, %swap3A_103, %swap3A_104], %broadcast_in_dim3A_6 {strides = array<i32>} : memref<3x16x1000xf32, #tpu.memory_space<vmem>>, vector<16xf32>,
    %swap3A_106 = arith.constant 1 : i32
    %swap3A_107 = arith.constant 0 : i32
    %swap3A_108 = arith.index_cast %swap3A_106 : i32 to index
    %swap3A_109 = arith.index_cast %swap3A_107 : i32 to index
    %swap3A_110 = arith.constant 984 : index
    %swap3A_111 = tpu.vector_load %arg8[%swap3A_108, %swap3A_109, %swap3A_110] {strides = array<i32>} : memref<3x16x1000xf32, #tpu.memory_space<vmem>>, vector<16xf32>,
    tpu.vector_store %arg8[%swap3A_108, %swap3A_109, %swap3A_110], %broadcast_in_dim3A_6 {strides = array<i32>} : memref<3x16x1000xf32, #tpu.memory_space<vmem>>, vector<16xf32>,
    %swap3A_112 = arith.constant 1 : i32
    %swap3A_113 = arith.constant 1 : i32
    %swap3A_114 = arith.index_cast %swap3A_112 : i32 to index
    %swap3A_115 = arith.index_cast %swap3A_113 : i32 to index
    %swap3A_116 = arith.constant 984 : index
    %swap3A_117 = tpu.vector_load %arg8[%swap3A_114, %swap3A_115, %swap3A_116] {strides = array<i32>} : memref<3x16x1000xf32, #tpu.memory_space<vmem>>, vector<16xf32>,
    tpu.vector_store %arg8[%swap3A_114, %swap3A_115, %swap3A_116], %broadcast_in_dim3A_6 {strides = array<i32>} : memref<3x16x1000xf32, #tpu.memory_space<vmem>>, vector<16xf32>,
    %swap3A_118 = arith.constant 1 : i32
    %swap3A_119 = arith.constant 2 : i32
    %swap3A_120 = arith.index_cast %swap3A_118 : i32 to index
    %swap3A_121 = arith.index_cast %swap3A_119 : i32 to index
    %swap3A_122 = arith.constant 984 : index
    %swap3A_123 = tpu.vector_load %arg8[%swap3A_120, %swap3A_121, %swap3A_122] {strides = array<i32>} : memref<3x16x1000xf32, #tpu.memory_space<vmem>>, vector<16xf32>,
    tpu.vector_store %arg8[%swap3A_120, %swap3A_121, %swap3A_122], %broadcast_in_dim3A_6 {strides = array<i32>} : memref<3x16x1000xf32, #tpu.memory_space<vmem>>, vector<16xf32>,
    %swap3A_124 = arith.constant 1 : i32
    %swap3A_125 = arith.constant 3 : i32
    %swap3A_126 = arith.index_cast %swap3A_124 : i32 to index
    %swap3A_127 = arith.index_cast %swap3A_125 : i32 to index
    %swap3A_128 = arith.constant 984 : index
    %swap3A_129 = tpu.vector_load %arg8[%swap3A_126, %swap3A_127, %swap3A_128] {strides = array<i32>} : memref<3x16x1000xf32, #tpu.memory_space<vmem>>, vector<16xf32>,
    tpu.vector_store %arg8[%swap3A_126, %swap3A_127, %swap3A_128], %broadcast_in_dim3A_6 {strides = array<i32>} : memref<3x16x1000xf32, #tpu.memory_space<vmem>>, vector<16xf32>,
    %swap3A_130 = arith.constant 1 : i32
    %swap3A_131 = arith.constant 4 : i32
    %swap3A_132 = arith.index_cast %swap3A_130 : i32 to index
    %swap3A_133 = arith.index_cast %swap3A_131 : i32 to index
    %swap3A_134 = arith.constant 984 : index
    %swap3A_135 = tpu.vector_load %arg8[%swap3A_132, %swap3A_133, %swap3A_134] {strides = array<i32>} : memref<3x16x1000xf32, #tpu.memory_space<vmem>>, vector<16xf32>,
    tpu.vector_store %arg8[%swap3A_132, %swap3A_133, %swap3A_134], %broadcast_in_dim3A_6 {strides = array<i32>} : memref<3x16x1000xf32, #tpu.memory_space<vmem>>, vector<16xf32>,
    %swap3A_136 = arith.constant 1 : i32
    %swap3A_137 = arith.constant 5 : i32
    %swap3A_138 = arith.index_cast %swap3A_136 : i32 to index
    %swap3A_139 = arith.index_cast %swap3A_137 : i32 to index
    %swap3A_140 = arith.constant 984 : index
    %swap3A_141 = tpu.vector_load %arg8[%swap3A_138, %swap3A_139, %swap3A_140] {strides = array<i32>} : memref<3x16x1000xf32, #tpu.memory_space<vmem>>, vector<16xf32>,
    tpu.vector_store %arg8[%swap3A_138, %swap3A_139, %swap3A_140], %broadcast_in_dim3A_6 {strides = array<i32>} : memref<3x16x1000xf32, #tpu.memory_space<vmem>>, vector<16xf32>,
    %swap3A_142 = arith.constant 1 : i32
    %swap3A_143 = arith.constant 6 : i32
    %swap3A_144 = arith.index_cast %swap3A_142 : i32 to index
    %swap3A_145 = arith.index_cast %swap3A_143 : i32 to index
    %swap3A_146 = arith.constant 984 : index
    %swap3A_147 = tpu.vector_load %arg8[%swap3A_144, %swap3A_145, %swap3A_146] {strides = array<i32>} : memref<3x16x1000xf32, #tpu.memory_space<vmem>>, vector<16xf32>,
    tpu.vector_store %arg8[%swap3A_144, %swap3A_145, %swap3A_146], %broadcast_in_dim3A_6 {strides = array<i32>} : memref<3x16x1000xf32, #tpu.memory_space<vmem>>, vector<16xf32>,
    %swap3A_148 = arith.constant 1 : i32
    %swap3A_149 = arith.constant 7 : i32
    %swap3A_150 = arith.index_cast %swap3A_148 : i32 to index
    %swap3A_151 = arith.index_cast %swap3A_149 : i32 to index
    %swap3A_152 = arith.constant 984 : index
    %swap3A_153 = tpu.vector_load %arg8[%swap3A_150, %swap3A_151, %swap3A_152] {strides = array<i32>} : memref<3x16x1000xf32, #tpu.memory_space<vmem>>, vector<16xf32>,
    tpu.vector_store %arg8[%swap3A_150, %swap3A_151, %swap3A_152], %broadcast_in_dim3A_6 {strides = array<i32>} : memref<3x16x1000xf32, #tpu.memory_space<vmem>>, vector<16xf32>,
    %swap3A_154 = arith.constant 1 : i32
    %swap3A_155 = arith.constant 8 : i32
    %swap3A_156 = arith.index_cast %swap3A_154 : i32 to index
    %swap3A_157 = arith.index_cast %swap3A_155 : i32 to index
    %swap3A_158 = arith.constant 984 : index
    %swap3A_159 = tpu.vector_load %arg8[%swap3A_156, %swap3A_157, %swap3A_158] {strides = array<i32>} : memref<3x16x1000xf32, #tpu.memory_space<vmem>>, vector<16xf32>,
    tpu.vector_store %arg8[%swap3A_156, %swap3A_157, %swap3A_158], %broadcast_in_dim3A_6 {strides = array<i32>} : memref<3x16x1000xf32, #tpu.memory_space<vmem>>, vector<16xf32>,
    %swap3A_160 = arith.constant 1 : i32
    %swap3A_161 = arith.constant 9 : i32
    %swap3A_162 = arith.index_cast %swap3A_160 : i32 to index
    %swap3A_163 = arith.index_cast %swap3A_161 : i32 to index
    %swap3A_164 = arith.constant 984 : index
    %swap3A_165 = tpu.vector_load %arg8[%swap3A_162, %swap3A_163, %swap3A_164] {strides = array<i32>} : memref<3x16x1000xf32, #tpu.memory_space<vmem>>, vector<16xf32>,
    tpu.vector_store %arg8[%swap3A_162, %swap3A_163, %swap3A_164], %broadcast_in_dim3A_6 {strides = array<i32>} : memref<3x16x1000xf32, #tpu.memory_space<vmem>>, vector<16xf32>,
    %swap3A_166 = arith.constant 1 : i32
    %swap3A_167 = arith.constant 10 : i32
    %swap3A_168 = arith.index_cast %swap3A_166 : i32 to index
    %swap3A_169 = arith.index_cast %swap3A_167 : i32 to index
    %swap3A_170 = arith.constant 984 : index
    %swap3A_171 = tpu.vector_load %arg8[%swap3A_168, %swap3A_169, %swap3A_170] {strides = array<i32>} : memref<3x16x1000xf32, #tpu.memory_space<vmem>>, vector<16xf32>,
    tpu.vector_store %arg8[%swap3A_168, %swap3A_169, %swap3A_170], %broadcast_in_dim3A_6 {strides = array<i32>} : memref<3x16x1000xf32, #tpu.memory_space<vmem>>, vector<16xf32>,
    %swap3A_172 = arith.constant 1 : i32
    %swap3A_173 = arith.constant 11 : i32
    %swap3A_174 = arith.index_cast %swap3A_172 : i32 to index
    %swap3A_175 = arith.index_cast %swap3A_173 : i32 to index
    %swap3A_176 = arith.constant 984 : index
    %swap3A_177 = tpu.vector_load %arg8[%swap3A_174, %swap3A_175, %swap3A_176] {strides = array<i32>} : memref<3x16x1000xf32, #tpu.memory_space<vmem>>, vector<16xf32>,
    tpu.vector_store %arg8[%swap3A_174, %swap3A_175, %swap3A_176], %broadcast_in_dim3A_6 {strides = array<i32>} : memref<3x16x1000xf32, #tpu.memory_space<vmem>>, vector<16xf32>,
    %swap3A_178 = arith.constant 1 : i32
    %swap3A_179 = arith.constant 12 : i32
    %swap3A_180 = arith.index_cast %swap3A_178 : i32 to index
    %swap3A_181 = arith.index_cast %swap3A_179 : i32 to index
    %swap3A_182 = arith.constant 984 : index
    %swap3A_183 = tpu.vector_load %arg8[%swap3A_180, %swap3A_181, %swap3A_182] {strides = array<i32>} : memref<3x16x1000xf32, #tpu.memory_space<vmem>>, vector<16xf32>,
    tpu.vector_store %arg8[%swap3A_180, %swap3A_181, %swap3A_182], %broadcast_in_dim3A_6 {strides = array<i32>} : memref<3x16x1000xf32, #tpu.memory_space<vmem>>, vector<16xf32>,
    %swap3A_184 = arith.constant 1 : i32
    %swap3A_185 = arith.constant 13 : i32
    %swap3A_186 = arith.index_cast %swap3A_184 : i32 to index
    %swap3A_187 = arith.index_cast %swap3A_185 : i32 to index
    %swap3A_188 = arith.constant 984 : index
    %swap3A_189 = tpu.vector_load %arg8[%swap3A_186, %swap3A_187, %swap3A_188] {strides = array<i32>} : memref<3x16x1000xf32, #tpu.memory_space<vmem>>, vector<16xf32>,
    tpu.vector_store %arg8[%swap3A_186, %swap3A_187, %swap3A_188], %broadcast_in_dim3A_6 {strides = array<i32>} : memref<3x16x1000xf32, #tpu.memory_space<vmem>>, vector<16xf32>,
    %swap3A_190 = arith.constant 1 : i32
    %swap3A_191 = arith.constant 14 : i32
    %swap3A_192 = arith.index_cast %swap3A_190 : i32 to index
    %swap3A_193 = arith.index_cast %swap3A_191 : i32 to index
    %swap3A_194 = arith.constant 984 : index
    %swap3A_195 = tpu.vector_load %arg8[%swap3A_192, %swap3A_193, %swap3A_194] {strides = array<i32>} : memref<3x16x1000xf32, #tpu.memory_space<vmem>>, vector<16xf32>,
    tpu.vector_store %arg8[%swap3A_192, %swap3A_193, %swap3A_194], %broadcast_in_dim3A_6 {strides = array<i32>} : memref<3x16x1000xf32, #tpu.memory_space<vmem>>, vector<16xf32>,
    %swap3A_196 = arith.constant 1 : i32
    %swap3A_197 = arith.constant 15 : i32
    %swap3A_198 = arith.index_cast %swap3A_196 : i32 to index
    %swap3A_199 = arith.index_cast %swap3A_197 : i32 to index
    %swap3A_200 = arith.constant 984 : index
    %swap3A_201 = tpu.vector_load %arg8[%swap3A_198, %swap3A_199, %swap3A_200] {strides = array<i32>} : memref<3x16x1000xf32, #tpu.memory_space<vmem>>, vector<16xf32>,
    tpu.vector_store %arg8[%swap3A_198, %swap3A_199, %swap3A_200], %broadcast_in_dim3A_6 {strides = array<i32>} : memref<3x16x1000xf32, #tpu.memory_space<vmem>>, vector<16xf32>,
    %swap3A_202 = arith.constant 2 : i32
    %swap3A_203 = arith.constant 0 : i32
    %swap3A_204 = arith.index_cast %swap3A_202 : i32 to index
    %swap3A_205 = arith.index_cast %swap3A_203 : i32 to index
    %swap3A_206 = arith.constant 984 : index
    %swap3A_207 = tpu.vector_load %arg8[%swap3A_204, %swap3A_205, %swap3A_206] {strides = array<i32>} : memref<3x16x1000xf32, #tpu.memory_space<vmem>>, vector<16xf32>,
    tpu.vector_store %arg8[%swap3A_204, %swap3A_205, %swap3A_206], %broadcast_in_dim3A_6 {strides = array<i32>} : memref<3x16x1000xf32, #tpu.memory_space<vmem>>, vector<16xf32>,
    %swap3A_208 = arith.constant 2 : i32
    %swap3A_209 = arith.constant 1 : i32
    %swap3A_210 = arith.index_cast %swap3A_208 : i32 to index
    %swap3A_211 = arith.index_cast %swap3A_209 : i32 to index
    %swap3A_212 = arith.constant 984 : index
    %swap3A_213 = tpu.vector_load %arg8[%swap3A_210, %swap3A_211, %swap3A_212] {strides = array<i32>} : memref<3x16x1000xf32, #tpu.memory_space<vmem>>, vector<16xf32>,
    tpu.vector_store %arg8[%swap3A_210, %swap3A_211, %swap3A_212], %broadcast_in_dim3A_6 {strides = array<i32>} : memref<3x16x1000xf32, #tpu.memory_space<vmem>>, vector<16xf32>,
    %swap3A_214 = arith.constant 2 : i32
    %swap3A_215 = arith.constant 2 : i32
    %swap3A_216 = arith.index_cast %swap3A_214 : i32 to index
    %swap3A_217 = arith.index_cast %swap3A_215 : i32 to index
    %swap3A_218 = arith.constant 984 : index
    %swap3A_219 = tpu.vector_load %arg8[%swap3A_216, %swap3A_217, %swap3A_218] {strides = array<i32>} : memref<3x16x1000xf32, #tpu.memory_space<vmem>>, vector<16xf32>,
    tpu.vector_store %arg8[%swap3A_216, %swap3A_217, %swap3A_218], %broadcast_in_dim3A_6 {strides = array<i32>} : memref<3x16x1000xf32, #tpu.memory_space<vmem>>, vector<16xf32>,
    %swap3A_220 = arith.constant 2 : i32
    %swap3A_221 = arith.constant 3 : i32
    %swap3A_222 = arith.index_cast %swap3A_220 : i32 to index
    %swap3A_223 = arith.index_cast %swap3A_221 : i32 to index
    %swap3A_224 = arith.constant 984 : index
    %swap3A_225 = tpu.vector_load %arg8[%swap3A_222, %swap3A_223, %swap3A_224] {strides = array<i32>} : memref<3x16x1000xf32, #tpu.memory_space<vmem>>, vector<16xf32>,
    tpu.vector_store %arg8[%swap3A_222, %swap3A_223, %swap3A_224], %broadcast_in_dim3A_6 {strides = array<i32>} : memref<3x16x1000xf32, #tpu.memory_space<vmem>>, vector<16xf32>,
    %swap3A_226 = arith.constant 2 : i32
    %swap3A_227 = arith.constant 4 : i32
    %swap3A_228 = arith.index_cast %swap3A_226 : i32 to index
    %swap3A_229 = arith.index_cast %swap3A_227 : i32 to index
    %swap3A_230 = arith.constant 984 : index
    %swap3A_231 = tpu.vector_load %arg8[%swap3A_228, %swap3A_229, %swap3A_230] {strides = array<i32>} : memref<3x16x1000xf32, #tpu.memory_space<vmem>>, vector<16xf32>,
    tpu.vector_store %arg8[%swap3A_228, %swap3A_229, %swap3A_230], %broadcast_in_dim3A_6 {strides = array<i32>} : memref<3x16x1000xf32, #tpu.memory_space<vmem>>, vector<16xf32>,
    %swap3A_232 = arith.constant 2 : i32
    %swap3A_233 = arith.constant 5 : i32
    %swap3A_234 = arith.index_cast %swap3A_232 : i32 to index
    %swap3A_235 = arith.index_cast %swap3A_233 : i32 to index
    %swap3A_236 = arith.constant 984 : index
    %swap3A_237 = tpu.vector_load %arg8[%swap3A_234, %swap3A_235, %swap3A_236] {strides = array<i32>} : memref<3x16x1000xf32, #tpu.memory_space<vmem>>, vector<16xf32>,
    tpu.vector_store %arg8[%swap3A_234, %swap3A_235, %swap3A_236], %broadcast_in_dim3A_6 {strides = array<i32>} : memref<3x16x1000xf32, #tpu.memory_space<vmem>>, vector<16xf32>,
    %swap3A_238 = arith.constant 2 : i32
    %swap3A_239 = arith.constant 6 : i32
    %swap3A_240 = arith.index_cast %swap3A_238 : i32 to index
    %swap3A_241 = arith.index_cast %swap3A_239 : i32 to index
    %swap3A_242 = arith.constant 984 : index
    %swap3A_243 = tpu.vector_load %arg8[%swap3A_240, %swap3A_241, %swap3A_242] {strides = array<i32>} : memref<3x16x1000xf32, #tpu.memory_space<vmem>>, vector<16xf32>,
    tpu.vector_store %arg8[%swap3A_240, %swap3A_241, %swap3A_242], %broadcast_in_dim3A_6 {strides = array<i32>} : memref<3x16x1000xf32, #tpu.memory_space<vmem>>, vector<16xf32>,
    %swap3A_244 = arith.constant 2 : i32
    %swap3A_245 = arith.constant 7 : i32
    %swap3A_246 = arith.index_cast %swap3A_244 : i32 to index
    %swap3A_247 = arith.index_cast %swap3A_245 : i32 to index
    %swap3A_248 = arith.constant 984 : index
    %swap3A_249 = tpu.vector_load %arg8[%swap3A_246, %swap3A_247, %swap3A_248] {strides = array<i32>} : memref<3x16x1000xf32, #tpu.memory_space<vmem>>, vector<16xf32>,
    tpu.vector_store %arg8[%swap3A_246, %swap3A_247, %swap3A_248], %broadcast_in_dim3A_6 {strides = array<i32>} : memref<3x16x1000xf32, #tpu.memory_space<vmem>>, vector<16xf32>,
    %swap3A_250 = arith.constant 2 : i32
    %swap3A_251 = arith.constant 8 : i32
    %swap3A_252 = arith.index_cast %swap3A_250 : i32 to index
    %swap3A_253 = arith.index_cast %swap3A_251 : i32 to index
    %swap3A_254 = arith.constant 984 : index
    %swap3A_255 = tpu.vector_load %arg8[%swap3A_252, %swap3A_253, %swap3A_254] {strides = array<i32>} : memref<3x16x1000xf32, #tpu.memory_space<vmem>>, vector<16xf32>,
    tpu.vector_store %arg8[%swap3A_252, %swap3A_253, %swap3A_254], %broadcast_in_dim3A_6 {strides = array<i32>} : memref<3x16x1000xf32, #tpu.memory_space<vmem>>, vector<16xf32>,
    %swap3A_256 = arith.constant 2 : i32
    %swap3A_257 = arith.constant 9 : i32
    %swap3A_258 = arith.index_cast %swap3A_256 : i32 to index
    %swap3A_259 = arith.index_cast %swap3A_257 : i32 to index
    %swap3A_260 = arith.constant 984 : index
    %swap3A_261 = tpu.vector_load %arg8[%swap3A_258, %swap3A_259, %swap3A_260] {strides = array<i32>} : memref<3x16x1000xf32, #tpu.memory_space<vmem>>, vector<16xf32>,
    tpu.vector_store %arg8[%swap3A_258, %swap3A_259, %swap3A_260], %broadcast_in_dim3A_6 {strides = array<i32>} : memref<3x16x1000xf32, #tpu.memory_space<vmem>>, vector<16xf32>,
    %swap3A_262 = arith.constant 2 : i32
    %swap3A_263 = arith.constant 10 : i32
    %swap3A_264 = arith.index_cast %swap3A_262 : i32 to index
    %swap3A_265 = arith.index_cast %swap3A_263 : i32 to index
    %swap3A_266 = arith.constant 984 : index
    %swap3A_267 = tpu.vector_load %arg8[%swap3A_264, %swap3A_265, %swap3A_266] {strides = array<i32>} : memref<3x16x1000xf32, #tpu.memory_space<vmem>>, vector<16xf32>,
    tpu.vector_store %arg8[%swap3A_264, %swap3A_265, %swap3A_266], %broadcast_in_dim3A_6 {strides = array<i32>} : memref<3x16x1000xf32, #tpu.memory_space<vmem>>, vector<16xf32>,
    %swap3A_268 = arith.constant 2 : i32
    %swap3A_269 = arith.constant 11 : i32
    %swap3A_270 = arith.index_cast %swap3A_268 : i32 to index
    %swap3A_271 = arith.index_cast %swap3A_269 : i32 to index
    %swap3A_272 = arith.constant 984 : index
    %swap3A_273 = tpu.vector_load %arg8[%swap3A_270, %swap3A_271, %swap3A_272] {strides = array<i32>} : memref<3x16x1000xf32, #tpu.memory_space<vmem>>, vector<16xf32>,
    tpu.vector_store %arg8[%swap3A_270, %swap3A_271, %swap3A_272], %broadcast_in_dim3A_6 {strides = array<i32>} : memref<3x16x1000xf32, #tpu.memory_space<vmem>>, vector<16xf32>,
    %swap3A_274 = arith.constant 2 : i32
    %swap3A_275 = arith.constant 12 : i32
    %swap3A_276 = arith.index_cast %swap3A_274 : i32 to index
    %swap3A_277 = arith.index_cast %swap3A_275 : i32 to index
    %swap3A_278 = arith.constant 984 : index
    %swap3A_279 = tpu.vector_load %arg8[%swap3A_276, %swap3A_277, %swap3A_278] {strides = array<i32>} : memref<3x16x1000xf32, #tpu.memory_space<vmem>>, vector<16xf32>,
    tpu.vector_store %arg8[%swap3A_276, %swap3A_277, %swap3A_278], %broadcast_in_dim3A_6 {strides = array<i32>} : memref<3x16x1000xf32, #tpu.memory_space<vmem>>, vector<16xf32>,
    %swap3A_280 = arith.constant 2 : i32
    %swap3A_281 = arith.constant 13 : i32
    %swap3A_282 = arith.index_cast %swap3A_280 : i32 to index
    %swap3A_283 = arith.index_cast %swap3A_281 : i32 to index
    %swap3A_284 = arith.constant 984 : index
    %swap3A_285 = tpu.vector_load %arg8[%swap3A_282, %swap3A_283, %swap3A_284] {strides = array<i32>} : memref<3x16x1000xf32, #tpu.memory_space<vmem>>, vector<16xf32>,
    tpu.vector_store %arg8[%swap3A_282, %swap3A_283, %swap3A_284], %broadcast_in_dim3A_6 {strides = array<i32>} : memref<3x16x1000xf32, #tpu.memory_space<vmem>>, vector<16xf32>,
    %swap3A_286 = arith.constant 2 : i32
    %swap3A_287 = arith.constant 14 : i32
    %swap3A_288 = arith.index_cast %swap3A_286 : i32 to index
    %swap3A_289 = arith.index_cast %swap3A_287 : i32 to index
    %swap3A_290 = arith.constant 984 : index
    %swap3A_291 = tpu.vector_load %arg8[%swap3A_288, %swap3A_289, %swap3A_290] {strides = array<i32>} : memref<3x16x1000xf32, #tpu.memory_space<vmem>>, vector<16xf32>,
    tpu.vector_store %arg8[%swap3A_288, %swap3A_289, %swap3A_290], %broadcast_in_dim3A_6 {strides = array<i32>} : memref<3x16x1000xf32, #tpu.memory_space<vmem>>, vector<16xf32>,
    %swap3A_292 = arith.constant 2 : i32
    %swap3A_293 = arith.constant 15 : i32
    %swap3A_294 = arith.index_cast %swap3A_292 : i32 to index
    %swap3A_295 = arith.index_cast %swap3A_293 : i32 to index
    %swap3A_296 = arith.constant 984 : index
    %swap3A_297 = tpu.vector_load %arg8[%swap3A_294, %swap3A_295, %swap3A_296] {strides = array<i32>} : memref<3x16x1000xf32, #tpu.memory_space<vmem>>, vector<16xf32>,
    tpu.vector_store %arg8[%swap3A_294, %swap3A_295, %swap3A_296], %broadcast_in_dim3A_6 {strides = array<i32>} : memref<3x16x1000xf32, #tpu.memory_space<vmem>>, vector<16xf32>,
    %dma_wait3A = arith.constant 0 : i32
    %dma_wait3A_298 = tpu.memref_slice %arg2[%mul3A_2, %dma_wait3A] : memref<4096x200xi32, #tpu.memory_space<hbm>> -> memref<128x200xi32, #tpu.memory_space<hbm>>
    %dma_wait3A_299 = arith.constant 0 : i32
    %dma_wait3A_300 = tpu.memref_slice %arg2[%mul3A_2, %dma_wait3A_299] : memref<4096x200xi32, #tpu.memory_space<hbm>> -> memref<128x200xi32, #tpu.memory_space<hbm>>
    tpu.wait_dma2 semaphore(%arg12 : memref<!tpu.dma_semaphore, #tpu.memory_space<semaphore_mem>>) src(%dma_wait3A_300 : memref<128x200xi32, #tpu.memory_space<hbm>>) dst(%arg5 : memref<128x200xi32, #tpu.memory_space<vmem>>)
    %parallel_loop3A = arith.constant 0 : i32
    %parallel_loop3A_301 = arith.constant 128 : i32
    %parallel_loop3A_302 = arith.constant 1 : i32
    scf.for %parallel_loop3A_658 = %parallel_loop3A to %parallel_loop3A_301 step %parallel_loop3A_302  : i32 {
      %parallel_loop3A_659 = arith.index_cast %parallel_loop3A_658 : i32 to index
      %parallel_loop3A_660 = arith.constant 0 : index
      %parallel_loop3A_661 = tpu.vector_load %arg5[%parallel_loop3A_659, %parallel_loop3A_660] {strides = array<i32>} : memref<128x200xi32, #tpu.memory_space<vmem>>, vector<16xi32>,
      %parallel_loop3A_662 = arith.constant 200 : i32
      %parallel_loop3A_663 = arith.muli %parallel_loop3A_658, %parallel_loop3A_662 : i32
      %parallel_loop3A_664 = arith.constant 0 : i32
      %parallel_loop3A_665 = arith.addi %parallel_loop3A_663, %parallel_loop3A_664 : i32
      %parallel_loop3A_666 = arith.index_cast %parallel_loop3A_665 : i32 to index
      %parallel_loop3A_667 = tpu.vector_load %arg6[%parallel_loop3A_666] {strides = array<i32>} : memref<25600xi32, #tpu.memory_space<vmem>>, vector<16xi32>,
      tpu.vector_store %arg6[%parallel_loop3A_666], %parallel_loop3A_661 {strides = array<i32>} : memref<25600xi32, #tpu.memory_space<vmem>>, vector<16xi32>,
      %parallel_loop3A_668 = arith.index_cast %parallel_loop3A_658 : i32 to index
      %parallel_loop3A_669 = arith.constant 16 : index
      %parallel_loop3A_670 = tpu.vector_load %arg5[%parallel_loop3A_668, %parallel_loop3A_669] {strides = array<i32>} : memref<128x200xi32, #tpu.memory_space<vmem>>, vector<16xi32>,
      %parallel_loop3A_671 = arith.constant 200 : i32
      %parallel_loop3A_672 = arith.muli %parallel_loop3A_658, %parallel_loop3A_671 : i32
      %parallel_loop3A_673 = arith.constant 16 : i32
      %parallel_loop3A_674 = arith.addi %parallel_loop3A_672, %parallel_loop3A_673 : i32
      %parallel_loop3A_675 = arith.index_cast %parallel_loop3A_674 : i32 to index
      %parallel_loop3A_676 = tpu.vector_load %arg6[%parallel_loop3A_675] {strides = array<i32>} : memref<25600xi32, #tpu.memory_space<vmem>>, vector<16xi32>,
      tpu.vector_store %arg6[%parallel_loop3A_675], %parallel_loop3A_670 {strides = array<i32>} : memref<25600xi32, #tpu.memory_space<vmem>>, vector<16xi32>,
      %parallel_loop3A_677 = arith.index_cast %parallel_loop3A_658 : i32 to index
      %parallel_loop3A_678 = arith.constant 32 : index
      %parallel_loop3A_679 = tpu.vector_load %arg5[%parallel_loop3A_677, %parallel_loop3A_678] {strides = array<i32>} : memref<128x200xi32, #tpu.memory_space<vmem>>, vector<16xi32>,
      %parallel_loop3A_680 = arith.constant 200 : i32
      %parallel_loop3A_681 = arith.muli %parallel_loop3A_658, %parallel_loop3A_680 : i32
      %parallel_loop3A_682 = arith.constant 32 : i32
      %parallel_loop3A_683 = arith.addi %parallel_loop3A_681, %parallel_loop3A_682 : i32
      %parallel_loop3A_684 = arith.index_cast %parallel_loop3A_683 : i32 to index
      %parallel_loop3A_685 = tpu.vector_load %arg6[%parallel_loop3A_684] {strides = array<i32>} : memref<25600xi32, #tpu.memory_space<vmem>>, vector<16xi32>,
      tpu.vector_store %arg6[%parallel_loop3A_684], %parallel_loop3A_679 {strides = array<i32>} : memref<25600xi32, #tpu.memory_space<vmem>>, vector<16xi32>,
      %parallel_loop3A_686 = arith.index_cast %parallel_loop3A_658 : i32 to index
      %parallel_loop3A_687 = arith.constant 48 : index
      %parallel_loop3A_688 = tpu.vector_load %arg5[%parallel_loop3A_686, %parallel_loop3A_687] {strides = array<i32>} : memref<128x200xi32, #tpu.memory_space<vmem>>, vector<16xi32>,
      %parallel_loop3A_689 = arith.constant 200 : i32
      %parallel_loop3A_690 = arith.muli %parallel_loop3A_658, %parallel_loop3A_689 : i32
      %parallel_loop3A_691 = arith.constant 48 : i32
      %parallel_loop3A_692 = arith.addi %parallel_loop3A_690, %parallel_loop3A_691 : i32
      %parallel_loop3A_693 = arith.index_cast %parallel_loop3A_692 : i32 to index
      %parallel_loop3A_694 = tpu.vector_load %arg6[%parallel_loop3A_693] {strides = array<i32>} : memref<25600xi32, #tpu.memory_space<vmem>>, vector<16xi32>,
      tpu.vector_store %arg6[%parallel_loop3A_693], %parallel_loop3A_688 {strides = array<i32>} : memref<25600xi32, #tpu.memory_space<vmem>>, vector<16xi32>,
      %parallel_loop3A_695 = arith.index_cast %parallel_loop3A_658 : i32 to index
      %parallel_loop3A_696 = arith.constant 64 : index
      %parallel_loop3A_697 = tpu.vector_load %arg5[%parallel_loop3A_695, %parallel_loop3A_696] {strides = array<i32>} : memref<128x200xi32, #tpu.memory_space<vmem>>, vector<16xi32>,
      %parallel_loop3A_698 = arith.constant 200 : i32
      %parallel_loop3A_699 = arith.muli %parallel_loop3A_658, %parallel_loop3A_698 : i32
      %parallel_loop3A_700 = arith.constant 64 : i32
      %parallel_loop3A_701 = arith.addi %parallel_loop3A_699, %parallel_loop3A_700 : i32
      %parallel_loop3A_702 = arith.index_cast %parallel_loop3A_701 : i32 to index
      %parallel_loop3A_703 = tpu.vector_load %arg6[%parallel_loop3A_702] {strides = array<i32>} : memref<25600xi32, #tpu.memory_space<vmem>>, vector<16xi32>,
      tpu.vector_store %arg6[%parallel_loop3A_702], %parallel_loop3A_697 {strides = array<i32>} : memref<25600xi32, #tpu.memory_space<vmem>>, vector<16xi32>,
      %parallel_loop3A_704 = arith.index_cast %parallel_loop3A_658 : i32 to index
      %parallel_loop3A_705 = arith.constant 80 : index
      %parallel_loop3A_706 = tpu.vector_load %arg5[%parallel_loop3A_704, %parallel_loop3A_705] {strides = array<i32>} : memref<128x200xi32, #tpu.memory_space<vmem>>, vector<16xi32>,
      %parallel_loop3A_707 = arith.constant 200 : i32
      %parallel_loop3A_708 = arith.muli %parallel_loop3A_658, %parallel_loop3A_707 : i32
      %parallel_loop3A_709 = arith.constant 80 : i32
      %parallel_loop3A_710 = arith.addi %parallel_loop3A_708, %parallel_loop3A_709 : i32
      %parallel_loop3A_711 = arith.index_cast %parallel_loop3A_710 : i32 to index
      %parallel_loop3A_712 = tpu.vector_load %arg6[%parallel_loop3A_711] {strides = array<i32>} : memref<25600xi32, #tpu.memory_space<vmem>>, vector<16xi32>,
      tpu.vector_store %arg6[%parallel_loop3A_711], %parallel_loop3A_706 {strides = array<i32>} : memref<25600xi32, #tpu.memory_space<vmem>>, vector<16xi32>,
      %parallel_loop3A_713 = arith.index_cast %parallel_loop3A_658 : i32 to index
      %parallel_loop3A_714 = arith.constant 96 : index
      %parallel_loop3A_715 = tpu.vector_load %arg5[%parallel_loop3A_713, %parallel_loop3A_714] {strides = array<i32>} : memref<128x200xi32, #tpu.memory_space<vmem>>, vector<16xi32>,
      %parallel_loop3A_716 = arith.constant 200 : i32
      %parallel_loop3A_717 = arith.muli %parallel_loop3A_658, %parallel_loop3A_716 : i32
      %parallel_loop3A_718 = arith.constant 96 : i32
      %parallel_loop3A_719 = arith.addi %parallel_loop3A_717, %parallel_loop3A_718 : i32
      %parallel_loop3A_720 = arith.index_cast %parallel_loop3A_719 : i32 to index
      %parallel_loop3A_721 = tpu.vector_load %arg6[%parallel_loop3A_720] {strides = array<i32>} : memref<25600xi32, #tpu.memory_space<vmem>>, vector<16xi32>,
      tpu.vector_store %arg6[%parallel_loop3A_720], %parallel_loop3A_715 {strides = array<i32>} : memref<25600xi32, #tpu.memory_space<vmem>>, vector<16xi32>,
      %parallel_loop3A_722 = arith.index_cast %parallel_loop3A_658 : i32 to index
      %parallel_loop3A_723 = arith.constant 112 : index
      %parallel_loop3A_724 = tpu.vector_load %arg5[%parallel_loop3A_722, %parallel_loop3A_723] {strides = array<i32>} : memref<128x200xi32, #tpu.memory_space<vmem>>, vector<16xi32>,
      %parallel_loop3A_725 = arith.constant 200 : i32
      %parallel_loop3A_726 = arith.muli %parallel_loop3A_658, %parallel_loop3A_725 : i32
      %parallel_loop3A_727 = arith.constant 112 : i32
      %parallel_loop3A_728 = arith.addi %parallel_loop3A_726, %parallel_loop3A_727 : i32
      %parallel_loop3A_729 = arith.index_cast %parallel_loop3A_728 : i32 to index
      %parallel_loop3A_730 = tpu.vector_load %arg6[%parallel_loop3A_729] {strides = array<i32>} : memref<25600xi32, #tpu.memory_space<vmem>>, vector<16xi32>,
      tpu.vector_store %arg6[%parallel_loop3A_729], %parallel_loop3A_724 {strides = array<i32>} : memref<25600xi32, #tpu.memory_space<vmem>>, vector<16xi32>,
      %parallel_loop3A_731 = arith.index_cast %parallel_loop3A_658 : i32 to index
      %parallel_loop3A_732 = arith.constant 128 : index
      %parallel_loop3A_733 = tpu.vector_load %arg5[%parallel_loop3A_731, %parallel_loop3A_732] {strides = array<i32>} : memref<128x200xi32, #tpu.memory_space<vmem>>, vector<16xi32>,
      %parallel_loop3A_734 = arith.constant 200 : i32
      %parallel_loop3A_735 = arith.muli %parallel_loop3A_658, %parallel_loop3A_734 : i32
      %parallel_loop3A_736 = arith.constant 128 : i32
      %parallel_loop3A_737 = arith.addi %parallel_loop3A_735, %parallel_loop3A_736 : i32
      %parallel_loop3A_738 = arith.index_cast %parallel_loop3A_737 : i32 to index
      %parallel_loop3A_739 = tpu.vector_load %arg6[%parallel_loop3A_738] {strides = array<i32>} : memref<25600xi32, #tpu.memory_space<vmem>>, vector<16xi32>,
      tpu.vector_store %arg6[%parallel_loop3A_738], %parallel_loop3A_733 {strides = array<i32>} : memref<25600xi32, #tpu.memory_space<vmem>>, vector<16xi32>,
      %parallel_loop3A_740 = arith.index_cast %parallel_loop3A_658 : i32 to index
      %parallel_loop3A_741 = arith.constant 144 : index
      %parallel_loop3A_742 = tpu.vector_load %arg5[%parallel_loop3A_740, %parallel_loop3A_741] {strides = array<i32>} : memref<128x200xi32, #tpu.memory_space<vmem>>, vector<16xi32>,
      %parallel_loop3A_743 = arith.constant 200 : i32
      %parallel_loop3A_744 = arith.muli %parallel_loop3A_658, %parallel_loop3A_743 : i32
      %parallel_loop3A_745 = arith.constant 144 : i32
      %parallel_loop3A_746 = arith.addi %parallel_loop3A_744, %parallel_loop3A_745 : i32
      %parallel_loop3A_747 = arith.index_cast %parallel_loop3A_746 : i32 to index
      %parallel_loop3A_748 = tpu.vector_load %arg6[%parallel_loop3A_747] {strides = array<i32>} : memref<25600xi32, #tpu.memory_space<vmem>>, vector<16xi32>,
      tpu.vector_store %arg6[%parallel_loop3A_747], %parallel_loop3A_742 {strides = array<i32>} : memref<25600xi32, #tpu.memory_space<vmem>>, vector<16xi32>,
      %parallel_loop3A_749 = arith.index_cast %parallel_loop3A_658 : i32 to index
      %parallel_loop3A_750 = arith.constant 160 : index
      %parallel_loop3A_751 = tpu.vector_load %arg5[%parallel_loop3A_749, %parallel_loop3A_750] {strides = array<i32>} : memref<128x200xi32, #tpu.memory_space<vmem>>, vector<16xi32>,
      %parallel_loop3A_752 = arith.constant 200 : i32
      %parallel_loop3A_753 = arith.muli %parallel_loop3A_658, %parallel_loop3A_752 : i32
      %parallel_loop3A_754 = arith.constant 160 : i32
      %parallel_loop3A_755 = arith.addi %parallel_loop3A_753, %parallel_loop3A_754 : i32
      %parallel_loop3A_756 = arith.index_cast %parallel_loop3A_755 : i32 to index
      %parallel_loop3A_757 = tpu.vector_load %arg6[%parallel_loop3A_756] {strides = array<i32>} : memref<25600xi32, #tpu.memory_space<vmem>>, vector<16xi32>,
      tpu.vector_store %arg6[%parallel_loop3A_756], %parallel_loop3A_751 {strides = array<i32>} : memref<25600xi32, #tpu.memory_space<vmem>>, vector<16xi32>,
      %parallel_loop3A_758 = arith.index_cast %parallel_loop3A_658 : i32 to index
      %parallel_loop3A_759 = arith.constant 176 : index
      %parallel_loop3A_760 = tpu.vector_load %arg5[%parallel_loop3A_758, %parallel_loop3A_759] {strides = array<i32>} : memref<128x200xi32, #tpu.memory_space<vmem>>, vector<16xi32>,
      %parallel_loop3A_761 = arith.constant 200 : i32
      %parallel_loop3A_762 = arith.muli %parallel_loop3A_658, %parallel_loop3A_761 : i32
      %parallel_loop3A_763 = arith.constant 176 : i32
      %parallel_loop3A_764 = arith.addi %parallel_loop3A_762, %parallel_loop3A_763 : i32
      %parallel_loop3A_765 = arith.index_cast %parallel_loop3A_764 : i32 to index
      %parallel_loop3A_766 = tpu.vector_load %arg6[%parallel_loop3A_765] {strides = array<i32>} : memref<25600xi32, #tpu.memory_space<vmem>>, vector<16xi32>,
      tpu.vector_store %arg6[%parallel_loop3A_765], %parallel_loop3A_760 {strides = array<i32>} : memref<25600xi32, #tpu.memory_space<vmem>>, vector<16xi32>,
      %parallel_loop3A_767 = arith.index_cast %parallel_loop3A_658 : i32 to index
      %parallel_loop3A_768 = arith.constant 184 : index
      %parallel_loop3A_769 = tpu.vector_load %arg5[%parallel_loop3A_767, %parallel_loop3A_768] {strides = array<i32>} : memref<128x200xi32, #tpu.memory_space<vmem>>, vector<16xi32>,
      %parallel_loop3A_770 = arith.constant 200 : i32
      %parallel_loop3A_771 = arith.muli %parallel_loop3A_658, %parallel_loop3A_770 : i32
      %parallel_loop3A_772 = arith.constant 184 : i32
      %parallel_loop3A_773 = arith.addi %parallel_loop3A_771, %parallel_loop3A_772 : i32
      %parallel_loop3A_774 = arith.index_cast %parallel_loop3A_773 : i32 to index
      %parallel_loop3A_775 = tpu.vector_load %arg6[%parallel_loop3A_774] {strides = array<i32>} : memref<25600xi32, #tpu.memory_space<vmem>>, vector<16xi32>,
      tpu.vector_store %arg6[%parallel_loop3A_774], %parallel_loop3A_769 {strides = array<i32>} : memref<25600xi32, #tpu.memory_space<vmem>>, vector<16xi32>,
    } {sc.loop_unroll_factor = 4 : i64, sc.parallel_access}
    %add3A_303 = arith.constant 0 : i32
    %add3A_304 = vector.broadcast %add3A_303 : i32 to vector<16xi32>
    %add3A_305 = arith.addi %iota3A, %add3A_304 : vector<16xi32>
    %mul3A_306 = arith.constant 200 : i32
    %mul3A_307 = vector.broadcast %mul3A_306 : i32 to vector<16xi32>
    %mul3A_308 = arith.muli %add3A_305, %mul3A_307 : vector<16xi32>
    %parallel_loop3A_309 = arith.constant 0 : i32
    %parallel_loop3A_310 = arith.constant 200 : i32
    %parallel_loop3A_311 = arith.constant 1 : i32
    %parallel_loop3A_312 = arith.constant 0 : i32
    scf.for %parallel_loop3A_658 = %parallel_loop3A_309 to %parallel_loop3A_310 step %parallel_loop3A_311  : i32 {
      %parallel_loop3A_659 = vector.broadcast %parallel_loop3A_658 : i32 to vector<16xi32>
      %parallel_loop3A_660 = arith.addi %mul3A_308, %parallel_loop3A_659 : vector<16xi32>
      %parallel_loop3A_661 = tpu.vector_load_idx %arg6[%parallel_loop3A_660] : memref<25600xi32, #tpu.memory_space<vmem>>[vector<16xi32>], vector<16xi32>,
      %parallel_loop3A_662 = tpu.vector_load_idx %arg7[%parallel_loop3A_661] : memref<1000xf32, #tpu.memory_space<vmem>>[vector<16xi32>], vector<16xf32>,
      %parallel_loop3A_663 = arith.constant 0 : i32
      %parallel_loop3A_664 = arith.constant 0 : i32
      %parallel_loop3A_665 = tpu.memref_slice %arg8[%parallel_loop3A_312, %parallel_loop3A_663, %parallel_loop3A_664] : memref<3x16x1000xf32, #tpu.memory_space<vmem>> -> memref<1x16x1000xf32, #tpu.memory_space<vmem>>
      %parallel_loop3A_666 = tpu.memref_squeeze %parallel_loop3A_665 : memref<1x16x1000xf32, #tpu.memory_space<vmem>> -> memref<16x1000xf32, #tpu.memory_space<vmem>>
      tpu.vector_store_idx %parallel_loop3A_666[%iota3A, %parallel_loop3A_661], %parallel_loop3A_662 {add = true} : memref<16x1000xf32, #tpu.memory_space<vmem>>[vector<16xi32>, vector<16xi32>], vector<16xf32>,
    } {sc.loop_unroll_factor = 8 : i64, sc.parallel_access}
    %add3A_313 = arith.constant 0 : i32
    %add3A_314 = arith.addi %mul3A_2, %add3A_313 : i32
    %dma_start3A_315 = arith.constant 0 : i32
    %dma_start3A_316 = arith.constant 0 : i32
    %dma_start3A_317 = arith.constant 0 : i32
    %dma_start3A_318 = tpu.memref_slice %arg8[%dma_start3A_315, %dma_start3A_316, %dma_start3A_317] : memref<3x16x1000xf32, #tpu.memory_space<vmem>> -> memref<1x16x1000xf32, #tpu.memory_space<vmem>>
    %dma_start3A_319 = tpu.memref_squeeze %dma_start3A_318 : memref<1x16x1000xf32, #tpu.memory_space<vmem>> -> memref<16x1000xf32, #tpu.memory_space<vmem>>
    %dma_start3A_320 = arith.constant 0 : i32
    %dma_start3A_321 = tpu.memref_slice %arg4[%add3A_314, %dma_start3A_320] : memref<4096x1000xf32, #tpu.memory_space<hbm>> -> memref<16x1000xf32, #tpu.memory_space<hbm>>
    %dma_start3A_322 = arith.constant 0 : i32
    %dma_start3A_323 = tpu.memref_slice %arg4[%add3A_314, %dma_start3A_322] : memref<4096x1000xf32, #tpu.memory_space<hbm>> -> memref<16x1000xf32, #tpu.memory_space<hbm>>
    %dma_start3A_324 = arith.constant 0 : i32
    %dma_start3A_325 = arith.constant 0 : i32
    %dma_start3A_326 = tpu.memref_slice %arg8[%dma_start3A_315, %dma_start3A_324, %dma_start3A_325] : memref<3x16x1000xf32, #tpu.memory_space<vmem>> -> memref<1x16x1000xf32, #tpu.memory_space<vmem>>
    %dma_start3A_327 = tpu.memref_squeeze %dma_start3A_326 : memref<1x16x1000xf32, #tpu.memory_space<vmem>> -> memref<16x1000xf32, #tpu.memory_space<vmem>>
    tpu.enqueue_dma source(%dma_start3A_327 : memref<16x1000xf32, #tpu.memory_space<vmem>>) target(%dma_start3A_323 : memref<16x1000xf32, #tpu.memory_space<hbm>>) target_semaphore(%arg9 : memref<!tpu.dma_semaphore, #tpu.memory_space<semaphore_mem>>)
    %add3A_328 = arith.constant 16 : i32
    %add3A_329 = vector.broadcast %add3A_328 : i32 to vector<16xi32>
    %add3A_330 = arith.addi %iota3A, %add3A_329 : vector<16xi32>
    %mul3A_331 = arith.constant 200 : i32
    %mul3A_332 = vector.broadcast %mul3A_331 : i32 to vector<16xi32>
    %mul3A_333 = arith.muli %add3A_330, %mul3A_332 : vector<16xi32>
    %parallel_loop3A_334 = arith.constant 0 : i32
    %parallel_loop3A_335 = arith.constant 200 : i32
    %parallel_loop3A_336 = arith.constant 1 : i32
    %parallel_loop3A_337 = arith.constant 1 : i32
    scf.for %parallel_loop3A_658 = %parallel_loop3A_334 to %parallel_loop3A_335 step %parallel_loop3A_336  : i32 {
      %parallel_loop3A_659 = vector.broadcast %parallel_loop3A_658 : i32 to vector<16xi32>
      %parallel_loop3A_660 = arith.addi %mul3A_333, %parallel_loop3A_659 : vector<16xi32>
      %parallel_loop3A_661 = tpu.vector_load_idx %arg6[%parallel_loop3A_660] : memref<25600xi32, #tpu.memory_space<vmem>>[vector<16xi32>], vector<16xi32>,
      %parallel_loop3A_662 = tpu.vector_load_idx %arg7[%parallel_loop3A_661] : memref<1000xf32, #tpu.memory_space<vmem>>[vector<16xi32>], vector<16xf32>,
      %parallel_loop3A_663 = arith.constant 0 : i32
      %parallel_loop3A_664 = arith.constant 0 : i32
      %parallel_loop3A_665 = tpu.memref_slice %arg8[%parallel_loop3A_337, %parallel_loop3A_663, %parallel_loop3A_664] : memref<3x16x1000xf32, #tpu.memory_space<vmem>> -> memref<1x16x1000xf32, #tpu.memory_space<vmem>>
      %parallel_loop3A_666 = tpu.memref_squeeze %parallel_loop3A_665 : memref<1x16x1000xf32, #tpu.memory_space<vmem>> -> memref<16x1000xf32, #tpu.memory_space<vmem>>
      tpu.vector_store_idx %parallel_loop3A_666[%iota3A, %parallel_loop3A_661], %parallel_loop3A_662 {add = true} : memref<16x1000xf32, #tpu.memory_space<vmem>>[vector<16xi32>, vector<16xi32>], vector<16xf32>,
    } {sc.loop_unroll_factor = 8 : i64, sc.parallel_access}
    %add3A_338 = arith.constant 16 : i32
    %add3A_339 = arith.addi %mul3A_2, %add3A_338 : i32
    %dma_start3A_340 = arith.constant 1 : i32
    %dma_start3A_341 = arith.constant 0 : i32
    %dma_start3A_342 = arith.constant 0 : i32
    %dma_start3A_343 = tpu.memref_slice %arg8[%dma_start3A_340, %dma_start3A_341, %dma_start3A_342] : memref<3x16x1000xf32, #tpu.memory_space<vmem>> -> memref<1x16x1000xf32, #tpu.memory_space<vmem>>
    %dma_start3A_344 = tpu.memref_squeeze %dma_start3A_343 : memref<1x16x1000xf32, #tpu.memory_space<vmem>> -> memref<16x1000xf32, #tpu.memory_space<vmem>>
    %dma_start3A_345 = arith.constant 0 : i32
    %dma_start3A_346 = tpu.memref_slice %arg4[%add3A_339, %dma_start3A_345] : memref<4096x1000xf32, #tpu.memory_space<hbm>> -> memref<16x1000xf32, #tpu.memory_space<hbm>>
    %dma_start3A_347 = arith.constant 0 : i32
    %dma_start3A_348 = tpu.memref_slice %arg4[%add3A_339, %dma_start3A_347] : memref<4096x1000xf32, #tpu.memory_space<hbm>> -> memref<16x1000xf32, #tpu.memory_space<hbm>>
    %dma_start3A_349 = arith.constant 0 : i32
    %dma_start3A_350 = arith.constant 0 : i32
    %dma_start3A_351 = tpu.memref_slice %arg8[%dma_start3A_340, %dma_start3A_349, %dma_start3A_350] : memref<3x16x1000xf32, #tpu.memory_space<vmem>> -> memref<1x16x1000xf32, #tpu.memory_space<vmem>>
    %dma_start3A_352 = tpu.memref_squeeze %dma_start3A_351 : memref<1x16x1000xf32, #tpu.memory_space<vmem>> -> memref<16x1000xf32, #tpu.memory_space<vmem>>
    tpu.enqueue_dma source(%dma_start3A_352 : memref<16x1000xf32, #tpu.memory_space<vmem>>) target(%dma_start3A_348 : memref<16x1000xf32, #tpu.memory_space<hbm>>) target_semaphore(%arg10 : memref<!tpu.dma_semaphore, #tpu.memory_space<semaphore_mem>>)
    %add3A_353 = arith.constant 32 : i32
    %add3A_354 = vector.broadcast %add3A_353 : i32 to vector<16xi32>
    %add3A_355 = arith.addi %iota3A, %add3A_354 : vector<16xi32>
    %mul3A_356 = arith.constant 200 : i32
    %mul3A_357 = vector.broadcast %mul3A_356 : i32 to vector<16xi32>
    %mul3A_358 = arith.muli %add3A_355, %mul3A_357 : vector<16xi32>
    %add3A_359 = arith.constant 0 : i32
    %add3A_360 = arith.addi %mul3A_2, %add3A_359 : i32
    %dma_wait3A_361 = arith.constant 0 : i32
    %dma_wait3A_362 = arith.constant 0 : i32
    %dma_wait3A_363 = arith.constant 0 : i32
    %dma_wait3A_364 = tpu.memref_slice %arg8[%dma_wait3A_361, %dma_wait3A_362, %dma_wait3A_363] : memref<3x16x1000xf32, #tpu.memory_space<vmem>> -> memref<1x16x1000xf32, #tpu.memory_space<vmem>>
    %dma_wait3A_365 = tpu.memref_squeeze %dma_wait3A_364 : memref<1x16x1000xf32, #tpu.memory_space<vmem>> -> memref<16x1000xf32, #tpu.memory_space<vmem>>
    %dma_wait3A_366 = arith.constant 0 : i32
    %dma_wait3A_367 = tpu.memref_slice %arg4[%add3A_360, %dma_wait3A_366] : memref<4096x1000xf32, #tpu.memory_space<hbm>> -> memref<16x1000xf32, #tpu.memory_space<hbm>>
    %dma_wait3A_368 = arith.constant 0 : i32
    %dma_wait3A_369 = tpu.memref_slice %arg4[%add3A_360, %dma_wait3A_368] : memref<4096x1000xf32, #tpu.memory_space<hbm>> -> memref<16x1000xf32, #tpu.memory_space<hbm>>
    %dma_wait3A_370 = arith.constant 0 : i32
    %dma_wait3A_371 = arith.constant 0 : i32
    %dma_wait3A_372 = tpu.memref_slice %arg8[%dma_wait3A_361, %dma_wait3A_370, %dma_wait3A_371] : memref<3x16x1000xf32, #tpu.memory_space<vmem>> -> memref<1x16x1000xf32, #tpu.memory_space<vmem>>
    %dma_wait3A_373 = tpu.memref_squeeze %dma_wait3A_372 : memref<1x16x1000xf32, #tpu.memory_space<vmem>> -> memref<16x1000xf32, #tpu.memory_space<vmem>>
    tpu.wait_dma2 semaphore(%arg9 : memref<!tpu.dma_semaphore, #tpu.memory_space<semaphore_mem>>) src(%dma_wait3A_373 : memref<16x1000xf32, #tpu.memory_space<vmem>>) dst(%dma_wait3A_369 : memref<16x1000xf32, #tpu.memory_space<hbm>>)
    %add3A_374 = arith.constant 0 : i32
    %add3A_375 = vector.broadcast %add3A_374 : i32 to vector<16xi32>
    %add3A_376 = arith.addi %iota3A, %add3A_375 : vector<16xi32>
    %mul3A_377 = arith.constant 200 : i32
    %mul3A_378 = vector.broadcast %mul3A_377 : i32 to vector<16xi32>
    %mul3A_379 = arith.muli %add3A_376, %mul3A_378 : vector<16xi32>
    %parallel_loop3A_380 = arith.constant 0 : i32
    %parallel_loop3A_381 = arith.constant 200 : i32
    %parallel_loop3A_382 = arith.constant 1 : i32
    %parallel_loop3A_383 = arith.constant 2 : i32
    %parallel_loop3A_384 = arith.constant 0 : i32
    scf.for %parallel_loop3A_658 = %parallel_loop3A_380 to %parallel_loop3A_381 step %parallel_loop3A_382  : i32 {
      %parallel_loop3A_659 = vector.broadcast %parallel_loop3A_658 : i32 to vector<16xi32>
      %parallel_loop3A_660 = arith.addi %mul3A_358, %parallel_loop3A_659 : vector<16xi32>
      %parallel_loop3A_661 = tpu.vector_load_idx %arg6[%parallel_loop3A_660] : memref<25600xi32, #tpu.memory_space<vmem>>[vector<16xi32>], vector<16xi32>,
      %parallel_loop3A_662 = tpu.vector_load_idx %arg7[%parallel_loop3A_661] : memref<1000xf32, #tpu.memory_space<vmem>>[vector<16xi32>], vector<16xf32>,
      %parallel_loop3A_663 = arith.constant 0 : i32
      %parallel_loop3A_664 = arith.constant 0 : i32
      %parallel_loop3A_665 = tpu.memref_slice %arg8[%parallel_loop3A_383, %parallel_loop3A_663, %parallel_loop3A_664] : memref<3x16x1000xf32, #tpu.memory_space<vmem>> -> memref<1x16x1000xf32, #tpu.memory_space<vmem>>
      %parallel_loop3A_666 = tpu.memref_squeeze %parallel_loop3A_665 : memref<1x16x1000xf32, #tpu.memory_space<vmem>> -> memref<16x1000xf32, #tpu.memory_space<vmem>>
      tpu.vector_store_idx %parallel_loop3A_666[%iota3A, %parallel_loop3A_661], %parallel_loop3A_662 {add = true} : memref<16x1000xf32, #tpu.memory_space<vmem>>[vector<16xi32>, vector<16xi32>], vector<16xf32>,
      %parallel_loop3A_667 = arith.addi %mul3A_379, %parallel_loop3A_659 : vector<16xi32>
      %parallel_loop3A_668 = tpu.vector_load_idx %arg6[%parallel_loop3A_667] : memref<25600xi32, #tpu.memory_space<vmem>>[vector<16xi32>], vector<16xi32>,
      %parallel_loop3A_669 = arith.constant 0 : i32
      %parallel_loop3A_670 = arith.constant 0 : i32
      %parallel_loop3A_671 = tpu.memref_slice %arg8[%parallel_loop3A_384, %parallel_loop3A_669, %parallel_loop3A_670] : memref<3x16x1000xf32, #tpu.memory_space<vmem>> -> memref<1x16x1000xf32, #tpu.memory_space<vmem>>
      %parallel_loop3A_672 = tpu.memref_squeeze %parallel_loop3A_671 : memref<1x16x1000xf32, #tpu.memory_space<vmem>> -> memref<16x1000xf32, #tpu.memory_space<vmem>>
      tpu.vector_store_idx %parallel_loop3A_672[%iota3A, %parallel_loop3A_668], %broadcast_in_dim3A_6 : memref<16x1000xf32, #tpu.memory_space<vmem>>[vector<16xi32>, vector<16xi32>], vector<16xf32>,
    } {sc.loop_unroll_factor = 8 : i64, sc.parallel_access}
    %add3A_385 = arith.constant 32 : i32
    %add3A_386 = arith.addi %mul3A_2, %add3A_385 : i32
    %dma_start3A_387 = arith.constant 2 : i32
    %dma_start3A_388 = arith.constant 0 : i32
    %dma_start3A_389 = arith.constant 0 : i32
    %dma_start3A_390 = tpu.memref_slice %arg8[%dma_start3A_387, %dma_start3A_388, %dma_start3A_389] : memref<3x16x1000xf32, #tpu.memory_space<vmem>> -> memref<1x16x1000xf32, #tpu.memory_space<vmem>>
    %dma_start3A_391 = tpu.memref_squeeze %dma_start3A_390 : memref<1x16x1000xf32, #tpu.memory_space<vmem>> -> memref<16x1000xf32, #tpu.memory_space<vmem>>
    %dma_start3A_392 = arith.constant 0 : i32
    %dma_start3A_393 = tpu.memref_slice %arg4[%add3A_386, %dma_start3A_392] : memref<4096x1000xf32, #tpu.memory_space<hbm>> -> memref<16x1000xf32, #tpu.memory_space<hbm>>
    %dma_start3A_394 = arith.constant 0 : i32
    %dma_start3A_395 = tpu.memref_slice %arg4[%add3A_386, %dma_start3A_394] : memref<4096x1000xf32, #tpu.memory_space<hbm>> -> memref<16x1000xf32, #tpu.memory_space<hbm>>
    %dma_start3A_396 = arith.constant 0 : i32
    %dma_start3A_397 = arith.constant 0 : i32
    %dma_start3A_398 = tpu.memref_slice %arg8[%dma_start3A_387, %dma_start3A_396, %dma_start3A_397] : memref<3x16x1000xf32, #tpu.memory_space<vmem>> -> memref<1x16x1000xf32, #tpu.memory_space<vmem>>
    %dma_start3A_399 = tpu.memref_squeeze %dma_start3A_398 : memref<1x16x1000xf32, #tpu.memory_space<vmem>> -> memref<16x1000xf32, #tpu.memory_space<vmem>>
    tpu.enqueue_dma source(%dma_start3A_399 : memref<16x1000xf32, #tpu.memory_space<vmem>>) target(%dma_start3A_395 : memref<16x1000xf32, #tpu.memory_space<hbm>>) target_semaphore(%arg11 : memref<!tpu.dma_semaphore, #tpu.memory_space<semaphore_mem>>)
    %add3A_400 = arith.constant 48 : i32
    %add3A_401 = vector.broadcast %add3A_400 : i32 to vector<16xi32>
    %add3A_402 = arith.addi %iota3A, %add3A_401 : vector<16xi32>
    %mul3A_403 = arith.constant 200 : i32
    %mul3A_404 = vector.broadcast %mul3A_403 : i32 to vector<16xi32>
    %mul3A_405 = arith.muli %add3A_402, %mul3A_404 : vector<16xi32>
    %add3A_406 = arith.constant 16 : i32
    %add3A_407 = arith.addi %mul3A_2, %add3A_406 : i32
    %dma_wait3A_408 = arith.constant 1 : i32
    %dma_wait3A_409 = arith.constant 0 : i32
    %dma_wait3A_410 = arith.constant 0 : i32
    %dma_wait3A_411 = tpu.memref_slice %arg8[%dma_wait3A_408, %dma_wait3A_409, %dma_wait3A_410] : memref<3x16x1000xf32, #tpu.memory_space<vmem>> -> memref<1x16x1000xf32, #tpu.memory_space<vmem>>
    %dma_wait3A_412 = tpu.memref_squeeze %dma_wait3A_411 : memref<1x16x1000xf32, #tpu.memory_space<vmem>> -> memref<16x1000xf32, #tpu.memory_space<vmem>>
    %dma_wait3A_413 = arith.constant 0 : i32
    %dma_wait3A_414 = tpu.memref_slice %arg4[%add3A_407, %dma_wait3A_413] : memref<4096x1000xf32, #tpu.memory_space<hbm>> -> memref<16x1000xf32, #tpu.memory_space<hbm>>
    %dma_wait3A_415 = arith.constant 0 : i32
    %dma_wait3A_416 = tpu.memref_slice %arg4[%add3A_407, %dma_wait3A_415] : memref<4096x1000xf32, #tpu.memory_space<hbm>> -> memref<16x1000xf32, #tpu.memory_space<hbm>>
    %dma_wait3A_417 = arith.constant 0 : i32
    %dma_wait3A_418 = arith.constant 0 : i32
    %dma_wait3A_419 = tpu.memref_slice %arg8[%dma_wait3A_408, %dma_wait3A_417, %dma_wait3A_418] : memref<3x16x1000xf32, #tpu.memory_space<vmem>> -> memref<1x16x1000xf32, #tpu.memory_space<vmem>>
    %dma_wait3A_420 = tpu.memref_squeeze %dma_wait3A_419 : memref<1x16x1000xf32, #tpu.memory_space<vmem>> -> memref<16x1000xf32, #tpu.memory_space<vmem>>
    tpu.wait_dma2 semaphore(%arg10 : memref<!tpu.dma_semaphore, #tpu.memory_space<semaphore_mem>>) src(%dma_wait3A_420 : memref<16x1000xf32, #tpu.memory_space<vmem>>) dst(%dma_wait3A_416 : memref<16x1000xf32, #tpu.memory_space<hbm>>)
    %add3A_421 = arith.constant 16 : i32
    %add3A_422 = vector.broadcast %add3A_421 : i32 to vector<16xi32>
    %add3A_423 = arith.addi %iota3A, %add3A_422 : vector<16xi32>
    %mul3A_424 = arith.constant 200 : i32
    %mul3A_425 = vector.broadcast %mul3A_424 : i32 to vector<16xi32>
    %mul3A_426 = arith.muli %add3A_423, %mul3A_425 : vector<16xi32>
    %parallel_loop3A_427 = arith.constant 0 : i32
    %parallel_loop3A_428 = arith.constant 200 : i32
    %parallel_loop3A_429 = arith.constant 1 : i32
    %parallel_loop3A_430 = arith.constant 0 : i32
    %parallel_loop3A_431 = arith.constant 1 : i32
    scf.for %parallel_loop3A_658 = %parallel_loop3A_427 to %parallel_loop3A_428 step %parallel_loop3A_429  : i32 {
      %parallel_loop3A_659 = vector.broadcast %parallel_loop3A_658 : i32 to vector<16xi32>
      %parallel_loop3A_660 = arith.addi %mul3A_405, %parallel_loop3A_659 : vector<16xi32>
      %parallel_loop3A_661 = tpu.vector_load_idx %arg6[%parallel_loop3A_660] : memref<25600xi32, #tpu.memory_space<vmem>>[vector<16xi32>], vector<16xi32>,
      %parallel_loop3A_662 = tpu.vector_load_idx %arg7[%parallel_loop3A_661] : memref<1000xf32, #tpu.memory_space<vmem>>[vector<16xi32>], vector<16xf32>,
      %parallel_loop3A_663 = arith.constant 0 : i32
      %parallel_loop3A_664 = arith.constant 0 : i32
      %parallel_loop3A_665 = tpu.memref_slice %arg8[%parallel_loop3A_430, %parallel_loop3A_663, %parallel_loop3A_664] : memref<3x16x1000xf32, #tpu.memory_space<vmem>> -> memref<1x16x1000xf32, #tpu.memory_space<vmem>>
      %parallel_loop3A_666 = tpu.memref_squeeze %parallel_loop3A_665 : memref<1x16x1000xf32, #tpu.memory_space<vmem>> -> memref<16x1000xf32, #tpu.memory_space<vmem>>
      tpu.vector_store_idx %parallel_loop3A_666[%iota3A, %parallel_loop3A_661], %parallel_loop3A_662 {add = true} : memref<16x1000xf32, #tpu.memory_space<vmem>>[vector<16xi32>, vector<16xi32>], vector<16xf32>,
      %parallel_loop3A_667 = arith.addi %mul3A_426, %parallel_loop3A_659 : vector<16xi32>
      %parallel_loop3A_668 = tpu.vector_load_idx %arg6[%parallel_loop3A_667] : memref<25600xi32, #tpu.memory_space<vmem>>[vector<16xi32>], vector<16xi32>,
      %parallel_loop3A_669 = arith.constant 0 : i32
      %parallel_loop3A_670 = arith.constant 0 : i32
      %parallel_loop3A_671 = tpu.memref_slice %arg8[%parallel_loop3A_431, %parallel_loop3A_669, %parallel_loop3A_670] : memref<3x16x1000xf32, #tpu.memory_space<vmem>> -> memref<1x16x1000xf32, #tpu.memory_space<vmem>>
      %parallel_loop3A_672 = tpu.memref_squeeze %parallel_loop3A_671 : memref<1x16x1000xf32, #tpu.memory_space<vmem>> -> memref<16x1000xf32, #tpu.memory_space<vmem>>
      tpu.vector_store_idx %parallel_loop3A_672[%iota3A, %parallel_loop3A_668], %broadcast_in_dim3A_6 : memref<16x1000xf32, #tpu.memory_space<vmem>>[vector<16xi32>, vector<16xi32>], vector<16xf32>,
    } {sc.loop_unroll_factor = 8 : i64, sc.parallel_access}
    %add3A_432 = arith.constant 48 : i32
    %add3A_433 = arith.addi %mul3A_2, %add3A_432 : i32
    %dma_start3A_434 = arith.constant 0 : i32
    %dma_start3A_435 = arith.constant 0 : i32
    %dma_start3A_436 = arith.constant 0 : i32
    %dma_start3A_437 = tpu.memref_slice %arg8[%dma_start3A_434, %dma_start3A_435, %dma_start3A_436] : memref<3x16x1000xf32, #tpu.memory_space<vmem>> -> memref<1x16x1000xf32, #tpu.memory_space<vmem>>
    %dma_start3A_438 = tpu.memref_squeeze %dma_start3A_437 : memref<1x16x1000xf32, #tpu.memory_space<vmem>> -> memref<16x1000xf32, #tpu.memory_space<vmem>>
    %dma_start3A_439 = arith.constant 0 : i32
    %dma_start3A_440 = tpu.memref_slice %arg4[%add3A_433, %dma_start3A_439] : memref<4096x1000xf32, #tpu.memory_space<hbm>> -> memref<16x1000xf32, #tpu.memory_space<hbm>>
    %dma_start3A_441 = arith.constant 0 : i32
    %dma_start3A_442 = tpu.memref_slice %arg4[%add3A_433, %dma_start3A_441] : memref<4096x1000xf32, #tpu.memory_space<hbm>> -> memref<16x1000xf32, #tpu.memory_space<hbm>>
    %dma_start3A_443 = arith.constant 0 : i32
    %dma_start3A_444 = arith.constant 0 : i32
    %dma_start3A_445 = tpu.memref_slice %arg8[%dma_start3A_434, %dma_start3A_443, %dma_start3A_444] : memref<3x16x1000xf32, #tpu.memory_space<vmem>> -> memref<1x16x1000xf32, #tpu.memory_space<vmem>>
    %dma_start3A_446 = tpu.memref_squeeze %dma_start3A_445 : memref<1x16x1000xf32, #tpu.memory_space<vmem>> -> memref<16x1000xf32, #tpu.memory_space<vmem>>
    tpu.enqueue_dma source(%dma_start3A_446 : memref<16x1000xf32, #tpu.memory_space<vmem>>) target(%dma_start3A_442 : memref<16x1000xf32, #tpu.memory_space<hbm>>) target_semaphore(%arg9 : memref<!tpu.dma_semaphore, #tpu.memory_space<semaphore_mem>>)
    %add3A_447 = arith.constant 64 : i32
    %add3A_448 = vector.broadcast %add3A_447 : i32 to vector<16xi32>
    %add3A_449 = arith.addi %iota3A, %add3A_448 : vector<16xi32>
    %mul3A_450 = arith.constant 200 : i32
    %mul3A_451 = vector.broadcast %mul3A_450 : i32 to vector<16xi32>
    %mul3A_452 = arith.muli %add3A_449, %mul3A_451 : vector<16xi32>
    %add3A_453 = arith.constant 32 : i32
    %add3A_454 = arith.addi %mul3A_2, %add3A_453 : i32
    %dma_wait3A_455 = arith.constant 2 : i32
    %dma_wait3A_456 = arith.constant 0 : i32
    %dma_wait3A_457 = arith.constant 0 : i32
    %dma_wait3A_458 = tpu.memref_slice %arg8[%dma_wait3A_455, %dma_wait3A_456, %dma_wait3A_457] : memref<3x16x1000xf32, #tpu.memory_space<vmem>> -> memref<1x16x1000xf32, #tpu.memory_space<vmem>>
    %dma_wait3A_459 = tpu.memref_squeeze %dma_wait3A_458 : memref<1x16x1000xf32, #tpu.memory_space<vmem>> -> memref<16x1000xf32, #tpu.memory_space<vmem>>
    %dma_wait3A_460 = arith.constant 0 : i32
    %dma_wait3A_461 = tpu.memref_slice %arg4[%add3A_454, %dma_wait3A_460] : memref<4096x1000xf32, #tpu.memory_space<hbm>> -> memref<16x1000xf32, #tpu.memory_space<hbm>>
    %dma_wait3A_462 = arith.constant 0 : i32
    %dma_wait3A_463 = tpu.memref_slice %arg4[%add3A_454, %dma_wait3A_462] : memref<4096x1000xf32, #tpu.memory_space<hbm>> -> memref<16x1000xf32, #tpu.memory_space<hbm>>
    %dma_wait3A_464 = arith.constant 0 : i32
    %dma_wait3A_465 = arith.constant 0 : i32
    %dma_wait3A_466 = tpu.memref_slice %arg8[%dma_wait3A_455, %dma_wait3A_464, %dma_wait3A_465] : memref<3x16x1000xf32, #tpu.memory_space<vmem>> -> memref<1x16x1000xf32, #tpu.memory_space<vmem>>
    %dma_wait3A_467 = tpu.memref_squeeze %dma_wait3A_466 : memref<1x16x1000xf32, #tpu.memory_space<vmem>> -> memref<16x1000xf32, #tpu.memory_space<vmem>>
    tpu.wait_dma2 semaphore(%arg11 : memref<!tpu.dma_semaphore, #tpu.memory_space<semaphore_mem>>) src(%dma_wait3A_467 : memref<16x1000xf32, #tpu.memory_space<vmem>>) dst(%dma_wait3A_463 : memref<16x1000xf32, #tpu.memory_space<hbm>>)
    %add3A_468 = arith.constant 32 : i32
    %add3A_469 = vector.broadcast %add3A_468 : i32 to vector<16xi32>
    %add3A_470 = arith.addi %iota3A, %add3A_469 : vector<16xi32>
    %mul3A_471 = arith.constant 200 : i32
    %mul3A_472 = vector.broadcast %mul3A_471 : i32 to vector<16xi32>
    %mul3A_473 = arith.muli %add3A_470, %mul3A_472 : vector<16xi32>
    %parallel_loop3A_474 = arith.constant 0 : i32
    %parallel_loop3A_475 = arith.constant 200 : i32
    %parallel_loop3A_476 = arith.constant 1 : i32
    %parallel_loop3A_477 = arith.constant 1 : i32
    %parallel_loop3A_478 = arith.constant 2 : i32
    scf.for %parallel_loop3A_658 = %parallel_loop3A_474 to %parallel_loop3A_475 step %parallel_loop3A_476  : i32 {
      %parallel_loop3A_659 = vector.broadcast %parallel_loop3A_658 : i32 to vector<16xi32>
      %parallel_loop3A_660 = arith.addi %mul3A_452, %parallel_loop3A_659 : vector<16xi32>
      %parallel_loop3A_661 = tpu.vector_load_idx %arg6[%parallel_loop3A_660] : memref<25600xi32, #tpu.memory_space<vmem>>[vector<16xi32>], vector<16xi32>,
      %parallel_loop3A_662 = tpu.vector_load_idx %arg7[%parallel_loop3A_661] : memref<1000xf32, #tpu.memory_space<vmem>>[vector<16xi32>], vector<16xf32>,
      %parallel_loop3A_663 = arith.constant 0 : i32
      %parallel_loop3A_664 = arith.constant 0 : i32
      %parallel_loop3A_665 = tpu.memref_slice %arg8[%parallel_loop3A_477, %parallel_loop3A_663, %parallel_loop3A_664] : memref<3x16x1000xf32, #tpu.memory_space<vmem>> -> memref<1x16x1000xf32, #tpu.memory_space<vmem>>
      %parallel_loop3A_666 = tpu.memref_squeeze %parallel_loop3A_665 : memref<1x16x1000xf32, #tpu.memory_space<vmem>> -> memref<16x1000xf32, #tpu.memory_space<vmem>>
      tpu.vector_store_idx %parallel_loop3A_666[%iota3A, %parallel_loop3A_661], %parallel_loop3A_662 {add = true} : memref<16x1000xf32, #tpu.memory_space<vmem>>[vector<16xi32>, vector<16xi32>], vector<16xf32>,
      %parallel_loop3A_667 = arith.addi %mul3A_473, %parallel_loop3A_659 : vector<16xi32>
      %parallel_loop3A_668 = tpu.vector_load_idx %arg6[%parallel_loop3A_667] : memref<25600xi32, #tpu.memory_space<vmem>>[vector<16xi32>], vector<16xi32>,
      %parallel_loop3A_669 = arith.constant 0 : i32
      %parallel_loop3A_670 = arith.constant 0 : i32
      %parallel_loop3A_671 = tpu.memref_slice %arg8[%parallel_loop3A_478, %parallel_loop3A_669, %parallel_loop3A_670] : memref<3x16x1000xf32, #tpu.memory_space<vmem>> -> memref<1x16x1000xf32, #tpu.memory_space<vmem>>
      %parallel_loop3A_672 = tpu.memref_squeeze %parallel_loop3A_671 : memref<1x16x1000xf32, #tpu.memory_space<vmem>> -> memref<16x1000xf32, #tpu.memory_space<vmem>>
      tpu.vector_store_idx %parallel_loop3A_672[%iota3A, %parallel_loop3A_668], %broadcast_in_dim3A_6 : memref<16x1000xf32, #tpu.memory_space<vmem>>[vector<16xi32>, vector<16xi32>], vector<16xf32>,
    } {sc.loop_unroll_factor = 8 : i64, sc.parallel_access}
    %add3A_479 = arith.constant 64 : i32
    %add3A_480 = arith.addi %mul3A_2, %add3A_479 : i32
    %dma_start3A_481 = arith.constant 1 : i32
    %dma_start3A_482 = arith.constant 0 : i32
    %dma_start3A_483 = arith.constant 0 : i32
    %dma_start3A_484 = tpu.memref_slice %arg8[%dma_start3A_481, %dma_start3A_482, %dma_start3A_483] : memref<3x16x1000xf32, #tpu.memory_space<vmem>> -> memref<1x16x1000xf32, #tpu.memory_space<vmem>>
    %dma_start3A_485 = tpu.memref_squeeze %dma_start3A_484 : memref<1x16x1000xf32, #tpu.memory_space<vmem>> -> memref<16x1000xf32, #tpu.memory_space<vmem>>
    %dma_start3A_486 = arith.constant 0 : i32
    %dma_start3A_487 = tpu.memref_slice %arg4[%add3A_480, %dma_start3A_486] : memref<4096x1000xf32, #tpu.memory_space<hbm>> -> memref<16x1000xf32, #tpu.memory_space<hbm>>
    %dma_start3A_488 = arith.constant 0 : i32
    %dma_start3A_489 = tpu.memref_slice %arg4[%add3A_480, %dma_start3A_488] : memref<4096x1000xf32, #tpu.memory_space<hbm>> -> memref<16x1000xf32, #tpu.memory_space<hbm>>
    %dma_start3A_490 = arith.constant 0 : i32
    %dma_start3A_491 = arith.constant 0 : i32
    %dma_start3A_492 = tpu.memref_slice %arg8[%dma_start3A_481, %dma_start3A_490, %dma_start3A_491] : memref<3x16x1000xf32, #tpu.memory_space<vmem>> -> memref<1x16x1000xf32, #tpu.memory_space<vmem>>
    %dma_start3A_493 = tpu.memref_squeeze %dma_start3A_492 : memref<1x16x1000xf32, #tpu.memory_space<vmem>> -> memref<16x1000xf32, #tpu.memory_space<vmem>>
    tpu.enqueue_dma source(%dma_start3A_493 : memref<16x1000xf32, #tpu.memory_space<vmem>>) target(%dma_start3A_489 : memref<16x1000xf32, #tpu.memory_space<hbm>>) target_semaphore(%arg10 : memref<!tpu.dma_semaphore, #tpu.memory_space<semaphore_mem>>)
    %add3A_494 = arith.constant 80 : i32
    %add3A_495 = vector.broadcast %add3A_494 : i32 to vector<16xi32>
    %add3A_496 = arith.addi %iota3A, %add3A_495 : vector<16xi32>
    %mul3A_497 = arith.constant 200 : i32
    %mul3A_498 = vector.broadcast %mul3A_497 : i32 to vector<16xi32>
    %mul3A_499 = arith.muli %add3A_496, %mul3A_498 : vector<16xi32>
    %add3A_500 = arith.constant 48 : i32
    %add3A_501 = arith.addi %mul3A_2, %add3A_500 : i32
    %dma_wait3A_502 = arith.constant 0 : i32
    %dma_wait3A_503 = arith.constant 0 : i32
    %dma_wait3A_504 = arith.constant 0 : i32
    %dma_wait3A_505 = tpu.memref_slice %arg8[%dma_wait3A_502, %dma_wait3A_503, %dma_wait3A_504] : memref<3x16x1000xf32, #tpu.memory_space<vmem>> -> memref<1x16x1000xf32, #tpu.memory_space<vmem>>
    %dma_wait3A_506 = tpu.memref_squeeze %dma_wait3A_505 : memref<1x16x1000xf32, #tpu.memory_space<vmem>> -> memref<16x1000xf32, #tpu.memory_space<vmem>>
    %dma_wait3A_507 = arith.constant 0 : i32
    %dma_wait3A_508 = tpu.memref_slice %arg4[%add3A_501, %dma_wait3A_507] : memref<4096x1000xf32, #tpu.memory_space<hbm>> -> memref<16x1000xf32, #tpu.memory_space<hbm>>
    %dma_wait3A_509 = arith.constant 0 : i32
    %dma_wait3A_510 = tpu.memref_slice %arg4[%add3A_501, %dma_wait3A_509] : memref<4096x1000xf32, #tpu.memory_space<hbm>> -> memref<16x1000xf32, #tpu.memory_space<hbm>>
    %dma_wait3A_511 = arith.constant 0 : i32
    %dma_wait3A_512 = arith.constant 0 : i32
    %dma_wait3A_513 = tpu.memref_slice %arg8[%dma_wait3A_502, %dma_wait3A_511, %dma_wait3A_512] : memref<3x16x1000xf32, #tpu.memory_space<vmem>> -> memref<1x16x1000xf32, #tpu.memory_space<vmem>>
    %dma_wait3A_514 = tpu.memref_squeeze %dma_wait3A_513 : memref<1x16x1000xf32, #tpu.memory_space<vmem>> -> memref<16x1000xf32, #tpu.memory_space<vmem>>
    tpu.wait_dma2 semaphore(%arg9 : memref<!tpu.dma_semaphore, #tpu.memory_space<semaphore_mem>>) src(%dma_wait3A_514 : memref<16x1000xf32, #tpu.memory_space<vmem>>) dst(%dma_wait3A_510 : memref<16x1000xf32, #tpu.memory_space<hbm>>)
    %add3A_515 = arith.constant 48 : i32
    %add3A_516 = vector.broadcast %add3A_515 : i32 to vector<16xi32>
    %add3A_517 = arith.addi %iota3A, %add3A_516 : vector<16xi32>
    %mul3A_518 = arith.constant 200 : i32
    %mul3A_519 = vector.broadcast %mul3A_518 : i32 to vector<16xi32>
    %mul3A_520 = arith.muli %add3A_517, %mul3A_519 : vector<16xi32>
    %parallel_loop3A_521 = arith.constant 0 : i32
    %parallel_loop3A_522 = arith.constant 200 : i32
    %parallel_loop3A_523 = arith.constant 1 : i32
    %parallel_loop3A_524 = arith.constant 2 : i32
    %parallel_loop3A_525 = arith.constant 0 : i32
    scf.for %parallel_loop3A_658 = %parallel_loop3A_521 to %parallel_loop3A_522 step %parallel_loop3A_523  : i32 {
      %parallel_loop3A_659 = vector.broadcast %parallel_loop3A_658 : i32 to vector<16xi32>
      %parallel_loop3A_660 = arith.addi %mul3A_499, %parallel_loop3A_659 : vector<16xi32>
      %parallel_loop3A_661 = tpu.vector_load_idx %arg6[%parallel_loop3A_660] : memref<25600xi32, #tpu.memory_space<vmem>>[vector<16xi32>], vector<16xi32>,
      %parallel_loop3A_662 = tpu.vector_load_idx %arg7[%parallel_loop3A_661] : memref<1000xf32, #tpu.memory_space<vmem>>[vector<16xi32>], vector<16xf32>,
      %parallel_loop3A_663 = arith.constant 0 : i32
      %parallel_loop3A_664 = arith.constant 0 : i32
      %parallel_loop3A_665 = tpu.memref_slice %arg8[%parallel_loop3A_524, %parallel_loop3A_663, %parallel_loop3A_664] : memref<3x16x1000xf32, #tpu.memory_space<vmem>> -> memref<1x16x1000xf32, #tpu.memory_space<vmem>>
      %parallel_loop3A_666 = tpu.memref_squeeze %parallel_loop3A_665 : memref<1x16x1000xf32, #tpu.memory_space<vmem>> -> memref<16x1000xf32, #tpu.memory_space<vmem>>
      tpu.vector_store_idx %parallel_loop3A_666[%iota3A, %parallel_loop3A_661], %parallel_loop3A_662 {add = true} : memref<16x1000xf32, #tpu.memory_space<vmem>>[vector<16xi32>, vector<16xi32>], vector<16xf32>,
      %parallel_loop3A_667 = arith.addi %mul3A_520, %parallel_loop3A_659 : vector<16xi32>
      %parallel_loop3A_668 = tpu.vector_load_idx %arg6[%parallel_loop3A_667] : memref<25600xi32, #tpu.memory_space<vmem>>[vector<16xi32>], vector<16xi32>,
      %parallel_loop3A_669 = arith.constant 0 : i32
      %parallel_loop3A_670 = arith.constant 0 : i32
      %parallel_loop3A_671 = tpu.memref_slice %arg8[%parallel_loop3A_525, %parallel_loop3A_669, %parallel_loop3A_670] : memref<3x16x1000xf32, #tpu.memory_space<vmem>> -> memref<1x16x1000xf32, #tpu.memory_space<vmem>>
      %parallel_loop3A_672 = tpu.memref_squeeze %parallel_loop3A_671 : memref<1x16x1000xf32, #tpu.memory_space<vmem>> -> memref<16x1000xf32, #tpu.memory_space<vmem>>
      tpu.vector_store_idx %parallel_loop3A_672[%iota3A, %parallel_loop3A_668], %broadcast_in_dim3A_6 : memref<16x1000xf32, #tpu.memory_space<vmem>>[vector<16xi32>, vector<16xi32>], vector<16xf32>,
    } {sc.loop_unroll_factor = 8 : i64, sc.parallel_access}
    %add3A_526 = arith.constant 80 : i32
    %add3A_527 = arith.addi %mul3A_2, %add3A_526 : i32
    %dma_start3A_528 = arith.constant 2 : i32
    %dma_start3A_529 = arith.constant 0 : i32
    %dma_start3A_530 = arith.constant 0 : i32
    %dma_start3A_531 = tpu.memref_slice %arg8[%dma_start3A_528, %dma_start3A_529, %dma_start3A_530] : memref<3x16x1000xf32, #tpu.memory_space<vmem>> -> memref<1x16x1000xf32, #tpu.memory_space<vmem>>
    %dma_start3A_532 = tpu.memref_squeeze %dma_start3A_531 : memref<1x16x1000xf32, #tpu.memory_space<vmem>> -> memref<16x1000xf32, #tpu.memory_space<vmem>>
    %dma_start3A_533 = arith.constant 0 : i32
    %dma_start3A_534 = tpu.memref_slice %arg4[%add3A_527, %dma_start3A_533] : memref<4096x1000xf32, #tpu.memory_space<hbm>> -> memref<16x1000xf32, #tpu.memory_space<hbm>>
    %dma_start3A_535 = arith.constant 0 : i32
    %dma_start3A_536 = tpu.memref_slice %arg4[%add3A_527, %dma_start3A_535] : memref<4096x1000xf32, #tpu.memory_space<hbm>> -> memref<16x1000xf32, #tpu.memory_space<hbm>>
    %dma_start3A_537 = arith.constant 0 : i32
    %dma_start3A_538 = arith.constant 0 : i32
    %dma_start3A_539 = tpu.memref_slice %arg8[%dma_start3A_528, %dma_start3A_537, %dma_start3A_538] : memref<3x16x1000xf32, #tpu.memory_space<vmem>> -> memref<1x16x1000xf32, #tpu.memory_space<vmem>>
    %dma_start3A_540 = tpu.memref_squeeze %dma_start3A_539 : memref<1x16x1000xf32, #tpu.memory_space<vmem>> -> memref<16x1000xf32, #tpu.memory_space<vmem>>
    tpu.enqueue_dma source(%dma_start3A_540 : memref<16x1000xf32, #tpu.memory_space<vmem>>) target(%dma_start3A_536 : memref<16x1000xf32, #tpu.memory_space<hbm>>) target_semaphore(%arg11 : memref<!tpu.dma_semaphore, #tpu.memory_space<semaphore_mem>>)
    %add3A_541 = arith.constant 96 : i32
    %add3A_542 = vector.broadcast %add3A_541 : i32 to vector<16xi32>
    %add3A_543 = arith.addi %iota3A, %add3A_542 : vector<16xi32>
    %mul3A_544 = arith.constant 200 : i32
    %mul3A_545 = vector.broadcast %mul3A_544 : i32 to vector<16xi32>
    %mul3A_546 = arith.muli %add3A_543, %mul3A_545 : vector<16xi32>
    %add3A_547 = arith.constant 64 : i32
    %add3A_548 = arith.addi %mul3A_2, %add3A_547 : i32
    %dma_wait3A_549 = arith.constant 1 : i32
    %dma_wait3A_550 = arith.constant 0 : i32
    %dma_wait3A_551 = arith.constant 0 : i32
    %dma_wait3A_552 = tpu.memref_slice %arg8[%dma_wait3A_549, %dma_wait3A_550, %dma_wait3A_551] : memref<3x16x1000xf32, #tpu.memory_space<vmem>> -> memref<1x16x1000xf32, #tpu.memory_space<vmem>>
    %dma_wait3A_553 = tpu.memref_squeeze %dma_wait3A_552 : memref<1x16x1000xf32, #tpu.memory_space<vmem>> -> memref<16x1000xf32, #tpu.memory_space<vmem>>
    %dma_wait3A_554 = arith.constant 0 : i32
    %dma_wait3A_555 = tpu.memref_slice %arg4[%add3A_548, %dma_wait3A_554] : memref<4096x1000xf32, #tpu.memory_space<hbm>> -> memref<16x1000xf32, #tpu.memory_space<hbm>>
    %dma_wait3A_556 = arith.constant 0 : i32
    %dma_wait3A_557 = tpu.memref_slice %arg4[%add3A_548, %dma_wait3A_556] : memref<4096x1000xf32, #tpu.memory_space<hbm>> -> memref<16x1000xf32, #tpu.memory_space<hbm>>
    %dma_wait3A_558 = arith.constant 0 : i32
    %dma_wait3A_559 = arith.constant 0 : i32
    %dma_wait3A_560 = tpu.memref_slice %arg8[%dma_wait3A_549, %dma_wait3A_558, %dma_wait3A_559] : memref<3x16x1000xf32, #tpu.memory_space<vmem>> -> memref<1x16x1000xf32, #tpu.memory_space<vmem>>
    %dma_wait3A_561 = tpu.memref_squeeze %dma_wait3A_560 : memref<1x16x1000xf32, #tpu.memory_space<vmem>> -> memref<16x1000xf32, #tpu.memory_space<vmem>>
    tpu.wait_dma2 semaphore(%arg10 : memref<!tpu.dma_semaphore, #tpu.memory_space<semaphore_mem>>) src(%dma_wait3A_561 : memref<16x1000xf32, #tpu.memory_space<vmem>>) dst(%dma_wait3A_557 : memref<16x1000xf32, #tpu.memory_space<hbm>>)
    %add3A_562 = arith.constant 64 : i32
    %add3A_563 = vector.broadcast %add3A_562 : i32 to vector<16xi32>
    %add3A_564 = arith.addi %iota3A, %add3A_563 : vector<16xi32>
    %mul3A_565 = arith.constant 200 : i32
    %mul3A_566 = vector.broadcast %mul3A_565 : i32 to vector<16xi32>
    %mul3A_567 = arith.muli %add3A_564, %mul3A_566 : vector<16xi32>
    %parallel_loop3A_568 = arith.constant 0 : i32
    %parallel_loop3A_569 = arith.constant 200 : i32
    %parallel_loop3A_570 = arith.constant 1 : i32
    %parallel_loop3A_571 = arith.constant 0 : i32
    %parallel_loop3A_572 = arith.constant 1 : i32
    scf.for %parallel_loop3A_658 = %parallel_loop3A_568 to %parallel_loop3A_569 step %parallel_loop3A_570  : i32 {
      %parallel_loop3A_659 = vector.broadcast %parallel_loop3A_658 : i32 to vector<16xi32>
      %parallel_loop3A_660 = arith.addi %mul3A_546, %parallel_loop3A_659 : vector<16xi32>
      %parallel_loop3A_661 = tpu.vector_load_idx %arg6[%parallel_loop3A_660] : memref<25600xi32, #tpu.memory_space<vmem>>[vector<16xi32>], vector<16xi32>,
      %parallel_loop3A_662 = tpu.vector_load_idx %arg7[%parallel_loop3A_661] : memref<1000xf32, #tpu.memory_space<vmem>>[vector<16xi32>], vector<16xf32>,
      %parallel_loop3A_663 = arith.constant 0 : i32
      %parallel_loop3A_664 = arith.constant 0 : i32
      %parallel_loop3A_665 = tpu.memref_slice %arg8[%parallel_loop3A_571, %parallel_loop3A_663, %parallel_loop3A_664] : memref<3x16x1000xf32, #tpu.memory_space<vmem>> -> memref<1x16x1000xf32, #tpu.memory_space<vmem>>
      %parallel_loop3A_666 = tpu.memref_squeeze %parallel_loop3A_665 : memref<1x16x1000xf32, #tpu.memory_space<vmem>> -> memref<16x1000xf32, #tpu.memory_space<vmem>>
      tpu.vector_store_idx %parallel_loop3A_666[%iota3A, %parallel_loop3A_661], %parallel_loop3A_662 {add = true} : memref<16x1000xf32, #tpu.memory_space<vmem>>[vector<16xi32>, vector<16xi32>], vector<16xf32>,
      %parallel_loop3A_667 = arith.addi %mul3A_567, %parallel_loop3A_659 : vector<16xi32>
      %parallel_loop3A_668 = tpu.vector_load_idx %arg6[%parallel_loop3A_667] : memref<25600xi32, #tpu.memory_space<vmem>>[vector<16xi32>], vector<16xi32>,
      %parallel_loop3A_669 = arith.constant 0 : i32
      %parallel_loop3A_670 = arith.constant 0 : i32
      %parallel_loop3A_671 = tpu.memref_slice %arg8[%parallel_loop3A_572, %parallel_loop3A_669, %parallel_loop3A_670] : memref<3x16x1000xf32, #tpu.memory_space<vmem>> -> memref<1x16x1000xf32, #tpu.memory_space<vmem>>
      %parallel_loop3A_672 = tpu.memref_squeeze %parallel_loop3A_671 : memref<1x16x1000xf32, #tpu.memory_space<vmem>> -> memref<16x1000xf32, #tpu.memory_space<vmem>>
      tpu.vector_store_idx %parallel_loop3A_672[%iota3A, %parallel_loop3A_668], %broadcast_in_dim3A_6 : memref<16x1000xf32, #tpu.memory_space<vmem>>[vector<16xi32>, vector<16xi32>], vector<16xf32>,
    } {sc.loop_unroll_factor = 8 : i64, sc.parallel_access}
    %add3A_573 = arith.constant 96 : i32
    %add3A_574 = arith.addi %mul3A_2, %add3A_573 : i32
    %dma_start3A_575 = arith.constant 0 : i32
    %dma_start3A_576 = arith.constant 0 : i32
    %dma_start3A_577 = arith.constant 0 : i32
    %dma_start3A_578 = tpu.memref_slice %arg8[%dma_start3A_575, %dma_start3A_576, %dma_start3A_577] : memref<3x16x1000xf32, #tpu.memory_space<vmem>> -> memref<1x16x1000xf32, #tpu.memory_space<vmem>>
    %dma_start3A_579 = tpu.memref_squeeze %dma_start3A_578 : memref<1x16x1000xf32, #tpu.memory_space<vmem>> -> memref<16x1000xf32, #tpu.memory_space<vmem>>
    %dma_start3A_580 = arith.constant 0 : i32
    %dma_start3A_581 = tpu.memref_slice %arg4[%add3A_574, %dma_start3A_580] : memref<4096x1000xf32, #tpu.memory_space<hbm>> -> memref<16x1000xf32, #tpu.memory_space<hbm>>
    %dma_start3A_582 = arith.constant 0 : i32
    %dma_start3A_583 = tpu.memref_slice %arg4[%add3A_574, %dma_start3A_582] : memref<4096x1000xf32, #tpu.memory_space<hbm>> -> memref<16x1000xf32, #tpu.memory_space<hbm>>
    %dma_start3A_584 = arith.constant 0 : i32
    %dma_start3A_585 = arith.constant 0 : i32
    %dma_start3A_586 = tpu.memref_slice %arg8[%dma_start3A_575, %dma_start3A_584, %dma_start3A_585] : memref<3x16x1000xf32, #tpu.memory_space<vmem>> -> memref<1x16x1000xf32, #tpu.memory_space<vmem>>
    %dma_start3A_587 = tpu.memref_squeeze %dma_start3A_586 : memref<1x16x1000xf32, #tpu.memory_space<vmem>> -> memref<16x1000xf32, #tpu.memory_space<vmem>>
    tpu.enqueue_dma source(%dma_start3A_587 : memref<16x1000xf32, #tpu.memory_space<vmem>>) target(%dma_start3A_583 : memref<16x1000xf32, #tpu.memory_space<hbm>>) target_semaphore(%arg9 : memref<!tpu.dma_semaphore, #tpu.memory_space<semaphore_mem>>)
    %add3A_588 = arith.constant 112 : i32
    %add3A_589 = vector.broadcast %add3A_588 : i32 to vector<16xi32>
    %add3A_590 = arith.addi %iota3A, %add3A_589 : vector<16xi32>
    %mul3A_591 = arith.constant 200 : i32
    %mul3A_592 = vector.broadcast %mul3A_591 : i32 to vector<16xi32>
    %mul3A_593 = arith.muli %add3A_590, %mul3A_592 : vector<16xi32>
    %add3A_594 = arith.constant 80 : i32
    %add3A_595 = arith.addi %mul3A_2, %add3A_594 : i32
    %dma_wait3A_596 = arith.constant 2 : i32
    %dma_wait3A_597 = arith.constant 0 : i32
    %dma_wait3A_598 = arith.constant 0 : i32
    %dma_wait3A_599 = tpu.memref_slice %arg8[%dma_wait3A_596, %dma_wait3A_597, %dma_wait3A_598] : memref<3x16x1000xf32, #tpu.memory_space<vmem>> -> memref<1x16x1000xf32, #tpu.memory_space<vmem>>
    %dma_wait3A_600 = tpu.memref_squeeze %dma_wait3A_599 : memref<1x16x1000xf32, #tpu.memory_space<vmem>> -> memref<16x1000xf32, #tpu.memory_space<vmem>>
    %dma_wait3A_601 = arith.constant 0 : i32
    %dma_wait3A_602 = tpu.memref_slice %arg4[%add3A_595, %dma_wait3A_601] : memref<4096x1000xf32, #tpu.memory_space<hbm>> -> memref<16x1000xf32, #tpu.memory_space<hbm>>
    %dma_wait3A_603 = arith.constant 0 : i32
    %dma_wait3A_604 = tpu.memref_slice %arg4[%add3A_595, %dma_wait3A_603] : memref<4096x1000xf32, #tpu.memory_space<hbm>> -> memref<16x1000xf32, #tpu.memory_space<hbm>>
    %dma_wait3A_605 = arith.constant 0 : i32
    %dma_wait3A_606 = arith.constant 0 : i32
    %dma_wait3A_607 = tpu.memref_slice %arg8[%dma_wait3A_596, %dma_wait3A_605, %dma_wait3A_606] : memref<3x16x1000xf32, #tpu.memory_space<vmem>> -> memref<1x16x1000xf32, #tpu.memory_space<vmem>>
    %dma_wait3A_608 = tpu.memref_squeeze %dma_wait3A_607 : memref<1x16x1000xf32, #tpu.memory_space<vmem>> -> memref<16x1000xf32, #tpu.memory_space<vmem>>
    tpu.wait_dma2 semaphore(%arg11 : memref<!tpu.dma_semaphore, #tpu.memory_space<semaphore_mem>>) src(%dma_wait3A_608 : memref<16x1000xf32, #tpu.memory_space<vmem>>) dst(%dma_wait3A_604 : memref<16x1000xf32, #tpu.memory_space<hbm>>)
    %parallel_loop3A_609 = arith.constant 0 : i32
    %parallel_loop3A_610 = arith.constant 200 : i32
    %parallel_loop3A_611 = arith.constant 1 : i32
    %parallel_loop3A_612 = arith.constant 1 : i32
    scf.for %parallel_loop3A_658 = %parallel_loop3A_609 to %parallel_loop3A_610 step %parallel_loop3A_611  : i32 {
      %parallel_loop3A_659 = vector.broadcast %parallel_loop3A_658 : i32 to vector<16xi32>
      %parallel_loop3A_660 = arith.addi %mul3A_593, %parallel_loop3A_659 : vector<16xi32>
      %parallel_loop3A_661 = tpu.vector_load_idx %arg6[%parallel_loop3A_660] : memref<25600xi32, #tpu.memory_space<vmem>>[vector<16xi32>], vector<16xi32>,
      %parallel_loop3A_662 = tpu.vector_load_idx %arg7[%parallel_loop3A_661] : memref<1000xf32, #tpu.memory_space<vmem>>[vector<16xi32>], vector<16xf32>,
      %parallel_loop3A_663 = arith.constant 0 : i32
      %parallel_loop3A_664 = arith.constant 0 : i32
      %parallel_loop3A_665 = tpu.memref_slice %arg8[%parallel_loop3A_612, %parallel_loop3A_663, %parallel_loop3A_664] : memref<3x16x1000xf32, #tpu.memory_space<vmem>> -> memref<1x16x1000xf32, #tpu.memory_space<vmem>>
      %parallel_loop3A_666 = tpu.memref_squeeze %parallel_loop3A_665 : memref<1x16x1000xf32, #tpu.memory_space<vmem>> -> memref<16x1000xf32, #tpu.memory_space<vmem>>
      tpu.vector_store_idx %parallel_loop3A_666[%iota3A, %parallel_loop3A_661], %parallel_loop3A_662 {add = true} : memref<16x1000xf32, #tpu.memory_space<vmem>>[vector<16xi32>, vector<16xi32>], vector<16xf32>,
    } {sc.loop_unroll_factor = 8 : i64, sc.parallel_access}
    %add3A_613 = arith.constant 112 : i32
    %add3A_614 = arith.addi %mul3A_2, %add3A_613 : i32
    %dma_start3A_615 = arith.constant 1 : i32
    %dma_start3A_616 = arith.constant 0 : i32
    %dma_start3A_617 = arith.constant 0 : i32
    %dma_start3A_618 = tpu.memref_slice %arg8[%dma_start3A_615, %dma_start3A_616, %dma_start3A_617] : memref<3x16x1000xf32, #tpu.memory_space<vmem>> -> memref<1x16x1000xf32, #tpu.memory_space<vmem>>
    %dma_start3A_619 = tpu.memref_squeeze %dma_start3A_618 : memref<1x16x1000xf32, #tpu.memory_space<vmem>> -> memref<16x1000xf32, #tpu.memory_space<vmem>>
    %dma_start3A_620 = arith.constant 0 : i32
    %dma_start3A_621 = tpu.memref_slice %arg4[%add3A_614, %dma_start3A_620] : memref<4096x1000xf32, #tpu.memory_space<hbm>> -> memref<16x1000xf32, #tpu.memory_space<hbm>>
    %dma_start3A_622 = arith.constant 0 : i32
    %dma_start3A_623 = tpu.memref_slice %arg4[%add3A_614, %dma_start3A_622] : memref<4096x1000xf32, #tpu.memory_space<hbm>> -> memref<16x1000xf32, #tpu.memory_space<hbm>>
    %dma_start3A_624 = arith.constant 0 : i32
    %dma_start3A_625 = arith.constant 0 : i32
    %dma_start3A_626 = tpu.memref_slice %arg8[%dma_start3A_615, %dma_start3A_624, %dma_start3A_625] : memref<3x16x1000xf32, #tpu.memory_space<vmem>> -> memref<1x16x1000xf32, #tpu.memory_space<vmem>>
    %dma_start3A_627 = tpu.memref_squeeze %dma_start3A_626 : memref<1x16x1000xf32, #tpu.memory_space<vmem>> -> memref<16x1000xf32, #tpu.memory_space<vmem>>
    tpu.enqueue_dma source(%dma_start3A_627 : memref<16x1000xf32, #tpu.memory_space<vmem>>) target(%dma_start3A_623 : memref<16x1000xf32, #tpu.memory_space<hbm>>) target_semaphore(%arg10 : memref<!tpu.dma_semaphore, #tpu.memory_space<semaphore_mem>>)
    %add3A_628 = arith.constant 96 : i32
    %add3A_629 = arith.addi %mul3A_2, %add3A_628 : i32
    %dma_wait3A_630 = arith.constant 0 : i32
    %dma_wait3A_631 = arith.constant 0 : i32
    %dma_wait3A_632 = arith.constant 0 : i32
    %dma_wait3A_633 = tpu.memref_slice %arg8[%dma_wait3A_630, %dma_wait3A_631, %dma_wait3A_632] : memref<3x16x1000xf32, #tpu.memory_space<vmem>> -> memref<1x16x1000xf32, #tpu.memory_space<vmem>>
    %dma_wait3A_634 = tpu.memref_squeeze %dma_wait3A_633 : memref<1x16x1000xf32, #tpu.memory_space<vmem>> -> memref<16x1000xf32, #tpu.memory_space<vmem>>
    %dma_wait3A_635 = arith.constant 0 : i32
    %dma_wait3A_636 = tpu.memref_slice %arg4[%add3A_629, %dma_wait3A_635] : memref<4096x1000xf32, #tpu.memory_space<hbm>> -> memref<16x1000xf32, #tpu.memory_space<hbm>>
    %dma_wait3A_637 = arith.constant 0 : i32
    %dma_wait3A_638 = tpu.memref_slice %arg4[%add3A_629, %dma_wait3A_637] : memref<4096x1000xf32, #tpu.memory_space<hbm>> -> memref<16x1000xf32, #tpu.memory_space<hbm>>
    %dma_wait3A_639 = arith.constant 0 : i32
    %dma_wait3A_640 = arith.constant 0 : i32
    %dma_wait3A_641 = tpu.memref_slice %arg8[%dma_wait3A_630, %dma_wait3A_639, %dma_wait3A_640] : memref<3x16x1000xf32, #tpu.memory_space<vmem>> -> memref<1x16x1000xf32, #tpu.memory_space<vmem>>
    %dma_wait3A_642 = tpu.memref_squeeze %dma_wait3A_641 : memref<1x16x1000xf32, #tpu.memory_space<vmem>> -> memref<16x1000xf32, #tpu.memory_space<vmem>>
    tpu.wait_dma2 semaphore(%arg9 : memref<!tpu.dma_semaphore, #tpu.memory_space<semaphore_mem>>) src(%dma_wait3A_642 : memref<16x1000xf32, #tpu.memory_space<vmem>>) dst(%dma_wait3A_638 : memref<16x1000xf32, #tpu.memory_space<hbm>>)
    %add3A_643 = arith.constant 112 : i32
    %add3A_644 = arith.addi %mul3A_2, %add3A_643 : i32
    %dma_wait3A_645 = arith.constant 1 : i32
    %dma_wait3A_646 = arith.constant 0 : i32
    %dma_wait3A_647 = arith.constant 0 : i32
    %dma_wait3A_648 = tpu.memref_slice %arg8[%dma_wait3A_645, %dma_wait3A_646, %dma_wait3A_647] : memref<3x16x1000xf32, #tpu.memory_space<vmem>> -> memref<1x16x1000xf32, #tpu.memory_space<vmem>>
    %dma_wait3A_649 = tpu.memref_squeeze %dma_wait3A_648 : memref<1x16x1000xf32, #tpu.memory_space<vmem>> -> memref<16x1000xf32, #tpu.memory_space<vmem>>
    %dma_wait3A_650 = arith.constant 0 : i32
    %dma_wait3A_651 = tpu.memref_slice %arg4[%add3A_644, %dma_wait3A_650] : memref<4096x1000xf32, #tpu.memory_space<hbm>> -> memref<16x1000xf32, #tpu.memory_space<hbm>>
    %dma_wait3A_652 = arith.constant 0 : i32
    %dma_wait3A_653 = tpu.memref_slice %arg4[%add3A_644, %dma_wait3A_652] : memref<4096x1000xf32, #tpu.memory_space<hbm>> -> memref<16x1000xf32, #tpu.memory_space<hbm>>
    %dma_wait3A_654 = arith.constant 0 : i32
    %dma_wait3A_655 = arith.constant 0 : i32
    %dma_wait3A_656 = tpu.memref_slice %arg8[%dma_wait3A_645, %dma_wait3A_654, %dma_wait3A_655] : memref<3x16x1000xf32, #tpu.memory_space<vmem>> -> memref<1x16x1000xf32, #tpu.memory_space<vmem>>
    %dma_wait3A_657 = tpu.memref_squeeze %dma_wait3A_656 : memref<1x16x1000xf32, #tpu.memory_space<vmem>> -> memref<16x1000xf32, #tpu.memory_space<vmem>>
    tpu.wait_dma2 semaphore(%arg10 : memref<!tpu.dma_semaphore, #tpu.memory_space<semaphore_mem>>) src(%dma_wait3A_657 : memref<16x1000xf32, #tpu.memory_space<vmem>>) dst(%dma_wait3A_653 : memref<16x1000xf32, #tpu.memory_space<hbm>>)
    return
  }
}

</mosaic_0001>

<sc_bundles>
// kernel: kernel.3.cloned.1.call-start
scs
__scs_entry_jumppad:
0x0: {  	(pc) =	sbr.rel $0x88, $3  }
0x1: {  	(tag) =	ssettag $0x0;
	lr =	simm.s32 $0x1  }
0x2: {  	[smem:$0x3F9F] =	sst lr;
	_ =	strace $0xD0000000  }
0x3: {  	_ = 	snop  }
0x4: {  	_ = 	snop  }
0x5: {  	_ = 	snop  }
0x6: {  	_ = 	snop  }
0x7: {  	_ = 	snop  }
__scs_overlays_trampoline_lowered:
0x8: {  	[smem:$0x3FAE] =	sst s0  }
0x9: {  	[smem:$0x3FAF] =	sst s1  }
0xa: {  	[smem:$0x3FB0] =	sst s2  }
0xb: {  	[smem:$0x3FB1] =	sst s3  }
0xc: {  	[smem:$0x3FB2] =	sst s4  }
0xd: {  	[smem:$0x3FB3] =	sst s5  }
0xe: {  	[smem:$0x3FB4] =	sst s6  }
0xf: {  	[smem:$0x3FB5] =	sst s7  }
0x10: {  	[smem:$0x3FB6] =	sst s8  }
0x11: {  	[smem:$0x3FB7] =	sst s9;
	s0 =	simm.s32 @!p0 $0x0  }
0x12: {  	s1 =	sld [smem:$0x3F9D];
	s0 =	simm.s32 @p0 $0x1  }
0x13: {  	[smem:$0x3FB8] =	sst s0;
	s0 =	simm.s32 @!p1 $0x0  }
0x14: {  	s2 =	sld [smem:$0x3F9C];
	s0 =	simm.s32 @p1 $0x1  }
0x15: {  	[smem:$0x3FB9] =	sst s0;
	s0 =	simm.s32 @!p2 $0x0  }
0x16: {  	s3 =	sld [smem:$0x3FDB];
	s0 =	simm.s32 @p2 $0x1  }
0x17: {  	s4 =	simm.s32 $0x1BF5;
	[smem:$0x3FBB] =	sst s0  }
0x18: {  	s0 =	sld [smem:$0x3F9E];
	_ =	swait.ge [sflag:s4], $0x0  }
0x19: {  	s7 =	sld [smem:$0x3F9F]  }
0x1a: {  	s8 =	sadd.s32 $0xFFFFE003, lr  }
0x1b: {  	s9 =	sadd.s32 $0xFFFFFEF7, lr;
	s5 =	simm.s32 $0xFFFFFFFF;
	p2 =	slt.u32 s8, $0xFFFFF086  }
0x1c: {  	p1 =	slt.u32 s9, $0xF7A;
	s5 =	simm.s32 @!p2 $0x0  }
0x1d: {  	s5 =	simm.s32 @p1 $0x1;
	p0 =	seq.s32 s7, s2  }
0x1e: {  	s7 =	smul.u32 @!p0 $0xF7A, s2;
	p2 =	seq.s32 @!p0 s5, $0x0  }
0x1f: {  	s9 =	smul.u32 $0xF7A, s1;
	s8 =	simm.s32 @!p0 $0x1BF5;
	p2 =	por !p2, p0  }
0x20: {  	[sflag:s8] =	ssyncset.s32 @!p0 $0xFFFFF086;
	s6 =	sadd.s32 @!p0 s3, s7;
	s7 =	simm.s32 @!p0 $0x108  }
0x21: {  	s3 =	sadd.s32 s3, s9;
	s6 =	sadd.s32 @!p0 $0x88, s6;
	s7 =	simm.s32 @p2 $0x1082  }
0x22: {  	[simem:s7], [sflag:s8] =	dma.local @!p0 [hbm:s6], $0xF7A  }
0x23: {  	s9 =	sor.u32 $0xD0000000, s2;
	s6 =	simm.s32 $0x108;
	_ =	swait.ge @!p0 [sflag:s8], $0x0  }
0x24: {  	s3 =	sadd.s32 $0x88, s3;
	s6 =	simm.s32 @!p1 $0x1082;
	[sflag:s4] =	ssyncset.s32 $0xFFFFF086  }
0x25: {  	[simem:s6], [sflag:s4] =	dma.local [hbm:s3], $0xF7A  }
0x26: {  	[smem:$0x3F9F] =	sst s1;
	(tag) =	ssettag s2;
	_ =	strace s9  }
0x27: {  	s1 =	sld [smem:$0x3FAF]  }
0x28: {  	s2 =	sld [smem:$0x3FB0]  }
0x29: {  	s4 =	sld [smem:$0x3FB2]  }
0x2a: {  	p0 =	seq.s32 s5, $0x0;
	s5 =	sld [smem:$0x3FB3]  }
0x2b: {  	s6 =	sld [smem:$0x3FB4]  }
0x2c: {  	s7 =	sld [smem:$0x3FB5]  }
0x2d: {  	s3 =	simm.s32 $0x108;
	s8 =	sld [smem:$0x3FB6]  }
0x2e: {  	s3 =	simm.s32 @!p0 $0x1082;
	s9 =	sld [smem:$0x3FB7]  }
0x2f: {  	lr =	sadd.s32 s0, s3;
	s0 =	sld [smem:$0x3FAE]  }
0x30: {  	s3 =	sld [smem:$0x3FB1]  }
0x31: {  	[smem:$0x3FBA] =	sst s10  }
0x32: {  	s10 =	sld [smem:$0x3FB8];
	_ =	sdelay $0x3  }
0x33: {  	p0 =	seq.s32 s10, $0x1;
	s10 =	sld [smem:$0x3FBA];
	_ =	sdelay $0x3  }
0x34: {  	[smem:$0x3FBA] =	sst s10  }
0x35: {  	s10 =	sld [smem:$0x3FB9];
	_ =	sdelay $0x3  }
0x36: {  	p1 =	seq.s32 s10, $0x1;
	s10 =	sld [smem:$0x3FBA];
	_ =	sdelay $0x3  }
0x37: {  	[smem:$0x3FBA] =	sst s10  }
0x38: {  	s10 =	sld [smem:$0x3FBB]  }
0x39: {  	_ = 	snop;
	(pc) =	sbr.ind lr, $3  }
0x3a: {  	_ = 	snop  }
0x3b: {  	_ = 	snop  }
0x3c: {  	p2 =	seq.s32 s10, $0x1;
	s10 =	sld [smem:$0x3FBA]  }
0x3d: {  	_ =	shalt  }
0x3e: {  	_ =	shalt  }
0x3f: {  	_ =	shalt  }
0x40: {  	_ =	shalt  }
0x41: {  	_ =	shalt  }
0x42: {  	_ =	shalt  }
0x43: {  	_ =	shalt  }
0x44: {  	_ =	shalt  }
0x45: {  	_ =	shalt  }
0x46: {  	_ =	shalt  }
0x47: {  	_ =	shalt  }
0x48: {  	_ =	shalt  }
0x49: {  	_ =	shalt  }
0x4a: {  	_ =	shalt  }
0x4b: {  	_ =	shalt  }
0x4c: {  	_ =	shalt  }
0x4d: {  	_ =	shalt  }
0x4e: {  	_ =	shalt  }
0x4f: {  	_ =	shalt  }
0x50: {  	_ =	shalt  }
0x51: {  	_ =	shalt  }
0x52: {  	_ =	shalt  }
0x53: {  	_ =	shalt  }
0x54: {  	_ =	shalt  }
0x55: {  	_ =	shalt  }
0x56: {  	_ =	shalt  }
0x57: {  	_ =	shalt  }
0x58: {  	_ =	shalt  }
0x59: {  	_ =	shalt  }
0x5a: {  	_ =	shalt  }
0x5b: {  	_ =	shalt  }
0x5c: {  	_ =	shalt  }
0x5d: {  	_ =	shalt  }
0x5e: {  	_ =	shalt  }
0x5f: {  	_ =	shalt  }
0x60: {  	_ =	shalt  }
0x61: {  	_ =	shalt  }
0x62: {  	_ =	shalt  }
0x63: {  	_ =	shalt  }
0x64: {  	_ =	shalt  }
0x65: {  	_ =	shalt  }
0x66: {  	_ =	shalt  }
0x67: {  	_ =	shalt  }
0x68: {  	_ =	shalt  }
0x69: {  	_ =	shalt  }
0x6a: {  	_ =	shalt  }
0x6b: {  	_ =	shalt  }
0x6c: {  	_ =	shalt  }
0x6d: {  	_ =	shalt  }
0x6e: {  	_ =	shalt  }
0x6f: {  	_ =	shalt  }
0x70: {  	_ =	shalt  }
0x71: {  	_ =	shalt  }
0x72: {  	_ =	shalt  }
0x73: {  	_ =	shalt  }
0x74: {  	_ =	shalt  }
0x75: {  	_ =	shalt  }
0x76: {  	_ =	shalt  }
0x77: {  	_ =	shalt  }
0x78: {  	_ =	shalt  }
0x79: {  	_ =	shalt  }
0x7a: {  	_ =	shalt  }
0x7b: {  	_ =	shalt  }
0x7c: {  	_ =	shalt  }
0x7d: {  	_ =	shalt  }
0x7e: {  	_ =	shalt  }
0x7f: {  	_ =	shalt  }
0x80: {  	_ =	shalt  }
0x81: {  	_ =	shalt  }
0x82: {  	_ =	shalt  }
0x83: {  	_ =	shalt  }
0x84: {  	_ =	shalt  }
0x85: {  	_ =	shalt  }
0x86: {  	_ =	shalt  }
0x87: {  	_ =	shalt  }
.Lfunc_end0:
.L_simem_size_0:
called_computation_lowered:
.L_overlay_start_0:
0x88: {  	s2 =	sld [smem:$0x3FD9]  }
0x89: {  	s3 =	sld [smem:$0x3FFE];
	_ =	sdelay $0x1  }
0x8a: {  	s1 =	srdreg.scid  }
0x8b: {  	s0 =	sand.u32 $0x1, s1  }
0x8c: {  	s17 =	sshll.u32 s0, $0xA;
	s2 =	sadd.s32 s3, s2  }
0x8d: {  	s2 =	sadd.s32 s2, s17  }
0x8e: {  	[smem:$0x3FC6] =	sst s2  }
0x8f: {  	_ = 	snop  }
0x90: {  	s2 =	sld [smem:$0x3FC8]  }
0x91: {  	s18 =	sld [smem:$0x3FD0];
	(tm) =	ssettm $0x1  }
0x92: {  	s4 =	sld [smem:$0x3FFB];
	_ =	sdelay $0x3  }
0x93: {  	_ =	strace s4  }
0x94: {  	s4 =	sld [smem:$0x3FFC];
	_ =	sdelay $0x3  }
0x95: {  	_ =	strace s4  }
0x96: {  	s4 =	sld [smem:$0x3FFD];
	_ =	sdelay $0x3  }
0x97: {  	_ =	strace s4  }
0x98: {  	_ =	strace $0x8FFFFFFF  }
0x99: {  	s19 =	sld [smem:$0x3FDB];
	_ =	sdelay $0x1  }
0x9a: {  	s5 =	simm.s32 $_scs_section_size  }
0x9b: {  	s6 =	simm.s32 $_size__tile_overlayer_lowered;
	s7 =	simm.s32 $_tile_overlayer_lowered  }
0x9c: {  	s22 =	simm.s32 $0x1BFF;
	s21 =	sshll.u32 s7, $0x1;
	s4 =	sadd.s32 s5, s19  }
0x9d: {  	s8 =	simm.s32 $0x0;
	s20 =	sshll.u32 s6, $0x1;
	s6 =	sadd.s32 s21, s4  }
0x9e: {  	[timem:s8], [sflag:s22] =	dma.local [hbm:s6], s20  }
0x9f: {  	_ =	swait.ge [sflag:s22], s20  }
0xa0: {  	s5 =	ssub.s32 $0x0, s20;
	[sflag:s22] =	ssyncset.done $0x0  }
0xa1: {  	[sflag:s22] =	ssyncadd.s32 s5;
	_ =	sdelay $0x1  }
0xa2: {  	s23 =	simm.s32 $0x1B8B  }
0xa3: {  	_ =	swait.ge [sflag:s23], $0x1  }
0xa4: {  	[sflag:s23] =	ssyncset.done $0x0  }
0xa5: {  	s25 =	simm.s32 $0x1B8E;
	s24 =	sld [smem:$0x3FFE];
	[sflag:s23] =	ssyncadd.s32 $0xFFFFFFFF  }
0xa6: {  	s26 =	simm.s32 $execute0_lowered;
	[smem:$0x3FD2] =	sst s25  }
0xa7: {  	s6 =	sshll.u32 s26, $0x1;
	_ =	strace $0x80000046;
	[dreg:$0x1] =	wrdreg $0xFFFFFFFF  }
0xa8: {  	s28 =	simm.s32 $_size_execute0_lowered;
	s4 =	sadd.s32 s4, s6;
	[dreg:$0x0] =	wrdreg $0x0  }
0xa9: {  	s6 =	sshll.u32 s28, $0x1;
	[dreg:$0x2] =	wrdreg s4  }
0xaa: {  	[dreg:$0x3] =	wrdreg s6  }
0xab: {  	[dreg:$0x4] =	wrdreg $0xC0  }
0xac: {  	_ =	task [dreg:s8], $0x5FFFF  }
0xad: {  	[dreg:$0x1] =	wrdreg $0xFFFFFFFF  }
0xae: {  	[dreg:$0x0] =	wrdreg $0x60  }
0xaf: {  	[dreg:$0x2] =	wrdreg s18  }
0xb0: {  	[dreg:$0x3] =	wrdreg s2  }
0xb1: {  	[dreg:$0x4] =	wrdreg s24  }
0xb2: {  	[dreg:$0x5] =	wrdreg $0x9  }
0xb3: {  	_ =	task.clear_ibuf [dreg:s8], $0x6FFFF;
	_ =	strace $0x90000046  }
0xb4: {  	s29 =	simm.s32 $0x9;
	_ =	strace $0x80000048  }
0xb5: {  	_ =	swait.ge [sflag:s29], $0x1  }
0xb6: {  	[sflag:s29] =	ssyncadd.s32 $0xFFFFFFFF  }
0xb7: {  	_ =	strace $0x90000048  }
0xb8: {  	_ =	sfence  }
0xb9: {  	s30 =	sld [smem:$0x0];
	_ =	sdelay $0x2  }
0xba: {  	s31 =	sshll.u32 s1, $0xD;
	s1 =	sshrl.u32 s1, $0x2  }
0xbb: {  	s3 =	sand.u32 $0x4000, s31;
	s1 =	sadd.s32 s1, s30  }
0xbc: {  	s0 =	sor.u32 s3, s0;
	s1 =	sshll.u32 s1, $0x11  }
0xbd: {  	s0 =	sor.u32 s1, s0  }
0xbe: {  	s0 =	sadd.s32 $0x8F2B, s0  }
0xbf: {  	[sflag:s0] =	ssyncadd.remote.s32 $0x1  }
0xc0: {  	_ =	sfence.sel $0xFFFF  }
0xc1: {  	[dreg:$0x0] =	wrdreg $0xFFFFFFFF;
	(pc) =	sbr.abs _section_cstart, $3  }
0xc2: {  	[dreg:$0x1] =	wrdreg $0xFFFFFFFF  }
0xc3: {  	_ =	task.clear_ibuf [dreg:s8], $0x2FFFF;
	_ =	strace $0x9FFFFFFF  }
0xc4: {  	(tm) =	ssettm $0x7FFFFFFF  }
0xc5: {  	_ =	shalt  }
tec
execute0_lowered:
.L_overlay_start_1:
0x0: {  	(tag) =	ssettag $0x1  }
0x1: {  	v0 =	vimm.s32 $0x2380;
	vm0 =	vcmask $0x300  }
0x2: {  	vm14 =	vcmask $0x704;
	s0 =	rddreg [dreg:$0x0];
	s2 =	srdreg.scid;
	v0 =	vsel vm0, $0x0, v0  }
0x3: {  	vm15 =	vcmask $0xB08;
	s1 =	rddreg [dreg:$0x2];
	s3 =	stileid.u32;
	s2 =	sand.u32 $0x1, s2;
	v0 =	vsel vm14, $0x80, v0  }
0x4: {  	vm4 =	vcmask $0xF0C;
	s6 =	simm.s32 $0x0;
	s3 =	sshll.u32 s3, $0x8;
	s4 =	sshll.u32 s2, $0x7;
	v0 =	vsel vm15, $0x100, v0  }
0x5: {  	vm5 =	vcmask $0x1310;
	[smem:$0x7FF] =	sst s6;
	s2 =	ssub.s32 $0x2, s2;
	s3 =	sor.u32 s4, s3;
	v0 =	vsel vm4, $0x180, v0  }
0x6: {  	vm6 =	vcmask $0x1714;
	s5 =	sshrl.u32 s2, $0x1;
	s4 =	sshll.u32 s3, $0x7;
	s3 =	sshll.u32 s3, $0x5;
	v0 =	vsel vm5, $0x200, v0  }
0x7: {  	vm7 =	vcmask $0x1B18;
	_ =	strace $0x80000047;
	s2 =	ssub.s32 s2, s5;
	s0 =	sadd.s32 s0, s3;
	v0 =	vsel vm6, $0x280, v0  }
0x8: {  	vm8 =	vcmask $0x1F1C;
	s1 =	sadd.s32 s4, s1;
	s31 =	smax.u32 s2, $0x1;
	[dreg:$0x15] =	wrdreg s0;
	v0 =	vsel vm7, $0x300, v0  }
0x9: {  	vm9 =	vcmask $0x2320;
	s22 =	sadd.s32 $0x400, s1;
	[dreg:$0x1e] =	wrdreg s31;
	v0 =	vsel vm8, $0x380, v0  }
0xa: {  	vm10 =	vcmask $0x2724;
	s23 =	sadd.s32 $0xC00, s1;
	[dreg:$0x16] =	wrdreg s22;
	v0 =	vsel vm9, $0x2000, v0  }
0xb: {  	vm11 =	vcmask $0x2B28;
	s24 =	sadd.s32 $0x1400, s1;
	[dreg:$0x17] =	wrdreg s23;
	v0 =	vsel vm10, $0x2080, v0  }
0xc: {  	vm12 =	vcmask $0x2F2C;
	s25 =	sadd.s32 $0x1C00, s1;
	[dreg:$0x18] =	wrdreg s24;
	v0 =	vsel vm11, $0x2100, v0  }
0xd: {  	v1 =	vlaneseq.u32;
	vm13 =	vcmask $0x3330;
	s26 =	sadd.s32 $0x2400, s1;
	[dreg:$0x19] =	wrdreg s25;
	v2 =	vsel vm12, $0x2180, v0  }
0xe: {  	vm14 =	vcmask $0x3734;
	s28 =	sadd.s32 $0x2C00, s1;
	[dreg:$0x1a] =	wrdreg s26;
	v0 =	vmul.u32 $0xC8, v1;
	v1 =	vsel vm13, $0x2200, v2  }
0xf: {  	vm15 =	vcmask $0x3B38;
	s29 =	sadd.s32 $0x3400, s1;
	[dreg:$0x1b] =	wrdreg s28;
	v2 =	vsel vm14, $0x2280, v1  }
0x10: {  	s30 =	sadd.s32 $0x3C00, s1;
	[dreg:$0x1c] =	wrdreg s29;
	v1 =	vimm.f32 $0.0e+00;
	v3 =	vadd.s32 $0xC80, v0;
	v4 =	vadd.s32 $0x1900, v0  }
0x11: {  	s13 =	simm.s32 $0xE400;
	s1 =	simm.s32 $0x0;
	[dreg:$0x1d] =	wrdreg s30;
	v5 =	vadd.s32 $0x2580, v0;
	v6 =	vadd.s32 $0x3200, v0;
	v2 =	vsel vm15, $0x2300, v2  }
.LBB2_1:
0x12: {  	[dreg:$0x1f] =	wrdreg s1  }
0x13: {  	s0 =	rddreg [dreg:$0x15]  }
0x14: {  	[tilespmem:s6], [sflag:$0x4] =	stream.linear.gather [hbm4b:s0+s6], $0x8000, $0x38;
	[tilespmem:$0x1A800] =	vst v63  }
0x15: {  	s29 =	rddreg [dreg:$0x1];
	s2 =	simm.s32 $0x5  }
0x16: {  	[tilespmem:s13], [sflag:$0x5] =	stream.linear.gather [hbm4b:s29+s6], $0x400, $0x38;
	[tilespmem:$0x1A800] =	vst v63  }
0x17: {  	_ =	swait.ge [sflag:s2], $0x400  }
0x18: {  	s30 =	sand.u32 $0x70, s6;
	s31 =	sand.u32 $0x1C00, s6;
	[sflag:s2] =	ssyncset.done $0x0  }
0x19: {  	s0 =	sor.u32 s30, s31;
	[sflag:s2] =	ssyncadd.s32 $0xFFFFFC00  }
0x1a: {  	[tilespmem:s0+$0xE880] =	vst v1  }
0x1b: {  	[tilespmem:s0+$0xE900] =	vst v1  }
0x1c: {  	[tilespmem:s0+$0xE980] =	vst v1  }
0x1d: {  	[tilespmem:s0+$0xEA00] =	vst v1  }
0x1e: {  	[tilespmem:s0+$0xEA80] =	vst v1  }
0x1f: {  	s3 =	sor.u32 s6, s6;
	s1 =	simm.s32 $0x10;
	s2 =	simm.s32 $0x0;
	[tilespmem:s0+$0xEB00] =	vst v1  }
.LBB2_2:
0x20: {  	p0 =	sne.s32 s1, $0x3D0;
	[tilespmem:s0+$0xE800] =	vst v1;
	s3 =	sor.u32 $0x380, s3  }
0x21: {  	[tilespmem:s3+$0xE800] =	vst v1  }
0x22: {  	[tilespmem:s0+$0x10800] =	vst v1  }
0x23: {  	[tilespmem:s0+$0x10880] =	vst v1  }
0x24: {  	[tilespmem:s0+$0x10900] =	vst v1  }
0x25: {  	[tilespmem:s0+$0x10980] =	vst v1  }
0x26: {  	[tilespmem:s0+$0x10A00] =	vst v1  }
0x27: {  	[tilespmem:s0+$0x10A80] =	vst v1  }
0x28: {  	[tilespmem:s0+$0x10B00] =	vst v1  }
0x29: {  	[tilespmem:s0+$0x10B80] =	vst v1  }
0x2a: {  	[tilespmem:s0+$0x12800] =	vst v1  }
0x2b: {  	[tilespmem:s0+$0x12880] =	vst v1  }
0x2c: {  	[tilespmem:s0+$0x12900] =	vst v1  }
0x2d: {  	[tilespmem:s0+$0x12980] =	vst v1  }
0x2e: {  	[tilespmem:s0+$0x12A00] =	vst v1  }
0x2f: {  	[tilespmem:s0+$0x12A80] =	vst v1  }
0x30: {  	[tilespmem:s0+$0x12B00] =	vst v1  }
0x31: {  	[tilespmem:s0+$0x12B80] =	vst v1  }
0x32: {  	[tilespmem:s0+$0x14800] =	vst v1  }
0x33: {  	[tilespmem:s0+$0x14880] =	vst v1  }
0x34: {  	[tilespmem:s0+$0x14900] =	vst v1  }
0x35: {  	[tilespmem:s0+$0x14980] =	vst v1  }
0x36: {  	[tilespmem:s0+$0x14A00] =	vst v1  }
0x37: {  	[tilespmem:s0+$0x14A80] =	vst v1  }
0x38: {  	[tilespmem:s0+$0x14B00] =	vst v1  }
0x39: {  	[tilespmem:s0+$0x14B80] =	vst v1  }
0x3a: {  	[tilespmem:s0+$0x16800] =	vst v1  }
0x3b: {  	[tilespmem:s0+$0x16880] =	vst v1  }
0x3c: {  	[tilespmem:s0+$0x16900] =	vst v1  }
0x3d: {  	[tilespmem:s0+$0x16980] =	vst v1  }
0x3e: {  	[tilespmem:s0+$0x16A00] =	vst v1  }
0x3f: {  	[tilespmem:s0+$0x16A80] =	vst v1  }
0x40: {  	[tilespmem:s0+$0x16B00] =	vst v1  }
0x41: {  	[tilespmem:s0+$0x16B80] =	vst v1  }
0x42: {  	[tilespmem:s0+$0x18800] =	vst v1  }
0x43: {  	[tilespmem:s0+$0x18880] =	vst v1  }
0x44: {  	[tilespmem:s0+$0x18900] =	vst v1  }
0x45: {  	[tilespmem:s0+$0x18980] =	vst v1  }
0x46: {  	[tilespmem:s0+$0x18A00] =	vst v1  }
0x47: {  	s2 =	sadd.s32 $0x80, s2;
	[tilespmem:s0+$0x18A80] =	vst v1  }
0x48: {  	s3 =	sand.u32 $0x70, s1;
	s4 =	sand.u32 $0x1C00, s2;
	[tilespmem:s0+$0x18B00] =	vst v1  }
0x49: {  	[tilespmem:s0+$0x18B80] =	vst v1;
	s0 =	sor.u32 s3, s4  }
0x4a: {  	[tilespmem:s0+$0xE880] =	vst v1  }
.Ltmp0:
0x4b: {  	[tilespmem:s0+$0xE900] =	vst v1;
	(pc) =	sbr.rel @p0 .LBB2_2-.Ltmp0, $4  }
0x4c: {  	[tilespmem:s0+$0xE980] =	vst v1  }
0x4d: {  	[tilespmem:s0+$0xEA00] =	vst v1  }
0x4e: {  	[tilespmem:s0+$0xEA80] =	vst v1  }
0x4f: {  	s3 =	sor.u32 s2, s1;
	s1 =	sadd.s32 $0x10, s1;
	[tilespmem:s0+$0xEB00] =	vst v1  }
0x50: {  	[tilespmem:s0+$0xE800] =	vst v1;
	s1 =	sor.u32 $0x380, s3  }
0x51: {  	[tilespmem:s1+$0xE800] =	vst v1  }
0x52: {  	[tilespmem:s0+$0x10800] =	vst v1  }
0x53: {  	[tilespmem:s0+$0x10880] =	vst v1  }
0x54: {  	[tilespmem:s0+$0x10900] =	vst v1  }
0x55: {  	[tilespmem:s0+$0x10980] =	vst v1  }
0x56: {  	[tilespmem:s0+$0x10A00] =	vst v1  }
0x57: {  	[tilespmem:s0+$0x10A80] =	vst v1  }
0x58: {  	[tilespmem:s0+$0x10B00] =	vst v1  }
0x59: {  	[tilespmem:s0+$0x10B80] =	vst v1  }
0x5a: {  	[tilespmem:s0+$0x12800] =	vst v1  }
0x5b: {  	[tilespmem:s0+$0x12880] =	vst v1  }
0x5c: {  	[tilespmem:s0+$0x12900] =	vst v1  }
0x5d: {  	[tilespmem:s0+$0x12980] =	vst v1  }
0x5e: {  	[tilespmem:s0+$0x12A00] =	vst v1  }
0x5f: {  	[tilespmem:s0+$0x12A80] =	vst v1  }
0x60: {  	[tilespmem:s0+$0x12B00] =	vst v1  }
0x61: {  	[tilespmem:s0+$0x12B80] =	vst v1  }
0x62: {  	[tilespmem:s0+$0x14800] =	vst v1  }
0x63: {  	[tilespmem:s0+$0x14880] =	vst v1  }
0x64: {  	[tilespmem:s0+$0x14900] =	vst v1  }
0x65: {  	[tilespmem:s0+$0x14980] =	vst v1  }
0x66: {  	[tilespmem:s0+$0x14A00] =	vst v1  }
0x67: {  	[tilespmem:s0+$0x14A80] =	vst v1  }
0x68: {  	[tilespmem:s0+$0x14B00] =	vst v1  }
0x69: {  	[tilespmem:s0+$0x14B80] =	vst v1  }
0x6a: {  	[tilespmem:s0+$0x16800] =	vst v1  }
0x6b: {  	[tilespmem:s0+$0x16880] =	vst v1  }
0x6c: {  	[tilespmem:s0+$0x16900] =	vst v1  }
0x6d: {  	[tilespmem:s0+$0x16980] =	vst v1  }
0x6e: {  	[tilespmem:s0+$0x16A00] =	vst v1  }
0x6f: {  	[tilespmem:s0+$0x16A80] =	vst v1  }
0x70: {  	[tilespmem:s0+$0x16B00] =	vst v1  }
0x71: {  	[tilespmem:s0+$0x16B80] =	vst v1  }
0x72: {  	[tilespmem:s0+$0x18800] =	vst v1  }
0x73: {  	[tilespmem:s0+$0x18880] =	vst v1  }
0x74: {  	[tilespmem:s0+$0x18900] =	vst v1  }
0x75: {  	[tilespmem:s0+$0x18980] =	vst v1  }
0x76: {  	[tilespmem:s0+$0x18A00] =	vst v1  }
0x77: {  	[tilespmem:s0+$0x18A80] =	vst v1  }
0x78: {  	[tilespmem:s0+$0x18B00] =	vst v1  }
0x79: {  	[tilespmem:s0+$0x18B80] =	vst v1  }
0x7a: {  	[tilespmem:$0x10458] =	vst v1  }
0x7b: {  	[tilespmem:$0x104D8] =	vst v1  }
0x7c: {  	[tilespmem:$0x10558] =	vst v1  }
0x7d: {  	[tilespmem:$0x105D8] =	vst v1  }
0x7e: {  	[tilespmem:$0x10658] =	vst v1  }
0x7f: {  	[tilespmem:$0x106D8] =	vst v1  }
0x80: {  	[tilespmem:$0x10758] =	vst v1  }
0x81: {  	[tilespmem:$0x107D8] =	vst v1  }
0x82: {  	[tilespmem:$0x12458] =	vst v1  }
0x83: {  	[tilespmem:$0x124D8] =	vst v1  }
0x84: {  	[tilespmem:$0x12558] =	vst v1  }
0x85: {  	[tilespmem:$0x125D8] =	vst v1  }
0x86: {  	[tilespmem:$0x12658] =	vst v1  }
0x87: {  	[tilespmem:$0x126D8] =	vst v1  }
0x88: {  	[tilespmem:$0x12758] =	vst v1  }
0x89: {  	[tilespmem:$0x127D8] =	vst v1  }
0x8a: {  	[tilespmem:$0x14458] =	vst v1  }
0x8b: {  	[tilespmem:$0x144D8] =	vst v1  }
0x8c: {  	[tilespmem:$0x14558] =	vst v1  }
0x8d: {  	[tilespmem:$0x145D8] =	vst v1  }
0x8e: {  	[tilespmem:$0x14658] =	vst v1  }
0x8f: {  	[tilespmem:$0x146D8] =	vst v1  }
0x90: {  	[tilespmem:$0x14758] =	vst v1  }
0x91: {  	[tilespmem:$0x147D8] =	vst v1  }
0x92: {  	[tilespmem:$0x16458] =	vst v1  }
0x93: {  	[tilespmem:$0x164D8] =	vst v1  }
0x94: {  	[tilespmem:$0x16558] =	vst v1  }
0x95: {  	[tilespmem:$0x165D8] =	vst v1  }
0x96: {  	[tilespmem:$0x16658] =	vst v1  }
0x97: {  	[tilespmem:$0x166D8] =	vst v1  }
0x98: {  	[tilespmem:$0x16758] =	vst v1  }
0x99: {  	[tilespmem:$0x167D8] =	vst v1  }
0x9a: {  	[tilespmem:$0x18458] =	vst v1  }
0x9b: {  	[tilespmem:$0x184D8] =	vst v1  }
0x9c: {  	[tilespmem:$0x18558] =	vst v1  }
0x9d: {  	[tilespmem:$0x185D8] =	vst v1  }
0x9e: {  	[tilespmem:$0x18658] =	vst v1  }
0x9f: {  	[tilespmem:$0x186D8] =	vst v1  }
0xa0: {  	[tilespmem:$0x18758] =	vst v1  }
0xa1: {  	[tilespmem:$0x187D8] =	vst v1  }
0xa2: {  	[tilespmem:$0x1A458] =	vst v1  }
0xa3: {  	[tilespmem:$0x1A4D8] =	vst v1  }
0xa4: {  	[tilespmem:$0x1A558] =	vst v1  }
0xa5: {  	[tilespmem:$0x1A5D8] =	vst v1  }
0xa6: {  	[tilespmem:$0x1A658] =	vst v1  }
0xa7: {  	[tilespmem:$0x1A6D8] =	vst v1  }
0xa8: {  	[tilespmem:$0x1A758] =	vst v1  }
0xa9: {  	s16 =	simm.s32 $0x4;
	s5 =	simm.s32 $0x0;
	[tilespmem:$0x1A7D8] =	vst v1  }
0xaa: {  	s17 =	simm.s32 $0x100;
	s18 =	simm.s32 $0x0;
	_ =	swait.ge [sflag:s16], $0x8000  }
0xab: {  	s4 =	sand.u32 $0x7800, s5;
	s0 =	sand.u32 $0x300, s17;
	[sflag:s16] =	ssyncset.done $0x0  }
0xac: {  	s20 =	sand.u32 $0x200, s18;
	s19 =	sor.u32 s0, s4;
	[sflag:s16] =	ssyncadd.s32 $0xFFFF8000  }
0xad: {  	s21 =	simm.s32 $0x80;
	s2 =	sor.u32 s20, s4;
	v7 =	vld [tilespmem:s19+$0x0]  }
0xae: {  	s1 =	sand.u32 $0x280, s21;
	v8 =	vld [tilespmem:s2+$0x0]  }
0xaf: {  	s22 =	simm.s32 $0x180;
	s1 =	sor.u32 s1, s4  }
0xb0: {  	s0 =	sand.u32 $0x380, s22;
	v9 =	vld [tilespmem:s1+$0x0]  }
0xb1: {  	s0 =	sor.u32 s0, s4;
	s16 =	simm.s32 $0x8190  }
0xb2: {  	[tilespmem:s16+$0x0] =	vst v7;
	v7 =	vld [tilespmem:s0+$0x0]  }
0xb3: {  	[tilespmem:s16+$0xFFFFFE70] =	vst v8;
	v10 =	vld [tilespmem:s19+$0x10]  }
0xb4: {  	v8 =	vld [tilespmem:s2+$0x10]  }
0xb5: {  	[tilespmem:s16+$0xFFFFFF38] =	vst v9  }
0xb6: {  	v9 =	vld [tilespmem:s1+$0x10]  }
0xb7: {  	[tilespmem:s16+$0xC8] =	vst v7  }
0xb8: {  	s23 =	sand.u32 $0x3, s5;
	[tilespmem:s16+$0x10] =	vst v10;
	v7 =	vld [tilespmem:s0+$0x10]  }
0xb9: {  	s11 =	simm.s32 $0x280;
	s5 =	sand.u32 $0x7, s5;
	s4 =	sshll.u32 s23, $0x8;
	[tilespmem:s16+$0xFFFFFE80] =	vst v8;
	v10 =	vld [tilespmem:s19+$0x20]  }
0xba: {  	s25 =	sshll.u32 s5, $0x7;
	s5 =	simm.s32 $0x400;
	s4 =	sadd.s32 $0x0, s4;
	v8 =	vld [tilespmem:s2+$0x20]  }
0xbb: {  	s8 =	sand.u32 $0x7800, s5;
	s7 =	sadd.s32 $0x100, s4;
	s4 =	sand.u32 $0x280, s11;
	[tilespmem:s16+$0xFFFFFF48] =	vst v9  }
0xbc: {  	s4 =	sor.u32 s4, s8;
	v9 =	vld [tilespmem:s1+$0x20]  }
0xbd: {  	v13 =	vld [tilespmem:s4+$0x0];
	[tilespmem:s16+$0xD8] =	vst v7  }
0xbe: {  	[tilespmem:s16+$0x20] =	vst v10;
	v7 =	vld [tilespmem:s0+$0x20]  }
0xbf: {  	[tilespmem:s16+$0xFFFFFE90] =	vst v8;
	v10 =	vld [tilespmem:s19+$0x30]  }
0xc0: {  	v8 =	vld [tilespmem:s2+$0x30]  }
0xc1: {  	s28 =	simm.s32 $0x84B0;
	[tilespmem:s16+$0xFFFFFF58] =	vst v9  }
0xc2: {  	[tilespmem:s28+$0xFFFFFF38] =	vst v13;
	v9 =	vld [tilespmem:s1+$0x30]  }
0xc3: {  	v13 =	vld [tilespmem:s4+$0x10];
	[tilespmem:s16+$0xE8] =	vst v7  }
0xc4: {  	[tilespmem:s16+$0x30] =	vst v10;
	v7 =	vld [tilespmem:s0+$0x30]  }
0xc5: {  	[tilespmem:s16+$0xFFFFFEA0] =	vst v8;
	v10 =	vld [tilespmem:s19+$0x40]  }
0xc6: {  	v8 =	vld [tilespmem:s2+$0x40]  }
0xc7: {  	[tilespmem:s16+$0xFFFFFF68] =	vst v9  }
0xc8: {  	[tilespmem:s28+$0xFFFFFF48] =	vst v13;
	v9 =	vld [tilespmem:s1+$0x40]  }
0xc9: {  	v13 =	vld [tilespmem:s4+$0x20];
	[tilespmem:s16+$0xF8] =	vst v7  }
0xca: {  	[tilespmem:s16+$0x40] =	vst v10;
	v7 =	vld [tilespmem:s0+$0x40]  }
0xcb: {  	[tilespmem:s16+$0xFFFFFEB0] =	vst v8;
	v10 =	vld [tilespmem:s19+$0x50]  }
0xcc: {  	v8 =	vld [tilespmem:s2+$0x50]  }
0xcd: {  	[tilespmem:s16+$0xFFFFFF78] =	vst v9  }
0xce: {  	[tilespmem:s28+$0xFFFFFF58] =	vst v13;
	v9 =	vld [tilespmem:s1+$0x50]  }
0xcf: {  	v13 =	vld [tilespmem:s4+$0x30];
	[tilespmem:s16+$0x108] =	vst v7  }
0xd0: {  	[tilespmem:s16+$0x50] =	vst v10;
	v7 =	vld [tilespmem:s0+$0x50]  }
0xd1: {  	[tilespmem:s16+$0xFFFFFEC0] =	vst v8;
	v10 =	vld [tilespmem:s19+$0x60]  }
0xd2: {  	v8 =	vld [tilespmem:s2+$0x60]  }
0xd3: {  	[tilespmem:s16+$0xFFFFFF88] =	vst v9  }
0xd4: {  	[tilespmem:s28+$0xFFFFFF68] =	vst v13;
	v9 =	vld [tilespmem:s1+$0x60]  }
0xd5: {  	v13 =	vld [tilespmem:s4+$0x40];
	[tilespmem:s16+$0x118] =	vst v7  }
0xd6: {  	[tilespmem:s16+$0x60] =	vst v10;
	v7 =	vld [tilespmem:s0+$0x60]  }
0xd7: {  	[tilespmem:s16+$0xFFFFFED0] =	vst v8;
	v10 =	vld [tilespmem:s19+$0x70]  }
0xd8: {  	v8 =	vld [tilespmem:s2+$0x70]  }
0xd9: {  	[tilespmem:s16+$0xFFFFFF98] =	vst v9  }
0xda: {  	p0 =	por $0x0, $0x0;
	s3 =	simm.s32 $0x1;
	s26 =	simm.s32 $0x300;
	[tilespmem:s28+$0xFFFFFF78] =	vst v13;
	v9 =	vld [tilespmem:s1+$0x70]  }
0xdb: {  	s3 =	simm.s32 @!p0 $0x0;
	v13 =	vld [tilespmem:s4+$0x50];
	s1 =	sand.u32 $0x300, s26;
	[tilespmem:s16+$0x128] =	vst v7  }
0xdc: {  	s24 =	sshll.u32 s3, $0x9;
	s5 =	sor.u32 s1, s8;
	[tilespmem:s16+$0x70] =	vst v10;
	v7 =	vld [tilespmem:s0+$0x70]  }
0xdd: {  	s3 =	sadd.s32 $0x0, s25;
	s6 =	sor.u32 $0x400, s7;
	s0 =	sadd.s32 $0x0, s24;
	[tilespmem:s16+$0xFFFFFEE0] =	vst v8;
	v8 =	vld [tilespmem:s5+$0x0]  }
0xde: {  	s9 =	simm.s32 $0x200;
	s1 =	sadd.s32 $0x80, s3;
	v10 =	vld [tilespmem:s6+$0x0];
	s2 =	sor.u32 $0x400, s0  }
0xdf: {  	s10 =	sand.u32 $0x200, s9;
	s9 =	simm.s32 $0x380;
	[tilespmem:s16+$0xFFFFFFA8] =	vst v9;
	s6 =	sor.u32 $0x400, s1;
	v11 =	vld [tilespmem:s2+$0x0]  }
0xe0: {  	s12 =	sand.u32 $0x380, s9;
	v9 =	vld [tilespmem:s6+$0x0];
	s6 =	sor.u32 s10, s8  }
0xe1: {  	s13 =	simm.s32 $0x190;
	[tilespmem:s28+$0xFFFFFF88] =	vst v13;
	s2 =	sor.u32 s12, s8;
	v12 =	vld [tilespmem:s6+$0x0]  }
0xe2: {  	s14 =	sand.u32 $0x7FF0, s13;
	[tilespmem:s28+$0x0] =	vst v8;
	v8 =	vld [tilespmem:s2+$0x0]  }
0xe3: {  	s15 =	sor.u32 $0x410, s7;
	[tilespmem:s14+$0x8080] =	vst v10;
	v10 =	vld [tilespmem:s5+$0x10]  }
0xe4: {  	[tilespmem:s16+$0x138] =	vst v7;
	v7 =	vld [tilespmem:s15+$0x0]  }
0xe5: {  	v13 =	vld [tilespmem:s4+$0x60]  }
0xe6: {  	[tilespmem:s28+$0xFFFFFE70] =	vst v12  }
0xe7: {  	v12 =	vld [tilespmem:s6+$0x10];
	[tilespmem:s28+$0xC8] =	vst v8  }
0xe8: {  	[tilespmem:s28+$0x10] =	vst v10  }
0xe9: {  	[tilespmem:s16+$0x90] =	vst v7;
	v7 =	vld [tilespmem:s5+$0x20]  }
0xea: {  	[tilespmem:s28+$0xFFFFFF98] =	vst v13;
	v8 =	vld [tilespmem:s2+$0x10]  }
0xeb: {  	v13 =	vld [tilespmem:s4+$0x70]  }
0xec: {  	[tilespmem:s28+$0xFFFFFE80] =	vst v12  }
0xed: {  	v12 =	vld [tilespmem:s6+$0x20]  }
0xee: {  	[tilespmem:s28+$0x20] =	vst v7  }
0xef: {  	s18 =	simm.s32 $0x0;
	s3 =	sadd.s32 $0x180, s3;
	[tilespmem:s28+$0xD8] =	vst v8;
	v8 =	vld [tilespmem:s5+$0x30]  }
0xf0: {  	s17 =	sor.u32 $0x400, s3;
	[tilespmem:s28+$0xFFFFFFA8] =	vst v13;
	s8 =	sand.u32 $0x7FE0, s18;
	v7 =	vld [tilespmem:s2+$0x20]  }
0xf1: {  	s20 =	simm.s32 $0xC8;
	s10 =	sor.u32 $0x410, s0;
	v14 =	vld [tilespmem:s17+$0x0];
	[tilespmem:s8+$0x8080] =	vst v11  }
0xf2: {  	s8 =	sand.u32 $0x7FE8, s20;
	v11 =	vld [tilespmem:s10+$0x0];
	[tilespmem:s28+$0xFFFFFE90] =	vst v12  }
0xf3: {  	s22 =	sor.u32 $0x410, s1;
	[tilespmem:s8+$0x8080] =	vst v9;
	v12 =	vld [tilespmem:s6+$0x30]  }
0xf4: {  	s23 =	simm.s32 $0x258;
	v9 =	vld [tilespmem:s22+$0x0];
	[tilespmem:s28+$0x30] =	vst v8  }
0xf5: {  	s8 =	sand.u32 $0x7FF8, s23;
	[tilespmem:s28+$0xE8] =	vst v7;
	v8 =	vld [tilespmem:s5+$0x40]  }
0xf6: {  	s24 =	sor.u32 $0x410, s3;
	[tilespmem:s8+$0x8080] =	vst v14;
	v7 =	vld [tilespmem:s2+$0x30]  }
0xf7: {  	s19 =	sor.u32 $0x420, s7;
	v14 =	vld [tilespmem:s24+$0x0];
	[tilespmem:s16+$0xFFFFFF00] =	vst v11  }
0xf8: {  	v10 =	vld [tilespmem:s19+$0x0];
	[tilespmem:s28+$0xFFFFFEA0] =	vst v12  }
0xf9: {  	s25 =	sor.u32 $0x420, s0;
	[tilespmem:s16+$0xFFFFFFC8] =	vst v9;
	v12 =	vld [tilespmem:s6+$0x40]  }
0xfa: {  	v11 =	vld [tilespmem:s25+$0x0];
	[tilespmem:s28+$0x40] =	vst v8  }
0xfb: {  	[tilespmem:s28+$0xF8] =	vst v7;
	v8 =	vld [tilespmem:s5+$0x50]  }
0xfc: {  	s26 =	sor.u32 $0x420, s1;
	[tilespmem:s16+$0x158] =	vst v14;
	v7 =	vld [tilespmem:s2+$0x40]  }
0xfd: {  	s21 =	sor.u32 $0x430, s7;
	v9 =	vld [tilespmem:s26+$0x0];
	[tilespmem:s16+$0xA0] =	vst v10  }
0xfe: {  	v10 =	vld [tilespmem:s21+$0x0];
	[tilespmem:s28+$0xFFFFFEB0] =	vst v12  }
0xff: {  	s8 =	sor.u32 $0x420, s3;
	[tilespmem:s16+$0xFFFFFF10] =	vst v11;
	v12 =	vld [tilespmem:s6+$0x50]  }
0x100: {  	v11 =	vld [tilespmem:s8+$0x0];
	[tilespmem:s28+$0x50] =	vst v8  }
0x101: {  	[tilespmem:s28+$0x108] =	vst v7;
	v8 =	vld [tilespmem:s5+$0x60]  }
0x102: {  	s10 =	sor.u32 $0x430, s1;
	[tilespmem:s16+$0xFFFFFFD8] =	vst v9;
	v7 =	vld [tilespmem:s2+$0x50]  }
0x103: {  	s7 =	sor.u32 $0x438, s7;
	v9 =	vld [tilespmem:s10+$0x0];
	[tilespmem:s16+$0xB0] =	vst v10  }
0x104: {  	v10 =	vld [tilespmem:s7+$0x0];
	[tilespmem:s28+$0xFFFFFEC0] =	vst v12  }
0x105: {  	s9 =	sor.u32 $0x430, s0;
	[tilespmem:s16+$0x168] =	vst v11;
	v14 =	vld [tilespmem:s6+$0x60]  }
0x106: {  	v12 =	vld [tilespmem:s9+$0x0];
	[tilespmem:s28+$0x60] =	vst v8  }
0x107: {  	s31 =	simm.s32 $0x800;
	p0 =	por !p0, !p0;
	s11 =	simm.s32 $0x2;
	[tilespmem:s28+$0x118] =	vst v7;
	v8 =	vld [tilespmem:s5+$0x70]  }
0x108: {  	s12 =	sor.u32 $0x430, s3;
	s14 =	sor.u32 $0x438, s0;
	s8 =	sand.u32 $0x3, s11;
	[tilespmem:s16+$0xFFFFFFE8] =	vst v9;
	v7 =	vld [tilespmem:s2+$0x60]  }
0x109: {  	s15 =	simm.s32 $0x4;
	s1 =	sor.u32 $0x438, s1;
	s13 =	sshll.u32 s8, $0x8;
	v11 =	vld [tilespmem:s12+$0x0];
	[tilespmem:s16+$0xB8] =	vst v10  }
0x10a: {  	s20 =	simm.s32 $0x500;
	s23 =	simm.s32 $0x400;
	s7 =	sadd.s32 $0x400, s13;
	v9 =	vld [tilespmem:s1+$0x0];
	[tilespmem:s28+$0xFFFFFED0] =	vst v14  }
0x10b: {  	s19 =	sand.u32 $0x7, s15;
	s0 =	sadd.s32 $0x100, s7;
	s5 =	simm.s32 $0x1;
	[tilespmem:s16+$0xFFFFFF20] =	vst v12;
	v14 =	vld [tilespmem:s6+$0x70]  }
0x10c: {  	s26 =	simm.s32 $0x480;
	s18 =	sor.u32 $0x400, s0;
	s5 =	simm.s32 @!p0 $0x0;
	v12 =	vld [tilespmem:s14+$0x0];
	[tilespmem:s28+$0x70] =	vst v8  }
0x10d: {  	s11 =	sand.u32 $0x7800, s31;
	s17 =	sshll.u32 s5, $0x9;
	s5 =	sand.u32 $0x300, s20;
	[tilespmem:s28+$0x128] =	vst v7;
	v8 =	vld [tilespmem:s18+$0x0]  }
0x10e: {  	s25 =	simm.s32 $0x4B0;
	[tilespmem:s16+$0x178] =	vst v11;
	s9 =	sand.u32 $0x280, s26;
	s5 =	sor.u32 s5, s11;
	v7 =	vld [tilespmem:s2+$0x70]  }
0x10f: {  	[tilespmem:s16+$0xFFFFFFF0] =	vst v9;
	s7 =	sadd.s32 $0x400, s17;
	s6 =	sor.u32 s9, s11;
	v10 =	vld [tilespmem:s5+$0x0];
	s2 =	sshll.u32 s19, $0x7  }
0x110: {  	s22 =	sor.u32 $0x400, s7;
	v11 =	vld [tilespmem:s6+$0x0];
	s21 =	sadd.s32 $0x400, s2;
	s2 =	sand.u32 $0x200, s23;
	[tilespmem:s28+$0xFFFFFEE0] =	vst v14  }
0x111: {  	s1 =	sand.u32 $0x7FF0, s25;
	s19 =	sor.u32 s2, s11;
	s2 =	simm.s32 $0x580;
	[tilespmem:s16+$0xFFFFFF28] =	vst v12;
	v14 =	vld [tilespmem:s22+$0x0]  }
0x112: {  	s10 =	sor.u32 $0x410, s0;
	s12 =	sand.u32 $0x380, s2;
	[tilespmem:s1+$0x8080] =	vst v8;
	v8 =	vld [tilespmem:s19+$0x0]  }
0x113: {  	s4 =	sor.u32 s12, s11;
	[tilespmem:s28+$0x138] =	vst v7;
	s1 =	simm.s32 $0x87D0;
	v13 =	vld [tilespmem:s10+$0x0]  }
0x114: {  	s14 =	simm.s32 $0x320;
	s8 =	sadd.s32 $0x80, s21;
	v9 =	vld [tilespmem:s4+$0x0];
	[tilespmem:s1+$0x0] =	vst v10  }
0x115: {  	s24 =	sor.u32 $0x400, s8;
	s11 =	sand.u32 $0x7FE0, s14;
	[tilespmem:s1+$0xFFFFFF38] =	vst v11;
	v10 =	vld [tilespmem:s5+$0x10]  }
0x116: {  	v7 =	vld [tilespmem:s24+$0x0];
	[tilespmem:s11+$0x8080] =	vst v14  }
0x117: {  	v11 =	vld [tilespmem:s6+$0x10];
	[tilespmem:s1+$0xFFFFFE70] =	vst v8  }
0x118: {  	s13 =	sor.u32 $0x420, s0;
	[tilespmem:s28+$0x90] =	vst v13;
	v8 =	vld [tilespmem:s19+$0x10]  }
0x119: {  	s15 =	sor.u32 $0x410, s7;
	s18 =	simm.s32 $0x3E8;
	[tilespmem:s1+$0xC8] =	vst v9;
	v13 =	vld [tilespmem:s13+$0x0]  }
0x11a: {  	s11 =	sand.u32 $0x7FE8, s18;
	v14 =	vld [tilespmem:s15+$0x0];
	[tilespmem:s1+$0x10] =	vst v10  }
0x11b: {  	[tilespmem:s11+$0x8080] =	vst v7;
	v9 =	vld [tilespmem:s5+$0x20]  }
0x11c: {  	v10 =	vld [tilespmem:s4+$0x10];
	[tilespmem:s1+$0xFFFFFF48] =	vst v11  }
0x11d: {  	v11 =	vld [tilespmem:s6+$0x20];
	[tilespmem:s1+$0xFFFFFE80] =	vst v8  }
0x11e: {  	s17 =	sor.u32 $0x430, s0;
	[tilespmem:s28+$0xA0] =	vst v13;
	v8 =	vld [tilespmem:s19+$0x20]  }
0x11f: {  	s20 =	sor.u32 $0x410, s8;
	[tilespmem:s28+$0xFFFFFF00] =	vst v14;
	v13 =	vld [tilespmem:s17+$0x0]  }
0x120: {  	v15 =	vld [tilespmem:s20+$0x0];
	[tilespmem:s1+$0x20] =	vst v9  }
0x121: {  	[tilespmem:s1+$0xD8] =	vst v10;
	v9 =	vld [tilespmem:s5+$0x30]  }
0x122: {  	v10 =	vld [tilespmem:s4+$0x20];
	[tilespmem:s1+$0xFFFFFF58] =	vst v11  }
0x123: {  	v11 =	vld [tilespmem:s6+$0x30];
	[tilespmem:s1+$0xFFFFFE90] =	vst v8  }
0x124: {  	s0 =	sor.u32 $0x438, s0;
	s10 =	sadd.s32 $0x180, s21;
	[tilespmem:s28+$0xB0] =	vst v13;
	v7 =	vld [tilespmem:s19+$0x30]  }
0x125: {  	s12 =	sor.u32 $0x400, s10;
	[tilespmem:s28+$0xFFFFFFC8] =	vst v15;
	v8 =	vld [tilespmem:s0+$0x0]  }
0x126: {  	v12 =	vld [tilespmem:s12+$0x0];
	[tilespmem:s1+$0x30] =	vst v9  }
0x127: {  	s24 =	sor.u32 $0x420, s8;
	[tilespmem:s1+$0xE8] =	vst v10;
	v9 =	vld [tilespmem:s5+$0x40]  }
0x128: {  	v14 =	vld [tilespmem:s24+$0x0];
	[tilespmem:s1+$0xFFFFFF68] =	vst v11  }
0x129: {  	v10 =	vld [tilespmem:s4+$0x30];
	[tilespmem:s1+$0xFFFFFEA0] =	vst v7  }
0x12a: {  	[tilespmem:s28+$0xB8] =	vst v8;
	v8 =	vld [tilespmem:s19+$0x40]  }
0x12b: {  	s23 =	sor.u32 $0x420, s7;
	s0 =	simm.s32 $0x578;
	v11 =	vld [tilespmem:s6+$0x40]  }
0x12c: {  	v13 =	vld [tilespmem:s23+$0x0];
	s21 =	sand.u32 $0x7FF8, s0;
	[tilespmem:s1+$0x40] =	vst v9  }
0x12d: {  	s22 =	sor.u32 $0x410, s10;
	[tilespmem:s21+$0x8080] =	vst v12;
	v9 =	vld [tilespmem:s5+$0x50]  }
0x12e: {  	v12 =	vld [tilespmem:s22+$0x0];
	[tilespmem:s1+$0xF8] =	vst v10  }
0x12f: {  	v10 =	vld [tilespmem:s4+$0x40];
	[tilespmem:s1+$0xFFFFFEB0] =	vst v8  }
0x130: {  	[tilespmem:s1+$0xFFFFFF78] =	vst v11;
	v8 =	vld [tilespmem:s19+$0x50]  }
0x131: {  	s30 =	simm.s32 $0x4;
	s3 =	sor.u32 $0x438, s3;
	[tilespmem:s28+$0xFFFFFF10] =	vst v13;
	v11 =	vld [tilespmem:s6+$0x50]  }
0x132: {  	p0 =	por !p0, !p0;
	s26 =	sor.u32 $0x430, s7;
	s14 =	simm.s32 $0x1;
	v7 =	vld [tilespmem:s3+$0x0];
	[tilespmem:s1+$0x50] =	vst v9  }
0x133: {  	s14 =	simm.s32 @!p0 $0x0;
	s25 =	sor.u32 $0x420, s10;
	s18 =	simm.s32 $0x8;
	[tilespmem:s28+$0x158] =	vst v12;
	v9 =	vld [tilespmem:s5+$0x60]  }
0x134: {  	p0 =	por !p0, !p0;
	s9 =	sand.u32 $0x7, s18;
	s20 =	sshll.u32 s14, $0x9;
	v12 =	vld [tilespmem:s25+$0x0];
	[tilespmem:s1+$0x108] =	vst v10  }
0x135: {  	s13 =	sor.u32 $0x430, s8;
	s17 =	sor.u32 $0x438, s8;
	s8 =	sshll.u32 s9, $0x7;
	v15 =	vld [tilespmem:s4+$0x50];
	[tilespmem:s1+$0xFFFFFEC0] =	vst v8  }
0x136: {  	s14 =	simm.s32 $0x87D0;
	s24 =	sand.u32 $0x3, s30;
	s15 =	sadd.s32 $0x800, s8;
	[tilespmem:s1+$0xFFFFFF88] =	vst v11;
	v13 =	vld [tilespmem:s19+$0x60]  }
0x137: {  	s9 =	sor.u32 $0x438, s7;
	s8 =	sadd.s32 $0x800, s20;
	s7 =	sadd.s32 $0x180, s15;
	[tilespmem:s28+$0xFFFFFFD8] =	vst v14;
	v16 =	vld [tilespmem:s6+$0x60]  }
0x138: {  	s23 =	sor.u32 $0x410, s8;
	s21 =	sadd.s32 $0x80, s15;
	s15 =	sor.u32 $0x438, s8;
	v8 =	vld [tilespmem:s26+$0x0];
	[tilespmem:s1+$0x60] =	vst v9  }
0x139: {  	s22 =	sor.u32 $0x438, s10;
	s20 =	sor.u32 $0x410, s21;
	v11 =	vld [tilespmem:s5+$0x70];
	[dreg:$0x5] =	wrdreg s23  }
0x13a: {  	s12 =	sor.u32 $0x420, s21;
	s11 =	sor.u32 $0x430, s21;
	s29 =	sor.u32 $0x438, s21;
	[tilespmem:s28+$0x168] =	vst v12  }
0x13b: {  	s3 =	sor.u32 $0x430, s10;
	s10 =	sor.u32 $0x400, s7;
	s25 =	sor.u32 $0x400, s21;
	v10 =	vld [tilespmem:s13+$0x0];
	[tilespmem:s1+$0xFFFFFED0] =	vst v13  }
0x13c: {  	s21 =	sor.u32 $0x420, s8;
	s26 =	sor.u32 $0x400, s8;
	v9 =	vld [tilespmem:s3+$0x0];
	[dreg:$0x6] =	wrdreg s10  }
0x13d: {  	s5 =	sshll.u32 s24, $0x8;
	s24 =	sor.u32 $0x410, s7;
	s23 =	sor.u32 $0x420, s7;
	[tilespmem:s1+$0x118] =	vst v15  }
0x13e: {  	s13 =	sor.u32 $0x430, s8;
	s8 =	sor.u32 $0x430, s7;
	s7 =	sor.u32 $0x438, s7;
	v12 =	vld [tilespmem:s19+$0x70];
	[tilespmem:s1+$0xFFFFFF98] =	vst v16  }
0x13f: {  	s3 =	sadd.s32 $0x800, s5;
	s19 =	simm.s32 $0x8;
	v13 =	vld [tilespmem:s4+$0x60];
	[dreg:$0x4] =	wrdreg s14  }
.LBB2_4:
0x140: {  	[dreg:$0x12] =	wrdreg s22  }
0x141: {  	[dreg:$0xd] =	wrdreg s23  }
0x142: {  	[dreg:$0xc] =	wrdreg s13  }
0x143: {  	[dreg:$0xa] =	wrdreg s12  }
0x144: {  	[dreg:$0x9] =	wrdreg s7  }
0x145: {  	[dreg:$0x8] =	wrdreg s11  }
0x146: {  	[dreg:$0x7] =	wrdreg s8  }
0x147: {  	s5 =	simm.s32 $0x1;
	s7 =	sadd.s32 $0x100, s3;
	s18 =	sadd.s32 $0x4, s18  }
0x148: {  	v14 =	vld [tilespmem:s6+$0x70];
	s2 =	sadd.s32 $0x200, s2;
	s0 =	sadd.s32 $0x320, s0;
	s22 =	sor.u32 $0x400, s7;
	[tilespmem:s1+$0x70] =	vst v11  }
0x149: {  	s31 =	sadd.s32 $0x400, s31;
	s5 =	simm.s32 @!p0 $0x0;
	s14 =	sand.u32 $0x7, s18;
	[tilespmem:s1+$0x128] =	vst v13;
	v13 =	vld [tilespmem:s22+$0x0]  }
0x14a: {  	s6 =	sadd.s32 $0xFFFFFF80, s2;
	s10 =	sand.u32 $0x7800, s31;
	s11 =	sadd.s32 $0xFFFFFF38, s0;
	[tilespmem:s28+$0xFFFFFF20] =	vst v8;
	v11 =	vld [tilespmem:s4+$0x70]  }
0x14b: {  	s12 =	sadd.s32 $0xFFFFFF00, s2;
	s13 =	sand.u32 $0x380, s2;
	s8 =	sshll.u32 s5, $0x9;
	[tilespmem:s28+$0xFFFFFFE8] =	vst v10;
	v8 =	vld [tilespmem:s9+$0x0]  }
0x14c: {  	s23 =	sshll.u32 s14, $0x7;
	s4 =	sand.u32 $0x300, s6;
	[tilespmem:s1+$0xFFFFFEE0] =	vst v12;
	v10 =	vld [tilespmem:s17+$0x0];
	s9 =	sadd.s32 $0xFFFFFE80, s2  }
0x14d: {  	s22 =	sadd.s32 s23, s31;
	[tilespmem:s28+$0x178] =	vst v9;
	s14 =	sor.u32 s4, s10;
	v12 =	vld [tilespmem:s26+$0x0];
	s5 =	sand.u32 $0x200, s9  }
0x14e: {  	s23 =	sadd.s32 $0xFFFFFDA8, s0;
	[tilespmem:s1+$0xFFFFFFA8] =	vst v14;
	s4 =	sand.u32 $0x7FF0, s11;
	v14 =	vld [tilespmem:s14+$0x0];
	s5 =	sor.u32 s5, s10  }
0x14f: {  	s6 =	sand.u32 $0x280, s12;
	s17 =	sor.u32 $0x410, s7;
	s12 =	smov.u32 s24;
	v9 =	vld [tilespmem:s5+$0x0];
	[tilespmem:s4+$0x8080] =	vst v13  }
0x150: {  	s11 =	sadd.s32 $0xFFFFFE70, s0;
	s4 =	sor.u32 s13, s10;
	s13 =	sand.u32 $0x7FF8, s0;
	[tilespmem:s1+$0x138] =	vst v11;
	v11 =	vld [tilespmem:s25+$0x0]  }
0x151: {  	s6 =	sor.u32 s6, s10;
	s24 =	sand.u32 $0x7FE8, s11;
	v13 =	vld [tilespmem:s17+$0x0];
	[tilespmem:s28+$0xFFFFFF28] =	vst v8;
	[dreg:$0x14] =	wrdreg s13  }
0x152: {  	s10 =	sadd.s32 $0x80, s22;
	v8 =	vld [tilespmem:s6+$0x0];
	[tilespmem:s28+$0xFFFFFFF0] =	vst v10;
	s13 =	smov.u32 s15;
	s15 =	rddreg [dreg:$0x4]  }
0x153: {  	s25 =	sadd.s32 s8, s31;
	s11 =	sor.u32 $0x420, s10;
	v10 =	vld [tilespmem:s4+$0x0];
	[tilespmem:s16+$0x180] =	vst v7;
	s16 =	rddreg [dreg:$0x6]  }
0x154: {  	s1 =	sadd.s32 $0x320, s1;
	s9 =	sor.u32 $0x400, s25;
	[dreg:$0x11] =	wrdreg s11  }
0x155: {  	s26 =	sadd.s32 $0x180, s22;
	[dreg:$0xe] =	wrdreg s9;
	[tilespmem:s1+$0x0] =	vst v14;
	s9 =	sor.u32 $0x420, s25  }
0x156: {  	s22 =	sand.u32 $0x7FE0, s23;
	v7 =	vld [tilespmem:s16+$0x0];
	[tilespmem:s1+$0xFFFFFE70] =	vst v9;
	[dreg:$0x13] =	wrdreg s9;
	s9 =	sor.u32 $0x430, s10  }
0x157: {  	s17 =	sor.u32 $0x400, s26;
	v14 =	vld [tilespmem:s14+$0x10];
	[dreg:$0xb] =	wrdreg s9;
	s9 =	sor.u32 $0x420, s26;
	[tilespmem:s15+$0x90] =	vst v13  }
0x158: {  	s8 =	sor.u32 $0x420, s7;
	v13 =	vld [tilespmem:s5+$0x10];
	[tilespmem:s1+$0xFFFFFF38] =	vst v8;
	[dreg:$0x10] =	wrdreg s9;
	s9 =	sor.u32 $0x430, s25  }
0x159: {  	[tilespmem:s22+$0x8080] =	vst v12;
	s22 =	smov.u32 s17;
	v9 =	vld [tilespmem:s8+$0x0];
	[dreg:$0xf] =	wrdreg s9  }
0x15a: {  	s3 =	smov.u32 s18;
	s18 =	sor.u32 $0x400, s10;
	v8 =	vld [tilespmem:s6+$0x10];
	[tilespmem:s1+$0xC8] =	vst v10;
	[dreg:$0x6] =	wrdreg s22  }
0x15b: {  	s23 =	sor.u32 $0x410, s10;
	s11 =	sor.u32 $0x410, s26;
	s22 =	rddreg [dreg:$0x5];
	v10 =	vld [tilespmem:s4+$0x10]  }
0x15c: {  	s9 =	sor.u32 $0x438, s10;
	s10 =	sor.u32 $0x430, s26;
	s8 =	smov.u32 s21;
	v12 =	vld [tilespmem:s22+$0x0];
	[tilespmem:s1+$0x10] =	vst v14  }
0x15d: {  	s21 =	sor.u32 $0x438, s26;
	s26 =	smov.u32 s28;
	s28 =	smov.u32 s15;
	v14 =	vld [tilespmem:s14+$0x20];
	[tilespmem:s1+$0xFFFFFE80] =	vst v13  }
0x15e: {  	s22 =	sor.u32 $0x430, s7;
	[tilespmem:s28+$0xA0] =	vst v9;
	v13 =	vld [tilespmem:s5+$0x20]  }
0x15f: {  	[tilespmem:s1+$0xFFFFFF48] =	vst v8;
	v9 =	vld [tilespmem:s22+$0x0]  }
0x160: {  	v8 =	vld [tilespmem:s6+$0x20];
	[tilespmem:s1+$0xD8] =	vst v10  }
0x161: {  	s16 =	smov.u32 s20;
	[tilespmem:s24+$0x8080] =	vst v11;
	v10 =	vld [tilespmem:s4+$0x20]  }
0x162: {  	v11 =	vld [tilespmem:s16+$0x0];
	[tilespmem:s1+$0x20] =	vst v14  }
0x163: {  	v14 =	vld [tilespmem:s14+$0x30];
	[tilespmem:s1+$0xFFFFFE90] =	vst v13  }
0x164: {  	s7 =	sor.u32 $0x438, s7;
	[tilespmem:s28+$0xB0] =	vst v9;
	v13 =	vld [tilespmem:s5+$0x30]  }
0x165: {  	[tilespmem:s1+$0xFFFFFF58] =	vst v8;
	v9 =	vld [tilespmem:s7+$0x0]  }
0x166: {  	s24 =	rddreg [dreg:$0x14];
	v8 =	vld [tilespmem:s6+$0x30];
	[tilespmem:s1+$0xE8] =	vst v10  }
0x167: {  	s7 =	rddreg [dreg:$0x12];
	v10 =	vld [tilespmem:s4+$0x30];
	[tilespmem:s24+$0x8080] =	vst v7  }
0x168: {  	[tilespmem:s1+$0x30] =	vst v14;
	v7 =	vld [tilespmem:s7+$0x0]  }
0x169: {  	v14 =	vld [tilespmem:s14+$0x40];
	[tilespmem:s1+$0xFFFFFEA0] =	vst v13  }
0x16a: {  	[tilespmem:s28+$0xB8] =	vst v9;
	v9 =	vld [tilespmem:s12+$0x0]  }
0x16b: {  	v13 =	vld [tilespmem:s5+$0x40];
	[tilespmem:s1+$0xFFFFFF68] =	vst v8  }
0x16c: {  	[tilespmem:s28+$0xFFFFFF00] =	vst v12;
	v8 =	vld [tilespmem:s6+$0x40]  }
0x16d: {  	s20 =	smov.u32 s29;
	s29 =	sor.u32 $0x410, s25;
	[tilespmem:s1+$0xF8] =	vst v10;
	v12 =	vld [tilespmem:s8+$0x0]  }
0x16e: {  	s17 =	smov.u32 s29;
	v10 =	vld [tilespmem:s4+$0x40];
	[tilespmem:s1+$0x40] =	vst v14  }
0x16f: {  	s29 =	smov.u32 s9;
	s9 =	smov.u32 s13;
	s13 =	rddreg [dreg:$0xa];
	[tilespmem:s28+$0xFFFFFFC8] =	vst v11;
	v14 =	vld [tilespmem:s14+$0x50]  }
0x170: {  	v15 =	vld [tilespmem:s13+$0x0];
	[tilespmem:s1+$0xFFFFFEB0] =	vst v13  }
0x171: {  	v11 =	vld [tilespmem:s5+$0x50];
	[tilespmem:s1+$0xFFFFFF78] =	vst v8  }
0x172: {  	s15 =	smov.u32 s1;
	[dreg:$0x5] =	wrdreg s17;
	[tilespmem:s28+$0xFFFFFF10] =	vst v12  }
0x173: {  	s17 =	smov.u32 s20;
	s20 =	smov.u32 s23;
	s23 =	rddreg [dreg:$0x11];
	v13 =	vld [tilespmem:s6+$0x50];
	[tilespmem:s1+$0x108] =	vst v10  }
0x174: {  	s19 =	sadd.s32 $0x4, s19;
	s30 =	sadd.s32 $0x2, s30;
	[dreg:$0x4] =	wrdreg s15;
	v10 =	vld [tilespmem:s4+$0x50];
	[tilespmem:s1+$0x50] =	vst v14  }
0x175: {  	p1 =	slt.u32 s19, $0x7C;
	s25 =	sor.u32 $0x438, s25;
	s8 =	rddreg [dreg:$0xd];
	[tilespmem:s28+$0x158] =	vst v9;
	v14 =	vld [tilespmem:s14+$0x60]  }
0x176: {  	p0 =	por !p0, !p0;
	s15 =	smov.u32 s25;
	s13 =	rddreg [dreg:$0xc];
	v9 =	vld [tilespmem:s8+$0x0];
	[tilespmem:s1+$0xFFFFFEC0] =	vst v11  }
0x177: {  	s25 =	smov.u32 s18;
	s24 =	smov.u32 s11;
	s11 =	rddreg [dreg:$0x9];
	v8 =	vld [tilespmem:s13+$0x0]  }
0x178: {  	s22 =	smov.u32 s11;
	s7 =	smov.u32 s21;
	s12 =	rddreg [dreg:$0x13];
	v12 =	vld [tilespmem:s5+$0x60];
	[tilespmem:s1+$0xFFFFFF88] =	vst v13  }
0x179: {  	s11 =	rddreg [dreg:$0x10];
	s21 =	smov.u32 s12;
	s12 =	smov.u32 s23;
	v16 =	vld [tilespmem:s6+$0x60];
	[tilespmem:s1+$0x118] =	vst v10  }
.Ltmp1:
0x17a: {  	s23 =	smov.u32 s11;
	s11 =	rddreg [dreg:$0x8];
	v13 =	vld [tilespmem:s4+$0x60];
	[tilespmem:s1+$0x60] =	vst v14;
	(pc) =	sbr.rel @p1 .LBB2_4-.Ltmp1, $4  }
0x17b: {  	s18 =	smov.u32 s3;
	s3 =	sand.u32 $0x3, s30;
	[tilespmem:s28+$0xFFFFFFD8] =	vst v15;
	v11 =	vld [tilespmem:s14+$0x70];
	s14 =	rddreg [dreg:$0xb]  }
0x17c: {  	s3 =	sshll.u32 s3, $0x8;
	v10 =	vld [tilespmem:s11+$0x0];
	[tilespmem:s28+$0x168] =	vst v9;
	s11 =	smov.u32 s14;
	s14 =	rddreg [dreg:$0x7]  }
0x17d: {  	s3 =	sadd.s32 s31, s3;
	s16 =	smov.u32 s26;
	s8 =	rddreg [dreg:$0xf];
	[tilespmem:s1+$0xFFFFFED0] =	vst v12;
	v9 =	vld [tilespmem:s14+$0x0]  }
0x17e: {  	s26 =	rddreg [dreg:$0xe];
	s13 =	smov.u32 s8;
	s8 =	smov.u32 s10;
	v12 =	vld [tilespmem:s5+$0x70];
	[tilespmem:s1+$0xFFFFFF98] =	vst v16  }
0x17f: {  	v14 =	vld [tilespmem:s6+$0x70];
	[tilespmem:s1+$0x128] =	vst v13  }
0x180: {  	v13 =	vld [tilespmem:s4+$0x70]  }
0x181: {  	s2 =	sadd.s32 $0x100, s3  }
0x182: {  	[tilespmem:s1+$0x70] =	vst v11;
	s3 =	sor.u32 $0x400, s2  }
0x183: {  	v11 =	vld [tilespmem:s3+$0x0];
	[tilespmem:s1+$0xFFFFFEE0] =	vst v12  }
0x184: {  	v12 =	vld [tilespmem:s26+$0x0];
	[tilespmem:s1+$0xFFFFFFA8] =	vst v14  }
0x185: {  	s0 =	sadd.s32 $0x320, s0;
	[tilespmem:s1+$0x138] =	vst v13  }
0x186: {  	s5 =	sadd.s32 $0xFFFFFF38, s0;
	v13 =	vld [tilespmem:s25+$0x0];
	s6 =	rddreg [dreg:$0x6]  }
0x187: {  	s10 =	sadd.s32 $0xFFFFFDA8, s0;
	s1 =	sand.u32 $0x7FF0, s5;
	v14 =	vld [tilespmem:s6+$0x0]  }
0x188: {  	s3 =	sand.u32 $0x7FE0, s10;
	[tilespmem:s1+$0x8080] =	vst v11  }
0x189: {  	s14 =	sor.u32 $0x410, s2;
	s18 =	sadd.s32 $0xFFFFFE70, s0;
	[tilespmem:s3+$0x8080] =	vst v12  }
0x18a: {  	s19 =	sand.u32 $0x7FE8, s18;
	v11 =	vld [tilespmem:s14+$0x0];
	s3 =	rddreg [dreg:$0x5]  }
0x18b: {  	s0 =	sand.u32 $0x7FF8, s0;
	[tilespmem:s19+$0x8080] =	vst v13;
	v12 =	vld [tilespmem:s3+$0x0]  }
0x18c: {  	v13 =	vld [tilespmem:s20+$0x0];
	[tilespmem:s0+$0x8080] =	vst v14  }
0x18d: {  	[tilespmem:s16+$0x180] =	vst v7;
	v14 =	vld [tilespmem:s24+$0x0]  }
0x18e: {  	s1 =	rddreg [dreg:$0x4]  }
0x18f: {  	s20 =	sor.u32 $0x420, s2;
	[tilespmem:s1+$0x90] =	vst v11  }
0x190: {  	v7 =	vld [tilespmem:s20+$0x0];
	[tilespmem:s1+$0xFFFFFF00] =	vst v12  }
0x191: {  	[tilespmem:s1+$0xFFFFFFC8] =	vst v13;
	v11 =	vld [tilespmem:s21+$0x0]  }
0x192: {  	v12 =	vld [tilespmem:s12+$0x0];
	[tilespmem:s1+$0x158] =	vst v14  }
0x193: {  	[tilespmem:s28+$0xFFFFFF20] =	vst v8;
	v13 =	vld [tilespmem:s23+$0x0]  }
0x194: {  	[tilespmem:s28+$0xFFFFFFE8] =	vst v10  }
0x195: {  	v8 =	vld [tilespmem:s9+$0x0];
	s21 =	sor.u32 $0x430, s2;
	[tilespmem:s1+$0xA0] =	vst v7  }
0x196: {  	v7 =	vld [tilespmem:s21+$0x0];
	[tilespmem:s1+$0xFFFFFF10] =	vst v11  }
0x197: {  	[tilespmem:s1+$0xFFFFFFD8] =	vst v12;
	v10 =	vld [tilespmem:s13+$0x0]  }
0x198: {  	v11 =	vld [tilespmem:s11+$0x0];
	[tilespmem:s1+$0x168] =	vst v13  }
0x199: {  	[tilespmem:s28+$0x178] =	vst v9;
	v12 =	vld [tilespmem:s8+$0x0]  }
0x19a: {  	v9 =	vld [tilespmem:s17+$0x0];
	[tilespmem:s28+$0xFFFFFF28] =	vst v8  }
0x19b: {  	v8 =	vld [tilespmem:s22+$0x0];
	s22 =	sor.u32 $0x438, s2;
	[tilespmem:s1+$0xB0] =	vst v7  }
0x19c: {  	v7 =	vld [tilespmem:s22+$0x0];
	[tilespmem:s1+$0xFFFFFF20] =	vst v10  }
0x19d: {  	[tilespmem:s1+$0xFFFFFFE8] =	vst v11;
	v10 =	vld [tilespmem:s15+$0x0]  }
0x19e: {  	v11 =	vld [tilespmem:s29+$0x0];
	[tilespmem:s1+$0x178] =	vst v12  }
0x19f: {  	[tilespmem:s28+$0xFFFFFFF0] =	vst v9;
	s23 =	simm.s32 $0x1;
	v9 =	vld [tilespmem:s7+$0x0]  }
0x1a0: {  	s24 =	simm.s32 $0x0;
	[tilespmem:s28+$0x180] =	vst v8;
	v8 =	vadd.s32 s23, v0  }
0x1a1: {  	s25 =	simm.s32 $0x5;
	[tilespmem:s1+$0xB8] =	vst v7;
	v7 =	vadd.s32 s24, v0  }
0x1a2: {  	s26 =	simm.s32 $0x3;
	v12 =	vadd.s32 s25, v0;
	[tilespmem:s1+$0xFFFFFF28] =	vst v10  }
0x1a3: {  	v13 =	vadd.s32 s26, v0;
	s28 =	simm.s32 $0x2;
	[tilespmem:s1+$0xFFFFFFF0] =	vst v11  }
0x1a4: {  	s15 =	simm.s32 $0x8000;
	s29 =	simm.s32 $0x4;
	[tilespmem:s1+$0x180] =	vst v9;
	v9 =	vadd.s32 s28, v0  }
0x1a5: {  	s30 =	simm.s32 $0x6;
	v10 =	vld.idx.msk [tilespmem:v8+s15+$0x0], $0xffff;
	v8 =	vadd.s32 s29, v0  }
0x1a6: {  	v15 =	vld.idx.msk [tilespmem:v7+s15+$0x0], $0xffff;
	v7 =	vadd.s32 s30, v0  }
0x1a7: {  	s31 =	simm.s32 $0x7;
	v16 =	vld.idx.msk [tilespmem:v12+s15+$0x0], $0xffff  }
0x1a8: {  	v12 =	vadd.s32 s31, v0;
	v17 =	vld.idx.msk [tilespmem:v13+s15+$0x0], $0xffff  }
0x1a9: {  	v9 =	vld.idx.msk [tilespmem:v9+s15+$0x0], $0xffff  }
0x1aa: {  	v11 =	vld.idx.msk [tilespmem:v8+s15+$0x0], $0xffff  }
0x1ab: {  	v13 =	vshll.u32 v15, $0x3;
	v7 =	vld.idx.msk [tilespmem:v7+s15+$0x0], $0xffff  }
0x1ac: {  	v8 =	vand.u32 $0x7F, v15;
	v13 =	vand.u32 $0xFFFFFC00, v13  }
0x1ad: {  	s13 =	simm.s32 $0xE400;
	v18 =	vshll.u32 v10, $0x3;
	v8 =	vor.u32 v8, v13;
	v13 =	vld.idx.msk [tilespmem:v12+s15+$0x0], $0xffff  }
0x1ae: {  	v12 =	vand.u32 $0x7F, v10;
	v14 =	vadd.s32 v2, v8;
	v8 =	vand.u32 $0xFFFFFC00, v18;
	v18 =	vld.idx.msk [tilespmem:v15+s13+$0x0], $0xffff  }
0x1af: {  	v20 =	vshll.u32 v16, $0x3;
	v12 =	vor.u32 v12, v8;
	v15 =	vshll.u32 v9, $0x3;
	v8 =	vld.idx.msk [tilespmem:v16+s13+$0x0], $0xffff  }
0x1b0: {  	s14 =	simm.s32 $0x1;
	s16 =	simm.s32 $0xE800;
	s0 =	simm.s32 $0x8;
	v20 =	vand.u32 $0xFFFFFC00, v20;
	v19 =	vand.u32 $0xFFFFFC00, v15;
	v15 =	vadd.s32 v2, v12;
	v12 =	vld.idx.msk [tilespmem:v17+s13+$0x0], $0xffff  }
.LBB2_6:
0x1b1: {  	v21 =	vadd.s32 s0, v0;
	s1 =	sadd.s32 $0x1, s0;
	s2 =	sadd.s32 $0x6, s0;
	s3 =	sadd.s32 $0x7, s0;
	v22 =	vld.idx.msk [tilespmem:v10+s13+$0x0], $0xffff;
	v10 =	vand.u32 $0x7F, v16  }
0x1b2: {  	s4 =	sadd.s32 $0x4, s0;
	s5 =	sadd.s32 $0x5, s0;
	v24 =	vand.u32 $0x7F, v9;
	v16 =	vadd.s32 s1, v0;
	s1 =	sadd.s32 $0x2, s0;
	v23 =	vadd.s32 s2, v0;
	v25 =	vld.idx.msk [tilespmem:v11+s13+$0x0], $0xffff  }
0x1b3: {  	p0 =	slt.u32 s0, $0xC0;
	v28 =	vand.u32 $0x7F, v17;
	v27 =	vadd.s32 s5, v0;
	v26 =	vadd.s32 s1, v0;
	s1 =	sadd.s32 $0x3, s0;
	s0 =	sadd.s32 $0x8, s0;
	v29 =	vld.idx.msk [tilespmem:v7+s13+$0x0], $0xffff  }
0x1b4: {  	v30 =	vadd.s32 s1, v0;
	v31 =	vld.idx.msk [tilespmem:v9+s13+$0x0], $0xffff;
	v9 =	vor.u32 v24, v19;
	v19 =	vshll.u32 v13, $0x3  }
0x1b5: {  	v17 =	vshll.u32 v17, $0x3;
	v20 =	vor.u32 v10, v20;
	v24 =	vadd.s32 s3, v0;
	v32 =	vld.idx.msk [tilespmem:v13+s13+$0x0], $0xffff  }
0x1b6: {  	[tilespmem:v14+s16+$0x0] =	vst.idx.add.f32.msk $0xffff, v18;
	v14 =	vadd.s32 v2, v9;
	v9 =	vand.u32 $0xFFFFFC00, v17;
	v17 =	vshll.u32 v11, $0x3  }
0x1b7: {  	v11 =	vand.u32 $0x7F, v11;
	v10 =	vld.idx.msk [tilespmem:v16+s15+$0x0], $0xffff;
	v9 =	vor.u32 v28, v9;
	v16 =	vand.u32 $0xFFFFFC00, v17  }
0x1b8: {  	v17 =	vadd.s32 s4, v0;
	v18 =	vld.idx.msk [tilespmem:v21+s15+$0x0], $0xffff;
	v21 =	vadd.s32 v2, v9;
	v9 =	vor.u32 v11, v16  }
0x1b9: {  	v11 =	vand.u32 $0x7F, v13;
	v13 =	vand.u32 $0xFFFFFC00, v19;
	v16 =	vld.idx.msk [tilespmem:v27+s15+$0x0], $0xffff;
	v27 =	vadd.s32 v2, v9  }
0x1ba: {  	v19 =	vadd.s32 v2, v20;
	v11 =	vor.u32 v11, v13;
	v9 =	vld.idx.msk [tilespmem:v26+s15+$0x0], $0xffff  }
0x1bb: {  	v13 =	vshll.u32 v7, $0x3;
	[tilespmem:v15+s16+$0x0] =	vst.idx.add.f32.msk $0xffff, v22  }
0x1bc: {  	v7 =	vand.u32 $0x7F, v7;
	v13 =	vand.u32 $0xFFFFFC00, v13;
	[tilespmem:v14+s16+$0x0] =	vst.idx.add.f32.msk $0xffff, v31  }
0x1bd: {  	v7 =	vor.u32 v7, v13;
	[tilespmem:v21+s16+$0x0] =	vst.idx.add.f32.msk $0xffff, v12;
	v12 =	vadd.s32 v2, v11  }
0x1be: {  	v15 =	vadd.s32 v2, v7;
	v13 =	vshll.u32 v18, $0x3;
	v11 =	vld.idx.msk [tilespmem:v17+s15+$0x0], $0xffff  }
0x1bf: {  	v7 =	vand.u32 $0x7F, v18;
	v13 =	vand.u32 $0xFFFFFC00, v13;
	[tilespmem:v19+s16+$0x0] =	vst.idx.add.f32.msk $0xffff, v8  }
0x1c0: {  	v7 =	vor.u32 v7, v13;
	v17 =	vld.idx.msk [tilespmem:v30+s15+$0x0], $0xffff  }
0x1c1: {  	v14 =	vadd.s32 v2, v7;
	[tilespmem:v27+s16+$0x0] =	vst.idx.add.f32.msk $0xffff, v25  }
0x1c2: {  	v8 =	vshll.u32 v10, $0x3;
	[tilespmem:v12+s16+$0x0] =	vst.idx.add.f32.msk $0xffff, v32  }
0x1c3: {  	v7 =	vld.idx.msk [tilespmem:v23+s15+$0x0], $0xffff  }
.Ltmp2:
0x1c4: {  	v8 =	vand.u32 $0xFFFFFC00, v8;
	[tilespmem:v15+s16+$0x0] =	vst.idx.add.f32.msk $0xffff, v29;
	(pc) =	sbr.rel @p0 .LBB2_6-.Ltmp2, $4  }
0x1c5: {  	v12 =	vand.u32 $0x7F, v10;
	v13 =	vld.idx.msk [tilespmem:v24+s15+$0x0], $0xffff  }
0x1c6: {  	v12 =	vor.u32 v12, v8;
	v8 =	vshll.u32 v9, $0x3;
	v18 =	vld.idx.msk [tilespmem:v18+s13+$0x0], $0xffff  }
0x1c7: {  	v20 =	vshll.u32 v16, $0x3;
	v19 =	vand.u32 $0xFFFFFC00, v8;
	v8 =	vld.idx.msk [tilespmem:v16+s13+$0x0], $0xffff  }
0x1c8: {  	v20 =	vand.u32 $0xFFFFFC00, v20;
	v15 =	vadd.s32 v2, v12;
	v12 =	vld.idx.msk [tilespmem:v17+s13+$0x0], $0xffff  }
0x1c9: {  	_ =	sdelay $0x1  }
0x1ca: {  	v16 =	vand.u32 $0x7F, v16;
	v21 =	vand.u32 $0x7F, v9  }
0x1cb: {  	v22 =	vand.u32 $0x7F, v17;
	v17 =	vshll.u32 v17, $0x3;
	v24 =	vshll.u32 v7, $0x3  }
0x1cc: {  	v10 =	vld.idx.msk [tilespmem:v10+s13+$0x0], $0xffff;
	v19 =	vor.u32 v21, v19;
	v21 =	vshll.u32 v13, $0x3;
	v16 =	vor.u32 v16, v20  }
0x1cd: {  	v23 =	vld.idx.msk [tilespmem:v11+s13+$0x0], $0xffff;
	v20 =	vshll.u32 v11, $0x3;
	v17 =	vand.u32 $0xFFFFFC00, v17;
	v11 =	vand.u32 $0x7F, v11  }
0x1ce: {  	v9 =	vld.idx.msk [tilespmem:v9+s13+$0x0], $0xffff;
	v20 =	vand.u32 $0xFFFFFC00, v20;
	v19 =	vadd.s32 v2, v19;
	v17 =	vor.u32 v22, v17  }
0x1cf: {  	v22 =	vand.u32 $0x7F, v13;
	v13 =	vld.idx.msk [tilespmem:v13+s13+$0x0], $0xffff;
	v21 =	vand.u32 $0xFFFFFC00, v21;
	v16 =	vadd.s32 v2, v16  }
0x1d0: {  	[tilespmem:v14+s16+$0x0] =	vst.idx.add.f32.msk $0xffff, v18;
	v18 =	vand.u32 $0xFFFFFC00, v24;
	v11 =	vor.u32 v11, v20;
	v17 =	vadd.s32 v2, v17  }
0x1d1: {  	v20 =	vld.idx.msk [tilespmem:v7+s13+$0x0], $0xffff;
	v14 =	vor.u32 v22, v21;
	v7 =	vand.u32 $0x7F, v7;
	v11 =	vadd.s32 v2, v11  }
0x1d2: {  	v7 =	vor.u32 v7, v18;
	[tilespmem:v15+s16+$0x0] =	vst.idx.add.f32.msk $0xffff, v10;
	v10 =	vadd.s32 v2, v14  }
0x1d3: {  	v7 =	vadd.s32 v2, v7;
	[tilespmem:v19+s16+$0x0] =	vst.idx.add.f32.msk $0xffff, v9  }
0x1d4: {  	[tilespmem:v16+s16+$0x0] =	vst.idx.add.f32.msk $0xffff, v8  }
0x1d5: {  	s0 =	simm.s32 $0x1;
	[tilespmem:v17+s16+$0x0] =	vst.idx.add.f32.msk $0xffff, v12  }
0x1d6: {  	s1 =	simm.s32 $0x0;
	v8 =	vadd.s32 s0, v3;
	[tilespmem:v11+s16+$0x0] =	vst.idx.add.f32.msk $0xffff, v23  }
0x1d7: {  	v9 =	vadd.s32 s1, v3;
	[tilespmem:v10+s16+$0x0] =	vst.idx.add.f32.msk $0xffff, v13  }
0x1d8: {  	s25 =	simm.s32 $0x5;
	[tilespmem:v7+s16+$0x0] =	vst.idx.add.f32.msk $0xffff, v20  }
0x1d9: {  	s2 =	simm.s32 $0x3;
	s28 =	simm.s32 $0x2;
	v7 =	vadd.s32 s25, v3;
	s26 =	rddreg [dreg:$0x16]  }
0x1da: {  	v11 =	vadd.s32 s2, v3;
	[hbm4b:s26+s1] =	stream.linear.scatter [tilespmem:s16], [sflag:$0x1], $0x4000, $0x38;
	[tilespmem:$0x1A800] =	vst v63  }
0x1db: {  	s29 =	simm.s32 $0x4;
	v12 =	vadd.s32 s28, v3;
	v10 =	vld.idx.msk [tilespmem:v8+s15+$0x0], $0xffff  }
0x1dc: {  	s30 =	simm.s32 $0x6;
	v13 =	vadd.s32 s29, v3;
	v8 =	vld.idx.msk [tilespmem:v9+s15+$0x0], $0xffff  }
0x1dd: {  	v14 =	vadd.s32 s30, v3  }
0x1de: {  	s31 =	simm.s32 $0x7;
	v16 =	vld.idx.msk [tilespmem:v7+s15+$0x0], $0xffff  }
0x1df: {  	v15 =	vadd.s32 s31, v3;
	v17 =	vld.idx.msk [tilespmem:v11+s15+$0x0], $0xffff  }
0x1e0: {  	v9 =	vld.idx.msk [tilespmem:v12+s15+$0x0], $0xffff  }
0x1e1: {  	v11 =	vld.idx.msk [tilespmem:v13+s15+$0x0], $0xffff;
	v7 =	vshll.u32 v8, $0x3  }
0x1e2: {  	v13 =	vand.u32 $0xFFFFFC00, v7;
	v7 =	vld.idx.msk [tilespmem:v14+s15+$0x0], $0xffff  }
0x1e3: {  	v12 =	vand.u32 $0x7F, v8  }
0x1e4: {  	v18 =	vshll.u32 v10, $0x3;
	v12 =	vor.u32 v12, v13;
	v13 =	vld.idx.msk [tilespmem:v15+s15+$0x0], $0xffff  }
0x1e5: {  	v15 =	vand.u32 $0x7F, v10;
	v14 =	vadd.s32 v2, v12;
	v12 =	vand.u32 $0xFFFFFC00, v18;
	v18 =	vld.idx.msk [tilespmem:v8+s13+$0x0], $0xffff  }
0x1e6: {  	s17 =	simm.s32 $0x12800;
	s18 =	simm.s32 $0x16800;
	v20 =	vshll.u32 v16, $0x3;
	v12 =	vor.u32 v15, v12;
	v15 =	vshll.u32 v9, $0x3;
	v8 =	vld.idx.msk [tilespmem:v16+s13+$0x0], $0xffff  }
0x1e7: {  	s19 =	simm.s32 $0x2;
	s20 =	simm.s32 $0x3;
	s0 =	simm.s32 $0x8;
	v20 =	vand.u32 $0xFFFFFC00, v20;
	v19 =	vand.u32 $0xFFFFFC00, v15;
	v15 =	vadd.s32 v2, v12;
	v12 =	vld.idx.msk [tilespmem:v17+s13+$0x0], $0xffff  }
.LBB2_8:
0x1e8: {  	v21 =	vadd.s32 s0, v3;
	s1 =	sadd.s32 $0x1, s0;
	s2 =	sadd.s32 $0x6, s0;
	s3 =	sadd.s32 $0x7, s0;
	v22 =	vld.idx.msk [tilespmem:v10+s13+$0x0], $0xffff;
	v10 =	vand.u32 $0x7F, v16  }
0x1e9: {  	s4 =	sadd.s32 $0x4, s0;
	s5 =	sadd.s32 $0x5, s0;
	v24 =	vand.u32 $0x7F, v9;
	v16 =	vadd.s32 s1, v3;
	s1 =	sadd.s32 $0x2, s0;
	v23 =	vadd.s32 s2, v3;
	v25 =	vld.idx.msk [tilespmem:v11+s13+$0x0], $0xffff  }
0x1ea: {  	p0 =	slt.u32 s0, $0xC0;
	v28 =	vand.u32 $0x7F, v17;
	v27 =	vadd.s32 s5, v3;
	v26 =	vadd.s32 s1, v3;
	s1 =	sadd.s32 $0x3, s0;
	s0 =	sadd.s32 $0x8, s0;
	v29 =	vld.idx.msk [tilespmem:v7+s13+$0x0], $0xffff  }
0x1eb: {  	v30 =	vadd.s32 s1, v3;
	v31 =	vld.idx.msk [tilespmem:v9+s13+$0x0], $0xffff;
	v9 =	vor.u32 v24, v19;
	v19 =	vshll.u32 v13, $0x3  }
0x1ec: {  	v17 =	vshll.u32 v17, $0x3;
	v20 =	vor.u32 v10, v20;
	v24 =	vadd.s32 s3, v3;
	v32 =	vld.idx.msk [tilespmem:v13+s13+$0x0], $0xffff  }
0x1ed: {  	[tilespmem:v14+s17+$0x0] =	vst.idx.add.f32.msk $0xffff, v18;
	v14 =	vadd.s32 v2, v9;
	v9 =	vand.u32 $0xFFFFFC00, v17;
	v17 =	vshll.u32 v11, $0x3  }
0x1ee: {  	v11 =	vand.u32 $0x7F, v11;
	v10 =	vld.idx.msk [tilespmem:v16+s15+$0x0], $0xffff;
	v9 =	vor.u32 v28, v9;
	v16 =	vand.u32 $0xFFFFFC00, v17  }
0x1ef: {  	v17 =	vadd.s32 s4, v3;
	v18 =	vld.idx.msk [tilespmem:v21+s15+$0x0], $0xffff;
	v21 =	vadd.s32 v2, v9;
	v9 =	vor.u32 v11, v16  }
0x1f0: {  	v11 =	vand.u32 $0x7F, v13;
	v13 =	vand.u32 $0xFFFFFC00, v19;
	v16 =	vld.idx.msk [tilespmem:v27+s15+$0x0], $0xffff;
	v27 =	vadd.s32 v2, v9  }
0x1f1: {  	v19 =	vadd.s32 v2, v20;
	v11 =	vor.u32 v11, v13;
	v9 =	vld.idx.msk [tilespmem:v26+s15+$0x0], $0xffff  }
0x1f2: {  	v13 =	vshll.u32 v7, $0x3;
	[tilespmem:v15+s17+$0x0] =	vst.idx.add.f32.msk $0xffff, v22  }
0x1f3: {  	v7 =	vand.u32 $0x7F, v7;
	v13 =	vand.u32 $0xFFFFFC00, v13;
	[tilespmem:v14+s17+$0x0] =	vst.idx.add.f32.msk $0xffff, v31  }
0x1f4: {  	v7 =	vor.u32 v7, v13;
	[tilespmem:v21+s17+$0x0] =	vst.idx.add.f32.msk $0xffff, v12;
	v12 =	vadd.s32 v2, v11  }
0x1f5: {  	v15 =	vadd.s32 v2, v7;
	v13 =	vshll.u32 v18, $0x3;
	v11 =	vld.idx.msk [tilespmem:v17+s15+$0x0], $0xffff  }
0x1f6: {  	v7 =	vand.u32 $0x7F, v18;
	v13 =	vand.u32 $0xFFFFFC00, v13;
	[tilespmem:v19+s17+$0x0] =	vst.idx.add.f32.msk $0xffff, v8  }
0x1f7: {  	v7 =	vor.u32 v7, v13;
	v17 =	vld.idx.msk [tilespmem:v30+s15+$0x0], $0xffff  }
0x1f8: {  	v14 =	vadd.s32 v2, v7;
	[tilespmem:v27+s17+$0x0] =	vst.idx.add.f32.msk $0xffff, v25  }
0x1f9: {  	v8 =	vshll.u32 v10, $0x3;
	[tilespmem:v12+s17+$0x0] =	vst.idx.add.f32.msk $0xffff, v32  }
0x1fa: {  	v7 =	vld.idx.msk [tilespmem:v23+s15+$0x0], $0xffff  }
.Ltmp3:
0x1fb: {  	v8 =	vand.u32 $0xFFFFFC00, v8;
	[tilespmem:v15+s17+$0x0] =	vst.idx.add.f32.msk $0xffff, v29;
	(pc) =	sbr.rel @p0 .LBB2_8-.Ltmp3, $4  }
0x1fc: {  	v12 =	vand.u32 $0x7F, v10;
	v13 =	vld.idx.msk [tilespmem:v24+s15+$0x0], $0xffff  }
0x1fd: {  	v12 =	vor.u32 v12, v8;
	v8 =	vshll.u32 v9, $0x3;
	v18 =	vld.idx.msk [tilespmem:v18+s13+$0x0], $0xffff  }
0x1fe: {  	v20 =	vshll.u32 v16, $0x3;
	v19 =	vand.u32 $0xFFFFFC00, v8;
	v8 =	vld.idx.msk [tilespmem:v16+s13+$0x0], $0xffff  }
0x1ff: {  	v20 =	vand.u32 $0xFFFFFC00, v20;
	v15 =	vadd.s32 v2, v12;
	v12 =	vld.idx.msk [tilespmem:v17+s13+$0x0], $0xffff  }
0x200: {  	_ =	sdelay $0x1  }
0x201: {  	v16 =	vand.u32 $0x7F, v16;
	v21 =	vand.u32 $0x7F, v9  }
0x202: {  	v22 =	vand.u32 $0x7F, v17;
	v17 =	vshll.u32 v17, $0x3;
	v24 =	vshll.u32 v7, $0x3  }
0x203: {  	v10 =	vld.idx.msk [tilespmem:v10+s13+$0x0], $0xffff;
	v19 =	vor.u32 v21, v19;
	v21 =	vshll.u32 v13, $0x3;
	v16 =	vor.u32 v16, v20  }
0x204: {  	v23 =	vld.idx.msk [tilespmem:v11+s13+$0x0], $0xffff;
	v20 =	vshll.u32 v11, $0x3;
	v17 =	vand.u32 $0xFFFFFC00, v17;
	v11 =	vand.u32 $0x7F, v11  }
0x205: {  	v9 =	vld.idx.msk [tilespmem:v9+s13+$0x0], $0xffff;
	v20 =	vand.u32 $0xFFFFFC00, v20;
	v19 =	vadd.s32 v2, v19;
	v17 =	vor.u32 v22, v17  }
0x206: {  	v22 =	vand.u32 $0x7F, v13;
	v13 =	vld.idx.msk [tilespmem:v13+s13+$0x0], $0xffff;
	v21 =	vand.u32 $0xFFFFFC00, v21;
	v16 =	vadd.s32 v2, v16  }
0x207: {  	[tilespmem:v14+s17+$0x0] =	vst.idx.add.f32.msk $0xffff, v18;
	v18 =	vand.u32 $0xFFFFFC00, v24;
	v11 =	vor.u32 v11, v20;
	v17 =	vadd.s32 v2, v17  }
0x208: {  	v20 =	vld.idx.msk [tilespmem:v7+s13+$0x0], $0xffff;
	v14 =	vor.u32 v22, v21;
	v7 =	vand.u32 $0x7F, v7;
	v11 =	vadd.s32 v2, v11  }
0x209: {  	v7 =	vor.u32 v7, v18;
	[tilespmem:v15+s17+$0x0] =	vst.idx.add.f32.msk $0xffff, v10;
	v10 =	vadd.s32 v2, v14  }
0x20a: {  	v7 =	vadd.s32 v2, v7;
	[tilespmem:v19+s17+$0x0] =	vst.idx.add.f32.msk $0xffff, v9  }
0x20b: {  	[tilespmem:v16+s17+$0x0] =	vst.idx.add.f32.msk $0xffff, v8  }
0x20c: {  	[tilespmem:v17+s17+$0x0] =	vst.idx.add.f32.msk $0xffff, v12  }
0x20d: {  	[tilespmem:v11+s17+$0x0] =	vst.idx.add.f32.msk $0xffff, v23  }
0x20e: {  	[tilespmem:v10+s17+$0x0] =	vst.idx.add.f32.msk $0xffff, v13  }
0x20f: {  	s1 =	simm.s32 $0x0;
	s22 =	simm.s32 $0x3;
	[tilespmem:v7+s17+$0x0] =	vst.idx.add.f32.msk $0xffff, v20  }
0x210: {  	s3 =	simm.s32 $0x5;
	s4 =	simm.s32 $0x7;
	v7 =	vadd.s32 s22, v4;
	s0 =	rddreg [dreg:$0x17]  }
0x211: {  	v8 =	vadd.s32 s3, v4;
	[hbm4b:s0+s1] =	stream.linear.scatter [tilespmem:s17], [sflag:$0x2], $0x4000, $0x38;
	[tilespmem:$0x1A800] =	vst v63  }
0x212: {  	s2 =	simm.s32 $0x4;
	v10 =	vadd.s32 s4, v4;
	_ =	swait.ge [sflag:s14], $0x4000  }
0x213: {  	s5 =	simm.s32 $0x2;
	v9 =	vadd.s32 s2, v4;
	[sflag:s14] =	ssyncset.done $0x0  }
0x214: {  	s7 =	simm.s32 $0x1;
	v11 =	vadd.s32 s5, v4;
	[sflag:s14] =	ssyncadd.s32 $0xFFFFC000  }
0x215: {  	s6 =	simm.s32 $0x6;
	v13 =	vadd.s32 s7, v4;
	v7 =	vld.idx.msk [tilespmem:v7+s15+$0x0], $0xffff  }
0x216: {  	s24 =	simm.s32 $0xD;
	v12 =	vadd.s32 s6, v4;
	v8 =	vld.idx.msk [tilespmem:v8+s15+$0x0], $0xffff  }
0x217: {  	v22 =	vadd.s32 s24, v4;
	v10 =	vld.idx.msk [tilespmem:v10+s15+$0x0], $0xffff  }
0x218: {  	v9 =	vld.idx.msk [tilespmem:v9+s15+$0x0], $0xffff  }
0x219: {  	v11 =	vld.idx.msk [tilespmem:v11+s15+$0x0], $0xffff  }
0x21a: {  	v13 =	vld.idx.msk [tilespmem:v13+s15+$0x0], $0xffff  }
0x21b: {  	v12 =	vld.idx.msk [tilespmem:v12+s15+$0x0], $0xffff;
	v14 =	vshll.u32 v8, $0x3  }
0x21c: {  	v22 =	vld.idx.msk [tilespmem:v22+s15+$0x0], $0xffff;
	v15 =	vand.u32 $0x7F, v8;
	v19 =	vshll.u32 v10, $0x3;
	v14 =	vand.u32 $0xFFFFFC00, v14  }
0x21d: {  	v18 =	vand.u32 $0x7F, v10;
	v19 =	vand.u32 $0xFFFFFC00, v19;
	v14 =	vor.u32 v15, v14;
	v17 =	vld.idx.msk [tilespmem:v7+s13+$0x0], $0xffff  }
0x21e: {  	v18 =	vor.u32 v18, v19;
	v8 =	vld.idx.msk [tilespmem:v8+s13+$0x0], $0xffff;
	v14 =	vadd.s32 v2, v14  }
0x21f: {  	v16 =	vshll.u32 v9, $0x3;
	v10 =	vld.idx.msk [tilespmem:v10+s13+$0x0], $0xffff;
	v18 =	vadd.s32 v2, v18  }
0x220: {  	v20 =	vadd.s32 s3, v0;
	v16 =	vand.u32 $0xFFFFFC00, v16;
	v15 =	vand.u32 $0x7F, v9;
	v9 =	vld.idx.msk [tilespmem:v9+s13+$0x0], $0xffff  }
0x221: {  	v15 =	vor.u32 v15, v16;
	v16 =	vadd.s32 s1, v4;
	v21 =	vld.idx.msk [tilespmem:v11+s13+$0x0], $0xffff  }
0x222: {  	v25 =	vld.idx.msk [tilespmem:v13+s13+$0x0], $0xffff;
	v15 =	vadd.s32 v2, v15  }
0x223: {  	v26 =	vadd.s32 s2, v0;
	[tilespmem:v14+s18+$0x0] =	vst.idx.add.f32.msk $0xffff, v8  }
0x224: {  	v19 =	vshll.u32 v7, $0x3;
	v14 =	vadd.s32 s4, v0;
	[tilespmem:v18+s18+$0x0] =	vst.idx.add.f32.msk $0xffff, v10  }
0x225: {  	s23 =	simm.s32 $0xC;
	v7 =	vand.u32 $0x7F, v7;
	v8 =	vand.u32 $0xFFFFFC00, v19;
	v19 =	vld.idx.msk [tilespmem:v20+s15+$0x0], $0xffff  }
0x226: {  	s28 =	simm.s32 $0xE;
	v7 =	vor.u32 v7, v8;
	v8 =	vld.idx.msk [tilespmem:v16+s15+$0x0], $0xffff;
	v16 =	vadd.s32 s23, v4  }
0x227: {  	s29 =	simm.s32 $0x9;
	v30 =	vadd.s32 s28, v4;
	[tilespmem:v15+s18+$0x0] =	vst.idx.add.f32.msk $0xffff, v9;
	v7 =	vadd.s32 v2, v7  }
0x228: {  	v31 =	vadd.s32 s29, v4;
	v24 =	vadd.s32 s7, v0;
	v9 =	vadd.s32 s22, v0;
	v26 =	vld.idx.msk [tilespmem:v26+s15+$0x0], $0xffff  }
0x229: {  	v41 =	vand.u32 $0x7F, v22;
	v18 =	vadd.s32 s5, v0;
	v10 =	vshll.u32 v12, $0x3;
	v23 =	vld.idx.msk [tilespmem:v14+s15+$0x0], $0xffff  }
0x22a: {  	s25 =	simm.s32 $0xB;
	v15 =	vadd.s32 s1, v0;
	v10 =	vand.u32 $0xFFFFFC00, v10;
	v14 =	vand.u32 $0x7F, v12;
	v12 =	vld.idx.msk [tilespmem:v12+s13+$0x0], $0xffff  }
0x22b: {  	v20 =	vadd.s32 s6, v0;
	v10 =	vor.u32 v14, v10;
	v14 =	vadd.s32 s25, v4;
	v16 =	vld.idx.msk [tilespmem:v16+s15+$0x0], $0xffff  }
0x22c: {  	s26 =	simm.s32 $0xF;
	v27 =	vshll.u32 v8, $0x3;
	[tilespmem:v7+s18+$0x0] =	vst.idx.add.f32.msk $0xffff, v17;
	v10 =	vadd.s32 v2, v10;
	v7 =	vshll.u32 v11, $0x3  }
0x22d: {  	v17 =	vand.u32 $0x7F, v13;
	v28 =	vld.idx.msk [tilespmem:v9+s15+$0x0], $0xffff;
	v9 =	vand.u32 $0x7F, v11;
	v11 =	vadd.s32 s26, v4  }
0x22e: {  	v43 =	vld.idx.msk [tilespmem:v22+s13+$0x0], $0xffff;
	v27 =	vand.u32 $0xFFFFFC00, v27;
	v13 =	vshll.u32 v13, $0x3;
	v63 =	vshll.u32 v26, $0x3  }
0x22f: {  	s30 =	simm.s32 $0xA;
	v26 =	vand.u32 $0x7F, v26;
	v7 =	vand.u32 $0xFFFFFC00, v7;
	v29 =	vld.idx.msk [tilespmem:v8+s13+$0x0], $0xffff;
	v8 =	vand.u32 $0x7F, v8  }
0x230: {  	s31 =	simm.s32 $0x8;
	v9 =	vor.u32 v9, v7;
	v7 =	vadd.s32 s30, v0;
	v8 =	vor.u32 v8, v27;
	v33 =	vld.idx.msk [tilespmem:v14+s15+$0x0], $0xffff  }
0x231: {  	v27 =	vadd.s32 s30, v4;
	v35 =	vadd.s32 v2, v9;
	v9 =	vadd.s32 s31, v0;
	[tilespmem:v10+s18+$0x0] =	vst.idx.add.f32.msk $0xffff, v12  }
0x232: {  	v32 =	vadd.s32 v2, v8;
	v12 =	vand.u32 $0xFFFFFC00, v13;
	v13 =	vshll.u32 v19, $0x3;
	v11 =	vld.idx.msk [tilespmem:v11+s15+$0x0], $0xffff  }
0x233: {  	v8 =	vadd.s32 s29, v0;
	v10 =	vand.u32 $0x7F, v19;
	v14 =	vand.u32 $0xFFFFFC00, v13;
	v13 =	vld.idx.msk [tilespmem:v30+s15+$0x0], $0xffff  }
0x234: {  	v19 =	vshll.u32 v16, $0x3;
	v12 =	vor.u32 v17, v12;
	v17 =	vshll.u32 v23, $0x3;
	v20 =	vld.idx.msk [tilespmem:v20+s15+$0x0], $0xffff  }
0x235: {  	v37 =	vand.u32 $0x7F, v28;
	v30 =	vand.u32 $0xFFFFFC00, v19;
	v19 =	vshll.u32 v22, $0x3;
	v39 =	vld.idx.msk [tilespmem:v16+s13+$0x0], $0xffff  }
0x236: {  	v10 =	vor.u32 v10, v14;
	v12 =	vadd.s32 v2, v12;
	v14 =	vand.u32 $0xFFFFFC00, v17;
	v38 =	vld.idx.msk [tilespmem:v27+s15+$0x0], $0xffff  }
0x237: {  	v34 =	vand.u32 $0xFFFFFC00, v19;
	v19 =	vadd.s32 s26, v0;
	v36 =	vadd.s32 v2, v10;
	[tilespmem:v35+s18+$0x0] =	vst.idx.add.f32.msk $0xffff, v21  }
0x238: {  	v41 =	vor.u32 v41, v34;
	[tilespmem:v32+s18+$0x0] =	vst.idx.add.f32.msk $0xffff, v29;
	v10 =	vand.u32 $0x7F, v33;
	v17 =	vshll.u32 v33, $0x3  }
0x239: {  	v29 =	vand.u32 $0x7F, v16;
	v16 =	vadd.s32 s25, v0;
	v21 =	vadd.s32 v2, v41;
	v32 =	vld.idx.msk [tilespmem:v15+s15+$0x0], $0xffff  }
0x23a: {  	v17 =	vand.u32 $0xFFFFFC00, v17;
	v29 =	vor.u32 v29, v30;
	v30 =	vand.u32 $0x7F, v23;
	v23 =	vld.idx.msk [tilespmem:v31+s15+$0x0], $0xffff  }
0x23b: {  	v31 =	vadd.s32 s24, v0;
	v59 =	vand.u32 $0x7F, v11;
	v17 =	vor.u32 v10, v17;
	v15 =	vld.idx.msk [tilespmem:v33+s13+$0x0], $0xffff  }
0x23c: {  	v27 =	vshll.u32 v13, $0x3;
	v42 =	vand.u32 $0x7F, v13;
	v22 =	vadd.s32 v2, v17;
	v17 =	vld.idx.msk [tilespmem:v18+s15+$0x0], $0xffff  }
0x23d: {  	v10 =	vadd.s32 s28, v0;
	v40 =	vand.u32 $0xFFFFFC00, v27;
	v27 =	vld.idx.msk [tilespmem:v11+s13+$0x0], $0xffff;
	v11 =	vshll.u32 v11, $0x3  }
0x23e: {  	v61 =	vadd.s32 v2, v29;
	[tilespmem:v12+s18+$0x0] =	vst.idx.add.f32.msk $0xffff, v25;
	v18 =	vadd.s32 s23, v0;
	v11 =	vand.u32 $0xFFFFFC00, v11  }
0x23f: {  	v12 =	vor.u32 v42, v40;
	[tilespmem:v36+s16+$0x0] =	vst.idx.msk $0xffff, v1;
	v36 =	vand.u32 $0x7F, v38;
	v11 =	vor.u32 v59, v11  }
0x240: {  	v29 =	vld.idx.msk [tilespmem:v24+s15+$0x0], $0xffff;
	v34 =	vadd.s32 v2, v11;
	v11 =	vshll.u32 v28, $0x3;
	v28 =	vadd.s32 s31, v4  }
0x241: {  	v24 =	vadd.s32 v2, v12;
	[tilespmem:v21+s18+$0x0] =	vst.idx.add.f32.msk $0xffff, v43;
	v60 =	vand.u32 $0x7F, v32;
	v32 =	vshll.u32 v32, $0x3  }
0x242: {  	v21 =	vshll.u32 v20, $0x3;
	v62 =	vand.u32 $0xFFFFFC00, v32;
	v32 =	vld.idx.msk [tilespmem:v31+s15+$0x0], $0xffff;
	v11 =	vand.u32 $0xFFFFFC00, v11  }
0x243: {  	v33 =	vand.u32 $0x7F, v23;
	[tilespmem:v61+s18+$0x0] =	vst.idx.add.f32.msk $0xffff, v39;
	v31 =	vor.u32 v60, v62;
	v25 =	vor.u32 v37, v11  }
0x244: {  	v11 =	vld.idx.msk [tilespmem:v38+s13+$0x0], $0xffff;
	v37 =	vand.u32 $0xFFFFFC00, v63;
	v12 =	vadd.s32 v2, v25;
	v25 =	vshll.u32 v38, $0x3  }
0x245: {  	s0 =	simm.s32 $0x10;
	v26 =	vor.u32 v26, v37;
	v35 =	vld.idx.msk [tilespmem:v28+s15+$0x0], $0xffff;
	v28 =	vadd.s32 v2, v31;
	v31 =	vshll.u32 v17, $0x3  }
.LBB2_10:
0x246: {  	s7 =	sadd.s32 $0x1, s0  }
0x247: {  	s8 =	sadd.s32 $0x2, s0;
	s5 =	sadd.s32 $0x3, s0;
	v37 =	vand.u32 $0xFFFFFC00, v25;
	[tilespmem:v34+s18+$0x0] =	vst.idx.add.f32.msk $0xffff, v27;
	v27 =	vand.u32 $0x7F, v29;
	v34 =	vadd.s32 v2, v26;
	s2 =	smov.u32 s0  }
0x248: {  	s1 =	sadd.s32 $0x4, s0;
	s3 =	sadd.s32 $0x5, s0;
	s4 =	sadd.s32 $0x6, s0;
	v14 =	vor.u32 v30, v14;
	v26 =	vadd.s32 s7, v4;
	v38 =	vadd.s32 s8, v4;
	v25 =	vld.idx.msk [tilespmem:v23+s13+$0x0], $0xffff  }
0x249: {  	p0 =	slt.u32 s0, $0xC0;
	s0 =	sadd.s32 $0x8, s0;
	v30 =	vadd.s32 s1, v4;
	v39 =	vadd.s32 s3, v4;
	s6 =	sadd.s32 $0x7, s2;
	v36 =	vor.u32 v36, v37;
	v37 =	vld.idx.msk [tilespmem:v19+s15+$0x0], $0xffff  }
0x24a: {  	v20 =	vand.u32 $0x7F, v20;
	v19 =	vadd.s32 s5, v4;
	v40 =	vadd.s32 s6, v4;
	v13 =	vld.idx.msk [tilespmem:v13+s13+$0x0], $0xffff  }
0x24b: {  	v41 =	vadd.s32 s7, v0;
	v42 =	vadd.s32 s8, v0;
	[tilespmem:v22+s18+$0x0] =	vst.idx.add.f32.msk $0xffff, v15;
	v15 =	vand.u32 $0x7F, v32  }
0x24c: {  	v43 =	vshll.u32 v35, $0x3;
	v22 =	vand.u32 $0x7F, v35;
	v44 =	vld.idx.msk [tilespmem:v16+s15+$0x0], $0xffff;
	v16 =	vshll.u32 v29, $0x3;
	[tilespmem:v34+s16+$0x0] =	vst.idx.msk $0xffff, v1  }
0x24d: {  	v23 =	vshll.u32 v23, $0x3;
	v34 =	vand.u32 $0xFFFFFC00, v43;
	v29 =	vld.idx.msk [tilespmem:v35+s13+$0x0], $0xffff;
	v35 =	vadd.s32 v2, v36;
	[tilespmem:v28+s16+$0x0] =	vst.idx.msk $0xffff, v1  }
0x24e: {  	v22 =	vor.u32 v22, v34;
	v34 =	vadd.s32 v2, v14;
	v28 =	vld.idx.msk [tilespmem:v30+s15+$0x0], $0xffff;
	v30 =	vadd.s32 s4, v4  }
0x24f: {  	v14 =	vadd.s32 v2, v22;
	v22 =	vand.u32 $0xFFFFFC00, v23;
	v23 =	vshll.u32 v32, $0x3;
	v36 =	vld.idx.msk [tilespmem:v39+s15+$0x0], $0xffff  }
0x250: {  	v16 =	vand.u32 $0xFFFFFC00, v16;
	v22 =	vor.u32 v33, v22;
	v23 =	vand.u32 $0xFFFFFC00, v23;
	v19 =	vld.idx.msk [tilespmem:v19+s15+$0x0], $0xffff  }
0x251: {  	v17 =	vand.u32 $0x7F, v17;
	v16 =	vor.u32 v27, v16;
	[tilespmem:v24+s18+$0x0] =	vst.idx.add.f32.msk $0xffff, v13;
	v24 =	vshll.u32 v37, $0x3  }
0x252: {  	v31 =	vand.u32 $0xFFFFFC00, v31;
	v21 =	vand.u32 $0xFFFFFC00, v21;
	v27 =	vadd.s32 s2, v0;
	v32 =	vld.idx.msk [tilespmem:v40+s15+$0x0], $0xffff  }
0x253: {  	v20 =	vor.u32 v20, v21;
	v16 =	vadd.s32 v2, v16;
	v15 =	vor.u32 v15, v23;
	v13 =	vld.idx.msk [tilespmem:v30+s15+$0x0], $0xffff  }
0x254: {  	v21 =	vadd.s32 v2, v22;
	v33 =	vld.idx.msk [tilespmem:v18+s15+$0x0], $0xffff;
	v18 =	vadd.s32 v2, v15;
	v15 =	vor.u32 v17, v31  }
0x255: {  	v22 =	vadd.s32 v2, v20;
	[tilespmem:v14+s18+$0x0] =	vst.idx.add.f32.msk $0xffff, v29;
	v14 =	vand.u32 $0xFFFFFC00, v24;
	v17 =	vadd.s32 v2, v15  }
0x256: {  	v23 =	vand.u32 $0x7F, v19;
	v15 =	vshll.u32 v19, $0x3;
	v24 =	vand.u32 $0x7F, v44;
	v31 =	vld.idx.msk [tilespmem:v9+s15+$0x0], $0xffff;
	[tilespmem:v34+s16+$0x0] =	vst.idx.msk $0xffff, v1;
	v9 =	vmovc v27  }
0x257: {  	v30 =	vand.u32 $0x7F, v28;
	v20 =	vshll.u32 v28, $0x3;
	v29 =	vand.u32 $0xFFFFFC00, v15;
	v38 =	vld.idx.msk [tilespmem:v38+s15+$0x0], $0xffff  }
0x258: {  	v34 =	vand.u32 $0xFFFFFC00, v20;
	v39 =	vand.u32 $0x7F, v32;
	v15 =	vld.idx.msk [tilespmem:v19+s13+$0x0], $0xffff;
	v19 =	vshll.u32 v36, $0x3;
	[tilespmem:v16+s16+$0x0] =	vst.idx.msk $0xffff, v1  }
0x259: {  	v20 =	vshll.u32 v13, $0x3;
	v40 =	vld.idx.msk [tilespmem:v28+s13+$0x0], $0xffff;
	v28 =	vand.u32 $0xFFFFFC00, v19;
	v19 =	vadd.s32 s6, v0;
	[tilespmem:v12+s16+$0x0] =	vst.idx.msk $0xffff, v1  }
0x25a: {  	v16 =	vadd.s32 s5, v0;
	v12 =	vand.u32 $0xFFFFFC00, v20;
	v20 =	vshll.u32 v32, $0x3;
	v27 =	vld.idx.msk [tilespmem:v32+s13+$0x0], $0xffff;
	[tilespmem:v17+s16+$0x0] =	vst.idx.msk $0xffff, v1  }
0x25b: {  	v17 =	vand.u32 $0x7F, v36;
	v32 =	vand.u32 $0x7F, v13;
	v43 =	vand.u32 $0xFFFFFC00, v20;
	v20 =	vld.idx.msk [tilespmem:v10+s15+$0x0], $0xffff;
	[tilespmem:v22+s16+$0x0] =	vst.idx.msk $0xffff, v1  }
0x25c: {  	v22 =	vor.u32 v23, v29;
	v17 =	vor.u32 v17, v28;
	v23 =	vor.u32 v39, v43;
	v36 =	vld.idx.msk [tilespmem:v36+s13+$0x0], $0xffff  }
0x25d: {  	v28 =	vor.u32 v30, v34;
	v10 =	vadd.s32 s4, v0;
	v34 =	vadd.s32 v2, v23;
	[tilespmem:v35+s18+$0x0] =	vst.idx.add.f32.msk $0xffff, v11  }
0x25e: {  	v30 =	vand.u32 $0x7F, v37;
	v22 =	vadd.s32 v2, v22;
	v35 =	vadd.s32 v2, v17;
	v17 =	vld.idx.msk [tilespmem:v7+s15+$0x0], $0xffff;
	v7 =	vmovc v42  }
0x25f: {  	v37 =	vand.u32 $0x7F, v31;
	v11 =	vshll.u32 v44, $0x3;
	v23 =	vld.idx.msk [tilespmem:v26+s15+$0x0], $0xffff;
	v26 =	vadd.s32 s3, v0;
	[tilespmem:v18+s16+$0x0] =	vst.idx.msk $0xffff, v1  }
0x260: {  	v39 =	vadd.s32 s2, v4;
	v42 =	vadd.s32 v2, v28;
	v11 =	vand.u32 $0xFFFFFC00, v11;
	[tilespmem:v21+s18+$0x0] =	vst.idx.add.f32.msk $0xffff, v25  }
0x261: {  	v12 =	vor.u32 v32, v12;
	v18 =	vadd.s32 s1, v0;
	v21 =	vor.u32 v24, v11;
	v29 =	vld.idx.msk [tilespmem:v8+s15+$0x0], $0xffff;
	v8 =	vmovc v41  }
.Ltmp4:
0x262: {  	v24 =	vadd.s32 v2, v12;
	v25 =	vshll.u32 v31, $0x3;
	v12 =	vadd.s32 v2, v21;
	v11 =	vld.idx.msk [tilespmem:v38+s13+$0x0], $0xffff;
	(pc) =	sbr.rel @p0 .LBB2_10-.Ltmp4, $4  }
0x263: {  	v31 =	vshll.u32 v33, $0x3;
	v28 =	vand.u32 $0xFFFFFC00, v25;
	v21 =	vshll.u32 v20, $0x3;
	[tilespmem:v35+s18+$0x0] =	vst.idx.add.f32.msk $0xffff, v36  }
0x264: {  	v25 =	vshll.u32 v38, $0x3;
	v32 =	vld.idx.msk [tilespmem:v26+s15+$0x0], $0xffff;
	v26 =	vor.u32 v37, v28;
	v37 =	vand.u32 $0x7F, v33  }
0x265: {  	v33 =	vand.u32 $0x7F, v23;
	v35 =	vld.idx.msk [tilespmem:v39+s15+$0x0], $0xffff;
	v28 =	vadd.s32 v2, v26;
	v26 =	vand.u32 $0xFFFFFC00, v31  }
0x266: {  	v36 =	vand.u32 $0x7F, v38;
	v31 =	vshll.u32 v17, $0x3;
	[tilespmem:v42+s18+$0x0] =	vst.idx.add.f32.msk $0xffff, v40;
	v26 =	vor.u32 v37, v26  }
0x267: {  	_ =	sdelay $0x3  }
0x268: {  	[tilespmem:v34+s18+$0x0] =	vst.idx.add.f32.msk $0xffff, v27  }
0x269: {  	v13 =	vld.idx.msk [tilespmem:v13+s13+$0x0], $0xffff  }
0x26a: {  	v25 =	vand.u32 $0xFFFFFC00, v25;
	v51 =	vand.u32 $0x7F, v29;
	v37 =	vld.idx.msk [tilespmem:v23+s13+$0x0], $0xffff  }
0x26b: {  	v26 =	vadd.s32 v2, v26;
	v14 =	vor.u32 v30, v14;
	[tilespmem:v22+s18+$0x0] =	vst.idx.add.f32.msk $0xffff, v15;
	v27 =	vshll.u32 v35, $0x3  }
0x26c: {  	v18 =	vld.idx.msk [tilespmem:v18+s15+$0x0], $0xffff;
	v25 =	vor.u32 v36, v25;
	v50 =	vand.u32 $0x7F, v35;
	v27 =	vand.u32 $0xFFFFFC00, v27  }
0x26d: {  	v23 =	vshll.u32 v23, $0x3;
	v19 =	vld.idx.msk [tilespmem:v19+s15+$0x0], $0xffff;
	v25 =	vadd.s32 v2, v25;
	v27 =	vor.u32 v50, v27  }
0x26e: {  	v20 =	vand.u32 $0x7F, v20;
	v17 =	vand.u32 $0x7F, v17;
	v52 =	vld.idx.msk [tilespmem:v35+s13+$0x0], $0xffff;
	v27 =	vadd.s32 v2, v27  }
0x26f: {  	v21 =	vand.u32 $0xFFFFFC00, v21;
	v22 =	vand.u32 $0xFFFFFC00, v23;
	v16 =	vld.idx.msk [tilespmem:v16+s15+$0x0], $0xffff;
	v14 =	vadd.s32 v2, v14  }
0x270: {  	v23 =	vshll.u32 v29, $0x3;
	v20 =	vor.u32 v20, v21;
	v22 =	vor.u32 v33, v22;
	[tilespmem:v24+s18+$0x0] =	vst.idx.add.f32.msk $0xffff, v13  }
0x271: {  	v29 =	vshll.u32 v32, $0x3;
	v23 =	vand.u32 $0xFFFFFC00, v23;
	v13 =	vadd.s32 v2, v22;
	v10 =	vld.idx.msk [tilespmem:v10+s15+$0x0], $0xffff  }
0x272: {  	v15 =	vand.u32 $0x7F, v32;
	v23 =	vor.u32 v51, v23;
	v22 =	vand.u32 $0xFFFFFC00, v29;
	[tilespmem:v25+s18+$0x0] =	vst.idx.add.f32.msk $0xffff, v11  }
0x273: {  	v24 =	vshll.u32 v19, $0x3;
	v15 =	vor.u32 v15, v22;
	v22 =	vadd.s32 v2, v23;
	[tilespmem:v27+s18+$0x0] =	vst.idx.add.f32.msk $0xffff, v52  }
0x274: {  	v23 =	vshll.u32 v16, $0x3;
	v21 =	vand.u32 $0xFFFFFC00, v24;
	v11 =	vand.u32 $0x7F, v19;
	v9 =	vld.idx.msk [tilespmem:v9+s15+$0x0], $0xffff  }
0x275: {  	[tilespmem:v28+s16+$0x0] =	vst.idx.msk $0xffff, v1;
	v16 =	vand.u32 $0x7F, v16;
	v15 =	vadd.s32 v2, v15;
	v11 =	vor.u32 v11, v21  }
0x276: {  	[tilespmem:v13+s18+$0x0] =	vst.idx.add.f32.msk $0xffff, v37;
	v13 =	vadd.s32 v2, v20;
	v20 =	vand.u32 $0xFFFFFC00, v23;
	v27 =	vand.u32 $0xFFFFFC00, v31  }
0x277: {  	v11 =	vadd.s32 v2, v11;
	v8 =	vld.idx.msk [tilespmem:v8+s15+$0x0], $0xffff;
	v16 =	vor.u32 v16, v20;
	v17 =	vor.u32 v17, v27  }
0x278: {  	[tilespmem:v12+s16+$0x0] =	vst.idx.msk $0xffff, v1;
	v7 =	vld.idx.msk [tilespmem:v7+s15+$0x0], $0xffff;
	v20 =	vshll.u32 v18, $0x3;
	v18 =	vand.u32 $0x7F, v18;
	v17 =	vadd.s32 v2, v17  }
0x279: {  	[tilespmem:v14+s16+$0x0] =	vst.idx.msk $0xffff, v1;
	v14 =	vshll.u32 v10, $0x3;
	v19 =	vand.u32 $0x7F, v9;
	v9 =	vshll.u32 v9, $0x3  }
0x27a: {  	[tilespmem:v26+s16+$0x0] =	vst.idx.msk $0xffff, v1;
	v10 =	vand.u32 $0x7F, v10;
	v20 =	vand.u32 $0xFFFFFC00, v20;
	v9 =	vand.u32 $0xFFFFFC00, v9  }
0x27b: {  	v16 =	vadd.s32 v2, v16;
	v18 =	vor.u32 v18, v20;
	v9 =	vor.u32 v19, v9  }
0x27c: {  	[tilespmem:v22+s16+$0x0] =	vst.idx.msk $0xffff, v1;
	v18 =	vadd.s32 v2, v18;
	v19 =	vshll.u32 v8, $0x3;
	v9 =	vadd.s32 v2, v9  }
0x27d: {  	[tilespmem:v17+s16+$0x0] =	vst.idx.msk $0xffff, v1;
	v17 =	vshll.u32 v7, $0x3;
	v8 =	vand.u32 $0x7F, v8;
	v12 =	vand.u32 $0xFFFFFC00, v19  }
0x27e: {  	[tilespmem:v15+s16+$0x0] =	vst.idx.msk $0xffff, v1;
	v7 =	vand.u32 $0x7F, v7;
	v8 =	vor.u32 v8, v12;
	v12 =	vand.u32 $0xFFFFFC00, v17  }
0x27f: {  	[tilespmem:v13+s16+$0x0] =	vst.idx.msk $0xffff, v1;
	v13 =	vand.u32 $0xFFFFFC00, v14;
	v8 =	vadd.s32 v2, v8;
	v7 =	vor.u32 v7, v12  }
0x280: {  	[tilespmem:v11+s16+$0x0] =	vst.idx.msk $0xffff, v1;
	v10 =	vor.u32 v10, v13;
	v7 =	vadd.s32 v2, v7  }
0x281: {  	[tilespmem:v9+s16+$0x0] =	vst.idx.msk $0xffff, v1;
	v9 =	vadd.s32 v2, v10  }
0x282: {  	[tilespmem:v16+s16+$0x0] =	vst.idx.msk $0xffff, v1  }
0x283: {  	[tilespmem:v18+s16+$0x0] =	vst.idx.msk $0xffff, v1  }
0x284: {  	[tilespmem:v8+s16+$0x0] =	vst.idx.msk $0xffff, v1  }
0x285: {  	[tilespmem:v7+s16+$0x0] =	vst.idx.msk $0xffff, v1  }
0x286: {  	s1 =	simm.s32 $0x0;
	s22 =	simm.s32 $0x3;
	[tilespmem:v9+s16+$0x0] =	vst.idx.msk $0xffff, v1  }
0x287: {  	s3 =	simm.s32 $0x5;
	s4 =	simm.s32 $0x7;
	v7 =	vadd.s32 s22, v5;
	s0 =	rddreg [dreg:$0x18]  }
0x288: {  	v8 =	vadd.s32 s3, v5;
	[hbm4b:s0+s1] =	stream.linear.scatter [tilespmem:s18], [sflag:$0x3], $0x4000, $0x38;
	[tilespmem:$0x1A800] =	vst v63  }
0x289: {  	s2 =	simm.s32 $0x4;
	v10 =	vadd.s32 s4, v5;
	_ =	swait.ge [sflag:s19], $0x4000  }
0x28a: {  	s5 =	simm.s32 $0x2;
	v9 =	vadd.s32 s2, v5;
	[sflag:s19] =	ssyncset.done $0x0  }
0x28b: {  	s7 =	simm.s32 $0x1;
	v11 =	vadd.s32 s5, v5;
	[sflag:s19] =	ssyncadd.s32 $0xFFFFC000  }
0x28c: {  	s6 =	simm.s32 $0x6;
	v13 =	vadd.s32 s7, v5;
	v7 =	vld.idx.msk [tilespmem:v7+s15+$0x0], $0xffff  }
0x28d: {  	s24 =	simm.s32 $0xD;
	v12 =	vadd.s32 s6, v5;
	v8 =	vld.idx.msk [tilespmem:v8+s15+$0x0], $0xffff  }
0x28e: {  	v22 =	vadd.s32 s24, v5;
	v10 =	vld.idx.msk [tilespmem:v10+s15+$0x0], $0xffff  }
0x28f: {  	v9 =	vld.idx.msk [tilespmem:v9+s15+$0x0], $0xffff  }
0x290: {  	v11 =	vld.idx.msk [tilespmem:v11+s15+$0x0], $0xffff  }
0x291: {  	v13 =	vld.idx.msk [tilespmem:v13+s15+$0x0], $0xffff  }
0x292: {  	v12 =	vld.idx.msk [tilespmem:v12+s15+$0x0], $0xffff;
	v14 =	vshll.u32 v8, $0x3  }
0x293: {  	v22 =	vld.idx.msk [tilespmem:v22+s15+$0x0], $0xffff;
	v15 =	vand.u32 $0x7F, v8;
	v19 =	vshll.u32 v10, $0x3;
	v14 =	vand.u32 $0xFFFFFC00, v14  }
0x294: {  	v18 =	vand.u32 $0x7F, v10;
	v19 =	vand.u32 $0xFFFFFC00, v19;
	v14 =	vor.u32 v15, v14;
	v17 =	vld.idx.msk [tilespmem:v7+s13+$0x0], $0xffff  }
0x295: {  	v18 =	vor.u32 v18, v19;
	v8 =	vld.idx.msk [tilespmem:v8+s13+$0x0], $0xffff;
	v14 =	vadd.s32 v2, v14  }
0x296: {  	v16 =	vshll.u32 v9, $0x3;
	v10 =	vld.idx.msk [tilespmem:v10+s13+$0x0], $0xffff;
	v18 =	vadd.s32 v2, v18  }
0x297: {  	v20 =	vadd.s32 s3, v3;
	v16 =	vand.u32 $0xFFFFFC00, v16;
	v15 =	vand.u32 $0x7F, v9;
	v9 =	vld.idx.msk [tilespmem:v9+s13+$0x0], $0xffff  }
0x298: {  	v15 =	vor.u32 v15, v16;
	v16 =	vadd.s32 s1, v5;
	v21 =	vld.idx.msk [tilespmem:v11+s13+$0x0], $0xffff  }
0x299: {  	v25 =	vld.idx.msk [tilespmem:v13+s13+$0x0], $0xffff;
	v15 =	vadd.s32 v2, v15  }
0x29a: {  	v26 =	vadd.s32 s2, v3;
	v19 =	vshll.u32 v7, $0x3;
	[tilespmem:v14+s16+$0x0] =	vst.idx.add.f32.msk $0xffff, v8  }
0x29b: {  	v7 =	vand.u32 $0x7F, v7;
	v8 =	vand.u32 $0xFFFFFC00, v19;
	v14 =	vadd.s32 s4, v3;
	[tilespmem:v18+s16+$0x0] =	vst.idx.add.f32.msk $0xffff, v10  }
0x29c: {  	s28 =	simm.s32 $0xE;
	v19 =	vld.idx.msk [tilespmem:v20+s15+$0x0], $0xffff;
	v7 =	vor.u32 v7, v8  }
0x29d: {  	s23 =	simm.s32 $0xC;
	s29 =	simm.s32 $0x9;
	v30 =	vadd.s32 s28, v5;
	v24 =	vadd.s32 s7, v3;
	v8 =	vld.idx.msk [tilespmem:v16+s15+$0x0], $0xffff;
	v7 =	vadd.s32 v2, v7  }
0x29e: {  	v31 =	vadd.s32 s29, v5;
	v41 =	vand.u32 $0x7F, v22;
	[tilespmem:v15+s16+$0x0] =	vst.idx.add.f32.msk $0xffff, v9;
	v16 =	vadd.s32 s23, v5  }
0x29f: {  	v18 =	vadd.s32 s5, v3;
	v10 =	vshll.u32 v12, $0x3;
	v9 =	vadd.s32 s22, v3;
	v26 =	vld.idx.msk [tilespmem:v26+s15+$0x0], $0xffff  }
0x2a0: {  	s25 =	simm.s32 $0xB;
	v15 =	vadd.s32 s1, v3;
	v10 =	vand.u32 $0xFFFFFC00, v10;
	v23 =	vld.idx.msk [tilespmem:v14+s15+$0x0], $0xffff;
	v14 =	vand.u32 $0x7F, v12  }
0x2a1: {  	v20 =	vadd.s32 s6, v3;
	v12 =	vld.idx.msk [tilespmem:v12+s13+$0x0], $0xffff;
	v10 =	vor.u32 v14, v10;
	v14 =	vadd.s32 s25, v5  }
0x2a2: {  	v27 =	vshll.u32 v8, $0x3;
	[tilespmem:v7+s16+$0x0] =	vst.idx.add.f32.msk $0xffff, v17;
	v10 =	vadd.s32 v2, v10;
	v7 =	vshll.u32 v11, $0x3  }
0x2a3: {  	s26 =	simm.s32 $0xF;
	v16 =	vld.idx.msk [tilespmem:v16+s15+$0x0], $0xffff;
	v17 =	vand.u32 $0x7F, v13;
	v27 =	vand.u32 $0xFFFFFC00, v27;
	v13 =	vshll.u32 v13, $0x3  }
0x2a4: {  	v63 =	vshll.u32 v26, $0x3;
	v28 =	vld.idx.msk [tilespmem:v9+s15+$0x0], $0xffff;
	v9 =	vand.u32 $0x7F, v11;
	v11 =	vadd.s32 s26, v5  }
0x2a5: {  	s30 =	simm.s32 $0xA;
	v43 =	vld.idx.msk [tilespmem:v22+s13+$0x0], $0xffff;
	v26 =	vand.u32 $0x7F, v26;
	v7 =	vand.u32 $0xFFFFFC00, v7;
	v37 =	vand.u32 $0xFFFFFC00, v63  }
0x2a6: {  	v29 =	vld.idx.msk [tilespmem:v8+s13+$0x0], $0xffff;
	v8 =	vand.u32 $0x7F, v8;
	v9 =	vor.u32 v9, v7;
	v7 =	vadd.s32 s30, v3  }
0x2a7: {  	s31 =	simm.s32 $0x8;
	v26 =	vor.u32 v26, v37;
	v8 =	vor.u32 v8, v27;
	v27 =	vadd.s32 s30, v5;
	v54 =	vld.idx.msk [tilespmem:v14+s15+$0x0], $0xffff  }
0x2a8: {  	v55 =	vadd.s32 v2, v9;
	v9 =	vadd.s32 s31, v3;
	v53 =	vadd.s32 v2, v8;
	[tilespmem:v10+s16+$0x0] =	vst.idx.add.f32.msk $0xffff, v12  }
0x2a9: {  	v8 =	vadd.s32 s29, v3;
	v12 =	vand.u32 $0xFFFFFC00, v13;
	v13 =	vshll.u32 v19, $0x3;
	v11 =	vld.idx.msk [tilespmem:v11+s15+$0x0], $0xffff  }
0x2aa: {  	v10 =	vand.u32 $0x7F, v19;
	v19 =	vshll.u32 v16, $0x3;
	v14 =	vand.u32 $0xFFFFFC00, v13;
	v13 =	vld.idx.msk [tilespmem:v30+s15+$0x0], $0xffff  }
0x2ab: {  	v12 =	vor.u32 v17, v12;
	v17 =	vshll.u32 v23, $0x3;
	v57 =	vand.u32 $0x7F, v28;
	v20 =	vld.idx.msk [tilespmem:v20+s15+$0x0], $0xffff  }
0x2ac: {  	v30 =	vand.u32 $0xFFFFFC00, v19;
	v19 =	vshll.u32 v22, $0x3;
	v10 =	vor.u32 v10, v14;
	v39 =	vld.idx.msk [tilespmem:v16+s13+$0x0], $0xffff  }
0x2ad: {  	v12 =	vadd.s32 v2, v12;
	v14 =	vand.u32 $0xFFFFFC00, v17;
	v59 =	vand.u32 $0xFFFFFC00, v19;
	v38 =	vld.idx.msk [tilespmem:v27+s15+$0x0], $0xffff  }
0x2ae: {  	v19 =	vadd.s32 s26, v3;
	v56 =	vadd.s32 v2, v10;
	v41 =	vor.u32 v41, v59;
	[tilespmem:v55+s16+$0x0] =	vst.idx.add.f32.msk $0xffff, v21  }
0x2af: {  	[tilespmem:v53+s16+$0x0] =	vst.idx.add.f32.msk $0xffff, v29;
	v10 =	vand.u32 $0x7F, v54;
	v17 =	vshll.u32 v54, $0x3;
	v29 =	vand.u32 $0x7F, v16  }
0x2b0: {  	v16 =	vadd.s32 s25, v3;
	v21 =	vadd.s32 v2, v41;
	v32 =	vld.idx.msk [tilespmem:v15+s15+$0x0], $0xffff;
	v17 =	vand.u32 $0xFFFFFC00, v17  }
0x2b1: {  	v29 =	vor.u32 v29, v30;
	v30 =	vand.u32 $0x7F, v23;
	v23 =	vld.idx.msk [tilespmem:v31+s15+$0x0], $0xffff;
	v31 =	vadd.s32 s24, v3  }
0x2b2: {  	v58 =	vand.u32 $0x7F, v11;
	v27 =	vshll.u32 v13, $0x3;
	v42 =	vand.u32 $0x7F, v13;
	v15 =	vld.idx.msk [tilespmem:v54+s13+$0x0], $0xffff  }
0x2b3: {  	v17 =	vor.u32 v10, v17;
	v40 =	vand.u32 $0xFFFFFC00, v27;
	v27 =	vld.idx.msk [tilespmem:v11+s13+$0x0], $0xffff;
	v11 =	vshll.u32 v11, $0x3  }
0x2b4: {  	v61 =	vadd.s32 v2, v29;
	v22 =	vadd.s32 v2, v17;
	v17 =	vld.idx.msk [tilespmem:v18+s15+$0x0], $0xffff;
	v11 =	vand.u32 $0xFFFFFC00, v11  }
0x2b5: {  	v10 =	vadd.s32 s28, v3;
	[tilespmem:v12+s16+$0x0] =	vst.idx.add.f32.msk $0xffff, v25;
	v18 =	vadd.s32 s23, v3;
	v11 =	vor.u32 v58, v11  }
0x2b6: {  	v29 =	vld.idx.msk [tilespmem:v24+s15+$0x0], $0xffff;
	v34 =	vadd.s32 v2, v11;
	v11 =	vshll.u32 v28, $0x3;
	v28 =	vadd.s32 s31, v5  }
0x2b7: {  	v12 =	vor.u32 v42, v40;
	[tilespmem:v21+s16+$0x0] =	vst.idx.add.f32.msk $0xffff, v43;
	v60 =	vand.u32 $0x7F, v32;
	v32 =	vshll.u32 v32, $0x3  }
0x2b8: {  	v36 =	vand.u32 $0x7F, v38;
	v62 =	vand.u32 $0xFFFFFC00, v32;
	v32 =	vld.idx.msk [tilespmem:v31+s15+$0x0], $0xffff;
	v11 =	vand.u32 $0xFFFFFC00, v11  }
0x2b9: {  	v24 =	vadd.s32 v2, v12;
	v21 =	vshll.u32 v20, $0x3;
	[tilespmem:v61+s16+$0x0] =	vst.idx.add.f32.msk $0xffff, v39;
	v25 =	vor.u32 v57, v11  }
0x2ba: {  	v33 =	vand.u32 $0x7F, v23;
	v31 =	vor.u32 v60, v62;
	v11 =	vld.idx.msk [tilespmem:v38+s13+$0x0], $0xffff;
	v12 =	vadd.s32 v2, v25  }
0x2bb: {  	s0 =	simm.s32 $0x10;
	[tilespmem:v56+s17+$0x0] =	vst.idx.msk $0xffff, v1;
	v25 =	vshll.u32 v38, $0x3;
	v35 =	vld.idx.msk [tilespmem:v28+s15+$0x0], $0xffff;
	v28 =	vadd.s32 v2, v31;
	v31 =	vshll.u32 v17, $0x3  }
.LBB2_12:
0x2bc: {  	s7 =	sadd.s32 $0x1, s0  }
0x2bd: {  	s8 =	sadd.s32 $0x2, s0;
	s5 =	sadd.s32 $0x3, s0;
	v37 =	vand.u32 $0xFFFFFC00, v25;
	[tilespmem:v34+s16+$0x0] =	vst.idx.add.f32.msk $0xffff, v27;
	v27 =	vand.u32 $0x7F, v29;
	v34 =	vadd.s32 v2, v26;
	s2 =	smov.u32 s0  }
0x2be: {  	s1 =	sadd.s32 $0x4, s0;
	s3 =	sadd.s32 $0x5, s0;
	s4 =	sadd.s32 $0x6, s0;
	v14 =	vor.u32 v30, v14;
	v26 =	vadd.s32 s7, v5;
	v38 =	vadd.s32 s8, v5;
	v25 =	vld.idx.msk [tilespmem:v23+s13+$0x0], $0xffff  }
0x2bf: {  	p0 =	slt.u32 s0, $0xC0;
	s0 =	sadd.s32 $0x8, s0;
	v30 =	vadd.s32 s1, v5;
	v39 =	vadd.s32 s3, v5;
	s6 =	sadd.s32 $0x7, s2;
	v36 =	vor.u32 v36, v37;
	v37 =	vld.idx.msk [tilespmem:v19+s15+$0x0], $0xffff  }
0x2c0: {  	v20 =	vand.u32 $0x7F, v20;
	v19 =	vadd.s32 s5, v5;
	v40 =	vadd.s32 s6, v5;
	v13 =	vld.idx.msk [tilespmem:v13+s13+$0x0], $0xffff  }
0x2c1: {  	v41 =	vadd.s32 s7, v3;
	v42 =	vadd.s32 s8, v3;
	[tilespmem:v22+s16+$0x0] =	vst.idx.add.f32.msk $0xffff, v15;
	v15 =	vand.u32 $0x7F, v32  }
0x2c2: {  	v43 =	vshll.u32 v35, $0x3;
	v22 =	vand.u32 $0x7F, v35;
	v44 =	vld.idx.msk [tilespmem:v16+s15+$0x0], $0xffff;
	v16 =	vshll.u32 v29, $0x3;
	[tilespmem:v34+s17+$0x0] =	vst.idx.msk $0xffff, v1  }
0x2c3: {  	v23 =	vshll.u32 v23, $0x3;
	v34 =	vand.u32 $0xFFFFFC00, v43;
	v29 =	vld.idx.msk [tilespmem:v35+s13+$0x0], $0xffff;
	v35 =	vadd.s32 v2, v36;
	[tilespmem:v28+s17+$0x0] =	vst.idx.msk $0xffff, v1  }
0x2c4: {  	v22 =	vor.u32 v22, v34;
	v34 =	vadd.s32 v2, v14;
	v28 =	vld.idx.msk [tilespmem:v30+s15+$0x0], $0xffff;
	v30 =	vadd.s32 s4, v5  }
0x2c5: {  	v14 =	vadd.s32 v2, v22;
	v22 =	vand.u32 $0xFFFFFC00, v23;
	v23 =	vshll.u32 v32, $0x3;
	v36 =	vld.idx.msk [tilespmem:v39+s15+$0x0], $0xffff  }
0x2c6: {  	v16 =	vand.u32 $0xFFFFFC00, v16;
	v22 =	vor.u32 v33, v22;
	v23 =	vand.u32 $0xFFFFFC00, v23;
	v19 =	vld.idx.msk [tilespmem:v19+s15+$0x0], $0xffff  }
0x2c7: {  	v17 =	vand.u32 $0x7F, v17;
	v16 =	vor.u32 v27, v16;
	[tilespmem:v24+s16+$0x0] =	vst.idx.add.f32.msk $0xffff, v13;
	v24 =	vshll.u32 v37, $0x3  }
0x2c8: {  	v31 =	vand.u32 $0xFFFFFC00, v31;
	v21 =	vand.u32 $0xFFFFFC00, v21;
	v27 =	vadd.s32 s2, v3;
	v32 =	vld.idx.msk [tilespmem:v40+s15+$0x0], $0xffff  }
0x2c9: {  	v20 =	vor.u32 v20, v21;
	v16 =	vadd.s32 v2, v16;
	v15 =	vor.u32 v15, v23;
	v13 =	vld.idx.msk [tilespmem:v30+s15+$0x0], $0xffff  }
0x2ca: {  	v21 =	vadd.s32 v2, v22;
	v33 =	vld.idx.msk [tilespmem:v18+s15+$0x0], $0xffff;
	v18 =	vadd.s32 v2, v15;
	v15 =	vor.u32 v17, v31  }
0x2cb: {  	v22 =	vadd.s32 v2, v20;
	[tilespmem:v14+s16+$0x0] =	vst.idx.add.f32.msk $0xffff, v29;
	v14 =	vand.u32 $0xFFFFFC00, v24;
	v17 =	vadd.s32 v2, v15  }
0x2cc: {  	v23 =	vand.u32 $0x7F, v19;
	v15 =	vshll.u32 v19, $0x3;
	v24 =	vand.u32 $0x7F, v44;
	v31 =	vld.idx.msk [tilespmem:v9+s15+$0x0], $0xffff;
	[tilespmem:v34+s17+$0x0] =	vst.idx.msk $0xffff, v1;
	v9 =	vmovc v27  }
0x2cd: {  	v30 =	vand.u32 $0x7F, v28;
	v20 =	vshll.u32 v28, $0x3;
	v29 =	vand.u32 $0xFFFFFC00, v15;
	v38 =	vld.idx.msk [tilespmem:v38+s15+$0x0], $0xffff  }
0x2ce: {  	v34 =	vand.u32 $0xFFFFFC00, v20;
	v39 =	vand.u32 $0x7F, v32;
	v15 =	vld.idx.msk [tilespmem:v19+s13+$0x0], $0xffff;
	v19 =	vshll.u32 v36, $0x3;
	[tilespmem:v16+s17+$0x0] =	vst.idx.msk $0xffff, v1  }
0x2cf: {  	v20 =	vshll.u32 v13, $0x3;
	v40 =	vld.idx.msk [tilespmem:v28+s13+$0x0], $0xffff;
	v28 =	vand.u32 $0xFFFFFC00, v19;
	v19 =	vadd.s32 s6, v3;
	[tilespmem:v12+s17+$0x0] =	vst.idx.msk $0xffff, v1  }
0x2d0: {  	v16 =	vadd.s32 s5, v3;
	v12 =	vand.u32 $0xFFFFFC00, v20;
	v20 =	vshll.u32 v32, $0x3;
	v27 =	vld.idx.msk [tilespmem:v32+s13+$0x0], $0xffff;
	[tilespmem:v17+s17+$0x0] =	vst.idx.msk $0xffff, v1  }
0x2d1: {  	v17 =	vand.u32 $0x7F, v36;
	v32 =	vand.u32 $0x7F, v13;
	v43 =	vand.u32 $0xFFFFFC00, v20;
	v20 =	vld.idx.msk [tilespmem:v10+s15+$0x0], $0xffff;
	[tilespmem:v22+s17+$0x0] =	vst.idx.msk $0xffff, v1  }
0x2d2: {  	v22 =	vor.u32 v23, v29;
	v17 =	vor.u32 v17, v28;
	v23 =	vor.u32 v39, v43;
	v36 =	vld.idx.msk [tilespmem:v36+s13+$0x0], $0xffff  }
0x2d3: {  	v28 =	vor.u32 v30, v34;
	v10 =	vadd.s32 s4, v3;
	v34 =	vadd.s32 v2, v23;
	[tilespmem:v35+s16+$0x0] =	vst.idx.add.f32.msk $0xffff, v11  }
0x2d4: {  	v30 =	vand.u32 $0x7F, v37;
	v22 =	vadd.s32 v2, v22;
	v35 =	vadd.s32 v2, v17;
	v17 =	vld.idx.msk [tilespmem:v7+s15+$0x0], $0xffff;
	v7 =	vmovc v42  }
0x2d5: {  	v37 =	vand.u32 $0x7F, v31;
	v11 =	vshll.u32 v44, $0x3;
	v23 =	vld.idx.msk [tilespmem:v26+s15+$0x0], $0xffff;
	v26 =	vadd.s32 s3, v3;
	[tilespmem:v18+s17+$0x0] =	vst.idx.msk $0xffff, v1  }
0x2d6: {  	v39 =	vadd.s32 s2, v5;
	v42 =	vadd.s32 v2, v28;
	v11 =	vand.u32 $0xFFFFFC00, v11;
	[tilespmem:v21+s16+$0x0] =	vst.idx.add.f32.msk $0xffff, v25  }
0x2d7: {  	v12 =	vor.u32 v32, v12;
	v18 =	vadd.s32 s1, v3;
	v21 =	vor.u32 v24, v11;
	v29 =	vld.idx.msk [tilespmem:v8+s15+$0x0], $0xffff;
	v8 =	vmovc v41  }
.Ltmp5:
0x2d8: {  	v24 =	vadd.s32 v2, v12;
	v25 =	vshll.u32 v31, $0x3;
	v12 =	vadd.s32 v2, v21;
	v11 =	vld.idx.msk [tilespmem:v38+s13+$0x0], $0xffff;
	(pc) =	sbr.rel @p0 .LBB2_12-.Ltmp5, $4  }
0x2d9: {  	v31 =	vshll.u32 v33, $0x3;
	v28 =	vand.u32 $0xFFFFFC00, v25;
	v21 =	vshll.u32 v20, $0x3;
	[tilespmem:v35+s16+$0x0] =	vst.idx.add.f32.msk $0xffff, v36  }
0x2da: {  	v25 =	vshll.u32 v38, $0x3;
	v32 =	vld.idx.msk [tilespmem:v26+s15+$0x0], $0xffff;
	v26 =	vor.u32 v37, v28;
	v37 =	vand.u32 $0x7F, v33  }
0x2db: {  	v33 =	vand.u32 $0x7F, v23;
	v35 =	vld.idx.msk [tilespmem:v39+s15+$0x0], $0xffff;
	v28 =	vadd.s32 v2, v26;
	v26 =	vand.u32 $0xFFFFFC00, v31  }
0x2dc: {  	v36 =	vand.u32 $0x7F, v38;
	v31 =	vshll.u32 v17, $0x3;
	[tilespmem:v42+s16+$0x0] =	vst.idx.add.f32.msk $0xffff, v40;
	v26 =	vor.u32 v37, v26  }
0x2dd: {  	_ =	sdelay $0x3  }
0x2de: {  	[tilespmem:v34+s16+$0x0] =	vst.idx.add.f32.msk $0xffff, v27  }
0x2df: {  	v13 =	vld.idx.msk [tilespmem:v13+s13+$0x0], $0xffff  }
0x2e0: {  	v25 =	vand.u32 $0xFFFFFC00, v25;
	v51 =	vand.u32 $0x7F, v29;
	v37 =	vld.idx.msk [tilespmem:v23+s13+$0x0], $0xffff  }
0x2e1: {  	v26 =	vadd.s32 v2, v26;
	v14 =	vor.u32 v30, v14;
	[tilespmem:v22+s16+$0x0] =	vst.idx.add.f32.msk $0xffff, v15;
	v27 =	vshll.u32 v35, $0x3  }
0x2e2: {  	v18 =	vld.idx.msk [tilespmem:v18+s15+$0x0], $0xffff;
	v25 =	vor.u32 v36, v25;
	v50 =	vand.u32 $0x7F, v35;
	v27 =	vand.u32 $0xFFFFFC00, v27  }
0x2e3: {  	v23 =	vshll.u32 v23, $0x3;
	v19 =	vld.idx.msk [tilespmem:v19+s15+$0x0], $0xffff;
	v25 =	vadd.s32 v2, v25;
	v27 =	vor.u32 v50, v27  }
0x2e4: {  	v20 =	vand.u32 $0x7F, v20;
	v17 =	vand.u32 $0x7F, v17;
	v52 =	vld.idx.msk [tilespmem:v35+s13+$0x0], $0xffff;
	v27 =	vadd.s32 v2, v27  }
0x2e5: {  	v21 =	vand.u32 $0xFFFFFC00, v21;
	v22 =	vand.u32 $0xFFFFFC00, v23;
	v16 =	vld.idx.msk [tilespmem:v16+s15+$0x0], $0xffff;
	v14 =	vadd.s32 v2, v14  }
0x2e6: {  	v23 =	vshll.u32 v29, $0x3;
	v20 =	vor.u32 v20, v21;
	v22 =	vor.u32 v33, v22;
	[tilespmem:v24+s16+$0x0] =	vst.idx.add.f32.msk $0xffff, v13  }
0x2e7: {  	v29 =	vshll.u32 v32, $0x3;
	v23 =	vand.u32 $0xFFFFFC00, v23;
	v13 =	vadd.s32 v2, v22;
	v10 =	vld.idx.msk [tilespmem:v10+s15+$0x0], $0xffff  }
0x2e8: {  	v15 =	vand.u32 $0x7F, v32;
	v23 =	vor.u32 v51, v23;
	v22 =	vand.u32 $0xFFFFFC00, v29;
	[tilespmem:v25+s16+$0x0] =	vst.idx.add.f32.msk $0xffff, v11  }
0x2e9: {  	v24 =	vshll.u32 v19, $0x3;
	v15 =	vor.u32 v15, v22;
	v22 =	vadd.s32 v2, v23;
	[tilespmem:v27+s16+$0x0] =	vst.idx.add.f32.msk $0xffff, v52  }
0x2ea: {  	v23 =	vshll.u32 v16, $0x3;
	v21 =	vand.u32 $0xFFFFFC00, v24;
	v11 =	vand.u32 $0x7F, v19;
	v9 =	vld.idx.msk [tilespmem:v9+s15+$0x0], $0xffff  }
0x2eb: {  	[tilespmem:v28+s17+$0x0] =	vst.idx.msk $0xffff, v1;
	v16 =	vand.u32 $0x7F, v16;
	v15 =	vadd.s32 v2, v15;
	v11 =	vor.u32 v11, v21  }
0x2ec: {  	[tilespmem:v13+s16+$0x0] =	vst.idx.add.f32.msk $0xffff, v37;
	v13 =	vadd.s32 v2, v20;
	v20 =	vand.u32 $0xFFFFFC00, v23;
	v27 =	vand.u32 $0xFFFFFC00, v31  }
0x2ed: {  	v11 =	vadd.s32 v2, v11;
	v8 =	vld.idx.msk [tilespmem:v8+s15+$0x0], $0xffff;
	v16 =	vor.u32 v16, v20;
	v17 =	vor.u32 v17, v27  }
0x2ee: {  	[tilespmem:v12+s17+$0x0] =	vst.idx.msk $0xffff, v1;
	v7 =	vld.idx.msk [tilespmem:v7+s15+$0x0], $0xffff;
	v20 =	vshll.u32 v18, $0x3;
	v18 =	vand.u32 $0x7F, v18;
	v17 =	vadd.s32 v2, v17  }
0x2ef: {  	[tilespmem:v14+s17+$0x0] =	vst.idx.msk $0xffff, v1;
	v14 =	vshll.u32 v10, $0x3;
	v19 =	vand.u32 $0x7F, v9;
	v9 =	vshll.u32 v9, $0x3  }
0x2f0: {  	[tilespmem:v26+s17+$0x0] =	vst.idx.msk $0xffff, v1;
	v10 =	vand.u32 $0x7F, v10;
	v20 =	vand.u32 $0xFFFFFC00, v20;
	v9 =	vand.u32 $0xFFFFFC00, v9  }
0x2f1: {  	v16 =	vadd.s32 v2, v16;
	v18 =	vor.u32 v18, v20;
	v9 =	vor.u32 v19, v9  }
0x2f2: {  	[tilespmem:v22+s17+$0x0] =	vst.idx.msk $0xffff, v1;
	v18 =	vadd.s32 v2, v18;
	v19 =	vshll.u32 v8, $0x3;
	v9 =	vadd.s32 v2, v9  }
0x2f3: {  	[tilespmem:v17+s17+$0x0] =	vst.idx.msk $0xffff, v1;
	v17 =	vshll.u32 v7, $0x3;
	v8 =	vand.u32 $0x7F, v8;
	v12 =	vand.u32 $0xFFFFFC00, v19  }
0x2f4: {  	[tilespmem:v15+s17+$0x0] =	vst.idx.msk $0xffff, v1;
	v7 =	vand.u32 $0x7F, v7;
	v8 =	vor.u32 v8, v12;
	v12 =	vand.u32 $0xFFFFFC00, v17  }
0x2f5: {  	[tilespmem:v13+s17+$0x0] =	vst.idx.msk $0xffff, v1;
	v13 =	vand.u32 $0xFFFFFC00, v14;
	v8 =	vadd.s32 v2, v8;
	v7 =	vor.u32 v7, v12  }
0x2f6: {  	[tilespmem:v11+s17+$0x0] =	vst.idx.msk $0xffff, v1;
	v10 =	vor.u32 v10, v13;
	v7 =	vadd.s32 v2, v7  }
0x2f7: {  	[tilespmem:v9+s17+$0x0] =	vst.idx.msk $0xffff, v1;
	v9 =	vadd.s32 v2, v10  }
0x2f8: {  	[tilespmem:v16+s17+$0x0] =	vst.idx.msk $0xffff, v1  }
0x2f9: {  	[tilespmem:v18+s17+$0x0] =	vst.idx.msk $0xffff, v1  }
0x2fa: {  	[tilespmem:v8+s17+$0x0] =	vst.idx.msk $0xffff, v1  }
0x2fb: {  	[tilespmem:v7+s17+$0x0] =	vst.idx.msk $0xffff, v1  }
0x2fc: {  	s1 =	simm.s32 $0x0;
	s22 =	simm.s32 $0x3;
	[tilespmem:v9+s17+$0x0] =	vst.idx.msk $0xffff, v1  }
0x2fd: {  	s3 =	simm.s32 $0x5;
	s4 =	simm.s32 $0x7;
	v7 =	vadd.s32 s22, v6;
	s0 =	rddreg [dreg:$0x19]  }
0x2fe: {  	v8 =	vadd.s32 s3, v6;
	[hbm4b:s0+s1] =	stream.linear.scatter [tilespmem:s16], [sflag:$0x1], $0x4000, $0x38;
	[tilespmem:$0x1A800] =	vst v63  }
0x2ff: {  	s2 =	simm.s32 $0x4;
	v10 =	vadd.s32 s4, v6;
	_ =	swait.ge [sflag:s20], $0x4000  }
0x300: {  	s5 =	simm.s32 $0x2;
	v9 =	vadd.s32 s2, v6;
	[sflag:s20] =	ssyncset.done $0x0  }
0x301: {  	s7 =	simm.s32 $0x1;
	v11 =	vadd.s32 s5, v6;
	[sflag:s20] =	ssyncadd.s32 $0xFFFFC000  }
0x302: {  	s6 =	simm.s32 $0x6;
	v13 =	vadd.s32 s7, v6;
	v7 =	vld.idx.msk [tilespmem:v7+s15+$0x0], $0xffff  }
0x303: {  	s24 =	simm.s32 $0xD;
	v12 =	vadd.s32 s6, v6;
	v8 =	vld.idx.msk [tilespmem:v8+s15+$0x0], $0xffff  }
0x304: {  	v22 =	vadd.s32 s24, v6;
	v10 =	vld.idx.msk [tilespmem:v10+s15+$0x0], $0xffff  }
0x305: {  	v9 =	vld.idx.msk [tilespmem:v9+s15+$0x0], $0xffff  }
0x306: {  	v11 =	vld.idx.msk [tilespmem:v11+s15+$0x0], $0xffff  }
0x307: {  	v13 =	vld.idx.msk [tilespmem:v13+s15+$0x0], $0xffff  }
0x308: {  	v12 =	vld.idx.msk [tilespmem:v12+s15+$0x0], $0xffff;
	v14 =	vshll.u32 v8, $0x3  }
0x309: {  	v22 =	vld.idx.msk [tilespmem:v22+s15+$0x0], $0xffff;
	v15 =	vand.u32 $0x7F, v8;
	v19 =	vshll.u32 v10, $0x3;
	v14 =	vand.u32 $0xFFFFFC00, v14  }
0x30a: {  	v18 =	vand.u32 $0x7F, v10;
	v19 =	vand.u32 $0xFFFFFC00, v19;
	v14 =	vor.u32 v15, v14;
	v17 =	vld.idx.msk [tilespmem:v7+s13+$0x0], $0xffff  }
0x30b: {  	v18 =	vor.u32 v18, v19;
	v8 =	vld.idx.msk [tilespmem:v8+s13+$0x0], $0xffff;
	v14 =	vadd.s32 v2, v14  }
0x30c: {  	v16 =	vshll.u32 v9, $0x3;
	v10 =	vld.idx.msk [tilespmem:v10+s13+$0x0], $0xffff;
	v18 =	vadd.s32 v2, v18  }
0x30d: {  	v20 =	vadd.s32 s3, v4;
	v16 =	vand.u32 $0xFFFFFC00, v16;
	v15 =	vand.u32 $0x7F, v9;
	v9 =	vld.idx.msk [tilespmem:v9+s13+$0x0], $0xffff  }
0x30e: {  	v15 =	vor.u32 v15, v16;
	v16 =	vadd.s32 s1, v6;
	v21 =	vld.idx.msk [tilespmem:v11+s13+$0x0], $0xffff  }
0x30f: {  	v25 =	vld.idx.msk [tilespmem:v13+s13+$0x0], $0xffff;
	v15 =	vadd.s32 v2, v15  }
0x310: {  	v26 =	vadd.s32 s2, v4;
	v19 =	vshll.u32 v7, $0x3;
	[tilespmem:v14+s17+$0x0] =	vst.idx.add.f32.msk $0xffff, v8  }
0x311: {  	v7 =	vand.u32 $0x7F, v7;
	v8 =	vand.u32 $0xFFFFFC00, v19;
	v14 =	vadd.s32 s4, v4;
	[tilespmem:v18+s17+$0x0] =	vst.idx.add.f32.msk $0xffff, v10  }
0x312: {  	s28 =	simm.s32 $0xE;
	v19 =	vld.idx.msk [tilespmem:v20+s15+$0x0], $0xffff;
	v7 =	vor.u32 v7, v8  }
0x313: {  	s23 =	simm.s32 $0xC;
	s29 =	simm.s32 $0x9;
	v30 =	vadd.s32 s28, v6;
	v24 =	vadd.s32 s7, v4;
	v8 =	vld.idx.msk [tilespmem:v16+s15+$0x0], $0xffff;
	v7 =	vadd.s32 v2, v7  }
0x314: {  	v31 =	vadd.s32 s29, v6;
	v41 =	vand.u32 $0x7F, v22;
	[tilespmem:v15+s17+$0x0] =	vst.idx.add.f32.msk $0xffff, v9;
	v16 =	vadd.s32 s23, v6  }
0x315: {  	v18 =	vadd.s32 s5, v4;
	v10 =	vshll.u32 v12, $0x3;
	v9 =	vadd.s32 s22, v4;
	v26 =	vld.idx.msk [tilespmem:v26+s15+$0x0], $0xffff  }
0x316: {  	s25 =	simm.s32 $0xB;
	v15 =	vadd.s32 s1, v4;
	v10 =	vand.u32 $0xFFFFFC00, v10;
	v23 =	vld.idx.msk [tilespmem:v14+s15+$0x0], $0xffff;
	v14 =	vand.u32 $0x7F, v12  }
0x317: {  	v20 =	vadd.s32 s6, v4;
	v12 =	vld.idx.msk [tilespmem:v12+s13+$0x0], $0xffff;
	v10 =	vor.u32 v14, v10;
	v14 =	vadd.s32 s25, v6  }
0x318: {  	v27 =	vshll.u32 v8, $0x3;
	[tilespmem:v7+s17+$0x0] =	vst.idx.add.f32.msk $0xffff, v17;
	v10 =	vadd.s32 v2, v10;
	v7 =	vshll.u32 v11, $0x3  }
0x319: {  	s26 =	simm.s32 $0xF;
	v16 =	vld.idx.msk [tilespmem:v16+s15+$0x0], $0xffff;
	v17 =	vand.u32 $0x7F, v13;
	v27 =	vand.u32 $0xFFFFFC00, v27;
	v13 =	vshll.u32 v13, $0x3  }
0x31a: {  	v63 =	vshll.u32 v26, $0x3;
	v28 =	vld.idx.msk [tilespmem:v9+s15+$0x0], $0xffff;
	v9 =	vand.u32 $0x7F, v11;
	v11 =	vadd.s32 s26, v6  }
0x31b: {  	s30 =	simm.s32 $0xA;
	v43 =	vld.idx.msk [tilespmem:v22+s13+$0x0], $0xffff;
	v26 =	vand.u32 $0x7F, v26;
	v7 =	vand.u32 $0xFFFFFC00, v7;
	v37 =	vand.u32 $0xFFFFFC00, v63  }
0x31c: {  	v29 =	vld.idx.msk [tilespmem:v8+s13+$0x0], $0xffff;
	v8 =	vand.u32 $0x7F, v8;
	v9 =	vor.u32 v9, v7;
	v7 =	vadd.s32 s30, v4  }
0x31d: {  	s31 =	simm.s32 $0x8;
	v26 =	vor.u32 v26, v37;
	v8 =	vor.u32 v8, v27;
	v27 =	vadd.s32 s30, v6;
	v54 =	vld.idx.msk [tilespmem:v14+s15+$0x0], $0xffff  }
0x31e: {  	v55 =	vadd.s32 v2, v9;
	v9 =	vadd.s32 s31, v4;
	v53 =	vadd.s32 v2, v8;
	[tilespmem:v10+s17+$0x0] =	vst.idx.add.f32.msk $0xffff, v12  }
0x31f: {  	v8 =	vadd.s32 s29, v4;
	v12 =	vand.u32 $0xFFFFFC00, v13;
	v13 =	vshll.u32 v19, $0x3;
	v11 =	vld.idx.msk [tilespmem:v11+s15+$0x0], $0xffff  }
0x320: {  	v10 =	vand.u32 $0x7F, v19;
	v19 =	vshll.u32 v16, $0x3;
	v14 =	vand.u32 $0xFFFFFC00, v13;
	v13 =	vld.idx.msk [tilespmem:v30+s15+$0x0], $0xffff  }
0x321: {  	v12 =	vor.u32 v17, v12;
	v17 =	vshll.u32 v23, $0x3;
	v57 =	vand.u32 $0x7F, v28;
	v20 =	vld.idx.msk [tilespmem:v20+s15+$0x0], $0xffff  }
0x322: {  	v30 =	vand.u32 $0xFFFFFC00, v19;
	v19 =	vshll.u32 v22, $0x3;
	v10 =	vor.u32 v10, v14;
	v39 =	vld.idx.msk [tilespmem:v16+s13+$0x0], $0xffff  }
0x323: {  	v12 =	vadd.s32 v2, v12;
	v14 =	vand.u32 $0xFFFFFC00, v17;
	v59 =	vand.u32 $0xFFFFFC00, v19;
	v38 =	vld.idx.msk [tilespmem:v27+s15+$0x0], $0xffff  }
0x324: {  	v19 =	vadd.s32 s26, v4;
	v56 =	vadd.s32 v2, v10;
	v41 =	vor.u32 v41, v59;
	[tilespmem:v55+s17+$0x0] =	vst.idx.add.f32.msk $0xffff, v21  }
0x325: {  	[tilespmem:v53+s17+$0x0] =	vst.idx.add.f32.msk $0xffff, v29;
	v10 =	vand.u32 $0x7F, v54;
	v17 =	vshll.u32 v54, $0x3;
	v29 =	vand.u32 $0x7F, v16  }
0x326: {  	v16 =	vadd.s32 s25, v4;
	v21 =	vadd.s32 v2, v41;
	v32 =	vld.idx.msk [tilespmem:v15+s15+$0x0], $0xffff;
	v17 =	vand.u32 $0xFFFFFC00, v17  }
0x327: {  	v29 =	vor.u32 v29, v30;
	v30 =	vand.u32 $0x7F, v23;
	v23 =	vld.idx.msk [tilespmem:v31+s15+$0x0], $0xffff;
	v31 =	vadd.s32 s24, v4  }
0x328: {  	v58 =	vand.u32 $0x7F, v11;
	v27 =	vshll.u32 v13, $0x3;
	v42 =	vand.u32 $0x7F, v13;
	v15 =	vld.idx.msk [tilespmem:v54+s13+$0x0], $0xffff  }
0x329: {  	v17 =	vor.u32 v10, v17;
	v40 =	vand.u32 $0xFFFFFC00, v27;
	v27 =	vld.idx.msk [tilespmem:v11+s13+$0x0], $0xffff;
	v11 =	vshll.u32 v11, $0x3  }
0x32a: {  	v61 =	vadd.s32 v2, v29;
	v22 =	vadd.s32 v2, v17;
	v17 =	vld.idx.msk [tilespmem:v18+s15+$0x0], $0xffff;
	v11 =	vand.u32 $0xFFFFFC00, v11  }
0x32b: {  	v10 =	vadd.s32 s28, v4;
	[tilespmem:v12+s17+$0x0] =	vst.idx.add.f32.msk $0xffff, v25;
	v18 =	vadd.s32 s23, v4;
	v11 =	vor.u32 v58, v11  }
0x32c: {  	v29 =	vld.idx.msk [tilespmem:v24+s15+$0x0], $0xffff;
	v34 =	vadd.s32 v2, v11;
	v11 =	vshll.u32 v28, $0x3;
	v28 =	vadd.s32 s31, v6  }
0x32d: {  	v12 =	vor.u32 v42, v40;
	[tilespmem:v21+s17+$0x0] =	vst.idx.add.f32.msk $0xffff, v43;
	v60 =	vand.u32 $0x7F, v32;
	v32 =	vshll.u32 v32, $0x3  }
0x32e: {  	v36 =	vand.u32 $0x7F, v38;
	v62 =	vand.u32 $0xFFFFFC00, v32;
	v32 =	vld.idx.msk [tilespmem:v31+s15+$0x0], $0xffff;
	v11 =	vand.u32 $0xFFFFFC00, v11  }
0x32f: {  	v24 =	vadd.s32 v2, v12;
	v21 =	vshll.u32 v20, $0x3;
	[tilespmem:v61+s17+$0x0] =	vst.idx.add.f32.msk $0xffff, v39;
	v25 =	vor.u32 v57, v11  }
0x330: {  	v33 =	vand.u32 $0x7F, v23;
	v31 =	vor.u32 v60, v62;
	v11 =	vld.idx.msk [tilespmem:v38+s13+$0x0], $0xffff;
	v12 =	vadd.s32 v2, v25  }
0x331: {  	s0 =	simm.s32 $0x10;
	[tilespmem:v56+s18+$0x0] =	vst.idx.msk $0xffff, v1;
	v25 =	vshll.u32 v38, $0x3;
	v35 =	vld.idx.msk [tilespmem:v28+s15+$0x0], $0xffff;
	v28 =	vadd.s32 v2, v31;
	v31 =	vshll.u32 v17, $0x3  }
.LBB2_14:
0x332: {  	s7 =	sadd.s32 $0x1, s0  }
0x333: {  	s8 =	sadd.s32 $0x2, s0;
	s5 =	sadd.s32 $0x3, s0;
	v37 =	vand.u32 $0xFFFFFC00, v25;
	[tilespmem:v34+s17+$0x0] =	vst.idx.add.f32.msk $0xffff, v27;
	v27 =	vand.u32 $0x7F, v29;
	v34 =	vadd.s32 v2, v26;
	s2 =	smov.u32 s0  }
0x334: {  	s1 =	sadd.s32 $0x4, s0;
	s3 =	sadd.s32 $0x5, s0;
	s4 =	sadd.s32 $0x6, s0;
	v14 =	vor.u32 v30, v14;
	v26 =	vadd.s32 s7, v6;
	v38 =	vadd.s32 s8, v6;
	v25 =	vld.idx.msk [tilespmem:v23+s13+$0x0], $0xffff  }
0x335: {  	p0 =	slt.u32 s0, $0xC0;
	s0 =	sadd.s32 $0x8, s0;
	v30 =	vadd.s32 s1, v6;
	v39 =	vadd.s32 s3, v6;
	s6 =	sadd.s32 $0x7, s2;
	v36 =	vor.u32 v36, v37;
	v37 =	vld.idx.msk [tilespmem:v19+s15+$0x0], $0xffff  }
0x336: {  	v20 =	vand.u32 $0x7F, v20;
	v19 =	vadd.s32 s5, v6;
	v40 =	vadd.s32 s6, v6;
	v13 =	vld.idx.msk [tilespmem:v13+s13+$0x0], $0xffff  }
0x337: {  	v41 =	vadd.s32 s7, v4;
	v42 =	vadd.s32 s8, v4;
	[tilespmem:v22+s17+$0x0] =	vst.idx.add.f32.msk $0xffff, v15;
	v15 =	vand.u32 $0x7F, v32  }
0x338: {  	v43 =	vshll.u32 v35, $0x3;
	v22 =	vand.u32 $0x7F, v35;
	v44 =	vld.idx.msk [tilespmem:v16+s15+$0x0], $0xffff;
	v16 =	vshll.u32 v29, $0x3;
	[tilespmem:v34+s18+$0x0] =	vst.idx.msk $0xffff, v1  }
0x339: {  	v23 =	vshll.u32 v23, $0x3;
	v34 =	vand.u32 $0xFFFFFC00, v43;
	v29 =	vld.idx.msk [tilespmem:v35+s13+$0x0], $0xffff;
	v35 =	vadd.s32 v2, v36;
	[tilespmem:v28+s18+$0x0] =	vst.idx.msk $0xffff, v1  }
0x33a: {  	v22 =	vor.u32 v22, v34;
	v34 =	vadd.s32 v2, v14;
	v28 =	vld.idx.msk [tilespmem:v30+s15+$0x0], $0xffff;
	v30 =	vadd.s32 s4, v6  }
0x33b: {  	v14 =	vadd.s32 v2, v22;
	v22 =	vand.u32 $0xFFFFFC00, v23;
	v23 =	vshll.u32 v32, $0x3;
	v36 =	vld.idx.msk [tilespmem:v39+s15+$0x0], $0xffff  }
0x33c: {  	v16 =	vand.u32 $0xFFFFFC00, v16;
	v22 =	vor.u32 v33, v22;
	v23 =	vand.u32 $0xFFFFFC00, v23;
	v19 =	vld.idx.msk [tilespmem:v19+s15+$0x0], $0xffff  }
0x33d: {  	v17 =	vand.u32 $0x7F, v17;
	v16 =	vor.u32 v27, v16;
	[tilespmem:v24+s17+$0x0] =	vst.idx.add.f32.msk $0xffff, v13;
	v24 =	vshll.u32 v37, $0x3  }
0x33e: {  	v31 =	vand.u32 $0xFFFFFC00, v31;
	v21 =	vand.u32 $0xFFFFFC00, v21;
	v27 =	vadd.s32 s2, v4;
	v32 =	vld.idx.msk [tilespmem:v40+s15+$0x0], $0xffff  }
0x33f: {  	v20 =	vor.u32 v20, v21;
	v16 =	vadd.s32 v2, v16;
	v15 =	vor.u32 v15, v23;
	v13 =	vld.idx.msk [tilespmem:v30+s15+$0x0], $0xffff  }
0x340: {  	v21 =	vadd.s32 v2, v22;
	v33 =	vld.idx.msk [tilespmem:v18+s15+$0x0], $0xffff;
	v18 =	vadd.s32 v2, v15;
	v15 =	vor.u32 v17, v31  }
0x341: {  	v22 =	vadd.s32 v2, v20;
	[tilespmem:v14+s17+$0x0] =	vst.idx.add.f32.msk $0xffff, v29;
	v14 =	vand.u32 $0xFFFFFC00, v24;
	v17 =	vadd.s32 v2, v15  }
0x342: {  	v23 =	vand.u32 $0x7F, v19;
	v15 =	vshll.u32 v19, $0x3;
	v24 =	vand.u32 $0x7F, v44;
	v31 =	vld.idx.msk [tilespmem:v9+s15+$0x0], $0xffff;
	[tilespmem:v34+s18+$0x0] =	vst.idx.msk $0xffff, v1;
	v9 =	vmovc v27  }
0x343: {  	v30 =	vand.u32 $0x7F, v28;
	v20 =	vshll.u32 v28, $0x3;
	v29 =	vand.u32 $0xFFFFFC00, v15;
	v38 =	vld.idx.msk [tilespmem:v38+s15+$0x0], $0xffff  }
0x344: {  	v34 =	vand.u32 $0xFFFFFC00, v20;
	v39 =	vand.u32 $0x7F, v32;
	v15 =	vld.idx.msk [tilespmem:v19+s13+$0x0], $0xffff;
	v19 =	vshll.u32 v36, $0x3;
	[tilespmem:v16+s18+$0x0] =	vst.idx.msk $0xffff, v1  }
0x345: {  	v20 =	vshll.u32 v13, $0x3;
	v40 =	vld.idx.msk [tilespmem:v28+s13+$0x0], $0xffff;
	v28 =	vand.u32 $0xFFFFFC00, v19;
	v19 =	vadd.s32 s6, v4;
	[tilespmem:v12+s18+$0x0] =	vst.idx.msk $0xffff, v1  }
0x346: {  	v16 =	vadd.s32 s5, v4;
	v12 =	vand.u32 $0xFFFFFC00, v20;
	v20 =	vshll.u32 v32, $0x3;
	v27 =	vld.idx.msk [tilespmem:v32+s13+$0x0], $0xffff;
	[tilespmem:v17+s18+$0x0] =	vst.idx.msk $0xffff, v1  }
0x347: {  	v17 =	vand.u32 $0x7F, v36;
	v32 =	vand.u32 $0x7F, v13;
	v43 =	vand.u32 $0xFFFFFC00, v20;
	v20 =	vld.idx.msk [tilespmem:v10+s15+$0x0], $0xffff;
	[tilespmem:v22+s18+$0x0] =	vst.idx.msk $0xffff, v1  }
0x348: {  	v22 =	vor.u32 v23, v29;
	v17 =	vor.u32 v17, v28;
	v23 =	vor.u32 v39, v43;
	v36 =	vld.idx.msk [tilespmem:v36+s13+$0x0], $0xffff  }
0x349: {  	v28 =	vor.u32 v30, v34;
	v10 =	vadd.s32 s4, v4;
	v34 =	vadd.s32 v2, v23;
	[tilespmem:v35+s17+$0x0] =	vst.idx.add.f32.msk $0xffff, v11  }
0x34a: {  	v30 =	vand.u32 $0x7F, v37;
	v22 =	vadd.s32 v2, v22;
	v35 =	vadd.s32 v2, v17;
	v17 =	vld.idx.msk [tilespmem:v7+s15+$0x0], $0xffff;
	v7 =	vmovc v42  }
0x34b: {  	v37 =	vand.u32 $0x7F, v31;
	v11 =	vshll.u32 v44, $0x3;
	v23 =	vld.idx.msk [tilespmem:v26+s15+$0x0], $0xffff;
	v26 =	vadd.s32 s3, v4;
	[tilespmem:v18+s18+$0x0] =	vst.idx.msk $0xffff, v1  }
0x34c: {  	v39 =	vadd.s32 s2, v6;
	v42 =	vadd.s32 v2, v28;
	v11 =	vand.u32 $0xFFFFFC00, v11;
	[tilespmem:v21+s17+$0x0] =	vst.idx.add.f32.msk $0xffff, v25  }
0x34d: {  	v12 =	vor.u32 v32, v12;
	v18 =	vadd.s32 s1, v4;
	v21 =	vor.u32 v24, v11;
	v29 =	vld.idx.msk [tilespmem:v8+s15+$0x0], $0xffff;
	v8 =	vmovc v41  }
.Ltmp6:
0x34e: {  	v24 =	vadd.s32 v2, v12;
	v25 =	vshll.u32 v31, $0x3;
	v12 =	vadd.s32 v2, v21;
	v11 =	vld.idx.msk [tilespmem:v38+s13+$0x0], $0xffff;
	(pc) =	sbr.rel @p0 .LBB2_14-.Ltmp6, $4  }
0x34f: {  	v31 =	vshll.u32 v33, $0x3;
	v28 =	vand.u32 $0xFFFFFC00, v25;
	v21 =	vshll.u32 v20, $0x3;
	[tilespmem:v35+s17+$0x0] =	vst.idx.add.f32.msk $0xffff, v36  }
0x350: {  	v25 =	vshll.u32 v38, $0x3;
	v32 =	vld.idx.msk [tilespmem:v26+s15+$0x0], $0xffff;
	v26 =	vor.u32 v37, v28;
	v37 =	vand.u32 $0x7F, v33  }
0x351: {  	v33 =	vand.u32 $0x7F, v23;
	v35 =	vld.idx.msk [tilespmem:v39+s15+$0x0], $0xffff;
	v28 =	vadd.s32 v2, v26;
	v26 =	vand.u32 $0xFFFFFC00, v31  }
0x352: {  	v36 =	vand.u32 $0x7F, v38;
	v31 =	vshll.u32 v17, $0x3;
	[tilespmem:v42+s17+$0x0] =	vst.idx.add.f32.msk $0xffff, v40;
	v26 =	vor.u32 v37, v26  }
0x353: {  	_ =	sdelay $0x3  }
0x354: {  	[tilespmem:v34+s17+$0x0] =	vst.idx.add.f32.msk $0xffff, v27  }
0x355: {  	v13 =	vld.idx.msk [tilespmem:v13+s13+$0x0], $0xffff  }
0x356: {  	v25 =	vand.u32 $0xFFFFFC00, v25;
	v45 =	vand.u32 $0x7F, v29;
	v37 =	vld.idx.msk [tilespmem:v23+s13+$0x0], $0xffff  }
0x357: {  	v26 =	vadd.s32 v2, v26;
	v14 =	vor.u32 v30, v14;
	[tilespmem:v22+s17+$0x0] =	vst.idx.add.f32.msk $0xffff, v15;
	v27 =	vshll.u32 v35, $0x3  }
0x358: {  	v18 =	vld.idx.msk [tilespmem:v18+s15+$0x0], $0xffff;
	v25 =	vor.u32 v36, v25;
	v44 =	vand.u32 $0x7F, v35;
	v27 =	vand.u32 $0xFFFFFC00, v27  }
0x359: {  	v23 =	vshll.u32 v23, $0x3;
	v19 =	vld.idx.msk [tilespmem:v19+s15+$0x0], $0xffff;
	v25 =	vadd.s32 v2, v25;
	v27 =	vor.u32 v44, v27  }
0x35a: {  	v20 =	vand.u32 $0x7F, v20;
	v17 =	vand.u32 $0x7F, v17;
	v46 =	vld.idx.msk [tilespmem:v35+s13+$0x0], $0xffff;
	v27 =	vadd.s32 v2, v27  }
0x35b: {  	v21 =	vand.u32 $0xFFFFFC00, v21;
	v22 =	vand.u32 $0xFFFFFC00, v23;
	v16 =	vld.idx.msk [tilespmem:v16+s15+$0x0], $0xffff;
	v14 =	vadd.s32 v2, v14  }
0x35c: {  	v23 =	vshll.u32 v29, $0x3;
	v20 =	vor.u32 v20, v21;
	v22 =	vor.u32 v33, v22;
	[tilespmem:v24+s17+$0x0] =	vst.idx.add.f32.msk $0xffff, v13  }
0x35d: {  	v47 =	vshll.u32 v32, $0x3;
	v23 =	vand.u32 $0xFFFFFC00, v23;
	v13 =	vadd.s32 v2, v22;
	v10 =	vld.idx.msk [tilespmem:v10+s15+$0x0], $0xffff  }
0x35e: {  	v15 =	vand.u32 $0x7F, v32;
	v23 =	vor.u32 v45, v23;
	v22 =	vand.u32 $0xFFFFFC00, v47;
	[tilespmem:v25+s17+$0x0] =	vst.idx.add.f32.msk $0xffff, v11  }
0x35f: {  	v24 =	vshll.u32 v19, $0x3;
	v15 =	vor.u32 v15, v22;
	v22 =	vadd.s32 v2, v23;
	[tilespmem:v27+s17+$0x0] =	vst.idx.add.f32.msk $0xffff, v46  }
0x360: {  	v23 =	vshll.u32 v16, $0x3;
	v21 =	vand.u32 $0xFFFFFC00, v24;
	v11 =	vand.u32 $0x7F, v19;
	v9 =	vld.idx.msk [tilespmem:v9+s15+$0x0], $0xffff  }
0x361: {  	[tilespmem:v28+s18+$0x0] =	vst.idx.msk $0xffff, v1;
	v16 =	vand.u32 $0x7F, v16;
	v15 =	vadd.s32 v2, v15;
	v11 =	vor.u32 v11, v21  }
0x362: {  	[tilespmem:v13+s17+$0x0] =	vst.idx.add.f32.msk $0xffff, v37;
	v13 =	vadd.s32 v2, v20;
	v20 =	vand.u32 $0xFFFFFC00, v23;
	v27 =	vand.u32 $0xFFFFFC00, v31  }
0x363: {  	v11 =	vadd.s32 v2, v11;
	v8 =	vld.idx.msk [tilespmem:v8+s15+$0x0], $0xffff;
	v16 =	vor.u32 v16, v20;
	v17 =	vor.u32 v17, v27  }
0x364: {  	[tilespmem:v12+s18+$0x0] =	vst.idx.msk $0xffff, v1;
	v7 =	vld.idx.msk [tilespmem:v7+s15+$0x0], $0xffff;
	v20 =	vshll.u32 v18, $0x3;
	v18 =	vand.u32 $0x7F, v18;
	v17 =	vadd.s32 v2, v17  }
0x365: {  	[tilespmem:v14+s18+$0x0] =	vst.idx.msk $0xffff, v1;
	v14 =	vshll.u32 v10, $0x3;
	v19 =	vand.u32 $0x7F, v9;
	v9 =	vshll.u32 v9, $0x3  }
0x366: {  	[tilespmem:v26+s18+$0x0] =	vst.idx.msk $0xffff, v1;
	v10 =	vand.u32 $0x7F, v10;
	v20 =	vand.u32 $0xFFFFFC00, v20;
	v9 =	vand.u32 $0xFFFFFC00, v9  }
0x367: {  	v16 =	vadd.s32 v2, v16;
	v18 =	vor.u32 v18, v20;
	v9 =	vor.u32 v19, v9  }
0x368: {  	[tilespmem:v22+s18+$0x0] =	vst.idx.msk $0xffff, v1;
	v18 =	vadd.s32 v2, v18;
	v19 =	vshll.u32 v8, $0x3;
	v9 =	vadd.s32 v2, v9  }
0x369: {  	[tilespmem:v17+s18+$0x0] =	vst.idx.msk $0xffff, v1;
	v17 =	vshll.u32 v7, $0x3;
	v8 =	vand.u32 $0x7F, v8;
	v12 =	vand.u32 $0xFFFFFC00, v19  }
0x36a: {  	[tilespmem:v15+s18+$0x0] =	vst.idx.msk $0xffff, v1;
	v7 =	vand.u32 $0x7F, v7;
	v8 =	vor.u32 v8, v12;
	v12 =	vand.u32 $0xFFFFFC00, v17  }
0x36b: {  	[tilespmem:v13+s18+$0x0] =	vst.idx.msk $0xffff, v1;
	v13 =	vand.u32 $0xFFFFFC00, v14;
	v8 =	vadd.s32 v2, v8;
	v7 =	vor.u32 v7, v12  }
0x36c: {  	[tilespmem:v11+s18+$0x0] =	vst.idx.msk $0xffff, v1;
	v10 =	vor.u32 v10, v13;
	v7 =	vadd.s32 v2, v7  }
0x36d: {  	[tilespmem:v9+s18+$0x0] =	vst.idx.msk $0xffff, v1;
	v9 =	vadd.s32 v2, v10  }
0x36e: {  	[tilespmem:v16+s18+$0x0] =	vst.idx.msk $0xffff, v1  }
0x36f: {  	[tilespmem:v18+s18+$0x0] =	vst.idx.msk $0xffff, v1  }
0x370: {  	[tilespmem:v8+s18+$0x0] =	vst.idx.msk $0xffff, v1  }
0x371: {  	[tilespmem:v7+s18+$0x0] =	vst.idx.msk $0xffff, v1  }
0x372: {  	s2 =	simm.s32 $0x7;
	v7 =	vadd.s32 $0x3E80, v0;
	[tilespmem:v9+s18+$0x0] =	vst.idx.msk $0xffff, v1  }
0x373: {  	s0 =	simm.s32 $0x0;
	s31 =	simm.s32 $0x1;
	v8 =	vadd.s32 s2, v7;
	s1 =	rddreg [dreg:$0x1a]  }
0x374: {  	v9 =	vadd.s32 s0, v7;
	[hbm4b:s1+s0] =	stream.linear.scatter [tilespmem:s17], [sflag:$0x2], $0x4000, $0x38;
	[tilespmem:$0x1A800] =	vst v63  }
0x375: {  	s6 =	simm.s32 $0x2;
	v10 =	vadd.s32 s31, v7;
	_ =	swait.ge [sflag:s14], $0x4000  }
0x376: {  	s8 =	simm.s32 $0x3;
	v11 =	vadd.s32 s6, v7;
	[sflag:s14] =	ssyncset.done $0x0  }
0x377: {  	s9 =	simm.s32 $0x4;
	v12 =	vadd.s32 s8, v7;
	[sflag:s14] =	ssyncadd.s32 $0xFFFFC000  }
0x378: {  	s11 =	simm.s32 $0x5;
	v13 =	vadd.s32 s9, v7;
	v8 =	vld.idx.msk [tilespmem:v8+s15+$0x0], $0xffff  }
0x379: {  	s10 =	simm.s32 $0x6;
	v14 =	vadd.s32 s11, v7;
	v9 =	vld.idx.msk [tilespmem:v9+s15+$0x0], $0xffff  }
0x37a: {  	v15 =	vadd.s32 s10, v7;
	v10 =	vld.idx.msk [tilespmem:v10+s15+$0x0], $0xffff  }
0x37b: {  	v11 =	vld.idx.msk [tilespmem:v11+s15+$0x0], $0xffff  }
0x37c: {  	v12 =	vld.idx.msk [tilespmem:v12+s15+$0x0], $0xffff  }
0x37d: {  	v13 =	vld.idx.msk [tilespmem:v13+s15+$0x0], $0xffff  }
0x37e: {  	v14 =	vld.idx.msk [tilespmem:v14+s15+$0x0], $0xffff  }
0x37f: {  	v15 =	vld.idx.msk [tilespmem:v15+s15+$0x0], $0xffff;
	_ =	sdelay $0x1  }
0x380: {  	v22 =	vadd.s32 s2, v5;
	v16 =	vshll.u32 v8, $0x3  }
0x381: {  	v17 =	vshll.u32 v9, $0x3;
	v18 =	vand.u32 $0x7F, v8;
	v19 =	vshll.u32 v10, $0x3  }
0x382: {  	v21 =	vshll.u32 v12, $0x3;
	v24 =	vshll.u32 v13, $0x3;
	v26 =	vshll.u32 v14, $0x3  }
0x383: {  	v48 =	vshll.u32 v15, $0x3;
	v16 =	vand.u32 $0xFFFFFC00, v16;
	v17 =	vand.u32 $0xFFFFFC00, v17;
	v8 =	vld.idx.msk [tilespmem:v8+s13+$0x0], $0xffff  }
0x384: {  	v19 =	vand.u32 $0xFFFFFC00, v19;
	v21 =	vand.u32 $0xFFFFFC00, v21;
	v16 =	vor.u32 v18, v16;
	v20 =	vld.idx.msk [tilespmem:v9+s13+$0x0], $0xffff  }
0x385: {  	v24 =	vand.u32 $0xFFFFFC00, v24;
	v18 =	vshll.u32 v11, $0x3;
	v16 =	vadd.s32 v2, v16;
	v23 =	vld.idx.msk [tilespmem:v10+s13+$0x0], $0xffff  }
0x386: {  	v26 =	vand.u32 $0xFFFFFC00, v26;
	v18 =	vand.u32 $0xFFFFFC00, v18;
	v9 =	vand.u32 $0x7F, v9;
	v25 =	vld.idx.msk [tilespmem:v11+s13+$0x0], $0xffff  }
0x387: {  	v10 =	vand.u32 $0x7F, v10;
	v27 =	vld.idx.msk [tilespmem:v12+s13+$0x0], $0xffff;
	v12 =	vand.u32 $0x7F, v12;
	v9 =	vor.u32 v9, v17  }
0x388: {  	v17 =	vld.idx.msk [tilespmem:v13+s13+$0x0], $0xffff;
	v10 =	vor.u32 v10, v19;
	v13 =	vand.u32 $0x7F, v13;
	v9 =	vadd.s32 v2, v9  }
0x389: {  	v12 =	vor.u32 v12, v21;
	v19 =	vand.u32 $0x7F, v15;
	v15 =	vld.idx.msk [tilespmem:v15+s13+$0x0], $0xffff;
	v10 =	vadd.s32 v2, v10  }
0x38a: {  	v11 =	vand.u32 $0x7F, v11;
	v13 =	vor.u32 v13, v24;
	v12 =	vadd.s32 v2, v12;
	[tilespmem:v16+s18+$0x0] =	vst.idx.add.f32.msk $0xffff, v8  }
0x38b: {  	v13 =	vadd.s32 v2, v13;
	v8 =	vor.u32 v11, v18;
	v18 =	vand.u32 $0x7F, v14;
	v14 =	vld.idx.msk [tilespmem:v14+s13+$0x0], $0xffff  }
0x38c: {  	v11 =	vand.u32 $0xFFFFFC00, v48;
	v16 =	vld.idx.msk [tilespmem:v22+s15+$0x0], $0xffff;
	v8 =	vadd.s32 v2, v8;
	v18 =	vor.u32 v18, v26  }
0x38d: {  	v11 =	vor.u32 v19, v11;
	v18 =	vadd.s32 v2, v18;
	[tilespmem:v9+s18+$0x0] =	vst.idx.add.f32.msk $0xffff, v20  }
0x38e: {  	v9 =	vadd.s32 v2, v11;
	[tilespmem:v10+s18+$0x0] =	vst.idx.add.f32.msk $0xffff, v23  }
0x38f: {  	s12 =	simm.s32 $0xF;
	v10 =	vadd.s32 s0, v5;
	[tilespmem:v12+s18+$0x0] =	vst.idx.add.f32.msk $0xffff, v27  }
0x390: {  	s3 =	simm.s32 $0x8;
	v11 =	vadd.s32 s12, v7;
	[tilespmem:v13+s18+$0x0] =	vst.idx.add.f32.msk $0xffff, v17  }
0x391: {  	v12 =	vadd.s32 s3, v7;
	[tilespmem:v8+s18+$0x0] =	vst.idx.add.f32.msk $0xffff, v25  }
0x392: {  	s2 =	simm.s32 $0xC;
	v19 =	vadd.s32 s6, v5;
	[tilespmem:v18+s18+$0x0] =	vst.idx.add.f32.msk $0xffff, v14  }
0x393: {  	s5 =	simm.s32 $0x9;
	v17 =	vadd.s32 s2, v7;
	[tilespmem:v9+s18+$0x0] =	vst.idx.add.f32.msk $0xffff, v15  }
0x394: {  	v13 =	vadd.s32 s5, v7;
	v10 =	vld.idx.msk [tilespmem:v10+s15+$0x0], $0xffff  }
0x395: {  	s7 =	simm.s32 $0xA;
	v8 =	vadd.s32 s31, v5;
	v11 =	vld.idx.msk [tilespmem:v11+s15+$0x0], $0xffff  }
0x396: {  	s0 =	simm.s32 $0xB;
	v9 =	vadd.s32 s7, v7;
	v12 =	vld.idx.msk [tilespmem:v12+s15+$0x0], $0xffff  }
0x397: {  	s4 =	simm.s32 $0xD;
	v52 =	vadd.s32 s12, v5;
	v14 =	vadd.s32 s0, v7;
	v15 =	vshll.u32 v16, $0x3;
	v60 =	vld.idx.msk [tilespmem:v19+s15+$0x0], $0xffff  }
0x398: {  	s1 =	simm.s32 $0xE;
	v16 =	vand.u32 $0x7F, v16;
	v18 =	vadd.s32 s4, v7;
	v15 =	vand.u32 $0xFFFFFC00, v15;
	v17 =	vld.idx.msk [tilespmem:v17+s15+$0x0], $0xffff  }
0x399: {  	v21 =	vadd.s32 s9, v5;
	v13 =	vld.idx.msk [tilespmem:v13+s15+$0x0], $0xffff;
	v15 =	vor.u32 v16, v15;
	v16 =	vadd.s32 s1, v7  }
0x39a: {  	v24 =	vadd.s32 s10, v5;
	v22 =	vadd.s32 s11, v5;
	v19 =	vadd.s32 s3, v5;
	v8 =	vld.idx.msk [tilespmem:v8+s15+$0x0], $0xffff  }
0x39b: {  	v20 =	vadd.s32 v2, v15;
	v15 =	vadd.s32 s8, v5;
	v9 =	vld.idx.msk [tilespmem:v9+s15+$0x0], $0xffff;
	v23 =	vshll.u32 v10, $0x3  }
0x39c: {  	v14 =	vld.idx.msk [tilespmem:v14+s15+$0x0], $0xffff;
	v10 =	vand.u32 $0x7F, v10;
	v26 =	vshll.u32 v11, $0x3;
	v27 =	vshll.u32 v12, $0x3  }
0x39d: {  	v18 =	vld.idx.msk [tilespmem:v18+s15+$0x0], $0xffff;
	v23 =	vand.u32 $0xFFFFFC00, v23;
	v26 =	vand.u32 $0xFFFFFC00, v26;
	v55 =	vshll.u32 v17, $0x3  }
0x39e: {  	v10 =	vor.u32 v10, v23;
	v16 =	vld.idx.msk [tilespmem:v16+s15+$0x0], $0xffff;
	v23 =	vand.u32 $0x7F, v11;
	v34 =	vand.u32 $0xFFFFFC00, v55  }
0x39f: {  	v11 =	vld.idx.msk [tilespmem:v11+s13+$0x0], $0xffff;
	v23 =	vor.u32 v23, v26;
	v26 =	vand.u32 $0xFFFFFC00, v27;
	v27 =	vshll.u32 v13, $0x3  }
0x3a0: {  	v49 =	vld.idx.msk [tilespmem:v12+s13+$0x0], $0xffff;
	v12 =	vand.u32 $0x7F, v12;
	v25 =	vand.u32 $0x7F, v8;
	v23 =	vadd.s32 v2, v23  }
0x3a1: {  	v8 =	vshll.u32 v8, $0x3;
	v27 =	vand.u32 $0xFFFFFC00, v27;
	v51 =	vld.idx.msk [tilespmem:v13+s13+$0x0], $0xffff;
	v13 =	vand.u32 $0x7F, v13  }
0x3a2: {  	v58 =	vld.idx.msk [tilespmem:v17+s13+$0x0], $0xffff;
	v17 =	vand.u32 $0x7F, v17;
	v12 =	vor.u32 v12, v26;
	v8 =	vand.u32 $0xFFFFFC00, v8  }
0x3a3: {  	v62 =	vld.idx.msk [tilespmem:v15+s15+$0x0], $0xffff;
	v50 =	vshll.u32 v9, $0x3;
	v53 =	vshll.u32 v14, $0x3;
	v57 =	vshll.u32 v18, $0x3  }
0x3a4: {  	v59 =	vand.u32 $0x7F, v18;
	v27 =	vor.u32 v13, v27;
	v17 =	vor.u32 v17, v34;
	v54 =	vld.idx.msk [tilespmem:v9+s13+$0x0], $0xffff  }
0x3a5: {  	v12 =	vadd.s32 v2, v12;
	v29 =	vand.u32 $0xFFFFFC00, v50;
	v32 =	vand.u32 $0xFFFFFC00, v53;
	[tilespmem:v23+s18+$0x0] =	vst.idx.add.f32.msk $0xffff, v11  }
0x3a6: {  	v36 =	vand.u32 $0xFFFFFC00, v57;
	v27 =	vadd.s32 v2, v27;
	v63 =	vadd.s32 v2, v17;
	v26 =	vld.idx.msk [tilespmem:v52+s15+$0x0], $0xffff  }
0x3a7: {  	v8 =	vor.u32 v25, v8;
	v38 =	vand.u32 $0x7F, v16;
	v56 =	vld.idx.msk [tilespmem:v14+s13+$0x0], $0xffff;
	v9 =	vand.u32 $0x7F, v9  }
0x3a8: {  	[tilespmem:v20+s16+$0x0] =	vst.idx.msk $0xffff, v1;
	v14 =	vand.u32 $0x7F, v14;
	v13 =	vld.idx.msk [tilespmem:v18+s13+$0x0], $0xffff;
	v11 =	vshll.u32 v16, $0x3;
	v9 =	vor.u32 v9, v29  }
0x3a9: {  	v14 =	vor.u32 v14, v32;
	v23 =	vand.u32 $0xFFFFFC00, v11;
	v11 =	vld.idx.msk [tilespmem:v16+s13+$0x0], $0xffff;
	v16 =	vor.u32 v59, v36  }
0x3aa: {  	v61 =	vadd.s32 v2, v9;
	v23 =	vor.u32 v38, v23;
	v18 =	vadd.s32 v2, v16;
	v16 =	vld.idx.msk [tilespmem:v22+s15+$0x0], $0xffff  }
0x3ab: {  	v32 =	vadd.s32 v2, v14;
	v15 =	vadd.s32 v2, v23;
	v23 =	vld.idx.msk [tilespmem:v21+s15+$0x0], $0xffff;
	v14 =	vshll.u32 v26, $0x3  }
0x3ac: {  	v9 =	vadd.s32 v2, v8;
	[tilespmem:v12+s18+$0x0] =	vst.idx.add.f32.msk $0xffff, v49;
	v8 =	vand.u32 $0x7F, v26;
	v20 =	vand.u32 $0xFFFFFC00, v14  }
0x3ad: {  	v10 =	vadd.s32 v2, v10;
	v17 =	vadd.s32 s5, v5;
	[tilespmem:v27+s18+$0x0] =	vst.idx.add.f32.msk $0xffff, v51;
	v12 =	vor.u32 v8, v20  }
0x3ae: {  	v22 =	vand.u32 $0x7F, v62;
	[tilespmem:v63+s18+$0x0] =	vst.idx.add.f32.msk $0xffff, v58;
	v21 =	vshll.u32 v60, $0x3;
	v12 =	vadd.s32 v2, v12  }
0x3af: {  	v21 =	vand.u32 $0xFFFFFC00, v21;
	v14 =	vld.idx.msk [tilespmem:v24+s15+$0x0], $0xffff;
	v24 =	vshll.u32 v62, $0x3;
	v26 =	vshll.u32 v16, $0x3  }
0x3b0: {  	s6 =	simm.s32 $0x11;
	s3 =	simm.s32 $0x12;
	[tilespmem:v61+s18+$0x0] =	vst.idx.add.f32.msk $0xffff, v54;
	v8 =	vadd.s32 s7, v5;
	v20 =	vand.u32 $0x7F, v60;
	v25 =	vshll.u32 v23, $0x3  }
0x3b1: {  	s8 =	simm.s32 $0x17;
	s5 =	simm.s32 $0x10;
	[tilespmem:v32+s18+$0x0] =	vst.idx.add.f32.msk $0xffff, v56;
	v24 =	vand.u32 $0xFFFFFC00, v24;
	v23 =	vand.u32 $0x7F, v23;
	s7 =	simm.s32 $0x18;
	v25 =	vand.u32 $0xFFFFFC00, v25  }
.LBB2_16:
0x3b2: {  	p0 =	slt.u32 s7, $0xC0;
	v27 =	vadd.s32 s5, v7;
	v28 =	vadd.s32 s6, v7;
	s9 =	sadd.s32 $0x3, s5;
	s10 =	sadd.s32 $0x4, s5;
	v29 =	vadd.s32 s8, v7;
	[tilespmem:v18+s18+$0x0] =	vst.idx.add.f32.msk $0xffff, v13  }
0x3b3: {  	v13 =	vadd.s32 s3, v7;
	s11 =	sadd.s32 $0x5, s5;
	s12 =	sadd.s32 $0x6, s5;
	v18 =	vadd.s32 s9, v7;
	v30 =	vadd.s32 s10, v7;
	[tilespmem:v12+s16+$0x0] =	vst.idx.msk $0xffff, v1  }
0x3b4: {  	v12 =	vadd.s32 s11, v7;
	v31 =	vadd.s32 s12, v7;
	[tilespmem:v15+s18+$0x0] =	vst.idx.add.f32.msk $0xffff, v11;
	v11 =	vshll.u32 v14, $0x3  }
0x3b5: {  	v15 =	vld.idx.msk [tilespmem:v19+s15+$0x0], $0xffff;
	[tilespmem:v10+s16+$0x0] =	vst.idx.msk $0xffff, v1;
	v10 =	vand.u32 $0x7F, v16;
	v16 =	vand.u32 $0xFFFFFC00, v26;
	v11 =	vand.u32 $0xFFFFFC00, v11  }
0x3b6: {  	v14 =	vand.u32 $0x7F, v14;
	v19 =	vor.u32 v20, v21;
	v20 =	vor.u32 v22, v24;
	v17 =	vld.idx.msk [tilespmem:v17+s15+$0x0], $0xffff  }
0x3b7: {  	v22 =	vor.u32 v23, v25;
	v10 =	vor.u32 v10, v16;
	v11 =	vor.u32 v14, v11;
	v21 =	vld.idx.msk [tilespmem:v29+s15+$0x0], $0xffff  }
0x3b8: {  	v16 =	vadd.s32 v2, v19;
	v19 =	vadd.s32 v2, v20;
	v20 =	vadd.s32 v2, v22;
	v14 =	vld.idx.msk [tilespmem:v27+s15+$0x0], $0xffff  }
0x3b9: {  	v22 =	vld.idx.msk [tilespmem:v28+s15+$0x0], $0xffff;
	[tilespmem:v9+s16+$0x0] =	vst.idx.msk $0xffff, v1;
	v9 =	vadd.s32 v2, v10;
	v10 =	vadd.s32 v2, v11  }
0x3ba: {  	v23 =	vadd.s32 s0, v5;
	v24 =	vadd.s32 s2, v5;
	v25 =	vadd.s32 s4, v5;
	s0 =	smov.u32 s9;
	s2 =	smov.u32 s10;
	s4 =	smov.u32 s11;
	v11 =	vld.idx.msk [tilespmem:v13+s15+$0x0], $0xffff  }
0x3bb: {  	v26 =	vadd.s32 s1, v5;
	s1 =	smov.u32 s12;
	v13 =	vld.idx.msk [tilespmem:v18+s15+$0x0], $0xffff;
	v18 =	vand.u32 $0x7F, v15;
	v15 =	vshll.u32 v15, $0x3  }
0x3bc: {  	v28 =	vand.u32 $0x7F, v17;
	v17 =	vshll.u32 v17, $0x3;
	v27 =	vld.idx.msk [tilespmem:v30+s15+$0x0], $0xffff;
	v15 =	vand.u32 $0xFFFFFC00, v15  }
0x3bd: {  	v29 =	vshll.u32 v21, $0x3;
	v17 =	vand.u32 $0xFFFFFC00, v17;
	v12 =	vld.idx.msk [tilespmem:v12+s15+$0x0], $0xffff;
	v30 =	vor.u32 v18, v15;
	[tilespmem:v16+s16+$0x0] =	vst.idx.msk $0xffff, v1  }
0x3be: {  	v15 =	vshll.u32 v14, $0x3;
	v18 =	vand.u32 $0x7F, v21;
	v29 =	vand.u32 $0xFFFFFC00, v29;
	v16 =	vld.idx.msk [tilespmem:v31+s15+$0x0], $0xffff;
	[tilespmem:v19+s16+$0x0] =	vst.idx.msk $0xffff, v1  }
0x3bf: {  	v15 =	vand.u32 $0xFFFFFC00, v15;
	v19 =	vshll.u32 v22, $0x3;
	v18 =	vor.u32 v18, v29;
	v21 =	vld.idx.msk [tilespmem:v21+s13+$0x0], $0xffff;
	[tilespmem:v20+s16+$0x0] =	vst.idx.msk $0xffff, v1  }
0x3c0: {  	v19 =	vand.u32 $0xFFFFFC00, v19;
	v29 =	vshll.u32 v11, $0x3;
	v18 =	vadd.s32 v2, v18;
	v20 =	vld.idx.msk [tilespmem:v14+s13+$0x0], $0xffff;
	[tilespmem:v9+s16+$0x0] =	vst.idx.msk $0xffff, v1  }
0x3c1: {  	v32 =	vadd.s32 s8, v5;
	v9 =	vand.u32 $0xFFFFFC00, v29;
	v29 =	vshll.u32 v13, $0x3;
	v31 =	vld.idx.msk [tilespmem:v22+s13+$0x0], $0xffff;
	[tilespmem:v10+s16+$0x0] =	vst.idx.msk $0xffff, v1  }
0x3c2: {  	v10 =	vand.u32 $0x7F, v14;
	v14 =	vand.u32 $0xFFFFFC00, v29;
	v29 =	vshll.u32 v27, $0x3;
	v33 =	vld.idx.msk [tilespmem:v11+s13+$0x0], $0xffff  }
0x3c3: {  	v22 =	vand.u32 $0x7F, v22;
	v29 =	vand.u32 $0xFFFFFC00, v29;
	v35 =	vshll.u32 v12, $0x3;
	v34 =	vld.idx.msk [tilespmem:v13+s13+$0x0], $0xffff  }
0x3c4: {  	v11 =	vand.u32 $0x7F, v11;
	v35 =	vand.u32 $0xFFFFFC00, v35;
	v37 =	vshll.u32 v16, $0x3;
	v36 =	vld.idx.msk [tilespmem:v27+s13+$0x0], $0xffff  }
0x3c5: {  	v13 =	vand.u32 $0x7F, v13;
	v27 =	vand.u32 $0x7F, v27;
	v37 =	vand.u32 $0xFFFFFC00, v37;
	[tilespmem:v18+s18+$0x0] =	vst.idx.add.f32.msk $0xffff, v21  }
0x3c6: {  	v10 =	vor.u32 v10, v15;
	v15 =	vand.u32 $0x7F, v12;
	v18 =	vand.u32 $0x7F, v16;
	v21 =	vld.idx.msk [tilespmem:v32+s15+$0x0], $0xffff  }
0x3c7: {  	v19 =	vor.u32 v22, v19;
	v9 =	vor.u32 v11, v9;
	v14 =	vor.u32 v13, v14;
	v13 =	vld.idx.msk [tilespmem:v12+s13+$0x0], $0xffff  }
0x3c8: {  	v15 =	vor.u32 v15, v35;
	v12 =	vor.u32 v27, v29;
	v11 =	vld.idx.msk [tilespmem:v16+s13+$0x0], $0xffff;
	v16 =	vor.u32 v18, v37  }
0x3c9: {  	v22 =	vadd.s32 v2, v10;
	v27 =	vadd.s32 v2, v19;
	v29 =	vadd.s32 v2, v9;
	v32 =	vld.idx.msk [tilespmem:v8+s15+$0x0], $0xffff  }
0x3ca: {  	v35 =	vadd.s32 v2, v14;
	v37 =	vadd.s32 v2, v12;
	v18 =	vadd.s32 v2, v15;
	v23 =	vld.idx.msk [tilespmem:v23+s15+$0x0], $0xffff  }
0x3cb: {  	v10 =	vadd.s32 v2, v30;
	v15 =	vadd.s32 v2, v16;
	v8 =	vor.u32 v28, v17;
	v28 =	vld.idx.msk [tilespmem:v24+s15+$0x0], $0xffff  }
0x3cc: {  	v9 =	vadd.s32 v2, v8;
	v12 =	vshll.u32 v21, $0x3;
	v16 =	vld.idx.msk [tilespmem:v25+s15+$0x0], $0xffff  }
0x3cd: {  	v19 =	vadd.s32 s5, v5;
	s5 =	smov.u32 s7;
	v21 =	vand.u32 $0x7F, v21;
	v12 =	vand.u32 $0xFFFFFC00, v12;
	v14 =	vld.idx.msk [tilespmem:v26+s15+$0x0], $0xffff  }
.Ltmp7:
0x3ce: {  	v17 =	vadd.s32 s6, v5;
	v8 =	vadd.s32 s3, v5;
	v12 =	vor.u32 v21, v12;
	[tilespmem:v22+s18+$0x0] =	vst.idx.add.f32.msk $0xffff, v20;
	(pc) =	sbr.rel @p0 .LBB2_16-.Ltmp7, $4  }
0x3cf: {  	v12 =	vadd.s32 v2, v12;
	v20 =	vand.u32 $0x7F, v32;
	v21 =	vshll.u32 v32, $0x3;
	[tilespmem:v27+s18+$0x0] =	vst.idx.add.f32.msk $0xffff, v31  }
0x3d0: {  	v21 =	vand.u32 $0xFFFFFC00, v21;
	v22 =	vand.u32 $0x7F, v23;
	v23 =	vshll.u32 v23, $0x3;
	[tilespmem:v29+s18+$0x0] =	vst.idx.add.f32.msk $0xffff, v33  }
0x3d1: {  	s6 =	sadd.s32 $0x1, s7;
	v24 =	vand.u32 $0xFFFFFC00, v23;
	v23 =	vand.u32 $0x7F, v28;
	v25 =	vshll.u32 v28, $0x3;
	[tilespmem:v35+s18+$0x0] =	vst.idx.add.f32.msk $0xffff, v34  }
0x3d2: {  	s8 =	sadd.s32 $0x7, s5;
	s7 =	sadd.s32 $0x8, s7;
	s3 =	sadd.s32 $0x2, s5;
	v25 =	vand.u32 $0xFFFFFC00, v25;
	v26 =	vshll.u32 v16, $0x3;
	[tilespmem:v37+s18+$0x0] =	vst.idx.add.f32.msk $0xffff, v36  }
0x3d3: {  	_ =	sdelay $0x3  }
0x3d4: {  	v27 =	vadd.s32 s8, v7;
	v28 =	vadd.s32 s5, v7;
	v29 =	vadd.s32 s6, v7;
	[tilespmem:v18+s18+$0x0] =	vst.idx.add.f32.msk $0xffff, v13  }
0x3d5: {  	v13 =	vadd.s32 s3, v7;
	[tilespmem:v15+s18+$0x0] =	vst.idx.add.f32.msk $0xffff, v11;
	v11 =	vand.u32 $0x7F, v16;
	v16 =	vand.u32 $0xFFFFFC00, v26  }
0x3d6: {  	s11 =	sadd.s32 $0x3, s5;
	s9 =	sadd.s32 $0x4, s5;
	v19 =	vld.idx.msk [tilespmem:v19+s15+$0x0], $0xffff;
	v20 =	vor.u32 v20, v21;
	v21 =	vor.u32 v22, v24;
	v22 =	vor.u32 v23, v25  }
0x3d7: {  	s10 =	sadd.s32 $0x5, s5;
	s7 =	sadd.s32 $0x6, s5;
	v17 =	vld.idx.msk [tilespmem:v17+s15+$0x0], $0xffff;
	v23 =	vadd.s32 s0, v5;
	v18 =	vadd.s32 s11, v7;
	v30 =	vadd.s32 s9, v7  }
0x3d8: {  	v8 =	vld.idx.msk [tilespmem:v8+s15+$0x0], $0xffff;
	v15 =	vadd.s32 s10, v7;
	v31 =	vadd.s32 s7, v7;
	v7 =	vshll.u32 v14, $0x3  }
0x3d9: {  	v24 =	vadd.s32 s2, v5;
	v14 =	vand.u32 $0x7F, v14;
	v7 =	vand.u32 $0xFFFFFC00, v7;
	v26 =	vld.idx.msk [tilespmem:v27+s15+$0x0], $0xffff  }
0x3da: {  	v25 =	vadd.s32 s4, v5;
	v11 =	vor.u32 v11, v16;
	v7 =	vor.u32 v14, v7;
	v14 =	vld.idx.msk [tilespmem:v28+s15+$0x0], $0xffff  }
0x3db: {  	v16 =	vadd.s32 v2, v20;
	v20 =	vadd.s32 v2, v21;
	v21 =	vadd.s32 v2, v22;
	v22 =	vld.idx.msk [tilespmem:v29+s15+$0x0], $0xffff  }
0x3dc: {  	v13 =	vld.idx.msk [tilespmem:v13+s15+$0x0], $0xffff  }
0x3dd: {  	v23 =	vld.idx.msk [tilespmem:v23+s15+$0x0], $0xffff  }
0x3de: {  	v32 =	vadd.s32 s1, v5;
	v37 =	vadd.s32 s8, v5;
	v44 =	vadd.s32 s5, v5;
	v24 =	vld.idx.msk [tilespmem:v24+s15+$0x0], $0xffff  }
0x3df: {  	v45 =	vadd.s32 s3, v5;
	v58 =	vand.u32 $0x7F, v19;
	v19 =	vshll.u32 v19, $0x3;
	v25 =	vld.idx.msk [tilespmem:v25+s15+$0x0], $0xffff  }
0x3e0: {  	v61 =	vand.u32 $0x7F, v17;
	v17 =	vshll.u32 v17, $0x3;
	v18 =	vld.idx.msk [tilespmem:v18+s15+$0x0], $0xffff;
	v19 =	vand.u32 $0xFFFFFC00, v19  }
0x3e1: {  	v11 =	vadd.s32 v2, v11;
	v15 =	vld.idx.msk [tilespmem:v15+s15+$0x0], $0xffff;
	v17 =	vand.u32 $0xFFFFFC00, v17;
	v19 =	vor.u32 v58, v19  }
0x3e2: {  	v7 =	vadd.s32 v2, v7;
	v31 =	vld.idx.msk [tilespmem:v31+s15+$0x0], $0xffff;
	v17 =	vor.u32 v61, v17;
	v19 =	vadd.s32 v2, v19  }
0x3e3: {  	v59 =	vld.idx.msk [tilespmem:v30+s15+$0x0], $0xffff;
	v27 =	vshll.u32 v26, $0x3;
	v60 =	vand.u32 $0x7F, v26;
	v62 =	vshll.u32 v14, $0x3  }
0x3e4: {  	v43 =	vld.idx.msk [tilespmem:v32+s15+$0x0], $0xffff;
	v33 =	vshll.u32 v22, $0x3;
	v35 =	vshll.u32 v13, $0x3;
	v27 =	vand.u32 $0xFFFFFC00, v27  }
0x3e5: {  	[tilespmem:v12+s16+$0x0] =	vst.idx.msk $0xffff, v1;
	v12 =	vand.u32 $0x7F, v13;
	v28 =	vand.u32 $0xFFFFFC00, v62;
	v27 =	vor.u32 v60, v27;
	v26 =	vld.idx.msk [tilespmem:v26+s13+$0x0], $0xffff  }
0x3e6: {  	v33 =	vand.u32 $0xFFFFFC00, v33;
	v35 =	vand.u32 $0xFFFFFC00, v35;
	v27 =	vadd.s32 v2, v27;
	v34 =	vld.idx.msk [tilespmem:v14+s13+$0x0], $0xffff  }
0x3e7: {  	[tilespmem:v10+s16+$0x0] =	vst.idx.msk $0xffff, v1;
	v38 =	vshll.u32 v18, $0x3;
	v63 =	vshll.u32 v15, $0x3;
	v10 =	vshll.u32 v31, $0x3;
	v36 =	vld.idx.msk [tilespmem:v22+s13+$0x0], $0xffff  }
0x3e8: {  	v29 =	vand.u32 $0x7F, v59;
	v40 =	vand.u32 $0x7F, v31;
	v38 =	vand.u32 $0xFFFFFC00, v38;
	v39 =	vld.idx.msk [tilespmem:v13+s13+$0x0], $0xffff  }
0x3e9: {  	[tilespmem:v9+s16+$0x0] =	vst.idx.msk $0xffff, v1;
	v9 =	vand.u32 $0xFFFFFC00, v10;
	v10 =	vor.u32 v12, v35;
	v12 =	vand.u32 $0x7F, v15;
	v15 =	vld.idx.msk [tilespmem:v15+s13+$0x0], $0xffff  }
0x3ea: {  	v14 =	vand.u32 $0x7F, v14;
	v22 =	vand.u32 $0x7F, v22;
	v9 =	vor.u32 v40, v9;
	v41 =	vld.idx.msk [tilespmem:v31+s13+$0x0], $0xffff  }
0x3eb: {  	v14 =	vor.u32 v14, v28;
	v28 =	vand.u32 $0xFFFFFC00, v63;
	v9 =	vadd.s32 v2, v9;
	[tilespmem:v27+s18+$0x0] =	vst.idx.add.f32.msk $0xffff, v26  }
0x3ec: {  	v13 =	vor.u32 v22, v33;
	v12 =	vor.u32 v12, v28;
	v14 =	vadd.s32 v2, v14;
	v27 =	vld.idx.msk [tilespmem:v18+s13+$0x0], $0xffff  }
0x3ed: {  	[tilespmem:v16+s16+$0x0] =	vst.idx.msk $0xffff, v1;
	v12 =	vadd.s32 v2, v12;
	v26 =	vshll.u32 v59, $0x3;
	v18 =	vand.u32 $0x7F, v18;
	v37 =	vld.idx.msk [tilespmem:v37+s15+$0x0], $0xffff  }
0x3ee: {  	[tilespmem:v20+s16+$0x0] =	vst.idx.msk $0xffff, v1;
	v13 =	vadd.s32 v2, v13;
	v26 =	vand.u32 $0xFFFFFC00, v26;
	v18 =	vor.u32 v18, v38  }
0x3ef: {  	v20 =	vshll.u32 v43, $0x3;
	v22 =	vld.idx.msk [tilespmem:v59+s13+$0x0], $0xffff;
	v26 =	vor.u32 v29, v26;
	v18 =	vadd.s32 v2, v18  }
0x3f0: {  	v16 =	vadd.s32 v2, v17;
	v20 =	vand.u32 $0xFFFFFC00, v20;
	[tilespmem:v9+s18+$0x0] =	vst.idx.add.f32.msk $0xffff, v41;
	v26 =	vadd.s32 v2, v26  }
0x3f1: {  	v10 =	vadd.s32 v2, v10;
	v9 =	vand.u32 $0x7F, v43;
	[tilespmem:v14+s18+$0x0] =	vst.idx.add.f32.msk $0xffff, v34;
	v14 =	vadd.s32 s6, v5  }
0x3f2: {  	v9 =	vor.u32 v9, v20;
	[tilespmem:v12+s18+$0x0] =	vst.idx.add.f32.msk $0xffff, v15;
	v12 =	vadd.s32 s10, v5;
	v42 =	vshll.u32 v37, $0x3  }
0x3f3: {  	[tilespmem:v13+s18+$0x0] =	vst.idx.add.f32.msk $0xffff, v36;
	v9 =	vadd.s32 v2, v9;
	v17 =	vand.u32 $0x7F, v37;
	v28 =	vand.u32 $0xFFFFFC00, v42  }
0x3f4: {  	[tilespmem:v18+s18+$0x0] =	vst.idx.add.f32.msk $0xffff, v27;
	v18 =	vshll.u32 v24, $0x3;
	v24 =	vand.u32 $0x7F, v24;
	v27 =	vadd.s32 s11, v5  }
0x3f5: {  	v17 =	vor.u32 v17, v28;
	[tilespmem:v26+s18+$0x0] =	vst.idx.add.f32.msk $0xffff, v22;
	v18 =	vand.u32 $0xFFFFFC00, v18;
	v22 =	vshll.u32 v25, $0x3  }
0x3f6: {  	v14 =	vld.idx.msk [tilespmem:v14+s15+$0x0], $0xffff;
	v25 =	vand.u32 $0x7F, v25;
	v13 =	vadd.s32 v2, v17;
	v17 =	vshll.u32 v8, $0x3  }
0x3f7: {  	[tilespmem:v21+s16+$0x0] =	vst.idx.msk $0xffff, v1;
	v26 =	vld.idx.msk [tilespmem:v44+s15+$0x0], $0xffff;
	v8 =	vand.u32 $0x7F, v8;
	v21 =	vand.u32 $0xFFFFFC00, v22;
	v22 =	vadd.s32 s9, v5  }
0x3f8: {  	[tilespmem:v10+s18+$0x0] =	vst.idx.add.f32.msk $0xffff, v39;
	v15 =	vor.u32 v24, v18;
	v10 =	vand.u32 $0xFFFFFC00, v17;
	v17 =	vshll.u32 v23, $0x3  }
0x3f9: {  	v20 =	vld.idx.msk [tilespmem:v45+s15+$0x0], $0xffff;
	v23 =	vand.u32 $0x7F, v23;
	v18 =	vor.u32 v25, v21;
	v15 =	vadd.s32 v2, v15  }
0x3fa: {  	v17 =	vand.u32 $0xFFFFFC00, v17;
	v8 =	vor.u32 v8, v10;
	v18 =	vadd.s32 v2, v18  }
0x3fb: {  	v10 =	vor.u32 v23, v17;
	v17 =	vadd.s32 s7, v5;
	v8 =	vadd.s32 v2, v8;
	v21 =	vld.idx.msk [tilespmem:v27+s15+$0x0], $0xffff  }
0x3fc: {  	[tilespmem:v11+s16+$0x0] =	vst.idx.msk $0xffff, v1;
	v12 =	vld.idx.msk [tilespmem:v12+s15+$0x0], $0xffff;
	v24 =	vshll.u32 v14, $0x3;
	v14 =	vand.u32 $0x7F, v14;
	v23 =	vshll.u32 v26, $0x3  }
0x3fd: {  	[tilespmem:v7+s16+$0x0] =	vst.idx.msk $0xffff, v1;
	v10 =	vadd.s32 v2, v10;
	v11 =	vand.u32 $0x7F, v26;
	v7 =	vand.u32 $0xFFFFFC00, v23  }
0x3fe: {  	v22 =	vld.idx.msk [tilespmem:v22+s15+$0x0], $0xffff;
	v23 =	vand.u32 $0xFFFFFC00, v24;
	[tilespmem:v13+s16+$0x0] =	vst.idx.msk $0xffff, v1;
	v13 =	vshll.u32 v20, $0x3;
	v7 =	vor.u32 v11, v7  }
0x3ff: {  	v11 =	vor.u32 v14, v23;
	v13 =	vand.u32 $0xFFFFFC00, v13;
	v7 =	vadd.s32 v2, v7  }
0x400: {  	[tilespmem:v19+s16+$0x0] =	vst.idx.msk $0xffff, v1;
	v11 =	vadd.s32 v2, v11;
	v14 =	vld.idx.msk [tilespmem:v17+s15+$0x0], $0xffff;
	v17 =	vand.u32 $0x7F, v20;
	v19 =	vshll.u32 v21, $0x3  }
0x401: {  	[tilespmem:v16+s16+$0x0] =	vst.idx.msk $0xffff, v1;
	v16 =	vand.u32 $0x7F, v21;
	v21 =	vshll.u32 v12, $0x3;
	v12 =	vand.u32 $0x7F, v12  }
0x402: {  	[tilespmem:v15+s16+$0x0] =	vst.idx.msk $0xffff, v1;
	v19 =	vand.u32 $0xFFFFFC00, v19;
	v13 =	vor.u32 v17, v13;
	v15 =	vand.u32 $0xFFFFFC00, v21  }
0x403: {  	[tilespmem:v8+s16+$0x0] =	vst.idx.msk $0xffff, v1;
	v20 =	vshll.u32 v22, $0x3;
	v8 =	vand.u32 $0x7F, v22;
	v16 =	vor.u32 v16, v19  }
0x404: {  	[tilespmem:v9+s16+$0x0] =	vst.idx.msk $0xffff, v1;
	v13 =	vadd.s32 v2, v13;
	v12 =	vor.u32 v12, v15;
	v20 =	vand.u32 $0xFFFFFC00, v20  }
0x405: {  	[tilespmem:v10+s16+$0x0] =	vst.idx.msk $0xffff, v1;
	v16 =	vadd.s32 v2, v16;
	v8 =	vor.u32 v8, v20;
	v10 =	vshll.u32 v14, $0x3  }
0x406: {  	[tilespmem:v18+s16+$0x0] =	vst.idx.msk $0xffff, v1;
	v9 =	vand.u32 $0x7F, v14;
	v8 =	vadd.s32 v2, v8;
	v10 =	vand.u32 $0xFFFFFC00, v10  }
0x407: {  	[tilespmem:v7+s16+$0x0] =	vst.idx.msk $0xffff, v1;
	v7 =	vor.u32 v9, v10;
	v9 =	vadd.s32 v2, v12  }
0x408: {  	[tilespmem:v11+s16+$0x0] =	vst.idx.msk $0xffff, v1;
	v7 =	vadd.s32 v2, v7  }
0x409: {  	[tilespmem:v13+s16+$0x0] =	vst.idx.msk $0xffff, v1  }
0x40a: {  	[tilespmem:v16+s16+$0x0] =	vst.idx.msk $0xffff, v1  }
0x40b: {  	[tilespmem:v8+s16+$0x0] =	vst.idx.msk $0xffff, v1  }
0x40c: {  	[tilespmem:v9+s16+$0x0] =	vst.idx.msk $0xffff, v1  }
0x40d: {  	s12 =	simm.s32 $0x7;
	[tilespmem:v7+s16+$0x0] =	vst.idx.msk $0xffff, v1;
	v7 =	vadd.s32 $0x4B00, v0  }
0x40e: {  	s22 =	simm.s32 $0x1;
	s11 =	simm.s32 $0x0;
	s21 =	rddreg [dreg:$0x1b];
	v8 =	vadd.s32 s12, v7  }
0x40f: {  	v9 =	vadd.s32 s11, v7;
	[hbm4b:s21+s11] =	stream.linear.scatter [tilespmem:s18], [sflag:$0x3], $0x4000, $0x38;
	[tilespmem:$0x1A800] =	vst v63  }
0x410: {  	s23 =	simm.s32 $0x2;
	v10 =	vadd.s32 s22, v7;
	_ =	swait.ge [sflag:s19], $0x4000  }
0x411: {  	s24 =	simm.s32 $0x3;
	v11 =	vadd.s32 s23, v7;
	[sflag:s19] =	ssyncset.done $0x0  }
0x412: {  	s25 =	simm.s32 $0x4;
	v12 =	vadd.s32 s24, v7;
	[sflag:s19] =	ssyncadd.s32 $0xFFFFC000  }
0x413: {  	s26 =	simm.s32 $0x5;
	v13 =	vadd.s32 s25, v7;
	v8 =	vld.idx.msk [tilespmem:v8+s15+$0x0], $0xffff  }
0x414: {  	s28 =	simm.s32 $0x6;
	v14 =	vadd.s32 s26, v7;
	v9 =	vld.idx.msk [tilespmem:v9+s15+$0x0], $0xffff  }
0x415: {  	v15 =	vadd.s32 s28, v7;
	v10 =	vld.idx.msk [tilespmem:v10+s15+$0x0], $0xffff  }
0x416: {  	v11 =	vld.idx.msk [tilespmem:v11+s15+$0x0], $0xffff  }
0x417: {  	v12 =	vld.idx.msk [tilespmem:v12+s15+$0x0], $0xffff  }
0x418: {  	v13 =	vld.idx.msk [tilespmem:v13+s15+$0x0], $0xffff  }
0x419: {  	v14 =	vld.idx.msk [tilespmem:v14+s15+$0x0], $0xffff  }
0x41a: {  	v15 =	vld.idx.msk [tilespmem:v15+s15+$0x0], $0xffff;
	_ =	sdelay $0x1  }
0x41b: {  	v22 =	vadd.s32 s12, v6  }
0x41c: {  	v16 =	vshll.u32 v8, $0x3;
	v17 =	vshll.u32 v9, $0x3;
	v18 =	vand.u32 $0x7F, v8  }
0x41d: {  	v19 =	vshll.u32 v10, $0x3;
	v21 =	vshll.u32 v12, $0x3;
	v24 =	vshll.u32 v13, $0x3  }
0x41e: {  	v26 =	vshll.u32 v14, $0x3;
	v46 =	vshll.u32 v15, $0x3;
	v16 =	vand.u32 $0xFFFFFC00, v16;
	v8 =	vld.idx.msk [tilespmem:v8+s13+$0x0], $0xffff  }
0x41f: {  	v17 =	vand.u32 $0xFFFFFC00, v17;
	v19 =	vand.u32 $0xFFFFFC00, v19;
	v16 =	vor.u32 v18, v16;
	v20 =	vld.idx.msk [tilespmem:v9+s13+$0x0], $0xffff  }
0x420: {  	v21 =	vand.u32 $0xFFFFFC00, v21;
	v18 =	vshll.u32 v11, $0x3;
	v16 =	vadd.s32 v2, v16;
	v23 =	vld.idx.msk [tilespmem:v10+s13+$0x0], $0xffff  }
0x421: {  	v24 =	vand.u32 $0xFFFFFC00, v24;
	v18 =	vand.u32 $0xFFFFFC00, v18;
	v9 =	vand.u32 $0x7F, v9;
	v25 =	vld.idx.msk [tilespmem:v11+s13+$0x0], $0xffff  }
0x422: {  	v10 =	vand.u32 $0x7F, v10;
	v27 =	vld.idx.msk [tilespmem:v12+s13+$0x0], $0xffff;
	v12 =	vand.u32 $0x7F, v12;
	v9 =	vor.u32 v9, v17  }
0x423: {  	v17 =	vld.idx.msk [tilespmem:v13+s13+$0x0], $0xffff;
	v10 =	vor.u32 v10, v19;
	v13 =	vand.u32 $0x7F, v13;
	v9 =	vadd.s32 v2, v9  }
0x424: {  	v12 =	vor.u32 v12, v21;
	v19 =	vand.u32 $0x7F, v15;
	v15 =	vld.idx.msk [tilespmem:v15+s13+$0x0], $0xffff;
	v10 =	vadd.s32 v2, v10  }
0x425: {  	v11 =	vand.u32 $0x7F, v11;
	v13 =	vor.u32 v13, v24;
	v12 =	vadd.s32 v2, v12;
	[tilespmem:v16+s16+$0x0] =	vst.idx.add.f32.msk $0xffff, v8  }
0x426: {  	v13 =	vadd.s32 v2, v13;
	v8 =	vor.u32 v11, v18;
	v18 =	vand.u32 $0x7F, v14;
	v14 =	vld.idx.msk [tilespmem:v14+s13+$0x0], $0xffff  }
0x427: {  	v26 =	vand.u32 $0xFFFFFC00, v26;
	v21 =	vadd.s32 s25, v6;
	v16 =	vld.idx.msk [tilespmem:v22+s15+$0x0], $0xffff  }
0x428: {  	v11 =	vand.u32 $0xFFFFFC00, v46;
	v8 =	vadd.s32 v2, v8;
	v18 =	vor.u32 v18, v26;
	[tilespmem:v9+s16+$0x0] =	vst.idx.add.f32.msk $0xffff, v20  }
0x429: {  	v11 =	vor.u32 v19, v11;
	v18 =	vadd.s32 v2, v18;
	[tilespmem:v10+s16+$0x0] =	vst.idx.add.f32.msk $0xffff, v23  }
0x42a: {  	v9 =	vadd.s32 v2, v11;
	[tilespmem:v12+s16+$0x0] =	vst.idx.add.f32.msk $0xffff, v27  }
0x42b: {  	s12 =	simm.s32 $0xF;
	v10 =	vadd.s32 s11, v6;
	[tilespmem:v13+s16+$0x0] =	vst.idx.add.f32.msk $0xffff, v17  }
0x42c: {  	s29 =	simm.s32 $0x8;
	v11 =	vadd.s32 s12, v7;
	v63 =	vld.idx.msk [tilespmem:v21+s15+$0x0], $0xffff  }
0x42d: {  	v12 =	vadd.s32 s29, v7;
	[tilespmem:v8+s16+$0x0] =	vst.idx.add.f32.msk $0xffff, v25  }
0x42e: {  	s2 =	simm.s32 $0xC;
	v19 =	vadd.s32 s23, v6;
	[tilespmem:v18+s16+$0x0] =	vst.idx.add.f32.msk $0xffff, v14  }
0x42f: {  	s30 =	simm.s32 $0x9;
	v17 =	vadd.s32 s2, v7;
	[tilespmem:v9+s16+$0x0] =	vst.idx.add.f32.msk $0xffff, v15  }
0x430: {  	v13 =	vadd.s32 s30, v7;
	v10 =	vld.idx.msk [tilespmem:v10+s15+$0x0], $0xffff  }
0x431: {  	s31 =	simm.s32 $0xA;
	v8 =	vadd.s32 s22, v6;
	v11 =	vld.idx.msk [tilespmem:v11+s15+$0x0], $0xffff  }
0x432: {  	s0 =	simm.s32 $0xB;
	v9 =	vadd.s32 s31, v7;
	v12 =	vld.idx.msk [tilespmem:v12+s15+$0x0], $0xffff  }
0x433: {  	s4 =	simm.s32 $0xD;
	v14 =	vadd.s32 s0, v7;
	v15 =	vshll.u32 v16, $0x3;
	v59 =	vld.idx.msk [tilespmem:v19+s15+$0x0], $0xffff  }
0x434: {  	s1 =	simm.s32 $0xE;
	v16 =	vand.u32 $0x7F, v16;
	v18 =	vadd.s32 s4, v7;
	v15 =	vand.u32 $0xFFFFFC00, v15;
	v17 =	vld.idx.msk [tilespmem:v17+s15+$0x0], $0xffff  }
0x435: {  	v50 =	vadd.s32 s12, v6;
	v13 =	vld.idx.msk [tilespmem:v13+s15+$0x0], $0xffff;
	v15 =	vor.u32 v16, v15;
	v16 =	vadd.s32 s1, v7  }
0x436: {  	v24 =	vadd.s32 s28, v6;
	v22 =	vadd.s32 s26, v6;
	v20 =	vadd.s32 v2, v15;
	v8 =	vld.idx.msk [tilespmem:v8+s15+$0x0], $0xffff  }
0x437: {  	v15 =	vadd.s32 s24, v6;
	v9 =	vld.idx.msk [tilespmem:v9+s15+$0x0], $0xffff;
	v23 =	vshll.u32 v10, $0x3;
	v10 =	vand.u32 $0x7F, v10  }
0x438: {  	v14 =	vld.idx.msk [tilespmem:v14+s15+$0x0], $0xffff;
	v26 =	vshll.u32 v11, $0x3;
	v27 =	vshll.u32 v12, $0x3;
	v21 =	vshll.u32 v59, $0x3  }
0x439: {  	v18 =	vld.idx.msk [tilespmem:v18+s15+$0x0], $0xffff;
	v23 =	vand.u32 $0xFFFFFC00, v23;
	v26 =	vand.u32 $0xFFFFFC00, v26;
	v53 =	vshll.u32 v17, $0x3  }
0x43a: {  	v10 =	vor.u32 v10, v23;
	v16 =	vld.idx.msk [tilespmem:v16+s15+$0x0], $0xffff;
	v23 =	vand.u32 $0x7F, v11;
	v34 =	vand.u32 $0xFFFFFC00, v53  }
0x43b: {  	v11 =	vld.idx.msk [tilespmem:v11+s13+$0x0], $0xffff;
	v23 =	vor.u32 v23, v26;
	v26 =	vand.u32 $0xFFFFFC00, v27;
	v27 =	vshll.u32 v13, $0x3  }
0x43c: {  	v47 =	vld.idx.msk [tilespmem:v12+s13+$0x0], $0xffff;
	v12 =	vand.u32 $0x7F, v12;
	v25 =	vand.u32 $0x7F, v8;
	v23 =	vadd.s32 v2, v23  }
0x43d: {  	v8 =	vshll.u32 v8, $0x3;
	v27 =	vand.u32 $0xFFFFFC00, v27;
	v49 =	vld.idx.msk [tilespmem:v13+s13+$0x0], $0xffff;
	v13 =	vand.u32 $0x7F, v13  }
0x43e: {  	v56 =	vld.idx.msk [tilespmem:v17+s13+$0x0], $0xffff;
	v17 =	vand.u32 $0x7F, v17;
	v8 =	vand.u32 $0xFFFFFC00, v8;
	v48 =	vshll.u32 v9, $0x3  }
0x43f: {  	v51 =	vshll.u32 v14, $0x3;
	v55 =	vshll.u32 v18, $0x3;
	v57 =	vand.u32 $0x7F, v18  }
0x440: {  	v27 =	vor.u32 v13, v27;
	v17 =	vor.u32 v17, v34;
	v29 =	vand.u32 $0xFFFFFC00, v48;
	v52 =	vld.idx.msk [tilespmem:v9+s13+$0x0], $0xffff  }
0x441: {  	v32 =	vand.u32 $0xFFFFFC00, v51;
	v36 =	vand.u32 $0xFFFFFC00, v55;
	v27 =	vadd.s32 v2, v27;
	[tilespmem:v23+s16+$0x0] =	vst.idx.add.f32.msk $0xffff, v11  }
0x442: {  	v62 =	vadd.s32 v2, v17;
	v8 =	vor.u32 v25, v8;
	v23 =	vor.u32 v12, v26;
	v26 =	vld.idx.msk [tilespmem:v50+s15+$0x0], $0xffff  }
0x443: {  	v58 =	vand.u32 $0x7F, v16;
	v54 =	vld.idx.msk [tilespmem:v14+s13+$0x0], $0xffff;
	v9 =	vand.u32 $0x7F, v9;
	v14 =	vand.u32 $0x7F, v14  }
0x444: {  	v61 =	vld.idx.msk [tilespmem:v15+s15+$0x0], $0xffff;
	v11 =	vshll.u32 v16, $0x3;
	v9 =	vor.u32 v9, v29;
	v14 =	vor.u32 v14, v32  }
0x445: {  	v11 =	vand.u32 $0xFFFFFC00, v11;
	v12 =	vld.idx.msk [tilespmem:v16+s13+$0x0], $0xffff;
	v16 =	vor.u32 v57, v36;
	v23 =	vadd.s32 v2, v23  }
0x446: {  	v13 =	vld.idx.msk [tilespmem:v18+s13+$0x0], $0xffff;
	v60 =	vadd.s32 v2, v9;
	v32 =	vadd.s32 v2, v14;
	v11 =	vor.u32 v58, v11  }
0x447: {  	v9 =	vadd.s32 v2, v8;
	v14 =	vld.idx.msk [tilespmem:v24+s15+$0x0], $0xffff;
	v15 =	vadd.s32 v2, v11;
	v11 =	vshll.u32 v26, $0x3  }
0x448: {  	[tilespmem:v20+s17+$0x0] =	vst.idx.msk $0xffff, v1;
	v18 =	vadd.s32 v2, v16;
	v16 =	vld.idx.msk [tilespmem:v22+s15+$0x0], $0xffff;
	v8 =	vand.u32 $0x7F, v26;
	v11 =	vand.u32 $0xFFFFFC00, v11  }
0x449: {  	v19 =	vadd.s32 s29, v6;
	v21 =	vand.u32 $0xFFFFFC00, v21;
	[tilespmem:v27+s16+$0x0] =	vst.idx.add.f32.msk $0xffff, v49;
	v11 =	vor.u32 v8, v11  }
0x44a: {  	v10 =	vadd.s32 v2, v10;
	v20 =	vand.u32 $0x7F, v59;
	[tilespmem:v62+s16+$0x0] =	vst.idx.add.f32.msk $0xffff, v56;
	v11 =	vadd.s32 v2, v11  }
0x44b: {  	v17 =	vadd.s32 s30, v6;
	v25 =	vshll.u32 v63, $0x3;
	[tilespmem:v23+s16+$0x0] =	vst.idx.add.f32.msk $0xffff, v47;
	v23 =	vshll.u32 v61, $0x3  }
0x44c: {  	s5 =	simm.s32 $0x10;
	s3 =	simm.s32 $0x12;
	v25 =	vand.u32 $0xFFFFFC00, v25;
	v22 =	vand.u32 $0x7F, v61;
	[tilespmem:v60+s16+$0x0] =	vst.idx.add.f32.msk $0xffff, v52;
	v24 =	vand.u32 $0xFFFFFC00, v23  }
0x44d: {  	s8 =	simm.s32 $0x17;
	s6 =	simm.s32 $0x11;
	s7 =	simm.s32 $0x18;
	[tilespmem:v32+s16+$0x0] =	vst.idx.add.f32.msk $0xffff, v54;
	v23 =	vand.u32 $0x7F, v63;
	v26 =	vshll.u32 v16, $0x3;
	v8 =	vadd.s32 s31, v6  }
.LBB2_18:
0x44e: {  	p0 =	slt.u32 s7, $0xC0;
	v27 =	vadd.s32 s5, v7;
	v28 =	vadd.s32 s6, v7;
	s9 =	sadd.s32 $0x3, s5;
	s10 =	sadd.s32 $0x4, s5;
	v29 =	vadd.s32 s8, v7;
	[tilespmem:v18+s16+$0x0] =	vst.idx.add.f32.msk $0xffff, v13  }
0x44f: {  	v13 =	vadd.s32 s3, v7;
	s11 =	sadd.s32 $0x5, s5;
	s12 =	sadd.s32 $0x6, s5;
	v18 =	vadd.s32 s9, v7;
	v30 =	vadd.s32 s10, v7;
	[tilespmem:v11+s17+$0x0] =	vst.idx.msk $0xffff, v1  }
0x450: {  	v11 =	vadd.s32 s11, v7;
	v31 =	vadd.s32 s12, v7;
	[tilespmem:v15+s16+$0x0] =	vst.idx.add.f32.msk $0xffff, v12;
	v12 =	vshll.u32 v14, $0x3  }
0x451: {  	v15 =	vld.idx.msk [tilespmem:v19+s15+$0x0], $0xffff;
	[tilespmem:v10+s17+$0x0] =	vst.idx.msk $0xffff, v1;
	v10 =	vand.u32 $0x7F, v16;
	v16 =	vand.u32 $0xFFFFFC00, v26;
	v12 =	vand.u32 $0xFFFFFC00, v12  }
0x452: {  	v14 =	vand.u32 $0x7F, v14;
	v19 =	vor.u32 v20, v21;
	v20 =	vor.u32 v22, v24;
	v17 =	vld.idx.msk [tilespmem:v17+s15+$0x0], $0xffff  }
0x453: {  	v22 =	vor.u32 v23, v25;
	v10 =	vor.u32 v10, v16;
	v12 =	vor.u32 v14, v12;
	v21 =	vld.idx.msk [tilespmem:v29+s15+$0x0], $0xffff  }
0x454: {  	v16 =	vadd.s32 v2, v19;
	v19 =	vadd.s32 v2, v20;
	v20 =	vadd.s32 v2, v22;
	v14 =	vld.idx.msk [tilespmem:v27+s15+$0x0], $0xffff  }
0x455: {  	v22 =	vld.idx.msk [tilespmem:v28+s15+$0x0], $0xffff;
	[tilespmem:v9+s17+$0x0] =	vst.idx.msk $0xffff, v1;
	v9 =	vadd.s32 v2, v10;
	v10 =	vadd.s32 v2, v12  }
0x456: {  	v23 =	vadd.s32 s0, v6;
	v24 =	vadd.s32 s2, v6;
	v25 =	vadd.s32 s4, v6;
	s0 =	smov.u32 s9;
	s2 =	smov.u32 s10;
	s4 =	smov.u32 s11;
	v12 =	vld.idx.msk [tilespmem:v13+s15+$0x0], $0xffff  }
0x457: {  	v26 =	vadd.s32 s1, v6;
	s1 =	smov.u32 s12;
	v13 =	vld.idx.msk [tilespmem:v18+s15+$0x0], $0xffff;
	v18 =	vand.u32 $0x7F, v15;
	v15 =	vshll.u32 v15, $0x3  }
0x458: {  	v28 =	vand.u32 $0x7F, v17;
	v17 =	vshll.u32 v17, $0x3;
	v27 =	vld.idx.msk [tilespmem:v30+s15+$0x0], $0xffff;
	v15 =	vand.u32 $0xFFFFFC00, v15  }
0x459: {  	v29 =	vshll.u32 v21, $0x3;
	v17 =	vand.u32 $0xFFFFFC00, v17;
	v11 =	vld.idx.msk [tilespmem:v11+s15+$0x0], $0xffff;
	v30 =	vor.u32 v18, v15;
	[tilespmem:v16+s17+$0x0] =	vst.idx.msk $0xffff, v1  }
0x45a: {  	v15 =	vshll.u32 v14, $0x3;
	v18 =	vand.u32 $0x7F, v21;
	v29 =	vand.u32 $0xFFFFFC00, v29;
	v16 =	vld.idx.msk [tilespmem:v31+s15+$0x0], $0xffff;
	[tilespmem:v19+s17+$0x0] =	vst.idx.msk $0xffff, v1  }
0x45b: {  	v15 =	vand.u32 $0xFFFFFC00, v15;
	v19 =	vshll.u32 v22, $0x3;
	v18 =	vor.u32 v18, v29;
	v21 =	vld.idx.msk [tilespmem:v21+s13+$0x0], $0xffff;
	[tilespmem:v20+s17+$0x0] =	vst.idx.msk $0xffff, v1  }
0x45c: {  	v19 =	vand.u32 $0xFFFFFC00, v19;
	v29 =	vshll.u32 v12, $0x3;
	v18 =	vadd.s32 v2, v18;
	v20 =	vld.idx.msk [tilespmem:v14+s13+$0x0], $0xffff;
	[tilespmem:v9+s17+$0x0] =	vst.idx.msk $0xffff, v1  }
0x45d: {  	v32 =	vadd.s32 s8, v6;
	v9 =	vand.u32 $0xFFFFFC00, v29;
	v29 =	vshll.u32 v13, $0x3;
	v31 =	vld.idx.msk [tilespmem:v22+s13+$0x0], $0xffff;
	[tilespmem:v10+s17+$0x0] =	vst.idx.msk $0xffff, v1  }
0x45e: {  	v10 =	vand.u32 $0x7F, v14;
	v14 =	vand.u32 $0xFFFFFC00, v29;
	v29 =	vshll.u32 v27, $0x3;
	v33 =	vld.idx.msk [tilespmem:v12+s13+$0x0], $0xffff  }
0x45f: {  	v22 =	vand.u32 $0x7F, v22;
	v29 =	vand.u32 $0xFFFFFC00, v29;
	v35 =	vshll.u32 v11, $0x3;
	v34 =	vld.idx.msk [tilespmem:v13+s13+$0x0], $0xffff  }
0x460: {  	v12 =	vand.u32 $0x7F, v12;
	v35 =	vand.u32 $0xFFFFFC00, v35;
	v37 =	vshll.u32 v16, $0x3;
	v36 =	vld.idx.msk [tilespmem:v27+s13+$0x0], $0xffff  }
0x461: {  	v13 =	vand.u32 $0x7F, v13;
	v27 =	vand.u32 $0x7F, v27;
	v37 =	vand.u32 $0xFFFFFC00, v37;
	[tilespmem:v18+s16+$0x0] =	vst.idx.add.f32.msk $0xffff, v21  }
0x462: {  	v10 =	vor.u32 v10, v15;
	v15 =	vand.u32 $0x7F, v11;
	v18 =	vand.u32 $0x7F, v16;
	v21 =	vld.idx.msk [tilespmem:v32+s15+$0x0], $0xffff  }
0x463: {  	v19 =	vor.u32 v22, v19;
	v9 =	vor.u32 v12, v9;
	v14 =	vor.u32 v13, v14;
	v13 =	vld.idx.msk [tilespmem:v11+s13+$0x0], $0xffff  }
0x464: {  	v15 =	vor.u32 v15, v35;
	v11 =	vor.u32 v27, v29;
	v12 =	vld.idx.msk [tilespmem:v16+s13+$0x0], $0xffff;
	v16 =	vor.u32 v18, v37  }
0x465: {  	v22 =	vadd.s32 v2, v10;
	v27 =	vadd.s32 v2, v19;
	v29 =	vadd.s32 v2, v9;
	v32 =	vld.idx.msk [tilespmem:v8+s15+$0x0], $0xffff  }
0x466: {  	v35 =	vadd.s32 v2, v14;
	v37 =	vadd.s32 v2, v11;
	v18 =	vadd.s32 v2, v15;
	v23 =	vld.idx.msk [tilespmem:v23+s15+$0x0], $0xffff  }
0x467: {  	v10 =	vadd.s32 v2, v30;
	v15 =	vadd.s32 v2, v16;
	v8 =	vor.u32 v28, v17;
	v28 =	vld.idx.msk [tilespmem:v24+s15+$0x0], $0xffff  }
0x468: {  	v9 =	vadd.s32 v2, v8;
	v11 =	vshll.u32 v21, $0x3;
	v16 =	vld.idx.msk [tilespmem:v25+s15+$0x0], $0xffff  }
0x469: {  	v19 =	vadd.s32 s5, v6;
	s5 =	smov.u32 s7;
	v21 =	vand.u32 $0x7F, v21;
	v11 =	vand.u32 $0xFFFFFC00, v11;
	v14 =	vld.idx.msk [tilespmem:v26+s15+$0x0], $0xffff  }
.Ltmp8:
0x46a: {  	v17 =	vadd.s32 s6, v6;
	v8 =	vadd.s32 s3, v6;
	v11 =	vor.u32 v21, v11;
	[tilespmem:v22+s16+$0x0] =	vst.idx.add.f32.msk $0xffff, v20;
	(pc) =	sbr.rel @p0 .LBB2_18-.Ltmp8, $4  }
0x46b: {  	v11 =	vadd.s32 v2, v11;
	v20 =	vand.u32 $0x7F, v32;
	v21 =	vshll.u32 v32, $0x3;
	[tilespmem:v27+s16+$0x0] =	vst.idx.add.f32.msk $0xffff, v31  }
0x46c: {  	v21 =	vand.u32 $0xFFFFFC00, v21;
	v22 =	vand.u32 $0x7F, v23;
	v23 =	vshll.u32 v23, $0x3;
	[tilespmem:v29+s16+$0x0] =	vst.idx.add.f32.msk $0xffff, v33  }
0x46d: {  	s6 =	sadd.s32 $0x1, s7;
	v24 =	vand.u32 $0xFFFFFC00, v23;
	v23 =	vand.u32 $0x7F, v28;
	v25 =	vshll.u32 v28, $0x3;
	[tilespmem:v35+s16+$0x0] =	vst.idx.add.f32.msk $0xffff, v34  }
0x46e: {  	s8 =	sadd.s32 $0x7, s5;
	s7 =	sadd.s32 $0x8, s7;
	s3 =	sadd.s32 $0x2, s5;
	v25 =	vand.u32 $0xFFFFFC00, v25;
	v26 =	vshll.u32 v16, $0x3;
	[tilespmem:v37+s16+$0x0] =	vst.idx.add.f32.msk $0xffff, v36  }
0x46f: {  	_ =	sdelay $0x3  }
0x470: {  	v27 =	vadd.s32 s8, v7;
	[tilespmem:v18+s16+$0x0] =	vst.idx.add.f32.msk $0xffff, v13  }
0x471: {  	v28 =	vadd.s32 s5, v7;
	v29 =	vadd.s32 s6, v7;
	v13 =	vadd.s32 s3, v7;
	[tilespmem:v15+s16+$0x0] =	vst.idx.add.f32.msk $0xffff, v12  }
0x472: {  	s11 =	sadd.s32 $0x3, s5;
	s9 =	sadd.s32 $0x4, s5;
	v19 =	vld.idx.msk [tilespmem:v19+s15+$0x0], $0xffff;
	v12 =	vand.u32 $0x7F, v16;
	v16 =	vand.u32 $0xFFFFFC00, v26;
	v20 =	vor.u32 v20, v21  }
0x473: {  	s10 =	sadd.s32 $0x5, s5;
	s7 =	sadd.s32 $0x6, s5;
	v17 =	vld.idx.msk [tilespmem:v17+s15+$0x0], $0xffff;
	v42 =	vadd.s32 s4, v6;
	v18 =	vadd.s32 s11, v7;
	v30 =	vadd.s32 s9, v7  }
0x474: {  	v8 =	vld.idx.msk [tilespmem:v8+s15+$0x0], $0xffff;
	v15 =	vadd.s32 s10, v7;
	v31 =	vadd.s32 s7, v7;
	v7 =	vshll.u32 v14, $0x3  }
0x475: {  	v21 =	vor.u32 v22, v24;
	v14 =	vand.u32 $0x7F, v14;
	v7 =	vand.u32 $0xFFFFFC00, v7;
	v62 =	vld.idx.msk [tilespmem:v27+s15+$0x0], $0xffff  }
0x476: {  	v22 =	vor.u32 v23, v25;
	v12 =	vor.u32 v12, v16;
	v7 =	vor.u32 v14, v7;
	v14 =	vld.idx.msk [tilespmem:v28+s15+$0x0], $0xffff  }
0x477: {  	v16 =	vadd.s32 v2, v20;
	v20 =	vadd.s32 v2, v21;
	v21 =	vadd.s32 v2, v22;
	v22 =	vld.idx.msk [tilespmem:v29+s15+$0x0], $0xffff  }
0x478: {  	v32 =	vadd.s32 s1, v6;
	v13 =	vld.idx.msk [tilespmem:v13+s15+$0x0], $0xffff  }
0x479: {  	v23 =	vadd.s32 s0, v6;
	v63 =	vadd.s32 s2, v6;
	v25 =	vld.idx.msk [tilespmem:v42+s15+$0x0], $0xffff  }
0x47a: {  	v37 =	vadd.s32 s8, v6;
	v57 =	vadd.s32 s5, v6;
	v58 =	vadd.s32 s3, v6;
	v18 =	vld.idx.msk [tilespmem:v18+s15+$0x0], $0xffff  }
0x47b: {  	v60 =	vadd.s32 s11, v6;
	v12 =	vadd.s32 v2, v12;
	v43 =	vand.u32 $0x7F, v19;
	v44 =	vld.idx.msk [tilespmem:v30+s15+$0x0], $0xffff  }
0x47c: {  	v19 =	vshll.u32 v19, $0x3;
	v46 =	vand.u32 $0x7F, v17;
	v17 =	vshll.u32 v17, $0x3;
	v15 =	vld.idx.msk [tilespmem:v15+s15+$0x0], $0xffff  }
0x47d: {  	v7 =	vadd.s32 v2, v7;
	v56 =	vld.idx.msk [tilespmem:v32+s15+$0x0], $0xffff;
	v19 =	vand.u32 $0xFFFFFC00, v19;
	v17 =	vand.u32 $0xFFFFFC00, v17  }
0x47e: {  	v31 =	vld.idx.msk [tilespmem:v31+s15+$0x0], $0xffff;
	v27 =	vshll.u32 v62, $0x3;
	v45 =	vand.u32 $0x7F, v62;
	v47 =	vshll.u32 v14, $0x3  }
0x47f: {  	v33 =	vshll.u32 v22, $0x3;
	v35 =	vshll.u32 v13, $0x3;
	v27 =	vand.u32 $0xFFFFFC00, v27;
	v26 =	vld.idx.msk [tilespmem:v62+s13+$0x0], $0xffff  }
0x480: {  	[tilespmem:v11+s17+$0x0] =	vst.idx.msk $0xffff, v1;
	v28 =	vand.u32 $0xFFFFFC00, v47;
	v33 =	vand.u32 $0xFFFFFC00, v33;
	v35 =	vand.u32 $0xFFFFFC00, v35;
	v34 =	vld.idx.msk [tilespmem:v14+s13+$0x0], $0xffff  }
0x481: {  	[tilespmem:v10+s17+$0x0] =	vst.idx.msk $0xffff, v1;
	v38 =	vshll.u32 v18, $0x3;
	v50 =	vshll.u32 v15, $0x3;
	v27 =	vor.u32 v45, v27;
	v36 =	vld.idx.msk [tilespmem:v22+s13+$0x0], $0xffff  }
0x482: {  	[tilespmem:v9+s17+$0x0] =	vst.idx.msk $0xffff, v1;
	v9 =	vand.u32 $0x7F, v15;
	v38 =	vand.u32 $0xFFFFFC00, v38;
	v27 =	vadd.s32 v2, v27;
	v39 =	vld.idx.msk [tilespmem:v13+s13+$0x0], $0xffff  }
0x483: {  	[tilespmem:v16+s17+$0x0] =	vst.idx.msk $0xffff, v1;
	v14 =	vand.u32 $0x7F, v14;
	v22 =	vand.u32 $0x7F, v22;
	v13 =	vand.u32 $0x7F, v13;
	v49 =	vld.idx.msk [tilespmem:v18+s13+$0x0], $0xffff  }
0x484: {  	v14 =	vor.u32 v14, v28;
	v22 =	vor.u32 v22, v33;
	v51 =	vld.idx.msk [tilespmem:v44+s13+$0x0], $0xffff;
	v11 =	vor.u32 v13, v35  }
0x485: {  	[tilespmem:v20+s17+$0x0] =	vst.idx.msk $0xffff, v1;
	v13 =	vshll.u32 v31, $0x3;
	v18 =	vand.u32 $0x7F, v18;
	v53 =	vld.idx.msk [tilespmem:v15+s13+$0x0], $0xffff;
	v15 =	vand.u32 $0x7F, v31  }
0x486: {  	v54 =	vld.idx.msk [tilespmem:v31+s13+$0x0], $0xffff;
	v13 =	vand.u32 $0xFFFFFC00, v13;
	v18 =	vor.u32 v18, v38;
	v14 =	vadd.s32 v2, v14  }
0x487: {  	v13 =	vor.u32 v15, v13;
	v15 =	vadd.s32 v2, v22;
	v18 =	vadd.s32 v2, v18;
	v22 =	vld.idx.msk [tilespmem:v23+s15+$0x0], $0xffff  }
0x488: {  	[tilespmem:v21+s17+$0x0] =	vst.idx.msk $0xffff, v1;
	v21 =	vadd.s32 s9, v6;
	v19 =	vor.u32 v43, v19;
	v48 =	vshll.u32 v44, $0x3;
	v23 =	vld.idx.msk [tilespmem:v63+s15+$0x0], $0xffff  }
0x489: {  	v10 =	vand.u32 $0x7F, v44;
	v13 =	vadd.s32 v2, v13;
	[tilespmem:v27+s16+$0x0] =	vst.idx.add.f32.msk $0xffff, v26;
	v26 =	vand.u32 $0xFFFFFC00, v48  }
0x48a: {  	v17 =	vor.u32 v46, v17;
	v19 =	vadd.s32 v2, v19;
	v52 =	vld.idx.msk [tilespmem:v37+s15+$0x0], $0xffff;
	v10 =	vor.u32 v10, v26  }
0x48b: {  	v20 =	vshll.u32 v56, $0x3;
	v28 =	vand.u32 $0xFFFFFC00, v50;
	v10 =	vadd.s32 v2, v10;
	[tilespmem:v14+s16+$0x0] =	vst.idx.add.f32.msk $0xffff, v34  }
0x48c: {  	v16 =	vadd.s32 v2, v17;
	v20 =	vand.u32 $0xFFFFFC00, v20;
	v9 =	vor.u32 v9, v28;
	[tilespmem:v18+s16+$0x0] =	vst.idx.add.f32.msk $0xffff, v49  }
0x48d: {  	v11 =	vadd.s32 v2, v11;
	v9 =	vadd.s32 v2, v9;
	v14 =	vadd.s32 s6, v6;
	v59 =	vld.idx.msk [tilespmem:v57+s15+$0x0], $0xffff  }
0x48e: {  	v18 =	vshll.u32 v23, $0x3;
	v23 =	vand.u32 $0x7F, v23;
	[tilespmem:v13+s16+$0x0] =	vst.idx.add.f32.msk $0xffff, v54;
	v13 =	vand.u32 $0x7F, v56  }
0x48f: {  	v13 =	vor.u32 v13, v20;
	v55 =	vshll.u32 v52, $0x3;
	v17 =	vand.u32 $0x7F, v52  }
0x490: {  	v13 =	vadd.s32 v2, v13;
	v24 =	vand.u32 $0xFFFFFC00, v55;
	[tilespmem:v10+s16+$0x0] =	vst.idx.add.f32.msk $0xffff, v51;
	v10 =	vand.u32 $0xFFFFFC00, v18  }
0x491: {  	[tilespmem:v12+s17+$0x0] =	vst.idx.msk $0xffff, v1;
	v18 =	vshll.u32 v25, $0x3;
	v25 =	vand.u32 $0x7F, v25;
	v17 =	vor.u32 v17, v24  }
0x492: {  	[tilespmem:v15+s16+$0x0] =	vst.idx.add.f32.msk $0xffff, v36;
	v18 =	vand.u32 $0xFFFFFC00, v18;
	v10 =	vor.u32 v23, v10;
	v12 =	vand.u32 $0x7F, v59  }
0x493: {  	v14 =	vld.idx.msk [tilespmem:v14+s15+$0x0], $0xffff;
	v23 =	vshll.u32 v59, $0x3;
	v15 =	vadd.s32 v2, v17;
	v17 =	vshll.u32 v8, $0x3  }
0x494: {  	[tilespmem:v11+s16+$0x0] =	vst.idx.add.f32.msk $0xffff, v39;
	v8 =	vand.u32 $0x7F, v8;
	v18 =	vor.u32 v25, v18;
	v10 =	vadd.s32 v2, v10  }
0x495: {  	[tilespmem:v9+s16+$0x0] =	vst.idx.add.f32.msk $0xffff, v53;
	v11 =	vand.u32 $0xFFFFFC00, v17;
	v17 =	vshll.u32 v22, $0x3;
	v22 =	vand.u32 $0x7F, v22  }
0x496: {  	v20 =	vld.idx.msk [tilespmem:v58+s15+$0x0], $0xffff;
	v17 =	vand.u32 $0xFFFFFC00, v17;
	v8 =	vor.u32 v8, v11;
	v11 =	vadd.s32 s10, v6  }
0x497: {  	[tilespmem:v7+s17+$0x0] =	vst.idx.msk $0xffff, v1;
	v7 =	vand.u32 $0xFFFFFC00, v23;
	v9 =	vor.u32 v22, v17;
	v17 =	vadd.s32 s7, v6;
	v22 =	vld.idx.msk [tilespmem:v60+s15+$0x0], $0xffff  }
0x498: {  	v21 =	vld.idx.msk [tilespmem:v21+s15+$0x0], $0xffff;
	v18 =	vadd.s32 v2, v18;
	v8 =	vadd.s32 v2, v8;
	v61 =	vshll.u32 v14, $0x3  }
0x499: {  	[tilespmem:v19+s17+$0x0] =	vst.idx.msk $0xffff, v1;
	v7 =	vor.u32 v12, v7;
	v14 =	vand.u32 $0x7F, v14;
	v23 =	vand.u32 $0xFFFFFC00, v61  }
0x49a: {  	v7 =	vadd.s32 v2, v7;
	v9 =	vadd.s32 v2, v9;
	v12 =	vor.u32 v14, v23  }
0x49b: {  	[tilespmem:v15+s17+$0x0] =	vst.idx.msk $0xffff, v1;
	v15 =	vshll.u32 v20, $0x3;
	v12 =	vadd.s32 v2, v12;
	v11 =	vld.idx.msk [tilespmem:v11+s15+$0x0], $0xffff  }
0x49c: {  	[tilespmem:v16+s17+$0x0] =	vst.idx.msk $0xffff, v1;
	v15 =	vand.u32 $0xFFFFFC00, v15;
	v14 =	vld.idx.msk [tilespmem:v17+s15+$0x0], $0xffff;
	v17 =	vand.u32 $0x7F, v20;
	v19 =	vshll.u32 v22, $0x3  }
0x49d: {  	v16 =	vand.u32 $0x7F, v22;
	v20 =	vshll.u32 v21, $0x3;
	[tilespmem:v8+s17+$0x0] =	vst.idx.msk $0xffff, v1;
	v8 =	vand.u32 $0x7F, v21  }
0x49e: {  	[tilespmem:v13+s17+$0x0] =	vst.idx.msk $0xffff, v1;
	v19 =	vand.u32 $0xFFFFFC00, v19;
	v20 =	vand.u32 $0xFFFFFC00, v20;
	v15 =	vor.u32 v17, v15  }
0x49f: {  	v16 =	vor.u32 v16, v19;
	v15 =	vadd.s32 v2, v15;
	v8 =	vor.u32 v8, v20  }
0x4a0: {  	[tilespmem:v10+s17+$0x0] =	vst.idx.msk $0xffff, v1;
	v16 =	vadd.s32 v2, v16;
	v8 =	vadd.s32 v2, v8;
	v21 =	vshll.u32 v11, $0x3  }
0x4a1: {  	[tilespmem:v9+s17+$0x0] =	vst.idx.msk $0xffff, v1;
	v11 =	vand.u32 $0x7F, v11;
	v9 =	vshll.u32 v14, $0x3;
	v10 =	vand.u32 $0xFFFFFC00, v21  }
0x4a2: {  	[tilespmem:v18+s17+$0x0] =	vst.idx.msk $0xffff, v1;
	v13 =	vand.u32 $0x7F, v14;
	v9 =	vand.u32 $0xFFFFFC00, v9;
	v10 =	vor.u32 v11, v10  }
0x4a3: {  	[tilespmem:v7+s17+$0x0] =	vst.idx.msk $0xffff, v1;
	v7 =	vor.u32 v13, v9;
	v9 =	vadd.s32 v2, v10  }
0x4a4: {  	[tilespmem:v12+s17+$0x0] =	vst.idx.msk $0xffff, v1;
	v7 =	vadd.s32 v2, v7  }
0x4a5: {  	[tilespmem:v15+s17+$0x0] =	vst.idx.msk $0xffff, v1  }
0x4a6: {  	[tilespmem:v16+s17+$0x0] =	vst.idx.msk $0xffff, v1  }
0x4a7: {  	[tilespmem:v8+s17+$0x0] =	vst.idx.msk $0xffff, v1  }
0x4a8: {  	[tilespmem:v9+s17+$0x0] =	vst.idx.msk $0xffff, v1  }
0x4a9: {  	s22 =	simm.s32 $0x0;
	s24 =	simm.s32 $0x1;
	[tilespmem:v7+s17+$0x0] =	vst.idx.msk $0xffff, v1;
	v7 =	vadd.s32 $0x5780, v0  }
0x4aa: {  	s25 =	simm.s32 $0x2;
	s26 =	simm.s32 $0x4;
	s23 =	rddreg [dreg:$0x1c];
	v9 =	vadd.s32 s24, v7  }
0x4ab: {  	v10 =	vadd.s32 s25, v7;
	[hbm4b:s23+s22] =	stream.linear.scatter [tilespmem:s16], [sflag:$0x1], $0x4000, $0x38;
	[tilespmem:$0x1A800] =	vst v63  }
0x4ac: {  	s28 =	simm.s32 $0x5;
	v11 =	vadd.s32 s26, v7;
	_ =	swait.ge [sflag:s20], $0x4000  }
0x4ad: {  	v12 =	vadd.s32 s28, v7;
	[sflag:s20] =	ssyncset.done $0x0  }
0x4ae: {  	v8 =	vadd.s32 s22, v7;
	[sflag:s20] =	ssyncadd.s32 $0xFFFFC000  }
0x4af: {  	s29 =	simm.s32 $0x3;
	v16 =	vld.idx.msk [tilespmem:v9+s15+$0x0], $0xffff  }
0x4b0: {  	v18 =	vld.idx.msk [tilespmem:v10+s15+$0x0], $0xffff;
	v9 =	vadd.s32 s29, v7  }
0x4b1: {  	s30 =	simm.s32 $0x7;
	v10 =	vld.idx.msk [tilespmem:v11+s15+$0x0], $0xffff  }
0x4b2: {  	s31 =	simm.s32 $0x6;
	v11 =	vadd.s32 s30, v7;
	v20 =	vld.idx.msk [tilespmem:v12+s15+$0x0], $0xffff  }
0x4b3: {  	v8 =	vld.idx.msk [tilespmem:v8+s15+$0x0], $0xffff;
	v12 =	vadd.s32 s31, v7;
	_ =	sdelay $0x1  }
0x4b4: {  	v15 =	vshll.u32 v18, $0x3;
	v13 =	vld.idx.msk [tilespmem:v9+s15+$0x0], $0xffff  }
0x4b5: {  	v14 =	vshll.u32 v16, $0x3;
	v9 =	vand.u32 $0x7F, v18;
	v22 =	vand.u32 $0x7F, v10  }
0x4b6: {  	v23 =	vand.u32 $0x7F, v20;
	v19 =	vshll.u32 v20, $0x3;
	v17 =	vand.u32 $0xFFFFFC00, v15;
	v15 =	vld.idx.msk [tilespmem:v11+s15+$0x0], $0xffff  }
0x4b7: {  	v12 =	vld.idx.msk [tilespmem:v12+s15+$0x0], $0xffff;
	v21 =	vand.u32 $0x7F, v8;
	v11 =	vshll.u32 v8, $0x3;
	v62 =	vand.u32 $0xFFFFFC00, v19  }
0x4b8: {  	v9 =	vor.u32 v9, v17;
	v11 =	vand.u32 $0xFFFFFC00, v11;
	v17 =	vld.idx.msk [tilespmem:v10+s13+$0x0], $0xffff;
	v10 =	vshll.u32 v10, $0x3  }
0x4b9: {  	v19 =	vor.u32 v21, v11;
	v21 =	vand.u32 $0x7F, v16;
	v11 =	vld.idx.msk [tilespmem:v18+s13+$0x0], $0xffff;
	v63 =	vand.u32 $0xFFFFFC00, v10  }
0x4ba: {  	s0 =	simm.s32 $0x8;
	v10 =	vld.idx.msk [tilespmem:v20+s13+$0x0], $0xffff;
	v20 =	vor.u32 v23, v62;
	v18 =	vand.u32 $0x7F, v13;
	v22 =	vor.u32 v22, v63  }
.LBB2_20:
0x4bb: {  	s1 =	sadd.s32 $0x5, s0;
	s2 =	sadd.s32 $0x6, s0;
	s3 =	sadd.s32 $0x7, s0;
	v23 =	vld.idx.msk [tilespmem:v16+s13+$0x0], $0xffff;
	v16 =	vadd.s32 v2, v22;
	v22 =	vand.u32 $0x7F, v15  }
0x4bc: {  	v24 =	vadd.s32 s0, v7;
	s4 =	sadd.s32 $0x1, s0;
	s5 =	sadd.s32 $0x3, s0;
	s6 =	sadd.s32 $0x4, s0;
	v27 =	vshll.u32 v15, $0x3;
	v25 =	vadd.s32 s1, v7;
	v26 =	vld.idx.msk [tilespmem:v13+s13+$0x0], $0xffff  }
0x4bd: {  	p0 =	slt.u32 s0, $0xC0;
	v30 =	vand.u32 $0x7F, v12;
	v28 =	vadd.s32 s4, v7;
	s1 =	sadd.s32 $0x2, s0;
	v29 =	vadd.s32 s2, v7;
	s0 =	sadd.s32 $0x8, s0;
	v31 =	vld.idx.msk [tilespmem:v15+s13+$0x0], $0xffff  }
0x4be: {  	v33 =	vadd.s32 s5, v7;
	v32 =	vadd.s32 s1, v7;
	v15 =	vand.u32 $0xFFFFFC00, v27;
	v34 =	vld.idx.msk [tilespmem:v12+s13+$0x0], $0xffff  }
0x4bf: {  	v35 =	vadd.s32 s3, v7;
	v27 =	vadd.s32 s6, v7;
	v15 =	vor.u32 v22, v15;
	v36 =	vld.idx.msk [tilespmem:v8+s13+$0x0], $0xffff  }
0x4c0: {  	v14 =	vand.u32 $0xFFFFFC00, v14;
	v13 =	vshll.u32 v13, $0x3;
	v12 =	vshll.u32 v12, $0x3;
	[tilespmem:v16+s17+$0x0] =	vst.idx.add.f32.msk $0xffff, v17  }
0x4c1: {  	v14 =	vor.u32 v21, v14;
	v12 =	vand.u32 $0xFFFFFC00, v12;
	v8 =	vld.idx.msk [tilespmem:v24+s15+$0x0], $0xffff  }
0x4c2: {  	v13 =	vand.u32 $0xFFFFFC00, v13;
	v17 =	vadd.s32 v2, v19;
	v19 =	vadd.s32 v2, v20;
	v22 =	vld.idx.msk [tilespmem:v25+s15+$0x0], $0xffff  }
0x4c3: {  	v13 =	vor.u32 v18, v13;
	v20 =	vadd.s32 v2, v14;
	v14 =	vadd.s32 v2, v15;
	v16 =	vld.idx.msk [tilespmem:v28+s15+$0x0], $0xffff  }
0x4c4: {  	v12 =	vor.u32 v30, v12;
	v15 =	vld.idx.msk [tilespmem:v35+s15+$0x0], $0xffff  }
0x4c5: {  	v21 =	vadd.s32 v2, v13;
	v24 =	vadd.s32 v2, v12;
	v18 =	vld.idx.msk [tilespmem:v27+s15+$0x0], $0xffff  }
0x4c6: {  	v25 =	vld.idx.msk [tilespmem:v32+s15+$0x0], $0xffff  }
0x4c7: {  	v12 =	vld.idx.msk [tilespmem:v29+s15+$0x0], $0xffff  }
0x4c8: {  	v9 =	vadd.s32 v2, v9;
	[tilespmem:v14+s17+$0x0] =	vst.idx.add.f32.msk $0xffff, v31  }
0x4c9: {  	v14 =	vshll.u32 v16, $0x3;
	[tilespmem:v17+s17+$0x0] =	vst.idx.add.f32.msk $0xffff, v36  }
0x4ca: {  	v13 =	vld.idx.msk [tilespmem:v33+s15+$0x0], $0xffff  }
0x4cb: {  	[tilespmem:v20+s17+$0x0] =	vst.idx.add.f32.msk $0xffff, v23  }
0x4cc: {  	v17 =	vshll.u32 v25, $0x3;
	[tilespmem:v24+s17+$0x0] =	vst.idx.add.f32.msk $0xffff, v34  }
0x4cd: {  	v20 =	vand.u32 $0x7F, v25;
	v17 =	vand.u32 $0xFFFFFC00, v17;
	[tilespmem:v9+s17+$0x0] =	vst.idx.add.f32.msk $0xffff, v11  }
.Ltmp9:
0x4ce: {  	v11 =	vshll.u32 v8, $0x3;
	v9 =	vor.u32 v20, v17;
	v20 =	vand.u32 $0x7F, v18;
	[tilespmem:v19+s17+$0x0] =	vst.idx.add.f32.msk $0xffff, v10;
	(pc) =	sbr.rel @p0 .LBB2_20-.Ltmp9, $4  }
0x4cf: {  	v23 =	vand.u32 $0x7F, v22;
	v10 =	vand.u32 $0xFFFFFC00, v11;
	v11 =	vshll.u32 v22, $0x3;
	[tilespmem:v21+s17+$0x0] =	vst.idx.add.f32.msk $0xffff, v26  }
0x4d0: {  	v19 =	vand.u32 $0x7F, v8;
	v24 =	vand.u32 $0xFFFFFC00, v11;
	v17 =	vld.idx.msk [tilespmem:v18+s13+$0x0], $0xffff;
	v18 =	vshll.u32 v18, $0x3  }
0x4d1: {  	v19 =	vor.u32 v19, v10;
	v21 =	vand.u32 $0x7F, v16;
	v26 =	vand.u32 $0xFFFFFC00, v18;
	v10 =	vld.idx.msk [tilespmem:v22+s13+$0x0], $0xffff  }
0x4d2: {  	v18 =	vand.u32 $0x7F, v13;
	v11 =	vld.idx.msk [tilespmem:v25+s13+$0x0], $0xffff;
	v22 =	vor.u32 v20, v26;
	v20 =	vor.u32 v23, v24  }
0x4d3: {  	_ =	sdelay $0x2  }
0x4d4: {  	v7 =	vshll.u32 v15, $0x3  }
0x4d5: {  	v23 =	vand.u32 $0x7F, v15;
	v16 =	vld.idx.msk [tilespmem:v16+s13+$0x0], $0xffff;
	v22 =	vadd.s32 v2, v22;
	v7 =	vand.u32 $0xFFFFFC00, v7  }
0x4d6: {  	v8 =	vld.idx.msk [tilespmem:v8+s13+$0x0], $0xffff;
	v19 =	vadd.s32 v2, v19;
	v7 =	vor.u32 v23, v7  }
0x4d7: {  	v24 =	vand.u32 $0x7F, v12;
	v57 =	vld.idx.msk [tilespmem:v15+s13+$0x0], $0xffff;
	v14 =	vand.u32 $0xFFFFFC00, v14;
	v7 =	vadd.s32 v2, v7  }
0x4d8: {  	v58 =	vshll.u32 v12, $0x3;
	v60 =	vld.idx.msk [tilespmem:v13+s13+$0x0], $0xffff;
	v62 =	vshll.u32 v13, $0x3;
	v9 =	vadd.s32 v2, v9  }
0x4d9: {  	v61 =	vld.idx.msk [tilespmem:v12+s13+$0x0], $0xffff;
	v63 =	vadd.s32 v2, v20;
	v14 =	vor.u32 v21, v14;
	v59 =	vand.u32 $0xFFFFFC00, v58  }
0x4da: {  	v13 =	vand.u32 $0xFFFFFC00, v62;
	v14 =	vadd.s32 v2, v14;
	v21 =	vor.u32 v24, v59;
	[tilespmem:v22+s17+$0x0] =	vst.idx.add.f32.msk $0xffff, v17  }
0x4db: {  	v13 =	vor.u32 v18, v13;
	v21 =	vadd.s32 v2, v21;
	[tilespmem:v19+s17+$0x0] =	vst.idx.add.f32.msk $0xffff, v8  }
0x4dc: {  	[tilespmem:v7+s17+$0x0] =	vst.idx.add.f32.msk $0xffff, v57;
	v7 =	vadd.s32 v2, v13  }
0x4dd: {  	[tilespmem:v9+s17+$0x0] =	vst.idx.add.f32.msk $0xffff, v11  }
0x4de: {  	[tilespmem:v63+s17+$0x0] =	vst.idx.add.f32.msk $0xffff, v10  }
0x4df: {  	[tilespmem:v14+s17+$0x0] =	vst.idx.add.f32.msk $0xffff, v16  }
0x4e0: {  	[tilespmem:v21+s17+$0x0] =	vst.idx.add.f32.msk $0xffff, v61  }
0x4e1: {  	[tilespmem:v7+s17+$0x0] =	vst.idx.add.f32.msk $0xffff, v60  }
0x4e2: {  	s6 =	simm.s32 $0x0;
	s0 =	rddreg [dreg:$0x1d]  }
0x4e3: {  	[hbm4b:s0+s6] =	stream.linear.scatter [tilespmem:s17], [sflag:$0x2], $0x4000, $0x38;
	[tilespmem:$0x1A800] =	vst v63  }
0x4e4: {  	_ =	swait.ge [sflag:s14], $0x4000  }
0x4e5: {  	[sflag:s14] =	ssyncset.done $0x0  }
0x4e6: {  	[sflag:s14] =	ssyncadd.s32 $0xFFFFC000  }
0x4e7: {  	_ =	swait.ge [sflag:s19], $0x4000  }
0x4e8: {  	s1 =	rddreg [dreg:$0x1f]  }
0x4e9: {  	s31 =	rddreg [dreg:$0x1e];
	s1 =	sadd.s32 $0x1, s1  }
0x4ea: {  	p0 =	sne.s32 s1, s31  }
.Ltmp10:
0x4eb: {  	_ = 	snop;
	(pc) =	sbr.rel @p0 .LBB2_1-.Ltmp10, $3  }
0x4ec: {  	_ =	sdelay $0x1  }
0x4ed: {  	[sflag:s19] =	ssyncset.done $0x0  }
0x4ee: {  	[sflag:s19] =	ssyncadd.s32 $0xFFFFC000  }
0x4ef: {  	_ =	sfence.sel $0x180000  }
0x4f0: {  	[bflag:$0x0] =	sbarrier.arrive $0xFFFF  }
0x4f1: {  	_ =	strace $0x90000047  }
0x4f2: {  	s0 =	stileid.u32;
	[bflag:$0x2] =	sbarrier.arrive $0xFFFF  }
0x4f3: {  	p0 =	sne.s32 s0, $0x0;
	s0 =	rddreg [dreg:$0x3]  }
0x4f4: {  	s0 =	sadd.s32 @!p0 $0x100000, s0  }
0x4f5: {  	[sflag:s0] =	ssyncadd.tile.s32 @!p0 $0x1;
	_ =	shalt  }
.Lfunc_end2:
_tile_overlayer_lowered:
.L_overlay_start_2:
0x4f6: {  	(tag) =	ssettag $0x2  }
0x4f7: {  	s0 =	rddreg [dreg:$0x0];
	s2 =	stileid.u32  }
0x4f8: {  	s1 =	rddreg [dreg:$0x1];
	p0 =	sne.s32 s2, $0x0  }
0x4f9: {  	s3 =	rddreg [dreg:$0x2];
	[bflag:$0x3] =	sbarrier.arrive $0xFFFF;
	s2 =	simm.s32 @!p0 $0x1C05  }
0x4fa: {  	[timem:s3], [sflag:s2] =	dma.local @!p0 [hbm:s0], s1  }
0x4fb: {  	s0 =	simm.s32 @!p0 $0x5  }
0x4fc: {  	_ =	swait.ge @!p0 [sflag:s0], s1  }
0x4fd: {  	s1 =	ssub.s32 @!p0 $0x0, s1;
	[sflag:s0] =	ssyncset.done @!p0 $0x0  }
0x4fe: {  	[sflag:s0] =	ssyncadd.s32 @!p0 s1  }
0x4ff: {  	[bflag:$0x3] =	sbarrier.arrive $0xFFFF  }
0x500: {  	_ =	shalt  }

</sc_bundles>
